<compile_context>
chip_gen: v7x
topology: tpu7x:2x2x1
jax: 0.10.2.dev20260603
libtpu: 0.0.44.dev20260713+nightly
codegen_flags: <defaults>
</compile_context>

<pallas_src>
import functools

import jax
import jax.numpy as jnp
from jax import lax
from jax.experimental import pallas as pl
from jax.experimental.pallas import tpu as pltpu
from jax.experimental.pallas import tpu_sc as plsc

NUM_LAYERS = 3
NUM_BUCKETS = 65536
NUM_GRAPHS = 16
NSUB = 16
LANES = 16

K1 = -1640531535
K2 = -2048144777
K3 = -1028477379
K4 = 668265263


def _tc_argmax(x):
    n, f = x.shape

    def body(x_ref, o_ref):
        am = jnp.argmax(x_ref[...], axis=-1).astype(jnp.int32)
        o_ref[...] = am.reshape(o_ref.shape)

    br = next((b for b in (2048, 2000, 1024, 1000, 512, 400, 256, 200, 80, 8)
               if n % b == 0 and b % 8 == 0), None)
    if br is None:
        return pl.pallas_call(
            body, out_shape=jax.ShapeDtypeStruct((n,), jnp.int32))(x)
    out3 = pl.pallas_call(
        body,
        grid=(n // br,),
        in_specs=[pl.BlockSpec((br, f), lambda i: (i, 0))],
        out_specs=pl.BlockSpec((1, 1, br), lambda i: (i, 0, 0)),
        out_shape=jax.ShapeDtypeStruct((n // br, 1, br), jnp.int32),
    )(x)
    return out3.reshape(n)


def _pick_echunk(ept, max_c=2048):
    for c in (5120, 4096, 4000, 3200, 2560, 2048, 2000, 1600, 1280, 1024, 800,
              640, 512, 400, 320, 256, 160, 128, 80, 64, 48, 32, 16):
        if c <= max_c and ept % c == 0:
            return c
    return None


def _sc_wl(colors0, ei_flat, batch_p, n_pad, e_pad):
    npt = n_pad // NSUB
    ept = e_pad // NSUB
    ech = _pick_echunk(ept)
    n_chunks = n_pad // LANES
    nkc = ept // ech
    UN = 8
    ecn = ech // LANES
    UE = next(u for u in (5, 4, 2, 1) if ecn % u == 0)
    mesh = plsc.VectorSubcoreMesh(
        core_axis_name="c", subcore_axis_name="s", num_cores=1, num_subcores=NSUB
    )

    @functools.partial(
        pl.kernel,
        out_type=jax.ShapeDtypeStruct((NUM_GRAPHS, NUM_BUCKETS), jnp.float32),
        mesh=mesh,
        scratch_types=[
            pltpu.VMEM((n_pad,), jnp.int32),
            pltpu.VMEM((n_pad,), jnp.int32),
            pltpu.VMEM((n_pad,), jnp.int32),
            pltpu.VMEM((NUM_BUCKETS,), jnp.float32),
            pltpu.VMEM((ech,), jnp.int32),
            pltpu.VMEM((ech,), jnp.int32),
            pltpu.VMEM((ech,), jnp.int32),
            pltpu.VMEM((ech,), jnp.int32),
            pltpu.VMEM((NSUB, npt), jnp.int32),
            pltpu.VMEM((npt,), jnp.int32),
            pltpu.VMEM_SHARED((NSUB, n_pad), jnp.int32),
            pltpu.VMEM_SHARED((n_pad,), jnp.int32),
            pltpu.SemaphoreType.DMA,
            pltpu.SemaphoreType.DMA,
        ],
        compiler_params=pltpu.CompilerParams(needs_layout_passes=False),
    )
    def wl_kernel(colors_hbm, ei_hbm, batch_hbm, out_hbm,
                  colors_v, h_v, neigh_v, hist_v, src_p0, src_p1,
                  dst_p0, dst_p1, part2d, cnew_st, priv_sh, colors_sh,
                  sem_a, sem_b):
        sid = lax.axis_index("s")
        sems = (sem_a, sem_b)
        srcb = (src_p0, src_p1)
        dstb = (dst_p0, dst_p1)
        zeros = jnp.zeros((LANES,), jnp.int32)
        zeros_f = jnp.zeros((LANES,), jnp.float32)
        ones_f = jnp.full((LANES,), 1.0, jnp.float32)

        pltpu.sync_copy(colors_hbm, colors_v)

        def stage_edges(layer_base, kc):
            b = layer_base + kc * ech
            s = sems[kc % 2]
            return (
                pltpu.async_copy(ei_hbm.at[pl.ds(b, ech)], srcb[kc % 2], s),
                pltpu.async_copy(ei_hbm.at[pl.ds(e_pad + b, ech)],
                                 dstb[kc % 2], s),
            )

        for _layer in range(NUM_LAYERS):
            ebase = sid * ept
            pend = stage_edges(ebase, 0)

            with jax.named_scope(f"L{_layer}_hash"):
                @plsc.parallel_loop(0, n_chunks, unroll=UN)
                def _(j):
                    i = pl.ds(j * LANES, LANES)
                    c = colors_v[i]
                    h = c * jnp.int32(K1)
                    h = h ^ jnp.int32(K2)
                    h = h ^ lax.shift_right_logical(h, 15)
                    h_v[i] = h
                    neigh_v[i] = zeros

            es = jax.named_scope(f"L{_layer}_edges")
            es.__enter__()
            for kc in range(nkc):
                if kc + 1 < nkc:
                    nxt = stage_edges(ebase, kc + 1)
                for c in pend:
                    c.wait()
                pend = nxt if kc + 1 < nkc else ()
                sb, db = srcb[kc % 2], dstb[kc % 2]

                @plsc.parallel_loop(0, ech // LANES, unroll=UE)
                def _(j):
                    i = pl.ds(j * LANES, LANES)
                    sv = sb[i]
                    dv = db[i]
                    vals = plsc.load_gather(h_v, [sv])
                    plsc.addupdate_scatter(neigh_v, [dv], vals)
            es.__exit__(None, None, None)

            rs = jax.named_scope(f"L{_layer}_reduce")
            rs.__enter__()
            pltpu.sync_copy(neigh_v, priv_sh.at[sid])
            plsc.subcore_barrier()

            nslice = pl.ds(sid * npt, npt)
            pltpu.sync_copy(priv_sh.at[pl.ds(0, NSUB), nslice], part2d)

            @plsc.parallel_loop(0, npt // LANES, unroll=4)
            def _(i):
                ii = pl.ds(i * LANES, LANES)
                nb = part2d[0, ii]
                for t in range(1, NSUB):
                    nb = nb + part2d[t, ii]
                c = colors_v[pl.ds(sid * npt + i * LANES, LANES)]
                sig = nb * jnp.int32(K3) + c * jnp.int32(K4)
                sig = sig ^ lax.shift_right_logical(sig, 13)
                cnew_st[ii] = sig & jnp.int32(0xFFFF)
            pltpu.sync_copy(cnew_st, colors_sh.at[nslice])
            plsc.subcore_barrier()
            rs.__exit__(None, None, None)
            with jax.named_scope(f"L{_layer}_bcast"):
                pltpu.sync_copy(colors_sh, colors_v)
                plsc.subcore_barrier()

        pltpu.sync_copy(batch_hbm, h_v)

        with jax.named_scope("hist_zero"):
            @plsc.parallel_loop(0, NUM_BUCKETS // LANES, unroll=UN)
            def _(j):
                hist_v[pl.ds(j * LANES, LANES)] = zeros_f

        with jax.named_scope("hist_scan"):
            @plsc.parallel_loop(0, n_chunks, unroll=UN)
            def _(j):
                i = pl.ds(j * LANES, LANES)
                plsc.addupdate_scatter(hist_v, [colors_v[i]], ones_f,
                                       mask=h_v[i] == sid)

        def ssq_body(j, accs):
            vs = [hist_v[pl.ds((j * UN + u) * LANES, LANES)] for u in range(UN)]
            return tuple(accs[u] + vs[u] * vs[u] for u in range(UN))

        with jax.named_scope("norm_ssq"):
            acc_parts = lax.fori_loop(0, NUM_BUCKETS // (LANES * UN), ssq_body,
                                      (zeros_f,) * UN)
        ssq_lanes = acc_parts[0]
        for u in range(1, UN):
            ssq_lanes = ssq_lanes + acc_parts[u]
        ssq = jnp.full((LANES,), jnp.sum(ssq_lanes), jnp.float32)
        yi = jnp.int32(0x5F3759DF) - lax.shift_right_logical(
            plsc.bitcast(ssq, jnp.int32), 1)
        y = plsc.bitcast(yi, jnp.float32)
        half = ssq * jnp.float32(0.5)
        for _ in range(4):
            y = y * (jnp.float32(1.5) - half * y * y)
        scale = jnp.where(ssq == 0.0, jnp.float32(1.0), y)

        och = NUM_BUCKETS // 8
        with jax.named_scope("norm_scale_out"):
            handles = []
            for c in range(NUM_BUCKETS // och):
                @plsc.parallel_loop(c * (och // LANES), (c + 1) * (och // LANES),
                                    unroll=UN)
                def _(j):
                    i = pl.ds(j * LANES, LANES)
                    hist_v[i] = hist_v[i] * scale

                handles.append(pltpu.async_copy(
                    hist_v.at[pl.ds(c * och, och)],
                    out_hbm.at[sid, pl.ds(c * och, och)], sems[c % 2]))
            for hdl in handles:
                hdl.wait()

    return wl_kernel(colors0, ei_flat, batch_p)


def kernel(x, edge_index, batch):
    n = x.shape[0]
    e = edge_index.shape[1]
    ei = edge_index.astype(jnp.int32)
    b32 = batch.astype(jnp.int32)

    n_pad = -(-n // (NSUB * LANES)) * (NSUB * LANES)
    colors0 = jnp.pad(_tc_argmax(x), (0, n_pad - n))
    batch_p = jnp.pad(b32, (0, n_pad - n), constant_values=NUM_GRAPHS)

    e_pad = e
    if e % NSUB != 0 or _pick_echunk(e // NSUB) is None:
        e_pad = -(-e // (NSUB * 1024)) * (NSUB * 1024)
    if e_pad != e:
        tail = jnp.stack([
            jnp.zeros((e_pad - e,), jnp.int32),
            jnp.full((e_pad - e,), n_pad - 1, jnp.int32),
        ])
        ei = jnp.concatenate([ei, tail], axis=1)

    return _sc_wl(colors0, ei.reshape(2 * e_pad), batch_p, n_pad, e_pad)

# --- scband reference (transcript-rebuilt; emitter-appended) ---
"""Pipeline reference for scband-wl-10385230922292 (READ-ONLY COPY).

The authoritative reference and input builder live on the scoring server;
editing this copy changes nothing except your own understanding.
"""

import jax, jax.numpy as jnp
import numpy as np

NUM_LAYERS = 3
NUM_BUCKETS = 65536  # fixed color hash space standing in for PyG WLConv's growing hashmap
NUM_GRAPHS = 16


def _wl_relabel(colors, src, dst, num_nodes):
    # Hash each node's current color injectively-ish into uint32 space
    h = (colors.astype(jnp.uint32) * jnp.uint32(2654435761)) ^ jnp.uint32(2246822519)
    h = h ^ (h >> 15)
    # Multiset-hash of neighbor colors via commutative sum-aggregation (scatter-add)
    neigh = jax.ops.segment_sum(h[src], dst, num_segments=num_nodes)
    # Combine own color with neighbor multiset hash -> new color id
    sig = neigh * jnp.uint32(3266489917) + colors.astype(jnp.uint32) * jnp.uint32(668265263)
    sig = sig ^ (sig >> 13)
    return (sig % jnp.uint32(NUM_BUCKETS)).astype(jnp.int32)


def _histogram(colors, batch, num_graphs, norm=True):
    idx = batch.astype(jnp.int32) * NUM_BUCKETS + colors
    hist = jnp.bincount(idx, length=num_graphs * NUM_BUCKETS)
    hist = hist.reshape(num_graphs, NUM_BUCKETS).astype(jnp.float32)
    if norm:
        n = jnp.linalg.norm(hist, axis=-1, keepdims=True)
        hist = hist / jnp.where(n == 0, 1.0, n)
    return hist


def setup_inputs(seed: int = 0):
    key = jax.random.key(seed)
    k1, k2, k3 = jax.random.split(key, 3)
    N, F, E = 10000, 128, 320000
    x = jax.random.normal(k1, (N, F), dtype=jnp.float32)
    edge_index = jax.random.randint(k2, (2, E), 0, N, dtype=jnp.int32).astype(jnp.int64)
    batch = jnp.sort(jax.random.randint(k3, (N,), 0, NUM_GRAPHS, dtype=jnp.int32)).astype(jnp.int64)
    return {"x": x, "edge_index": edge_index, "batch": batch}


def reference(x, edge_index, batch):
    num_nodes = x.shape[0]
    src, dst = edge_index[0], edge_index[1]
    # PyG WLConv: if x.dim() > 1, x is one-hot -> categorical labels via argmax
    colors = jnp.argmax(x, axis=-1).astype(jnp.int32)
    hist = None
    for _ in range(NUM_LAYERS):
        colors = _wl_relabel(colors, src, dst, num_nodes)
        hist = _histogram(colors, batch, NUM_GRAPHS, norm=True)
    return hist

if __name__ == "__main__":
    import jax
    _d = setup_inputs()
    print(jax.jit(kernel)(*tuple(_d.values())))

</pallas_src>

<mosaic_0001>
#map = affine_map<(d0, d1) -> (0)>
#map1 = affine_map<(d0, d1) -> (0, 0)>
module attributes {stable_mosaic.version = 14 : i64} {
  func.func @wl_kernel(%arg0: i32, %arg1: i32, %arg2: memref<10240xi32, #tpu.memory_space<hbm>>, %arg3: memref<640000xi32, #tpu.memory_space<hbm>>, %arg4: memref<10240xi32, #tpu.memory_space<hbm>>, %arg5: memref<16x65536xf32, #tpu.memory_space<hbm>>, %arg6: memref<10240xi32, #tpu.memory_space<vmem>>, %arg7: memref<10240xi32, #tpu.memory_space<vmem>>, %arg8: memref<10240xi32, #tpu.memory_space<vmem>>, %arg9: memref<65536xf32, #tpu.memory_space<vmem>>, %arg10: memref<2000xi32, #tpu.memory_space<vmem>>, %arg11: memref<2000xi32, #tpu.memory_space<vmem>>, %arg12: memref<2000xi32, #tpu.memory_space<vmem>>, %arg13: memref<2000xi32, #tpu.memory_space<vmem>>, %arg14: memref<16x640xi32, #tpu.memory_space<vmem>>, %arg15: memref<640xi32, #tpu.memory_space<vmem>>, %arg16: memref<16x10240xi32, #tpu.memory_space<vmem_shared>>, %arg17: memref<10240xi32, #tpu.memory_space<vmem_shared>>, %arg18: memref<!tpu.dma_semaphore, #tpu.memory_space<semaphore_mem>>, %arg19: memref<!tpu.dma_semaphore, #tpu.memory_space<semaphore_mem>>) attributes {dimension_semantics = [#tpu.dimension_semantics<core_parallel>, #tpu.dimension_semantics<subcore_parallel>], iteration_bounds = array<i64: 1, 16>, scalar_prefetch = 0 : i64, scratch_operands = 14 : i64, tpu.core_type = #tpu.core_type<sc_vector_subcore>, window_params = [{transform_indices = #map}, {transform_indices = #map}, {transform_indices = #map}, {transform_indices = #map1}]} {
    %broadcast_in_dim3A = arith.constant 0 : i32
    %broadcast_in_dim3A_0 = vector.broadcast %broadcast_in_dim3A : i32 to vector<16xi32>
    %broadcast_in_dim3A_1 = arith.constant 0.000000e+00 : f32
    %broadcast_in_dim3A_2 = vector.broadcast %broadcast_in_dim3A_1 : f32 to vector<16xf32>
    %broadcast_in_dim3A_3 = arith.constant 1.000000e+00 : f32
    %broadcast_in_dim3A_4 = vector.broadcast %broadcast_in_dim3A_3 : f32 to vector<16xf32>
    "tpu.region"() ({
      %run_scoped3A = tpu.sem_alloc : memref<!tpu.dma_semaphore, #tpu.memory_space<semaphore_mem>>
      tpu.enqueue_dma source(%arg2 : memref<10240xi32, #tpu.memory_space<hbm>>) target(%arg6 : memref<10240xi32, #tpu.memory_space<vmem>>) target_semaphore(%run_scoped3A : memref<!tpu.dma_semaphore, #tpu.memory_space<semaphore_mem>>)
      tpu.wait_dma2 semaphore(%run_scoped3A : memref<!tpu.dma_semaphore, #tpu.memory_space<semaphore_mem>>) src(%arg2 : memref<10240xi32, #tpu.memory_space<hbm>>) dst(%arg6 : memref<10240xi32, #tpu.memory_space<vmem>>)
      tpu.yield
    }) : () -> ()
    %mul3A = arith.constant 20000 : i32
    %mul3A_5 = arith.muli %arg1, %mul3A : i32
    %add3A = arith.constant 0 : i32
    %add3A_6 = arith.addi %mul3A_5, %add3A : i32
    %dma_start3A = tpu.memref_slice %arg3[%add3A_6] : memref<640000xi32, #tpu.memory_space<hbm>> -> memref<2000xi32, #tpu.memory_space<hbm>>
    %dma_start3A_7 = tpu.memref_slice %arg3[%add3A_6] : memref<640000xi32, #tpu.memory_space<hbm>> -> memref<2000xi32, #tpu.memory_space<hbm>>
    tpu.enqueue_dma source(%dma_start3A_7 : memref<2000xi32, #tpu.memory_space<hbm>>) target(%arg10 : memref<2000xi32, #tpu.memory_space<vmem>>) target_semaphore(%arg18 : memref<!tpu.dma_semaphore, #tpu.memory_space<semaphore_mem>>)
    %add3A_8 = arith.constant 320000 : i32
    %add3A_9 = arith.addi %add3A_8, %add3A_6 : i32
    %dma_start3A_10 = tpu.memref_slice %arg3[%add3A_9] : memref<640000xi32, #tpu.memory_space<hbm>> -> memref<2000xi32, #tpu.memory_space<hbm>>
    %dma_start3A_11 = tpu.memref_slice %arg3[%add3A_9] : memref<640000xi32, #tpu.memory_space<hbm>> -> memref<2000xi32, #tpu.memory_space<hbm>>
    tpu.enqueue_dma source(%dma_start3A_11 : memref<2000xi32, #tpu.memory_space<hbm>>) target(%arg12 : memref<2000xi32, #tpu.memory_space<vmem>>) target_semaphore(%arg18 : memref<!tpu.dma_semaphore, #tpu.memory_space<semaphore_mem>>)
    %parallel_loop3A = arith.constant 0 : i32
    %parallel_loop3A_12 = arith.constant 640 : i32
    %parallel_loop3A_13 = arith.constant 1 : i32
    "tpu.trace_start"() <{level = 10 : i32, message = "L0_hash"}> : () -> ()
    scf.for %parallel_loop3A_729 = %parallel_loop3A to %parallel_loop3A_12 step %parallel_loop3A_13  : i32 {
      %parallel_loop3A_730 = arith.constant 16 : i32
      %parallel_loop3A_731 = arith.muli %parallel_loop3A_729, %parallel_loop3A_730 : i32
      %parallel_loop3A_732 = arith.index_cast %parallel_loop3A_731 : i32 to index
      %parallel_loop3A_733 = tpu.vector_load %arg6[%parallel_loop3A_732] {strides = array<i32>} : memref<10240xi32, #tpu.memory_space<vmem>>, vector<16xi32>,
      %parallel_loop3A_734 = arith.constant -1640531535 : i32
      %parallel_loop3A_735 = vector.broadcast %parallel_loop3A_734 : i32 to vector<16xi32>
      %parallel_loop3A_736 = arith.muli %parallel_loop3A_733, %parallel_loop3A_735 : vector<16xi32>
      %parallel_loop3A_737 = arith.constant -2048144777 : i32
      %parallel_loop3A_738 = vector.broadcast %parallel_loop3A_737 : i32 to vector<16xi32>
      %parallel_loop3A_739 = arith.xori %parallel_loop3A_736, %parallel_loop3A_738 : vector<16xi32>
      %parallel_loop3A_740 = arith.constant 15 : i32
      %parallel_loop3A_741 = vector.broadcast %parallel_loop3A_740 : i32 to vector<16xi32>
      %parallel_loop3A_742 = arith.shrui %parallel_loop3A_739, %parallel_loop3A_741 : vector<16xi32>
      %parallel_loop3A_743 = arith.xori %parallel_loop3A_739, %parallel_loop3A_742 : vector<16xi32>
      %parallel_loop3A_744 = arith.index_cast %parallel_loop3A_731 : i32 to index
      %parallel_loop3A_745 = tpu.vector_load %arg7[%parallel_loop3A_744] {strides = array<i32>} : memref<10240xi32, #tpu.memory_space<vmem>>, vector<16xi32>,
      tpu.vector_store %arg7[%parallel_loop3A_744], %parallel_loop3A_743 {strides = array<i32>} : memref<10240xi32, #tpu.memory_space<vmem>>, vector<16xi32>,
      %parallel_loop3A_746 = arith.index_cast %parallel_loop3A_731 : i32 to index
      %parallel_loop3A_747 = tpu.vector_load %arg8[%parallel_loop3A_746] {strides = array<i32>} : memref<10240xi32, #tpu.memory_space<vmem>>, vector<16xi32>,
      tpu.vector_store %arg8[%parallel_loop3A_746], %broadcast_in_dim3A_0 {strides = array<i32>} : memref<10240xi32, #tpu.memory_space<vmem>>, vector<16xi32>,
    } {sc.loop_unroll_factor = 8 : i64, sc.parallel_access}
    "tpu.trace_stop"() : () -> ()
    "tpu.trace_start"() <{level = 10 : i32, message = "L0_edges"}> : () -> ()
    %add3A_14 = arith.constant 2000 : i32
    %add3A_15 = arith.addi %mul3A_5, %add3A_14 : i32
    %dma_start3A_16 = tpu.memref_slice %arg3[%add3A_15] : memref<640000xi32, #tpu.memory_space<hbm>> -> memref<2000xi32, #tpu.memory_space<hbm>>
    %dma_start3A_17 = tpu.memref_slice %arg3[%add3A_15] : memref<640000xi32, #tpu.memory_space<hbm>> -> memref<2000xi32, #tpu.memory_space<hbm>>
    tpu.enqueue_dma source(%dma_start3A_17 : memref<2000xi32, #tpu.memory_space<hbm>>) target(%arg11 : memref<2000xi32, #tpu.memory_space<vmem>>) target_semaphore(%arg19 : memref<!tpu.dma_semaphore, #tpu.memory_space<semaphore_mem>>)
    %add3A_18 = arith.constant 320000 : i32
    %add3A_19 = arith.addi %add3A_18, %add3A_15 : i32
    %dma_start3A_20 = tpu.memref_slice %arg3[%add3A_19] : memref<640000xi32, #tpu.memory_space<hbm>> -> memref<2000xi32, #tpu.memory_space<hbm>>
    %dma_start3A_21 = tpu.memref_slice %arg3[%add3A_19] : memref<640000xi32, #tpu.memory_space<hbm>> -> memref<2000xi32, #tpu.memory_space<hbm>>
    tpu.enqueue_dma source(%dma_start3A_21 : memref<2000xi32, #tpu.memory_space<hbm>>) target(%arg13 : memref<2000xi32, #tpu.memory_space<vmem>>) target_semaphore(%arg19 : memref<!tpu.dma_semaphore, #tpu.memory_space<semaphore_mem>>)
    %dma_wait3A = tpu.memref_slice %arg3[%add3A_6] : memref<640000xi32, #tpu.memory_space<hbm>> -> memref<2000xi32, #tpu.memory_space<hbm>>
    %dma_wait3A_22 = tpu.memref_slice %arg3[%add3A_6] : memref<640000xi32, #tpu.memory_space<hbm>> -> memref<2000xi32, #tpu.memory_space<hbm>>
    tpu.wait_dma2 semaphore(%arg18 : memref<!tpu.dma_semaphore, #tpu.memory_space<semaphore_mem>>) src(%dma_wait3A_22 : memref<2000xi32, #tpu.memory_space<hbm>>) dst(%arg10 : memref<2000xi32, #tpu.memory_space<vmem>>)
    %dma_wait3A_23 = tpu.memref_slice %arg3[%add3A_9] : memref<640000xi32, #tpu.memory_space<hbm>> -> memref<2000xi32, #tpu.memory_space<hbm>>
    %dma_wait3A_24 = tpu.memref_slice %arg3[%add3A_9] : memref<640000xi32, #tpu.memory_space<hbm>> -> memref<2000xi32, #tpu.memory_space<hbm>>
    tpu.wait_dma2 semaphore(%arg18 : memref<!tpu.dma_semaphore, #tpu.memory_space<semaphore_mem>>) src(%dma_wait3A_24 : memref<2000xi32, #tpu.memory_space<hbm>>) dst(%arg12 : memref<2000xi32, #tpu.memory_space<vmem>>)
    %parallel_loop3A_25 = arith.constant 0 : i32
    %parallel_loop3A_26 = arith.constant 125 : i32
    %parallel_loop3A_27 = arith.constant 1 : i32
    scf.for %parallel_loop3A_729 = %parallel_loop3A_25 to %parallel_loop3A_26 step %parallel_loop3A_27  : i32 {
      %parallel_loop3A_730 = arith.constant 16 : i32
      %parallel_loop3A_731 = arith.muli %parallel_loop3A_729, %parallel_loop3A_730 : i32
      %parallel_loop3A_732 = arith.index_cast %parallel_loop3A_731 : i32 to index
      %parallel_loop3A_733 = tpu.vector_load %arg10[%parallel_loop3A_732] {strides = array<i32>} : memref<2000xi32, #tpu.memory_space<vmem>>, vector<16xi32>,
      %parallel_loop3A_734 = arith.index_cast %parallel_loop3A_731 : i32 to index
      %parallel_loop3A_735 = tpu.vector_load %arg12[%parallel_loop3A_734] {strides = array<i32>} : memref<2000xi32, #tpu.memory_space<vmem>>, vector<16xi32>,
      %parallel_loop3A_736 = tpu.vector_load_idx %arg7[%parallel_loop3A_733] : memref<10240xi32, #tpu.memory_space<vmem>>[vector<16xi32>], vector<16xi32>,
      tpu.vector_store_idx %arg8[%parallel_loop3A_735], %parallel_loop3A_736 {add = true} : memref<10240xi32, #tpu.memory_space<vmem>>[vector<16xi32>], vector<16xi32>,
    } {sc.loop_unroll_factor = 5 : i64, sc.parallel_access}
    %add3A_28 = arith.constant 4000 : i32
    %add3A_29 = arith.addi %mul3A_5, %add3A_28 : i32
    %dma_start3A_30 = tpu.memref_slice %arg3[%add3A_29] : memref<640000xi32, #tpu.memory_space<hbm>> -> memref<2000xi32, #tpu.memory_space<hbm>>
    %dma_start3A_31 = tpu.memref_slice %arg3[%add3A_29] : memref<640000xi32, #tpu.memory_space<hbm>> -> memref<2000xi32, #tpu.memory_space<hbm>>
    tpu.enqueue_dma source(%dma_start3A_31 : memref<2000xi32, #tpu.memory_space<hbm>>) target(%arg10 : memref<2000xi32, #tpu.memory_space<vmem>>) target_semaphore(%arg18 : memref<!tpu.dma_semaphore, #tpu.memory_space<semaphore_mem>>)
    %add3A_32 = arith.constant 320000 : i32
    %add3A_33 = arith.addi %add3A_32, %add3A_29 : i32
    %dma_start3A_34 = tpu.memref_slice %arg3[%add3A_33] : memref<640000xi32, #tpu.memory_space<hbm>> -> memref<2000xi32, #tpu.memory_space<hbm>>
    %dma_start3A_35 = tpu.memref_slice %arg3[%add3A_33] : memref<640000xi32, #tpu.memory_space<hbm>> -> memref<2000xi32, #tpu.memory_space<hbm>>
    tpu.enqueue_dma source(%dma_start3A_35 : memref<2000xi32, #tpu.memory_space<hbm>>) target(%arg12 : memref<2000xi32, #tpu.memory_space<vmem>>) target_semaphore(%arg18 : memref<!tpu.dma_semaphore, #tpu.memory_space<semaphore_mem>>)
    %dma_wait3A_36 = tpu.memref_slice %arg3[%add3A_15] : memref<640000xi32, #tpu.memory_space<hbm>> -> memref<2000xi32, #tpu.memory_space<hbm>>
    %dma_wait3A_37 = tpu.memref_slice %arg3[%add3A_15] : memref<640000xi32, #tpu.memory_space<hbm>> -> memref<2000xi32, #tpu.memory_space<hbm>>
    tpu.wait_dma2 semaphore(%arg19 : memref<!tpu.dma_semaphore, #tpu.memory_space<semaphore_mem>>) src(%dma_wait3A_37 : memref<2000xi32, #tpu.memory_space<hbm>>) dst(%arg11 : memref<2000xi32, #tpu.memory_space<vmem>>)
    %dma_wait3A_38 = tpu.memref_slice %arg3[%add3A_19] : memref<640000xi32, #tpu.memory_space<hbm>> -> memref<2000xi32, #tpu.memory_space<hbm>>
    %dma_wait3A_39 = tpu.memref_slice %arg3[%add3A_19] : memref<640000xi32, #tpu.memory_space<hbm>> -> memref<2000xi32, #tpu.memory_space<hbm>>
    tpu.wait_dma2 semaphore(%arg19 : memref<!tpu.dma_semaphore, #tpu.memory_space<semaphore_mem>>) src(%dma_wait3A_39 : memref<2000xi32, #tpu.memory_space<hbm>>) dst(%arg13 : memref<2000xi32, #tpu.memory_space<vmem>>)
    %parallel_loop3A_40 = arith.constant 0 : i32
    %parallel_loop3A_41 = arith.constant 125 : i32
    %parallel_loop3A_42 = arith.constant 1 : i32
    scf.for %parallel_loop3A_729 = %parallel_loop3A_40 to %parallel_loop3A_41 step %parallel_loop3A_42  : i32 {
      %parallel_loop3A_730 = arith.constant 16 : i32
      %parallel_loop3A_731 = arith.muli %parallel_loop3A_729, %parallel_loop3A_730 : i32
      %parallel_loop3A_732 = arith.index_cast %parallel_loop3A_731 : i32 to index
      %parallel_loop3A_733 = tpu.vector_load %arg11[%parallel_loop3A_732] {strides = array<i32>} : memref<2000xi32, #tpu.memory_space<vmem>>, vector<16xi32>,
      %parallel_loop3A_734 = arith.index_cast %parallel_loop3A_731 : i32 to index
      %parallel_loop3A_735 = tpu.vector_load %arg13[%parallel_loop3A_734] {strides = array<i32>} : memref<2000xi32, #tpu.memory_space<vmem>>, vector<16xi32>,
      %parallel_loop3A_736 = tpu.vector_load_idx %arg7[%parallel_loop3A_733] : memref<10240xi32, #tpu.memory_space<vmem>>[vector<16xi32>], vector<16xi32>,
      tpu.vector_store_idx %arg8[%parallel_loop3A_735], %parallel_loop3A_736 {add = true} : memref<10240xi32, #tpu.memory_space<vmem>>[vector<16xi32>], vector<16xi32>,
    } {sc.loop_unroll_factor = 5 : i64, sc.parallel_access}
    %add3A_43 = arith.constant 6000 : i32
    %add3A_44 = arith.addi %mul3A_5, %add3A_43 : i32
    %dma_start3A_45 = tpu.memref_slice %arg3[%add3A_44] : memref<640000xi32, #tpu.memory_space<hbm>> -> memref<2000xi32, #tpu.memory_space<hbm>>
    %dma_start3A_46 = tpu.memref_slice %arg3[%add3A_44] : memref<640000xi32, #tpu.memory_space<hbm>> -> memref<2000xi32, #tpu.memory_space<hbm>>
    tpu.enqueue_dma source(%dma_start3A_46 : memref<2000xi32, #tpu.memory_space<hbm>>) target(%arg11 : memref<2000xi32, #tpu.memory_space<vmem>>) target_semaphore(%arg19 : memref<!tpu.dma_semaphore, #tpu.memory_space<semaphore_mem>>)
    %add3A_47 = arith.constant 320000 : i32
    %add3A_48 = arith.addi %add3A_47, %add3A_44 : i32
    %dma_start3A_49 = tpu.memref_slice %arg3[%add3A_48] : memref<640000xi32, #tpu.memory_space<hbm>> -> memref<2000xi32, #tpu.memory_space<hbm>>
    %dma_start3A_50 = tpu.memref_slice %arg3[%add3A_48] : memref<640000xi32, #tpu.memory_space<hbm>> -> memref<2000xi32, #tpu.memory_space<hbm>>
    tpu.enqueue_dma source(%dma_start3A_50 : memref<2000xi32, #tpu.memory_space<hbm>>) target(%arg13 : memref<2000xi32, #tpu.memory_space<vmem>>) target_semaphore(%arg19 : memref<!tpu.dma_semaphore, #tpu.memory_space<semaphore_mem>>)
    %dma_wait3A_51 = tpu.memref_slice %arg3[%add3A_29] : memref<640000xi32, #tpu.memory_space<hbm>> -> memref<2000xi32, #tpu.memory_space<hbm>>
    %dma_wait3A_52 = tpu.memref_slice %arg3[%add3A_29] : memref<640000xi32, #tpu.memory_space<hbm>> -> memref<2000xi32, #tpu.memory_space<hbm>>
    tpu.wait_dma2 semaphore(%arg18 : memref<!tpu.dma_semaphore, #tpu.memory_space<semaphore_mem>>) src(%dma_wait3A_52 : memref<2000xi32, #tpu.memory_space<hbm>>) dst(%arg10 : memref<2000xi32, #tpu.memory_space<vmem>>)
    %dma_wait3A_53 = tpu.memref_slice %arg3[%add3A_33] : memref<640000xi32, #tpu.memory_space<hbm>> -> memref<2000xi32, #tpu.memory_space<hbm>>
    %dma_wait3A_54 = tpu.memref_slice %arg3[%add3A_33] : memref<640000xi32, #tpu.memory_space<hbm>> -> memref<2000xi32, #tpu.memory_space<hbm>>
    tpu.wait_dma2 semaphore(%arg18 : memref<!tpu.dma_semaphore, #tpu.memory_space<semaphore_mem>>) src(%dma_wait3A_54 : memref<2000xi32, #tpu.memory_space<hbm>>) dst(%arg12 : memref<2000xi32, #tpu.memory_space<vmem>>)
    %parallel_loop3A_55 = arith.constant 0 : i32
    %parallel_loop3A_56 = arith.constant 125 : i32
    %parallel_loop3A_57 = arith.constant 1 : i32
    scf.for %parallel_loop3A_729 = %parallel_loop3A_55 to %parallel_loop3A_56 step %parallel_loop3A_57  : i32 {
      %parallel_loop3A_730 = arith.constant 16 : i32
      %parallel_loop3A_731 = arith.muli %parallel_loop3A_729, %parallel_loop3A_730 : i32
      %parallel_loop3A_732 = arith.index_cast %parallel_loop3A_731 : i32 to index
      %parallel_loop3A_733 = tpu.vector_load %arg10[%parallel_loop3A_732] {strides = array<i32>} : memref<2000xi32, #tpu.memory_space<vmem>>, vector<16xi32>,
      %parallel_loop3A_734 = arith.index_cast %parallel_loop3A_731 : i32 to index
      %parallel_loop3A_735 = tpu.vector_load %arg12[%parallel_loop3A_734] {strides = array<i32>} : memref<2000xi32, #tpu.memory_space<vmem>>, vector<16xi32>,
      %parallel_loop3A_736 = tpu.vector_load_idx %arg7[%parallel_loop3A_733] : memref<10240xi32, #tpu.memory_space<vmem>>[vector<16xi32>], vector<16xi32>,
      tpu.vector_store_idx %arg8[%parallel_loop3A_735], %parallel_loop3A_736 {add = true} : memref<10240xi32, #tpu.memory_space<vmem>>[vector<16xi32>], vector<16xi32>,
    } {sc.loop_unroll_factor = 5 : i64, sc.parallel_access}
    %add3A_58 = arith.constant 8000 : i32
    %add3A_59 = arith.addi %mul3A_5, %add3A_58 : i32
    %dma_start3A_60 = tpu.memref_slice %arg3[%add3A_59] : memref<640000xi32, #tpu.memory_space<hbm>> -> memref<2000xi32, #tpu.memory_space<hbm>>
    %dma_start3A_61 = tpu.memref_slice %arg3[%add3A_59] : memref<640000xi32, #tpu.memory_space<hbm>> -> memref<2000xi32, #tpu.memory_space<hbm>>
    tpu.enqueue_dma source(%dma_start3A_61 : memref<2000xi32, #tpu.memory_space<hbm>>) target(%arg10 : memref<2000xi32, #tpu.memory_space<vmem>>) target_semaphore(%arg18 : memref<!tpu.dma_semaphore, #tpu.memory_space<semaphore_mem>>)
    %add3A_62 = arith.constant 320000 : i32
    %add3A_63 = arith.addi %add3A_62, %add3A_59 : i32
    %dma_start3A_64 = tpu.memref_slice %arg3[%add3A_63] : memref<640000xi32, #tpu.memory_space<hbm>> -> memref<2000xi32, #tpu.memory_space<hbm>>
    %dma_start3A_65 = tpu.memref_slice %arg3[%add3A_63] : memref<640000xi32, #tpu.memory_space<hbm>> -> memref<2000xi32, #tpu.memory_space<hbm>>
    tpu.enqueue_dma source(%dma_start3A_65 : memref<2000xi32, #tpu.memory_space<hbm>>) target(%arg12 : memref<2000xi32, #tpu.memory_space<vmem>>) target_semaphore(%arg18 : memref<!tpu.dma_semaphore, #tpu.memory_space<semaphore_mem>>)
    %dma_wait3A_66 = tpu.memref_slice %arg3[%add3A_44] : memref<640000xi32, #tpu.memory_space<hbm>> -> memref<2000xi32, #tpu.memory_space<hbm>>
    %dma_wait3A_67 = tpu.memref_slice %arg3[%add3A_44] : memref<640000xi32, #tpu.memory_space<hbm>> -> memref<2000xi32, #tpu.memory_space<hbm>>
    tpu.wait_dma2 semaphore(%arg19 : memref<!tpu.dma_semaphore, #tpu.memory_space<semaphore_mem>>) src(%dma_wait3A_67 : memref<2000xi32, #tpu.memory_space<hbm>>) dst(%arg11 : memref<2000xi32, #tpu.memory_space<vmem>>)
    %dma_wait3A_68 = tpu.memref_slice %arg3[%add3A_48] : memref<640000xi32, #tpu.memory_space<hbm>> -> memref<2000xi32, #tpu.memory_space<hbm>>
    %dma_wait3A_69 = tpu.memref_slice %arg3[%add3A_48] : memref<640000xi32, #tpu.memory_space<hbm>> -> memref<2000xi32, #tpu.memory_space<hbm>>
    tpu.wait_dma2 semaphore(%arg19 : memref<!tpu.dma_semaphore, #tpu.memory_space<semaphore_mem>>) src(%dma_wait3A_69 : memref<2000xi32, #tpu.memory_space<hbm>>) dst(%arg13 : memref<2000xi32, #tpu.memory_space<vmem>>)
    %parallel_loop3A_70 = arith.constant 0 : i32
    %parallel_loop3A_71 = arith.constant 125 : i32
    %parallel_loop3A_72 = arith.constant 1 : i32
    scf.for %parallel_loop3A_729 = %parallel_loop3A_70 to %parallel_loop3A_71 step %parallel_loop3A_72  : i32 {
      %parallel_loop3A_730 = arith.constant 16 : i32
      %parallel_loop3A_731 = arith.muli %parallel_loop3A_729, %parallel_loop3A_730 : i32
      %parallel_loop3A_732 = arith.index_cast %parallel_loop3A_731 : i32 to index
      %parallel_loop3A_733 = tpu.vector_load %arg11[%parallel_loop3A_732] {strides = array<i32>} : memref<2000xi32, #tpu.memory_space<vmem>>, vector<16xi32>,
      %parallel_loop3A_734 = arith.index_cast %parallel_loop3A_731 : i32 to index
      %parallel_loop3A_735 = tpu.vector_load %arg13[%parallel_loop3A_734] {strides = array<i32>} : memref<2000xi32, #tpu.memory_space<vmem>>, vector<16xi32>,
      %parallel_loop3A_736 = tpu.vector_load_idx %arg7[%parallel_loop3A_733] : memref<10240xi32, #tpu.memory_space<vmem>>[vector<16xi32>], vector<16xi32>,
      tpu.vector_store_idx %arg8[%parallel_loop3A_735], %parallel_loop3A_736 {add = true} : memref<10240xi32, #tpu.memory_space<vmem>>[vector<16xi32>], vector<16xi32>,
    } {sc.loop_unroll_factor = 5 : i64, sc.parallel_access}
    %add3A_73 = arith.constant 10000 : i32
    %add3A_74 = arith.addi %mul3A_5, %add3A_73 : i32
    %dma_start3A_75 = tpu.memref_slice %arg3[%add3A_74] : memref<640000xi32, #tpu.memory_space<hbm>> -> memref<2000xi32, #tpu.memory_space<hbm>>
    %dma_start3A_76 = tpu.memref_slice %arg3[%add3A_74] : memref<640000xi32, #tpu.memory_space<hbm>> -> memref<2000xi32, #tpu.memory_space<hbm>>
    tpu.enqueue_dma source(%dma_start3A_76 : memref<2000xi32, #tpu.memory_space<hbm>>) target(%arg11 : memref<2000xi32, #tpu.memory_space<vmem>>) target_semaphore(%arg19 : memref<!tpu.dma_semaphore, #tpu.memory_space<semaphore_mem>>)
    %add3A_77 = arith.constant 320000 : i32
    %add3A_78 = arith.addi %add3A_77, %add3A_74 : i32
    %dma_start3A_79 = tpu.memref_slice %arg3[%add3A_78] : memref<640000xi32, #tpu.memory_space<hbm>> -> memref<2000xi32, #tpu.memory_space<hbm>>
    %dma_start3A_80 = tpu.memref_slice %arg3[%add3A_78] : memref<640000xi32, #tpu.memory_space<hbm>> -> memref<2000xi32, #tpu.memory_space<hbm>>
    tpu.enqueue_dma source(%dma_start3A_80 : memref<2000xi32, #tpu.memory_space<hbm>>) target(%arg13 : memref<2000xi32, #tpu.memory_space<vmem>>) target_semaphore(%arg19 : memref<!tpu.dma_semaphore, #tpu.memory_space<semaphore_mem>>)
    %dma_wait3A_81 = tpu.memref_slice %arg3[%add3A_59] : memref<640000xi32, #tpu.memory_space<hbm>> -> memref<2000xi32, #tpu.memory_space<hbm>>
    %dma_wait3A_82 = tpu.memref_slice %arg3[%add3A_59] : memref<640000xi32, #tpu.memory_space<hbm>> -> memref<2000xi32, #tpu.memory_space<hbm>>
    tpu.wait_dma2 semaphore(%arg18 : memref<!tpu.dma_semaphore, #tpu.memory_space<semaphore_mem>>) src(%dma_wait3A_82 : memref<2000xi32, #tpu.memory_space<hbm>>) dst(%arg10 : memref<2000xi32, #tpu.memory_space<vmem>>)
    %dma_wait3A_83 = tpu.memref_slice %arg3[%add3A_63] : memref<640000xi32, #tpu.memory_space<hbm>> -> memref<2000xi32, #tpu.memory_space<hbm>>
    %dma_wait3A_84 = tpu.memref_slice %arg3[%add3A_63] : memref<640000xi32, #tpu.memory_space<hbm>> -> memref<2000xi32, #tpu.memory_space<hbm>>
    tpu.wait_dma2 semaphore(%arg18 : memref<!tpu.dma_semaphore, #tpu.memory_space<semaphore_mem>>) src(%dma_wait3A_84 : memref<2000xi32, #tpu.memory_space<hbm>>) dst(%arg12 : memref<2000xi32, #tpu.memory_space<vmem>>)
    %parallel_loop3A_85 = arith.constant 0 : i32
    %parallel_loop3A_86 = arith.constant 125 : i32
    %parallel_loop3A_87 = arith.constant 1 : i32
    scf.for %parallel_loop3A_729 = %parallel_loop3A_85 to %parallel_loop3A_86 step %parallel_loop3A_87  : i32 {
      %parallel_loop3A_730 = arith.constant 16 : i32
      %parallel_loop3A_731 = arith.muli %parallel_loop3A_729, %parallel_loop3A_730 : i32
      %parallel_loop3A_732 = arith.index_cast %parallel_loop3A_731 : i32 to index
      %parallel_loop3A_733 = tpu.vector_load %arg10[%parallel_loop3A_732] {strides = array<i32>} : memref<2000xi32, #tpu.memory_space<vmem>>, vector<16xi32>,
      %parallel_loop3A_734 = arith.index_cast %parallel_loop3A_731 : i32 to index
      %parallel_loop3A_735 = tpu.vector_load %arg12[%parallel_loop3A_734] {strides = array<i32>} : memref<2000xi32, #tpu.memory_space<vmem>>, vector<16xi32>,
      %parallel_loop3A_736 = tpu.vector_load_idx %arg7[%parallel_loop3A_733] : memref<10240xi32, #tpu.memory_space<vmem>>[vector<16xi32>], vector<16xi32>,
      tpu.vector_store_idx %arg8[%parallel_loop3A_735], %parallel_loop3A_736 {add = true} : memref<10240xi32, #tpu.memory_space<vmem>>[vector<16xi32>], vector<16xi32>,
    } {sc.loop_unroll_factor = 5 : i64, sc.parallel_access}
    %add3A_88 = arith.constant 12000 : i32
    %add3A_89 = arith.addi %mul3A_5, %add3A_88 : i32
    %dma_start3A_90 = tpu.memref_slice %arg3[%add3A_89] : memref<640000xi32, #tpu.memory_space<hbm>> -> memref<2000xi32, #tpu.memory_space<hbm>>
    %dma_start3A_91 = tpu.memref_slice %arg3[%add3A_89] : memref<640000xi32, #tpu.memory_space<hbm>> -> memref<2000xi32, #tpu.memory_space<hbm>>
    tpu.enqueue_dma source(%dma_start3A_91 : memref<2000xi32, #tpu.memory_space<hbm>>) target(%arg10 : memref<2000xi32, #tpu.memory_space<vmem>>) target_semaphore(%arg18 : memref<!tpu.dma_semaphore, #tpu.memory_space<semaphore_mem>>)
    %add3A_92 = arith.constant 320000 : i32
    %add3A_93 = arith.addi %add3A_92, %add3A_89 : i32
    %dma_start3A_94 = tpu.memref_slice %arg3[%add3A_93] : memref<640000xi32, #tpu.memory_space<hbm>> -> memref<2000xi32, #tpu.memory_space<hbm>>
    %dma_start3A_95 = tpu.memref_slice %arg3[%add3A_93] : memref<640000xi32, #tpu.memory_space<hbm>> -> memref<2000xi32, #tpu.memory_space<hbm>>
    tpu.enqueue_dma source(%dma_start3A_95 : memref<2000xi32, #tpu.memory_space<hbm>>) target(%arg12 : memref<2000xi32, #tpu.memory_space<vmem>>) target_semaphore(%arg18 : memref<!tpu.dma_semaphore, #tpu.memory_space<semaphore_mem>>)
    %dma_wait3A_96 = tpu.memref_slice %arg3[%add3A_74] : memref<640000xi32, #tpu.memory_space<hbm>> -> memref<2000xi32, #tpu.memory_space<hbm>>
    %dma_wait3A_97 = tpu.memref_slice %arg3[%add3A_74] : memref<640000xi32, #tpu.memory_space<hbm>> -> memref<2000xi32, #tpu.memory_space<hbm>>
    tpu.wait_dma2 semaphore(%arg19 : memref<!tpu.dma_semaphore, #tpu.memory_space<semaphore_mem>>) src(%dma_wait3A_97 : memref<2000xi32, #tpu.memory_space<hbm>>) dst(%arg11 : memref<2000xi32, #tpu.memory_space<vmem>>)
    %dma_wait3A_98 = tpu.memref_slice %arg3[%add3A_78] : memref<640000xi32, #tpu.memory_space<hbm>> -> memref<2000xi32, #tpu.memory_space<hbm>>
    %dma_wait3A_99 = tpu.memref_slice %arg3[%add3A_78] : memref<640000xi32, #tpu.memory_space<hbm>> -> memref<2000xi32, #tpu.memory_space<hbm>>
    tpu.wait_dma2 semaphore(%arg19 : memref<!tpu.dma_semaphore, #tpu.memory_space<semaphore_mem>>) src(%dma_wait3A_99 : memref<2000xi32, #tpu.memory_space<hbm>>) dst(%arg13 : memref<2000xi32, #tpu.memory_space<vmem>>)
    %parallel_loop3A_100 = arith.constant 0 : i32
    %parallel_loop3A_101 = arith.constant 125 : i32
    %parallel_loop3A_102 = arith.constant 1 : i32
    scf.for %parallel_loop3A_729 = %parallel_loop3A_100 to %parallel_loop3A_101 step %parallel_loop3A_102  : i32 {
      %parallel_loop3A_730 = arith.constant 16 : i32
      %parallel_loop3A_731 = arith.muli %parallel_loop3A_729, %parallel_loop3A_730 : i32
      %parallel_loop3A_732 = arith.index_cast %parallel_loop3A_731 : i32 to index
      %parallel_loop3A_733 = tpu.vector_load %arg11[%parallel_loop3A_732] {strides = array<i32>} : memref<2000xi32, #tpu.memory_space<vmem>>, vector<16xi32>,
      %parallel_loop3A_734 = arith.index_cast %parallel_loop3A_731 : i32 to index
      %parallel_loop3A_735 = tpu.vector_load %arg13[%parallel_loop3A_734] {strides = array<i32>} : memref<2000xi32, #tpu.memory_space<vmem>>, vector<16xi32>,
      %parallel_loop3A_736 = tpu.vector_load_idx %arg7[%parallel_loop3A_733] : memref<10240xi32, #tpu.memory_space<vmem>>[vector<16xi32>], vector<16xi32>,
      tpu.vector_store_idx %arg8[%parallel_loop3A_735], %parallel_loop3A_736 {add = true} : memref<10240xi32, #tpu.memory_space<vmem>>[vector<16xi32>], vector<16xi32>,
    } {sc.loop_unroll_factor = 5 : i64, sc.parallel_access}
    %add3A_103 = arith.constant 14000 : i32
    %add3A_104 = arith.addi %mul3A_5, %add3A_103 : i32
    %dma_start3A_105 = tpu.memref_slice %arg3[%add3A_104] : memref<640000xi32, #tpu.memory_space<hbm>> -> memref<2000xi32, #tpu.memory_space<hbm>>
    %dma_start3A_106 = tpu.memref_slice %arg3[%add3A_104] : memref<640000xi32, #tpu.memory_space<hbm>> -> memref<2000xi32, #tpu.memory_space<hbm>>
    tpu.enqueue_dma source(%dma_start3A_106 : memref<2000xi32, #tpu.memory_space<hbm>>) target(%arg11 : memref<2000xi32, #tpu.memory_space<vmem>>) target_semaphore(%arg19 : memref<!tpu.dma_semaphore, #tpu.memory_space<semaphore_mem>>)
    %add3A_107 = arith.constant 320000 : i32
    %add3A_108 = arith.addi %add3A_107, %add3A_104 : i32
    %dma_start3A_109 = tpu.memref_slice %arg3[%add3A_108] : memref<640000xi32, #tpu.memory_space<hbm>> -> memref<2000xi32, #tpu.memory_space<hbm>>
    %dma_start3A_110 = tpu.memref_slice %arg3[%add3A_108] : memref<640000xi32, #tpu.memory_space<hbm>> -> memref<2000xi32, #tpu.memory_space<hbm>>
    tpu.enqueue_dma source(%dma_start3A_110 : memref<2000xi32, #tpu.memory_space<hbm>>) target(%arg13 : memref<2000xi32, #tpu.memory_space<vmem>>) target_semaphore(%arg19 : memref<!tpu.dma_semaphore, #tpu.memory_space<semaphore_mem>>)
    %dma_wait3A_111 = tpu.memref_slice %arg3[%add3A_89] : memref<640000xi32, #tpu.memory_space<hbm>> -> memref<2000xi32, #tpu.memory_space<hbm>>
    %dma_wait3A_112 = tpu.memref_slice %arg3[%add3A_89] : memref<640000xi32, #tpu.memory_space<hbm>> -> memref<2000xi32, #tpu.memory_space<hbm>>
    tpu.wait_dma2 semaphore(%arg18 : memref<!tpu.dma_semaphore, #tpu.memory_space<semaphore_mem>>) src(%dma_wait3A_112 : memref<2000xi32, #tpu.memory_space<hbm>>) dst(%arg10 : memref<2000xi32, #tpu.memory_space<vmem>>)
    %dma_wait3A_113 = tpu.memref_slice %arg3[%add3A_93] : memref<640000xi32, #tpu.memory_space<hbm>> -> memref<2000xi32, #tpu.memory_space<hbm>>
    %dma_wait3A_114 = tpu.memref_slice %arg3[%add3A_93] : memref<640000xi32, #tpu.memory_space<hbm>> -> memref<2000xi32, #tpu.memory_space<hbm>>
    tpu.wait_dma2 semaphore(%arg18 : memref<!tpu.dma_semaphore, #tpu.memory_space<semaphore_mem>>) src(%dma_wait3A_114 : memref<2000xi32, #tpu.memory_space<hbm>>) dst(%arg12 : memref<2000xi32, #tpu.memory_space<vmem>>)
    %parallel_loop3A_115 = arith.constant 0 : i32
    %parallel_loop3A_116 = arith.constant 125 : i32
    %parallel_loop3A_117 = arith.constant 1 : i32
    scf.for %parallel_loop3A_729 = %parallel_loop3A_115 to %parallel_loop3A_116 step %parallel_loop3A_117  : i32 {
      %parallel_loop3A_730 = arith.constant 16 : i32
      %parallel_loop3A_731 = arith.muli %parallel_loop3A_729, %parallel_loop3A_730 : i32
      %parallel_loop3A_732 = arith.index_cast %parallel_loop3A_731 : i32 to index
      %parallel_loop3A_733 = tpu.vector_load %arg10[%parallel_loop3A_732] {strides = array<i32>} : memref<2000xi32, #tpu.memory_space<vmem>>, vector<16xi32>,
      %parallel_loop3A_734 = arith.index_cast %parallel_loop3A_731 : i32 to index
      %parallel_loop3A_735 = tpu.vector_load %arg12[%parallel_loop3A_734] {strides = array<i32>} : memref<2000xi32, #tpu.memory_space<vmem>>, vector<16xi32>,
      %parallel_loop3A_736 = tpu.vector_load_idx %arg7[%parallel_loop3A_733] : memref<10240xi32, #tpu.memory_space<vmem>>[vector<16xi32>], vector<16xi32>,
      tpu.vector_store_idx %arg8[%parallel_loop3A_735], %parallel_loop3A_736 {add = true} : memref<10240xi32, #tpu.memory_space<vmem>>[vector<16xi32>], vector<16xi32>,
    } {sc.loop_unroll_factor = 5 : i64, sc.parallel_access}
    %add3A_118 = arith.constant 16000 : i32
    %add3A_119 = arith.addi %mul3A_5, %add3A_118 : i32
    %dma_start3A_120 = tpu.memref_slice %arg3[%add3A_119] : memref<640000xi32, #tpu.memory_space<hbm>> -> memref<2000xi32, #tpu.memory_space<hbm>>
    %dma_start3A_121 = tpu.memref_slice %arg3[%add3A_119] : memref<640000xi32, #tpu.memory_space<hbm>> -> memref<2000xi32, #tpu.memory_space<hbm>>
    tpu.enqueue_dma source(%dma_start3A_121 : memref<2000xi32, #tpu.memory_space<hbm>>) target(%arg10 : memref<2000xi32, #tpu.memory_space<vmem>>) target_semaphore(%arg18 : memref<!tpu.dma_semaphore, #tpu.memory_space<semaphore_mem>>)
    %add3A_122 = arith.constant 320000 : i32
    %add3A_123 = arith.addi %add3A_122, %add3A_119 : i32
    %dma_start3A_124 = tpu.memref_slice %arg3[%add3A_123] : memref<640000xi32, #tpu.memory_space<hbm>> -> memref<2000xi32, #tpu.memory_space<hbm>>
    %dma_start3A_125 = tpu.memref_slice %arg3[%add3A_123] : memref<640000xi32, #tpu.memory_space<hbm>> -> memref<2000xi32, #tpu.memory_space<hbm>>
    tpu.enqueue_dma source(%dma_start3A_125 : memref<2000xi32, #tpu.memory_space<hbm>>) target(%arg12 : memref<2000xi32, #tpu.memory_space<vmem>>) target_semaphore(%arg18 : memref<!tpu.dma_semaphore, #tpu.memory_space<semaphore_mem>>)
    %dma_wait3A_126 = tpu.memref_slice %arg3[%add3A_104] : memref<640000xi32, #tpu.memory_space<hbm>> -> memref<2000xi32, #tpu.memory_space<hbm>>
    %dma_wait3A_127 = tpu.memref_slice %arg3[%add3A_104] : memref<640000xi32, #tpu.memory_space<hbm>> -> memref<2000xi32, #tpu.memory_space<hbm>>
    tpu.wait_dma2 semaphore(%arg19 : memref<!tpu.dma_semaphore, #tpu.memory_space<semaphore_mem>>) src(%dma_wait3A_127 : memref<2000xi32, #tpu.memory_space<hbm>>) dst(%arg11 : memref<2000xi32, #tpu.memory_space<vmem>>)
    %dma_wait3A_128 = tpu.memref_slice %arg3[%add3A_108] : memref<640000xi32, #tpu.memory_space<hbm>> -> memref<2000xi32, #tpu.memory_space<hbm>>
    %dma_wait3A_129 = tpu.memref_slice %arg3[%add3A_108] : memref<640000xi32, #tpu.memory_space<hbm>> -> memref<2000xi32, #tpu.memory_space<hbm>>
    tpu.wait_dma2 semaphore(%arg19 : memref<!tpu.dma_semaphore, #tpu.memory_space<semaphore_mem>>) src(%dma_wait3A_129 : memref<2000xi32, #tpu.memory_space<hbm>>) dst(%arg13 : memref<2000xi32, #tpu.memory_space<vmem>>)
    %parallel_loop3A_130 = arith.constant 0 : i32
    %parallel_loop3A_131 = arith.constant 125 : i32
    %parallel_loop3A_132 = arith.constant 1 : i32
    scf.for %parallel_loop3A_729 = %parallel_loop3A_130 to %parallel_loop3A_131 step %parallel_loop3A_132  : i32 {
      %parallel_loop3A_730 = arith.constant 16 : i32
      %parallel_loop3A_731 = arith.muli %parallel_loop3A_729, %parallel_loop3A_730 : i32
      %parallel_loop3A_732 = arith.index_cast %parallel_loop3A_731 : i32 to index
      %parallel_loop3A_733 = tpu.vector_load %arg11[%parallel_loop3A_732] {strides = array<i32>} : memref<2000xi32, #tpu.memory_space<vmem>>, vector<16xi32>,
      %parallel_loop3A_734 = arith.index_cast %parallel_loop3A_731 : i32 to index
      %parallel_loop3A_735 = tpu.vector_load %arg13[%parallel_loop3A_734] {strides = array<i32>} : memref<2000xi32, #tpu.memory_space<vmem>>, vector<16xi32>,
      %parallel_loop3A_736 = tpu.vector_load_idx %arg7[%parallel_loop3A_733] : memref<10240xi32, #tpu.memory_space<vmem>>[vector<16xi32>], vector<16xi32>,
      tpu.vector_store_idx %arg8[%parallel_loop3A_735], %parallel_loop3A_736 {add = true} : memref<10240xi32, #tpu.memory_space<vmem>>[vector<16xi32>], vector<16xi32>,
    } {sc.loop_unroll_factor = 5 : i64, sc.parallel_access}
    %add3A_133 = arith.constant 18000 : i32
    %add3A_134 = arith.addi %mul3A_5, %add3A_133 : i32
    %dma_start3A_135 = tpu.memref_slice %arg3[%add3A_134] : memref<640000xi32, #tpu.memory_space<hbm>> -> memref<2000xi32, #tpu.memory_space<hbm>>
    %dma_start3A_136 = tpu.memref_slice %arg3[%add3A_134] : memref<640000xi32, #tpu.memory_space<hbm>> -> memref<2000xi32, #tpu.memory_space<hbm>>
    tpu.enqueue_dma source(%dma_start3A_136 : memref<2000xi32, #tpu.memory_space<hbm>>) target(%arg11 : memref<2000xi32, #tpu.memory_space<vmem>>) target_semaphore(%arg19 : memref<!tpu.dma_semaphore, #tpu.memory_space<semaphore_mem>>)
    %add3A_137 = arith.constant 320000 : i32
    %add3A_138 = arith.addi %add3A_137, %add3A_134 : i32
    %dma_start3A_139 = tpu.memref_slice %arg3[%add3A_138] : memref<640000xi32, #tpu.memory_space<hbm>> -> memref<2000xi32, #tpu.memory_space<hbm>>
    %dma_start3A_140 = tpu.memref_slice %arg3[%add3A_138] : memref<640000xi32, #tpu.memory_space<hbm>> -> memref<2000xi32, #tpu.memory_space<hbm>>
    tpu.enqueue_dma source(%dma_start3A_140 : memref<2000xi32, #tpu.memory_space<hbm>>) target(%arg13 : memref<2000xi32, #tpu.memory_space<vmem>>) target_semaphore(%arg19 : memref<!tpu.dma_semaphore, #tpu.memory_space<semaphore_mem>>)
    %dma_wait3A_141 = tpu.memref_slice %arg3[%add3A_119] : memref<640000xi32, #tpu.memory_space<hbm>> -> memref<2000xi32, #tpu.memory_space<hbm>>
    %dma_wait3A_142 = tpu.memref_slice %arg3[%add3A_119] : memref<640000xi32, #tpu.memory_space<hbm>> -> memref<2000xi32, #tpu.memory_space<hbm>>
    tpu.wait_dma2 semaphore(%arg18 : memref<!tpu.dma_semaphore, #tpu.memory_space<semaphore_mem>>) src(%dma_wait3A_142 : memref<2000xi32, #tpu.memory_space<hbm>>) dst(%arg10 : memref<2000xi32, #tpu.memory_space<vmem>>)
    %dma_wait3A_143 = tpu.memref_slice %arg3[%add3A_123] : memref<640000xi32, #tpu.memory_space<hbm>> -> memref<2000xi32, #tpu.memory_space<hbm>>
    %dma_wait3A_144 = tpu.memref_slice %arg3[%add3A_123] : memref<640000xi32, #tpu.memory_space<hbm>> -> memref<2000xi32, #tpu.memory_space<hbm>>
    tpu.wait_dma2 semaphore(%arg18 : memref<!tpu.dma_semaphore, #tpu.memory_space<semaphore_mem>>) src(%dma_wait3A_144 : memref<2000xi32, #tpu.memory_space<hbm>>) dst(%arg12 : memref<2000xi32, #tpu.memory_space<vmem>>)
    %parallel_loop3A_145 = arith.constant 0 : i32
    %parallel_loop3A_146 = arith.constant 125 : i32
    %parallel_loop3A_147 = arith.constant 1 : i32
    scf.for %parallel_loop3A_729 = %parallel_loop3A_145 to %parallel_loop3A_146 step %parallel_loop3A_147  : i32 {
      %parallel_loop3A_730 = arith.constant 16 : i32
      %parallel_loop3A_731 = arith.muli %parallel_loop3A_729, %parallel_loop3A_730 : i32
      %parallel_loop3A_732 = arith.index_cast %parallel_loop3A_731 : i32 to index
      %parallel_loop3A_733 = tpu.vector_load %arg10[%parallel_loop3A_732] {strides = array<i32>} : memref<2000xi32, #tpu.memory_space<vmem>>, vector<16xi32>,
      %parallel_loop3A_734 = arith.index_cast %parallel_loop3A_731 : i32 to index
      %parallel_loop3A_735 = tpu.vector_load %arg12[%parallel_loop3A_734] {strides = array<i32>} : memref<2000xi32, #tpu.memory_space<vmem>>, vector<16xi32>,
      %parallel_loop3A_736 = tpu.vector_load_idx %arg7[%parallel_loop3A_733] : memref<10240xi32, #tpu.memory_space<vmem>>[vector<16xi32>], vector<16xi32>,
      tpu.vector_store_idx %arg8[%parallel_loop3A_735], %parallel_loop3A_736 {add = true} : memref<10240xi32, #tpu.memory_space<vmem>>[vector<16xi32>], vector<16xi32>,
    } {sc.loop_unroll_factor = 5 : i64, sc.parallel_access}
    %dma_wait3A_148 = tpu.memref_slice %arg3[%add3A_134] : memref<640000xi32, #tpu.memory_space<hbm>> -> memref<2000xi32, #tpu.memory_space<hbm>>
    %dma_wait3A_149 = tpu.memref_slice %arg3[%add3A_134] : memref<640000xi32, #tpu.memory_space<hbm>> -> memref<2000xi32, #tpu.memory_space<hbm>>
    tpu.wait_dma2 semaphore(%arg19 : memref<!tpu.dma_semaphore, #tpu.memory_space<semaphore_mem>>) src(%dma_wait3A_149 : memref<2000xi32, #tpu.memory_space<hbm>>) dst(%arg11 : memref<2000xi32, #tpu.memory_space<vmem>>)
    %dma_wait3A_150 = tpu.memref_slice %arg3[%add3A_138] : memref<640000xi32, #tpu.memory_space<hbm>> -> memref<2000xi32, #tpu.memory_space<hbm>>
    %dma_wait3A_151 = tpu.memref_slice %arg3[%add3A_138] : memref<640000xi32, #tpu.memory_space<hbm>> -> memref<2000xi32, #tpu.memory_space<hbm>>
    tpu.wait_dma2 semaphore(%arg19 : memref<!tpu.dma_semaphore, #tpu.memory_space<semaphore_mem>>) src(%dma_wait3A_151 : memref<2000xi32, #tpu.memory_space<hbm>>) dst(%arg13 : memref<2000xi32, #tpu.memory_space<vmem>>)
    %parallel_loop3A_152 = arith.constant 0 : i32
    %parallel_loop3A_153 = arith.constant 125 : i32
    %parallel_loop3A_154 = arith.constant 1 : i32
    scf.for %parallel_loop3A_729 = %parallel_loop3A_152 to %parallel_loop3A_153 step %parallel_loop3A_154  : i32 {
      %parallel_loop3A_730 = arith.constant 16 : i32
      %parallel_loop3A_731 = arith.muli %parallel_loop3A_729, %parallel_loop3A_730 : i32
      %parallel_loop3A_732 = arith.index_cast %parallel_loop3A_731 : i32 to index
      %parallel_loop3A_733 = tpu.vector_load %arg11[%parallel_loop3A_732] {strides = array<i32>} : memref<2000xi32, #tpu.memory_space<vmem>>, vector<16xi32>,
      %parallel_loop3A_734 = arith.index_cast %parallel_loop3A_731 : i32 to index
      %parallel_loop3A_735 = tpu.vector_load %arg13[%parallel_loop3A_734] {strides = array<i32>} : memref<2000xi32, #tpu.memory_space<vmem>>, vector<16xi32>,
      %parallel_loop3A_736 = tpu.vector_load_idx %arg7[%parallel_loop3A_733] : memref<10240xi32, #tpu.memory_space<vmem>>[vector<16xi32>], vector<16xi32>,
      tpu.vector_store_idx %arg8[%parallel_loop3A_735], %parallel_loop3A_736 {add = true} : memref<10240xi32, #tpu.memory_space<vmem>>[vector<16xi32>], vector<16xi32>,
    } {sc.loop_unroll_factor = 5 : i64, sc.parallel_access}
    "tpu.trace_stop"() : () -> ()
    "tpu.trace_start"() <{level = 10 : i32, message = "L0_reduce"}> : () -> ()
    "tpu.region"() ({
      %run_scoped3A = tpu.sem_alloc : memref<!tpu.dma_semaphore, #tpu.memory_space<semaphore_mem>>
      %dma_start3A_729 = arith.constant 0 : i32
      %dma_start3A_730 = tpu.memref_slice %arg16[%arg1, %dma_start3A_729] : memref<16x10240xi32, #tpu.memory_space<vmem_shared>> -> memref<1x10240xi32, #tpu.memory_space<vmem_shared>>
      %dma_start3A_731 = tpu.memref_squeeze %dma_start3A_730 : memref<1x10240xi32, #tpu.memory_space<vmem_shared>> -> memref<10240xi32, #tpu.memory_space<vmem_shared>>
      %dma_start3A_732 = arith.constant 0 : i32
      %dma_start3A_733 = tpu.memref_slice %arg16[%arg1, %dma_start3A_732] : memref<16x10240xi32, #tpu.memory_space<vmem_shared>> -> memref<1x10240xi32, #tpu.memory_space<vmem_shared>>
      %dma_start3A_734 = tpu.memref_squeeze %dma_start3A_733 : memref<1x10240xi32, #tpu.memory_space<vmem_shared>> -> memref<10240xi32, #tpu.memory_space<vmem_shared>>
      tpu.enqueue_dma source(%arg8 : memref<10240xi32, #tpu.memory_space<vmem>>) target(%dma_start3A_734 : memref<10240xi32, #tpu.memory_space<vmem_shared>>) target_semaphore(%run_scoped3A : memref<!tpu.dma_semaphore, #tpu.memory_space<semaphore_mem>>)
      %dma_wait3A_735 = arith.constant 0 : i32
      %dma_wait3A_736 = tpu.memref_slice %arg16[%arg1, %dma_wait3A_735] : memref<16x10240xi32, #tpu.memory_space<vmem_shared>> -> memref<1x10240xi32, #tpu.memory_space<vmem_shared>>
      %dma_wait3A_737 = tpu.memref_squeeze %dma_wait3A_736 : memref<1x10240xi32, #tpu.memory_space<vmem_shared>> -> memref<10240xi32, #tpu.memory_space<vmem_shared>>
      %dma_wait3A_738 = arith.constant 0 : i32
      %dma_wait3A_739 = tpu.memref_slice %arg16[%arg1, %dma_wait3A_738] : memref<16x10240xi32, #tpu.memory_space<vmem_shared>> -> memref<1x10240xi32, #tpu.memory_space<vmem_shared>>
      %dma_wait3A_740 = tpu.memref_squeeze %dma_wait3A_739 : memref<1x10240xi32, #tpu.memory_space<vmem_shared>> -> memref<10240xi32, #tpu.memory_space<vmem_shared>>
      tpu.wait_dma2 semaphore(%run_scoped3A : memref<!tpu.dma_semaphore, #tpu.memory_space<semaphore_mem>>) src(%arg8 : memref<10240xi32, #tpu.memory_space<vmem>>) dst(%dma_wait3A_740 : memref<10240xi32, #tpu.memory_space<vmem_shared>>)
      tpu.yield
    }) : () -> ()
    %barrier3A = arith.constant 0 : index
    tpu.barrier barrier_id(%barrier3A)
    %mul3A_155 = arith.constant 640 : i32
    %mul3A_156 = arith.muli %arg1, %mul3A_155 : i32
    "tpu.region"() ({
      %run_scoped3A = tpu.sem_alloc : memref<!tpu.dma_semaphore, #tpu.memory_space<semaphore_mem>>
      %dma_start3A_729 = arith.constant 0 : i32
      %dma_start3A_730 = tpu.memref_slice %arg16[%dma_start3A_729, %mul3A_156] : memref<16x10240xi32, #tpu.memory_space<vmem_shared>> -> memref<16x640xi32, #tpu.memory_space<vmem_shared>>
      %dma_start3A_731 = arith.constant 0 : i32
      %dma_start3A_732 = tpu.memref_slice %arg16[%dma_start3A_731, %mul3A_156] : memref<16x10240xi32, #tpu.memory_space<vmem_shared>> -> memref<16x640xi32, #tpu.memory_space<vmem_shared>>
      tpu.enqueue_dma source(%dma_start3A_732 : memref<16x640xi32, #tpu.memory_space<vmem_shared>>) target(%arg14 : memref<16x640xi32, #tpu.memory_space<vmem>>) target_semaphore(%run_scoped3A : memref<!tpu.dma_semaphore, #tpu.memory_space<semaphore_mem>>)
      %dma_wait3A_733 = arith.constant 0 : i32
      %dma_wait3A_734 = tpu.memref_slice %arg16[%dma_wait3A_733, %mul3A_156] : memref<16x10240xi32, #tpu.memory_space<vmem_shared>> -> memref<16x640xi32, #tpu.memory_space<vmem_shared>>
      %dma_wait3A_735 = arith.constant 0 : i32
      %dma_wait3A_736 = tpu.memref_slice %arg16[%dma_wait3A_735, %mul3A_156] : memref<16x10240xi32, #tpu.memory_space<vmem_shared>> -> memref<16x640xi32, #tpu.memory_space<vmem_shared>>
      tpu.wait_dma2 semaphore(%run_scoped3A : memref<!tpu.dma_semaphore, #tpu.memory_space<semaphore_mem>>) src(%dma_wait3A_736 : memref<16x640xi32, #tpu.memory_space<vmem_shared>>) dst(%arg14 : memref<16x640xi32, #tpu.memory_space<vmem>>)
      tpu.yield
    }) : () -> ()
    %parallel_loop3A_157 = arith.constant 0 : i32
    %parallel_loop3A_158 = arith.constant 40 : i32
    %parallel_loop3A_159 = arith.constant 1 : i32
    scf.for %parallel_loop3A_729 = %parallel_loop3A_157 to %parallel_loop3A_158 step %parallel_loop3A_159  : i32 {
      %parallel_loop3A_730 = arith.constant 16 : i32
      %parallel_loop3A_731 = arith.muli %parallel_loop3A_729, %parallel_loop3A_730 : i32
      %parallel_loop3A_732 = arith.constant 0 : i32
      %parallel_loop3A_733 = arith.index_cast %parallel_loop3A_732 : i32 to index
      %parallel_loop3A_734 = arith.index_cast %parallel_loop3A_731 : i32 to index
      %parallel_loop3A_735 = tpu.vector_load %arg14[%parallel_loop3A_733, %parallel_loop3A_734] {strides = array<i32>} : memref<16x640xi32, #tpu.memory_space<vmem>>, vector<16xi32>,
      %parallel_loop3A_736 = arith.constant 1 : i32
      %parallel_loop3A_737 = arith.index_cast %parallel_loop3A_736 : i32 to index
      %parallel_loop3A_738 = arith.index_cast %parallel_loop3A_731 : i32 to index
      %parallel_loop3A_739 = tpu.vector_load %arg14[%parallel_loop3A_737, %parallel_loop3A_738] {strides = array<i32>} : memref<16x640xi32, #tpu.memory_space<vmem>>, vector<16xi32>,
      %parallel_loop3A_740 = arith.addi %parallel_loop3A_735, %parallel_loop3A_739 : vector<16xi32>
      %parallel_loop3A_741 = arith.constant 2 : i32
      %parallel_loop3A_742 = arith.index_cast %parallel_loop3A_741 : i32 to index
      %parallel_loop3A_743 = arith.index_cast %parallel_loop3A_731 : i32 to index
      %parallel_loop3A_744 = tpu.vector_load %arg14[%parallel_loop3A_742, %parallel_loop3A_743] {strides = array<i32>} : memref<16x640xi32, #tpu.memory_space<vmem>>, vector<16xi32>,
      %parallel_loop3A_745 = arith.addi %parallel_loop3A_740, %parallel_loop3A_744 : vector<16xi32>
      %parallel_loop3A_746 = arith.constant 3 : i32
      %parallel_loop3A_747 = arith.index_cast %parallel_loop3A_746 : i32 to index
      %parallel_loop3A_748 = arith.index_cast %parallel_loop3A_731 : i32 to index
      %parallel_loop3A_749 = tpu.vector_load %arg14[%parallel_loop3A_747, %parallel_loop3A_748] {strides = array<i32>} : memref<16x640xi32, #tpu.memory_space<vmem>>, vector<16xi32>,
      %parallel_loop3A_750 = arith.addi %parallel_loop3A_745, %parallel_loop3A_749 : vector<16xi32>
      %parallel_loop3A_751 = arith.constant 4 : i32
      %parallel_loop3A_752 = arith.index_cast %parallel_loop3A_751 : i32 to index
      %parallel_loop3A_753 = arith.index_cast %parallel_loop3A_731 : i32 to index
      %parallel_loop3A_754 = tpu.vector_load %arg14[%parallel_loop3A_752, %parallel_loop3A_753] {strides = array<i32>} : memref<16x640xi32, #tpu.memory_space<vmem>>, vector<16xi32>,
      %parallel_loop3A_755 = arith.addi %parallel_loop3A_750, %parallel_loop3A_754 : vector<16xi32>
      %parallel_loop3A_756 = arith.constant 5 : i32
      %parallel_loop3A_757 = arith.index_cast %parallel_loop3A_756 : i32 to index
      %parallel_loop3A_758 = arith.index_cast %parallel_loop3A_731 : i32 to index
      %parallel_loop3A_759 = tpu.vector_load %arg14[%parallel_loop3A_757, %parallel_loop3A_758] {strides = array<i32>} : memref<16x640xi32, #tpu.memory_space<vmem>>, vector<16xi32>,
      %parallel_loop3A_760 = arith.addi %parallel_loop3A_755, %parallel_loop3A_759 : vector<16xi32>
      %parallel_loop3A_761 = arith.constant 6 : i32
      %parallel_loop3A_762 = arith.index_cast %parallel_loop3A_761 : i32 to index
      %parallel_loop3A_763 = arith.index_cast %parallel_loop3A_731 : i32 to index
      %parallel_loop3A_764 = tpu.vector_load %arg14[%parallel_loop3A_762, %parallel_loop3A_763] {strides = array<i32>} : memref<16x640xi32, #tpu.memory_space<vmem>>, vector<16xi32>,
      %parallel_loop3A_765 = arith.addi %parallel_loop3A_760, %parallel_loop3A_764 : vector<16xi32>
      %parallel_loop3A_766 = arith.constant 7 : i32
      %parallel_loop3A_767 = arith.index_cast %parallel_loop3A_766 : i32 to index
      %parallel_loop3A_768 = arith.index_cast %parallel_loop3A_731 : i32 to index
      %parallel_loop3A_769 = tpu.vector_load %arg14[%parallel_loop3A_767, %parallel_loop3A_768] {strides = array<i32>} : memref<16x640xi32, #tpu.memory_space<vmem>>, vector<16xi32>,
      %parallel_loop3A_770 = arith.addi %parallel_loop3A_765, %parallel_loop3A_769 : vector<16xi32>
      %parallel_loop3A_771 = arith.constant 8 : i32
      %parallel_loop3A_772 = arith.index_cast %parallel_loop3A_771 : i32 to index
      %parallel_loop3A_773 = arith.index_cast %parallel_loop3A_731 : i32 to index
      %parallel_loop3A_774 = tpu.vector_load %arg14[%parallel_loop3A_772, %parallel_loop3A_773] {strides = array<i32>} : memref<16x640xi32, #tpu.memory_space<vmem>>, vector<16xi32>,
      %parallel_loop3A_775 = arith.addi %parallel_loop3A_770, %parallel_loop3A_774 : vector<16xi32>
      %parallel_loop3A_776 = arith.constant 9 : i32
      %parallel_loop3A_777 = arith.index_cast %parallel_loop3A_776 : i32 to index
      %parallel_loop3A_778 = arith.index_cast %parallel_loop3A_731 : i32 to index
      %parallel_loop3A_779 = tpu.vector_load %arg14[%parallel_loop3A_777, %parallel_loop3A_778] {strides = array<i32>} : memref<16x640xi32, #tpu.memory_space<vmem>>, vector<16xi32>,
      %parallel_loop3A_780 = arith.addi %parallel_loop3A_775, %parallel_loop3A_779 : vector<16xi32>
      %parallel_loop3A_781 = arith.constant 10 : i32
      %parallel_loop3A_782 = arith.index_cast %parallel_loop3A_781 : i32 to index
      %parallel_loop3A_783 = arith.index_cast %parallel_loop3A_731 : i32 to index
      %parallel_loop3A_784 = tpu.vector_load %arg14[%parallel_loop3A_782, %parallel_loop3A_783] {strides = array<i32>} : memref<16x640xi32, #tpu.memory_space<vmem>>, vector<16xi32>,
      %parallel_loop3A_785 = arith.addi %parallel_loop3A_780, %parallel_loop3A_784 : vector<16xi32>
      %parallel_loop3A_786 = arith.constant 11 : i32
      %parallel_loop3A_787 = arith.index_cast %parallel_loop3A_786 : i32 to index
      %parallel_loop3A_788 = arith.index_cast %parallel_loop3A_731 : i32 to index
      %parallel_loop3A_789 = tpu.vector_load %arg14[%parallel_loop3A_787, %parallel_loop3A_788] {strides = array<i32>} : memref<16x640xi32, #tpu.memory_space<vmem>>, vector<16xi32>,
      %parallel_loop3A_790 = arith.addi %parallel_loop3A_785, %parallel_loop3A_789 : vector<16xi32>
      %parallel_loop3A_791 = arith.constant 12 : i32
      %parallel_loop3A_792 = arith.index_cast %parallel_loop3A_791 : i32 to index
      %parallel_loop3A_793 = arith.index_cast %parallel_loop3A_731 : i32 to index
      %parallel_loop3A_794 = tpu.vector_load %arg14[%parallel_loop3A_792, %parallel_loop3A_793] {strides = array<i32>} : memref<16x640xi32, #tpu.memory_space<vmem>>, vector<16xi32>,
      %parallel_loop3A_795 = arith.addi %parallel_loop3A_790, %parallel_loop3A_794 : vector<16xi32>
      %parallel_loop3A_796 = arith.constant 13 : i32
      %parallel_loop3A_797 = arith.index_cast %parallel_loop3A_796 : i32 to index
      %parallel_loop3A_798 = arith.index_cast %parallel_loop3A_731 : i32 to index
      %parallel_loop3A_799 = tpu.vector_load %arg14[%parallel_loop3A_797, %parallel_loop3A_798] {strides = array<i32>} : memref<16x640xi32, #tpu.memory_space<vmem>>, vector<16xi32>,
      %parallel_loop3A_800 = arith.addi %parallel_loop3A_795, %parallel_loop3A_799 : vector<16xi32>
      %parallel_loop3A_801 = arith.constant 14 : i32
      %parallel_loop3A_802 = arith.index_cast %parallel_loop3A_801 : i32 to index
      %parallel_loop3A_803 = arith.index_cast %parallel_loop3A_731 : i32 to index
      %parallel_loop3A_804 = tpu.vector_load %arg14[%parallel_loop3A_802, %parallel_loop3A_803] {strides = array<i32>} : memref<16x640xi32, #tpu.memory_space<vmem>>, vector<16xi32>,
      %parallel_loop3A_805 = arith.addi %parallel_loop3A_800, %parallel_loop3A_804 : vector<16xi32>
      %parallel_loop3A_806 = arith.constant 15 : i32
      %parallel_loop3A_807 = arith.index_cast %parallel_loop3A_806 : i32 to index
      %parallel_loop3A_808 = arith.index_cast %parallel_loop3A_731 : i32 to index
      %parallel_loop3A_809 = tpu.vector_load %arg14[%parallel_loop3A_807, %parallel_loop3A_808] {strides = array<i32>} : memref<16x640xi32, #tpu.memory_space<vmem>>, vector<16xi32>,
      %parallel_loop3A_810 = arith.addi %parallel_loop3A_805, %parallel_loop3A_809 : vector<16xi32>
      %parallel_loop3A_811 = arith.constant 640 : i32
      %parallel_loop3A_812 = arith.muli %arg1, %parallel_loop3A_811 : i32
      %parallel_loop3A_813 = arith.constant 16 : i32
      %parallel_loop3A_814 = arith.muli %parallel_loop3A_729, %parallel_loop3A_813 : i32
      %parallel_loop3A_815 = arith.addi %parallel_loop3A_812, %parallel_loop3A_814 : i32
      %parallel_loop3A_816 = arith.index_cast %parallel_loop3A_815 : i32 to index
      %parallel_loop3A_817 = tpu.vector_load %arg6[%parallel_loop3A_816] {strides = array<i32>} : memref<10240xi32, #tpu.memory_space<vmem>>, vector<16xi32>,
      %parallel_loop3A_818 = arith.constant -1028477379 : i32
      %parallel_loop3A_819 = vector.broadcast %parallel_loop3A_818 : i32 to vector<16xi32>
      %parallel_loop3A_820 = arith.muli %parallel_loop3A_810, %parallel_loop3A_819 : vector<16xi32>
      %parallel_loop3A_821 = arith.constant 668265263 : i32
      %parallel_loop3A_822 = vector.broadcast %parallel_loop3A_821 : i32 to vector<16xi32>
      %parallel_loop3A_823 = arith.muli %parallel_loop3A_817, %parallel_loop3A_822 : vector<16xi32>
      %parallel_loop3A_824 = arith.addi %parallel_loop3A_820, %parallel_loop3A_823 : vector<16xi32>
      %parallel_loop3A_825 = arith.constant 13 : i32
      %parallel_loop3A_826 = vector.broadcast %parallel_loop3A_825 : i32 to vector<16xi32>
      %parallel_loop3A_827 = arith.shrui %parallel_loop3A_824, %parallel_loop3A_826 : vector<16xi32>
      %parallel_loop3A_828 = arith.xori %parallel_loop3A_824, %parallel_loop3A_827 : vector<16xi32>
      %parallel_loop3A_829 = arith.constant 65535 : i32
      %parallel_loop3A_830 = vector.broadcast %parallel_loop3A_829 : i32 to vector<16xi32>
      %parallel_loop3A_831 = arith.andi %parallel_loop3A_828, %parallel_loop3A_830 : vector<16xi32>
      %parallel_loop3A_832 = arith.index_cast %parallel_loop3A_731 : i32 to index
      %parallel_loop3A_833 = tpu.vector_load %arg15[%parallel_loop3A_832] {strides = array<i32>} : memref<640xi32, #tpu.memory_space<vmem>>, vector<16xi32>,
      tpu.vector_store %arg15[%parallel_loop3A_832], %parallel_loop3A_831 {strides = array<i32>} : memref<640xi32, #tpu.memory_space<vmem>>, vector<16xi32>,
    } {sc.loop_unroll_factor = 4 : i64, sc.parallel_access}
    "tpu.region"() ({
      %run_scoped3A = tpu.sem_alloc : memref<!tpu.dma_semaphore, #tpu.memory_space<semaphore_mem>>
      %dma_start3A_729 = tpu.memref_slice %arg17[%mul3A_156] : memref<10240xi32, #tpu.memory_space<vmem_shared>> -> memref<640xi32, #tpu.memory_space<vmem_shared>>
      %dma_start3A_730 = tpu.memref_slice %arg17[%mul3A_156] : memref<10240xi32, #tpu.memory_space<vmem_shared>> -> memref<640xi32, #tpu.memory_space<vmem_shared>>
      tpu.enqueue_dma source(%arg15 : memref<640xi32, #tpu.memory_space<vmem>>) target(%dma_start3A_730 : memref<640xi32, #tpu.memory_space<vmem_shared>>) target_semaphore(%run_scoped3A : memref<!tpu.dma_semaphore, #tpu.memory_space<semaphore_mem>>)
      %dma_wait3A_731 = tpu.memref_slice %arg17[%mul3A_156] : memref<10240xi32, #tpu.memory_space<vmem_shared>> -> memref<640xi32, #tpu.memory_space<vmem_shared>>
      %dma_wait3A_732 = tpu.memref_slice %arg17[%mul3A_156] : memref<10240xi32, #tpu.memory_space<vmem_shared>> -> memref<640xi32, #tpu.memory_space<vmem_shared>>
      tpu.wait_dma2 semaphore(%run_scoped3A : memref<!tpu.dma_semaphore, #tpu.memory_space<semaphore_mem>>) src(%arg15 : memref<640xi32, #tpu.memory_space<vmem>>) dst(%dma_wait3A_732 : memref<640xi32, #tpu.memory_space<vmem_shared>>)
      tpu.yield
    }) : () -> ()
    %barrier3A_160 = arith.constant 0 : index
    tpu.barrier barrier_id(%barrier3A_160)
    "tpu.trace_stop"() : () -> ()
    "tpu.trace_start"() <{level = 10 : i32, message = "L0_bcast"}> : () -> ()
    "tpu.region"() ({
      %run_scoped3A = tpu.sem_alloc : memref<!tpu.dma_semaphore, #tpu.memory_space<semaphore_mem>>
      tpu.enqueue_dma source(%arg17 : memref<10240xi32, #tpu.memory_space<vmem_shared>>) target(%arg6 : memref<10240xi32, #tpu.memory_space<vmem>>) target_semaphore(%run_scoped3A : memref<!tpu.dma_semaphore, #tpu.memory_space<semaphore_mem>>)
      tpu.wait_dma2 semaphore(%run_scoped3A : memref<!tpu.dma_semaphore, #tpu.memory_space<semaphore_mem>>) src(%arg17 : memref<10240xi32, #tpu.memory_space<vmem_shared>>) dst(%arg6 : memref<10240xi32, #tpu.memory_space<vmem>>)
      tpu.yield
    }) : () -> ()
    %barrier3A_161 = arith.constant 0 : index
    tpu.barrier barrier_id(%barrier3A_161)
    "tpu.trace_stop"() : () -> ()
    %mul3A_162 = arith.constant 20000 : i32
    %mul3A_163 = arith.muli %arg1, %mul3A_162 : i32
    %add3A_164 = arith.constant 0 : i32
    %add3A_165 = arith.addi %mul3A_163, %add3A_164 : i32
    %dma_start3A_166 = tpu.memref_slice %arg3[%add3A_165] : memref<640000xi32, #tpu.memory_space<hbm>> -> memref<2000xi32, #tpu.memory_space<hbm>>
    %dma_start3A_167 = tpu.memref_slice %arg3[%add3A_165] : memref<640000xi32, #tpu.memory_space<hbm>> -> memref<2000xi32, #tpu.memory_space<hbm>>
    tpu.enqueue_dma source(%dma_start3A_167 : memref<2000xi32, #tpu.memory_space<hbm>>) target(%arg10 : memref<2000xi32, #tpu.memory_space<vmem>>) target_semaphore(%arg18 : memref<!tpu.dma_semaphore, #tpu.memory_space<semaphore_mem>>)
    %add3A_168 = arith.constant 320000 : i32
    %add3A_169 = arith.addi %add3A_168, %add3A_165 : i32
    %dma_start3A_170 = tpu.memref_slice %arg3[%add3A_169] : memref<640000xi32, #tpu.memory_space<hbm>> -> memref<2000xi32, #tpu.memory_space<hbm>>
    %dma_start3A_171 = tpu.memref_slice %arg3[%add3A_169] : memref<640000xi32, #tpu.memory_space<hbm>> -> memref<2000xi32, #tpu.memory_space<hbm>>
    tpu.enqueue_dma source(%dma_start3A_171 : memref<2000xi32, #tpu.memory_space<hbm>>) target(%arg12 : memref<2000xi32, #tpu.memory_space<vmem>>) target_semaphore(%arg18 : memref<!tpu.dma_semaphore, #tpu.memory_space<semaphore_mem>>)
    %parallel_loop3A_172 = arith.constant 0 : i32
    %parallel_loop3A_173 = arith.constant 640 : i32
    %parallel_loop3A_174 = arith.constant 1 : i32
    "tpu.trace_start"() <{level = 10 : i32, message = "L1_hash"}> : () -> ()
    scf.for %parallel_loop3A_729 = %parallel_loop3A_172 to %parallel_loop3A_173 step %parallel_loop3A_174  : i32 {
      %parallel_loop3A_730 = arith.constant 16 : i32
      %parallel_loop3A_731 = arith.muli %parallel_loop3A_729, %parallel_loop3A_730 : i32
      %parallel_loop3A_732 = arith.index_cast %parallel_loop3A_731 : i32 to index
      %parallel_loop3A_733 = tpu.vector_load %arg6[%parallel_loop3A_732] {strides = array<i32>} : memref<10240xi32, #tpu.memory_space<vmem>>, vector<16xi32>,
      %parallel_loop3A_734 = arith.constant -1640531535 : i32
      %parallel_loop3A_735 = vector.broadcast %parallel_loop3A_734 : i32 to vector<16xi32>
      %parallel_loop3A_736 = arith.muli %parallel_loop3A_733, %parallel_loop3A_735 : vector<16xi32>
      %parallel_loop3A_737 = arith.constant -2048144777 : i32
      %parallel_loop3A_738 = vector.broadcast %parallel_loop3A_737 : i32 to vector<16xi32>
      %parallel_loop3A_739 = arith.xori %parallel_loop3A_736, %parallel_loop3A_738 : vector<16xi32>
      %parallel_loop3A_740 = arith.constant 15 : i32
      %parallel_loop3A_741 = vector.broadcast %parallel_loop3A_740 : i32 to vector<16xi32>
      %parallel_loop3A_742 = arith.shrui %parallel_loop3A_739, %parallel_loop3A_741 : vector<16xi32>
      %parallel_loop3A_743 = arith.xori %parallel_loop3A_739, %parallel_loop3A_742 : vector<16xi32>
      %parallel_loop3A_744 = arith.index_cast %parallel_loop3A_731 : i32 to index
      %parallel_loop3A_745 = tpu.vector_load %arg7[%parallel_loop3A_744] {strides = array<i32>} : memref<10240xi32, #tpu.memory_space<vmem>>, vector<16xi32>,
      tpu.vector_store %arg7[%parallel_loop3A_744], %parallel_loop3A_743 {strides = array<i32>} : memref<10240xi32, #tpu.memory_space<vmem>>, vector<16xi32>,
      %parallel_loop3A_746 = arith.index_cast %parallel_loop3A_731 : i32 to index
      %parallel_loop3A_747 = tpu.vector_load %arg8[%parallel_loop3A_746] {strides = array<i32>} : memref<10240xi32, #tpu.memory_space<vmem>>, vector<16xi32>,
      tpu.vector_store %arg8[%parallel_loop3A_746], %broadcast_in_dim3A_0 {strides = array<i32>} : memref<10240xi32, #tpu.memory_space<vmem>>, vector<16xi32>,
    } {sc.loop_unroll_factor = 8 : i64, sc.parallel_access}
    "tpu.trace_stop"() : () -> ()
    "tpu.trace_start"() <{level = 10 : i32, message = "L1_edges"}> : () -> ()
    %add3A_175 = arith.constant 2000 : i32
    %add3A_176 = arith.addi %mul3A_163, %add3A_175 : i32
    %dma_start3A_177 = tpu.memref_slice %arg3[%add3A_176] : memref<640000xi32, #tpu.memory_space<hbm>> -> memref<2000xi32, #tpu.memory_space<hbm>>
    %dma_start3A_178 = tpu.memref_slice %arg3[%add3A_176] : memref<640000xi32, #tpu.memory_space<hbm>> -> memref<2000xi32, #tpu.memory_space<hbm>>
    tpu.enqueue_dma source(%dma_start3A_178 : memref<2000xi32, #tpu.memory_space<hbm>>) target(%arg11 : memref<2000xi32, #tpu.memory_space<vmem>>) target_semaphore(%arg19 : memref<!tpu.dma_semaphore, #tpu.memory_space<semaphore_mem>>)
    %add3A_179 = arith.constant 320000 : i32
    %add3A_180 = arith.addi %add3A_179, %add3A_176 : i32
    %dma_start3A_181 = tpu.memref_slice %arg3[%add3A_180] : memref<640000xi32, #tpu.memory_space<hbm>> -> memref<2000xi32, #tpu.memory_space<hbm>>
    %dma_start3A_182 = tpu.memref_slice %arg3[%add3A_180] : memref<640000xi32, #tpu.memory_space<hbm>> -> memref<2000xi32, #tpu.memory_space<hbm>>
    tpu.enqueue_dma source(%dma_start3A_182 : memref<2000xi32, #tpu.memory_space<hbm>>) target(%arg13 : memref<2000xi32, #tpu.memory_space<vmem>>) target_semaphore(%arg19 : memref<!tpu.dma_semaphore, #tpu.memory_space<semaphore_mem>>)
    %dma_wait3A_183 = tpu.memref_slice %arg3[%add3A_165] : memref<640000xi32, #tpu.memory_space<hbm>> -> memref<2000xi32, #tpu.memory_space<hbm>>
    %dma_wait3A_184 = tpu.memref_slice %arg3[%add3A_165] : memref<640000xi32, #tpu.memory_space<hbm>> -> memref<2000xi32, #tpu.memory_space<hbm>>
    tpu.wait_dma2 semaphore(%arg18 : memref<!tpu.dma_semaphore, #tpu.memory_space<semaphore_mem>>) src(%dma_wait3A_184 : memref<2000xi32, #tpu.memory_space<hbm>>) dst(%arg10 : memref<2000xi32, #tpu.memory_space<vmem>>)
    %dma_wait3A_185 = tpu.memref_slice %arg3[%add3A_169] : memref<640000xi32, #tpu.memory_space<hbm>> -> memref<2000xi32, #tpu.memory_space<hbm>>
    %dma_wait3A_186 = tpu.memref_slice %arg3[%add3A_169] : memref<640000xi32, #tpu.memory_space<hbm>> -> memref<2000xi32, #tpu.memory_space<hbm>>
    tpu.wait_dma2 semaphore(%arg18 : memref<!tpu.dma_semaphore, #tpu.memory_space<semaphore_mem>>) src(%dma_wait3A_186 : memref<2000xi32, #tpu.memory_space<hbm>>) dst(%arg12 : memref<2000xi32, #tpu.memory_space<vmem>>)
    %parallel_loop3A_187 = arith.constant 0 : i32
    %parallel_loop3A_188 = arith.constant 125 : i32
    %parallel_loop3A_189 = arith.constant 1 : i32
    scf.for %parallel_loop3A_729 = %parallel_loop3A_187 to %parallel_loop3A_188 step %parallel_loop3A_189  : i32 {
      %parallel_loop3A_730 = arith.constant 16 : i32
      %parallel_loop3A_731 = arith.muli %parallel_loop3A_729, %parallel_loop3A_730 : i32
      %parallel_loop3A_732 = arith.index_cast %parallel_loop3A_731 : i32 to index
      %parallel_loop3A_733 = tpu.vector_load %arg10[%parallel_loop3A_732] {strides = array<i32>} : memref<2000xi32, #tpu.memory_space<vmem>>, vector<16xi32>,
      %parallel_loop3A_734 = arith.index_cast %parallel_loop3A_731 : i32 to index
      %parallel_loop3A_735 = tpu.vector_load %arg12[%parallel_loop3A_734] {strides = array<i32>} : memref<2000xi32, #tpu.memory_space<vmem>>, vector<16xi32>,
      %parallel_loop3A_736 = tpu.vector_load_idx %arg7[%parallel_loop3A_733] : memref<10240xi32, #tpu.memory_space<vmem>>[vector<16xi32>], vector<16xi32>,
      tpu.vector_store_idx %arg8[%parallel_loop3A_735], %parallel_loop3A_736 {add = true} : memref<10240xi32, #tpu.memory_space<vmem>>[vector<16xi32>], vector<16xi32>,
    } {sc.loop_unroll_factor = 5 : i64, sc.parallel_access}
    %add3A_190 = arith.constant 4000 : i32
    %add3A_191 = arith.addi %mul3A_163, %add3A_190 : i32
    %dma_start3A_192 = tpu.memref_slice %arg3[%add3A_191] : memref<640000xi32, #tpu.memory_space<hbm>> -> memref<2000xi32, #tpu.memory_space<hbm>>
    %dma_start3A_193 = tpu.memref_slice %arg3[%add3A_191] : memref<640000xi32, #tpu.memory_space<hbm>> -> memref<2000xi32, #tpu.memory_space<hbm>>
    tpu.enqueue_dma source(%dma_start3A_193 : memref<2000xi32, #tpu.memory_space<hbm>>) target(%arg10 : memref<2000xi32, #tpu.memory_space<vmem>>) target_semaphore(%arg18 : memref<!tpu.dma_semaphore, #tpu.memory_space<semaphore_mem>>)
    %add3A_194 = arith.constant 320000 : i32
    %add3A_195 = arith.addi %add3A_194, %add3A_191 : i32
    %dma_start3A_196 = tpu.memref_slice %arg3[%add3A_195] : memref<640000xi32, #tpu.memory_space<hbm>> -> memref<2000xi32, #tpu.memory_space<hbm>>
    %dma_start3A_197 = tpu.memref_slice %arg3[%add3A_195] : memref<640000xi32, #tpu.memory_space<hbm>> -> memref<2000xi32, #tpu.memory_space<hbm>>
    tpu.enqueue_dma source(%dma_start3A_197 : memref<2000xi32, #tpu.memory_space<hbm>>) target(%arg12 : memref<2000xi32, #tpu.memory_space<vmem>>) target_semaphore(%arg18 : memref<!tpu.dma_semaphore, #tpu.memory_space<semaphore_mem>>)
    %dma_wait3A_198 = tpu.memref_slice %arg3[%add3A_176] : memref<640000xi32, #tpu.memory_space<hbm>> -> memref<2000xi32, #tpu.memory_space<hbm>>
    %dma_wait3A_199 = tpu.memref_slice %arg3[%add3A_176] : memref<640000xi32, #tpu.memory_space<hbm>> -> memref<2000xi32, #tpu.memory_space<hbm>>
    tpu.wait_dma2 semaphore(%arg19 : memref<!tpu.dma_semaphore, #tpu.memory_space<semaphore_mem>>) src(%dma_wait3A_199 : memref<2000xi32, #tpu.memory_space<hbm>>) dst(%arg11 : memref<2000xi32, #tpu.memory_space<vmem>>)
    %dma_wait3A_200 = tpu.memref_slice %arg3[%add3A_180] : memref<640000xi32, #tpu.memory_space<hbm>> -> memref<2000xi32, #tpu.memory_space<hbm>>
    %dma_wait3A_201 = tpu.memref_slice %arg3[%add3A_180] : memref<640000xi32, #tpu.memory_space<hbm>> -> memref<2000xi32, #tpu.memory_space<hbm>>
    tpu.wait_dma2 semaphore(%arg19 : memref<!tpu.dma_semaphore, #tpu.memory_space<semaphore_mem>>) src(%dma_wait3A_201 : memref<2000xi32, #tpu.memory_space<hbm>>) dst(%arg13 : memref<2000xi32, #tpu.memory_space<vmem>>)
    %parallel_loop3A_202 = arith.constant 0 : i32
    %parallel_loop3A_203 = arith.constant 125 : i32
    %parallel_loop3A_204 = arith.constant 1 : i32
    scf.for %parallel_loop3A_729 = %parallel_loop3A_202 to %parallel_loop3A_203 step %parallel_loop3A_204  : i32 {
      %parallel_loop3A_730 = arith.constant 16 : i32
      %parallel_loop3A_731 = arith.muli %parallel_loop3A_729, %parallel_loop3A_730 : i32
      %parallel_loop3A_732 = arith.index_cast %parallel_loop3A_731 : i32 to index
      %parallel_loop3A_733 = tpu.vector_load %arg11[%parallel_loop3A_732] {strides = array<i32>} : memref<2000xi32, #tpu.memory_space<vmem>>, vector<16xi32>,
      %parallel_loop3A_734 = arith.index_cast %parallel_loop3A_731 : i32 to index
      %parallel_loop3A_735 = tpu.vector_load %arg13[%parallel_loop3A_734] {strides = array<i32>} : memref<2000xi32, #tpu.memory_space<vmem>>, vector<16xi32>,
      %parallel_loop3A_736 = tpu.vector_load_idx %arg7[%parallel_loop3A_733] : memref<10240xi32, #tpu.memory_space<vmem>>[vector<16xi32>], vector<16xi32>,
      tpu.vector_store_idx %arg8[%parallel_loop3A_735], %parallel_loop3A_736 {add = true} : memref<10240xi32, #tpu.memory_space<vmem>>[vector<16xi32>], vector<16xi32>,
    } {sc.loop_unroll_factor = 5 : i64, sc.parallel_access}
    %add3A_205 = arith.constant 6000 : i32
    %add3A_206 = arith.addi %mul3A_163, %add3A_205 : i32
    %dma_start3A_207 = tpu.memref_slice %arg3[%add3A_206] : memref<640000xi32, #tpu.memory_space<hbm>> -> memref<2000xi32, #tpu.memory_space<hbm>>
    %dma_start3A_208 = tpu.memref_slice %arg3[%add3A_206] : memref<640000xi32, #tpu.memory_space<hbm>> -> memref<2000xi32, #tpu.memory_space<hbm>>
    tpu.enqueue_dma source(%dma_start3A_208 : memref<2000xi32, #tpu.memory_space<hbm>>) target(%arg11 : memref<2000xi32, #tpu.memory_space<vmem>>) target_semaphore(%arg19 : memref<!tpu.dma_semaphore, #tpu.memory_space<semaphore_mem>>)
    %add3A_209 = arith.constant 320000 : i32
    %add3A_210 = arith.addi %add3A_209, %add3A_206 : i32
    %dma_start3A_211 = tpu.memref_slice %arg3[%add3A_210] : memref<640000xi32, #tpu.memory_space<hbm>> -> memref<2000xi32, #tpu.memory_space<hbm>>
    %dma_start3A_212 = tpu.memref_slice %arg3[%add3A_210] : memref<640000xi32, #tpu.memory_space<hbm>> -> memref<2000xi32, #tpu.memory_space<hbm>>
    tpu.enqueue_dma source(%dma_start3A_212 : memref<2000xi32, #tpu.memory_space<hbm>>) target(%arg13 : memref<2000xi32, #tpu.memory_space<vmem>>) target_semaphore(%arg19 : memref<!tpu.dma_semaphore, #tpu.memory_space<semaphore_mem>>)
    %dma_wait3A_213 = tpu.memref_slice %arg3[%add3A_191] : memref<640000xi32, #tpu.memory_space<hbm>> -> memref<2000xi32, #tpu.memory_space<hbm>>
    %dma_wait3A_214 = tpu.memref_slice %arg3[%add3A_191] : memref<640000xi32, #tpu.memory_space<hbm>> -> memref<2000xi32, #tpu.memory_space<hbm>>
    tpu.wait_dma2 semaphore(%arg18 : memref<!tpu.dma_semaphore, #tpu.memory_space<semaphore_mem>>) src(%dma_wait3A_214 : memref<2000xi32, #tpu.memory_space<hbm>>) dst(%arg10 : memref<2000xi32, #tpu.memory_space<vmem>>)
    %dma_wait3A_215 = tpu.memref_slice %arg3[%add3A_195] : memref<640000xi32, #tpu.memory_space<hbm>> -> memref<2000xi32, #tpu.memory_space<hbm>>
    %dma_wait3A_216 = tpu.memref_slice %arg3[%add3A_195] : memref<640000xi32, #tpu.memory_space<hbm>> -> memref<2000xi32, #tpu.memory_space<hbm>>
    tpu.wait_dma2 semaphore(%arg18 : memref<!tpu.dma_semaphore, #tpu.memory_space<semaphore_mem>>) src(%dma_wait3A_216 : memref<2000xi32, #tpu.memory_space<hbm>>) dst(%arg12 : memref<2000xi32, #tpu.memory_space<vmem>>)
    %parallel_loop3A_217 = arith.constant 0 : i32
    %parallel_loop3A_218 = arith.constant 125 : i32
    %parallel_loop3A_219 = arith.constant 1 : i32
    scf.for %parallel_loop3A_729 = %parallel_loop3A_217 to %parallel_loop3A_218 step %parallel_loop3A_219  : i32 {
      %parallel_loop3A_730 = arith.constant 16 : i32
      %parallel_loop3A_731 = arith.muli %parallel_loop3A_729, %parallel_loop3A_730 : i32
      %parallel_loop3A_732 = arith.index_cast %parallel_loop3A_731 : i32 to index
      %parallel_loop3A_733 = tpu.vector_load %arg10[%parallel_loop3A_732] {strides = array<i32>} : memref<2000xi32, #tpu.memory_space<vmem>>, vector<16xi32>,
      %parallel_loop3A_734 = arith.index_cast %parallel_loop3A_731 : i32 to index
      %parallel_loop3A_735 = tpu.vector_load %arg12[%parallel_loop3A_734] {strides = array<i32>} : memref<2000xi32, #tpu.memory_space<vmem>>, vector<16xi32>,
      %parallel_loop3A_736 = tpu.vector_load_idx %arg7[%parallel_loop3A_733] : memref<10240xi32, #tpu.memory_space<vmem>>[vector<16xi32>], vector<16xi32>,
      tpu.vector_store_idx %arg8[%parallel_loop3A_735], %parallel_loop3A_736 {add = true} : memref<10240xi32, #tpu.memory_space<vmem>>[vector<16xi32>], vector<16xi32>,
    } {sc.loop_unroll_factor = 5 : i64, sc.parallel_access}
    %add3A_220 = arith.constant 8000 : i32
    %add3A_221 = arith.addi %mul3A_163, %add3A_220 : i32
    %dma_start3A_222 = tpu.memref_slice %arg3[%add3A_221] : memref<640000xi32, #tpu.memory_space<hbm>> -> memref<2000xi32, #tpu.memory_space<hbm>>
    %dma_start3A_223 = tpu.memref_slice %arg3[%add3A_221] : memref<640000xi32, #tpu.memory_space<hbm>> -> memref<2000xi32, #tpu.memory_space<hbm>>
    tpu.enqueue_dma source(%dma_start3A_223 : memref<2000xi32, #tpu.memory_space<hbm>>) target(%arg10 : memref<2000xi32, #tpu.memory_space<vmem>>) target_semaphore(%arg18 : memref<!tpu.dma_semaphore, #tpu.memory_space<semaphore_mem>>)
    %add3A_224 = arith.constant 320000 : i32
    %add3A_225 = arith.addi %add3A_224, %add3A_221 : i32
    %dma_start3A_226 = tpu.memref_slice %arg3[%add3A_225] : memref<640000xi32, #tpu.memory_space<hbm>> -> memref<2000xi32, #tpu.memory_space<hbm>>
    %dma_start3A_227 = tpu.memref_slice %arg3[%add3A_225] : memref<640000xi32, #tpu.memory_space<hbm>> -> memref<2000xi32, #tpu.memory_space<hbm>>
    tpu.enqueue_dma source(%dma_start3A_227 : memref<2000xi32, #tpu.memory_space<hbm>>) target(%arg12 : memref<2000xi32, #tpu.memory_space<vmem>>) target_semaphore(%arg18 : memref<!tpu.dma_semaphore, #tpu.memory_space<semaphore_mem>>)
    %dma_wait3A_228 = tpu.memref_slice %arg3[%add3A_206] : memref<640000xi32, #tpu.memory_space<hbm>> -> memref<2000xi32, #tpu.memory_space<hbm>>
    %dma_wait3A_229 = tpu.memref_slice %arg3[%add3A_206] : memref<640000xi32, #tpu.memory_space<hbm>> -> memref<2000xi32, #tpu.memory_space<hbm>>
    tpu.wait_dma2 semaphore(%arg19 : memref<!tpu.dma_semaphore, #tpu.memory_space<semaphore_mem>>) src(%dma_wait3A_229 : memref<2000xi32, #tpu.memory_space<hbm>>) dst(%arg11 : memref<2000xi32, #tpu.memory_space<vmem>>)
    %dma_wait3A_230 = tpu.memref_slice %arg3[%add3A_210] : memref<640000xi32, #tpu.memory_space<hbm>> -> memref<2000xi32, #tpu.memory_space<hbm>>
    %dma_wait3A_231 = tpu.memref_slice %arg3[%add3A_210] : memref<640000xi32, #tpu.memory_space<hbm>> -> memref<2000xi32, #tpu.memory_space<hbm>>
    tpu.wait_dma2 semaphore(%arg19 : memref<!tpu.dma_semaphore, #tpu.memory_space<semaphore_mem>>) src(%dma_wait3A_231 : memref<2000xi32, #tpu.memory_space<hbm>>) dst(%arg13 : memref<2000xi32, #tpu.memory_space<vmem>>)
    %parallel_loop3A_232 = arith.constant 0 : i32
    %parallel_loop3A_233 = arith.constant 125 : i32
    %parallel_loop3A_234 = arith.constant 1 : i32
    scf.for %parallel_loop3A_729 = %parallel_loop3A_232 to %parallel_loop3A_233 step %parallel_loop3A_234  : i32 {
      %parallel_loop3A_730 = arith.constant 16 : i32
      %parallel_loop3A_731 = arith.muli %parallel_loop3A_729, %parallel_loop3A_730 : i32
      %parallel_loop3A_732 = arith.index_cast %parallel_loop3A_731 : i32 to index
      %parallel_loop3A_733 = tpu.vector_load %arg11[%parallel_loop3A_732] {strides = array<i32>} : memref<2000xi32, #tpu.memory_space<vmem>>, vector<16xi32>,
      %parallel_loop3A_734 = arith.index_cast %parallel_loop3A_731 : i32 to index
      %parallel_loop3A_735 = tpu.vector_load %arg13[%parallel_loop3A_734] {strides = array<i32>} : memref<2000xi32, #tpu.memory_space<vmem>>, vector<16xi32>,
      %parallel_loop3A_736 = tpu.vector_load_idx %arg7[%parallel_loop3A_733] : memref<10240xi32, #tpu.memory_space<vmem>>[vector<16xi32>], vector<16xi32>,
      tpu.vector_store_idx %arg8[%parallel_loop3A_735], %parallel_loop3A_736 {add = true} : memref<10240xi32, #tpu.memory_space<vmem>>[vector<16xi32>], vector<16xi32>,
    } {sc.loop_unroll_factor = 5 : i64, sc.parallel_access}
    %add3A_235 = arith.constant 10000 : i32
    %add3A_236 = arith.addi %mul3A_163, %add3A_235 : i32
    %dma_start3A_237 = tpu.memref_slice %arg3[%add3A_236] : memref<640000xi32, #tpu.memory_space<hbm>> -> memref<2000xi32, #tpu.memory_space<hbm>>
    %dma_start3A_238 = tpu.memref_slice %arg3[%add3A_236] : memref<640000xi32, #tpu.memory_space<hbm>> -> memref<2000xi32, #tpu.memory_space<hbm>>
    tpu.enqueue_dma source(%dma_start3A_238 : memref<2000xi32, #tpu.memory_space<hbm>>) target(%arg11 : memref<2000xi32, #tpu.memory_space<vmem>>) target_semaphore(%arg19 : memref<!tpu.dma_semaphore, #tpu.memory_space<semaphore_mem>>)
    %add3A_239 = arith.constant 320000 : i32
    %add3A_240 = arith.addi %add3A_239, %add3A_236 : i32
    %dma_start3A_241 = tpu.memref_slice %arg3[%add3A_240] : memref<640000xi32, #tpu.memory_space<hbm>> -> memref<2000xi32, #tpu.memory_space<hbm>>
    %dma_start3A_242 = tpu.memref_slice %arg3[%add3A_240] : memref<640000xi32, #tpu.memory_space<hbm>> -> memref<2000xi32, #tpu.memory_space<hbm>>
    tpu.enqueue_dma source(%dma_start3A_242 : memref<2000xi32, #tpu.memory_space<hbm>>) target(%arg13 : memref<2000xi32, #tpu.memory_space<vmem>>) target_semaphore(%arg19 : memref<!tpu.dma_semaphore, #tpu.memory_space<semaphore_mem>>)
    %dma_wait3A_243 = tpu.memref_slice %arg3[%add3A_221] : memref<640000xi32, #tpu.memory_space<hbm>> -> memref<2000xi32, #tpu.memory_space<hbm>>
    %dma_wait3A_244 = tpu.memref_slice %arg3[%add3A_221] : memref<640000xi32, #tpu.memory_space<hbm>> -> memref<2000xi32, #tpu.memory_space<hbm>>
    tpu.wait_dma2 semaphore(%arg18 : memref<!tpu.dma_semaphore, #tpu.memory_space<semaphore_mem>>) src(%dma_wait3A_244 : memref<2000xi32, #tpu.memory_space<hbm>>) dst(%arg10 : memref<2000xi32, #tpu.memory_space<vmem>>)
    %dma_wait3A_245 = tpu.memref_slice %arg3[%add3A_225] : memref<640000xi32, #tpu.memory_space<hbm>> -> memref<2000xi32, #tpu.memory_space<hbm>>
    %dma_wait3A_246 = tpu.memref_slice %arg3[%add3A_225] : memref<640000xi32, #tpu.memory_space<hbm>> -> memref<2000xi32, #tpu.memory_space<hbm>>
    tpu.wait_dma2 semaphore(%arg18 : memref<!tpu.dma_semaphore, #tpu.memory_space<semaphore_mem>>) src(%dma_wait3A_246 : memref<2000xi32, #tpu.memory_space<hbm>>) dst(%arg12 : memref<2000xi32, #tpu.memory_space<vmem>>)
    %parallel_loop3A_247 = arith.constant 0 : i32
    %parallel_loop3A_248 = arith.constant 125 : i32
    %parallel_loop3A_249 = arith.constant 1 : i32
    scf.for %parallel_loop3A_729 = %parallel_loop3A_247 to %parallel_loop3A_248 step %parallel_loop3A_249  : i32 {
      %parallel_loop3A_730 = arith.constant 16 : i32
      %parallel_loop3A_731 = arith.muli %parallel_loop3A_729, %parallel_loop3A_730 : i32
      %parallel_loop3A_732 = arith.index_cast %parallel_loop3A_731 : i32 to index
      %parallel_loop3A_733 = tpu.vector_load %arg10[%parallel_loop3A_732] {strides = array<i32>} : memref<2000xi32, #tpu.memory_space<vmem>>, vector<16xi32>,
      %parallel_loop3A_734 = arith.index_cast %parallel_loop3A_731 : i32 to index
      %parallel_loop3A_735 = tpu.vector_load %arg12[%parallel_loop3A_734] {strides = array<i32>} : memref<2000xi32, #tpu.memory_space<vmem>>, vector<16xi32>,
      %parallel_loop3A_736 = tpu.vector_load_idx %arg7[%parallel_loop3A_733] : memref<10240xi32, #tpu.memory_space<vmem>>[vector<16xi32>], vector<16xi32>,
      tpu.vector_store_idx %arg8[%parallel_loop3A_735], %parallel_loop3A_736 {add = true} : memref<10240xi32, #tpu.memory_space<vmem>>[vector<16xi32>], vector<16xi32>,
    } {sc.loop_unroll_factor = 5 : i64, sc.parallel_access}
    %add3A_250 = arith.constant 12000 : i32
    %add3A_251 = arith.addi %mul3A_163, %add3A_250 : i32
    %dma_start3A_252 = tpu.memref_slice %arg3[%add3A_251] : memref<640000xi32, #tpu.memory_space<hbm>> -> memref<2000xi32, #tpu.memory_space<hbm>>
    %dma_start3A_253 = tpu.memref_slice %arg3[%add3A_251] : memref<640000xi32, #tpu.memory_space<hbm>> -> memref<2000xi32, #tpu.memory_space<hbm>>
    tpu.enqueue_dma source(%dma_start3A_253 : memref<2000xi32, #tpu.memory_space<hbm>>) target(%arg10 : memref<2000xi32, #tpu.memory_space<vmem>>) target_semaphore(%arg18 : memref<!tpu.dma_semaphore, #tpu.memory_space<semaphore_mem>>)
    %add3A_254 = arith.constant 320000 : i32
    %add3A_255 = arith.addi %add3A_254, %add3A_251 : i32
    %dma_start3A_256 = tpu.memref_slice %arg3[%add3A_255] : memref<640000xi32, #tpu.memory_space<hbm>> -> memref<2000xi32, #tpu.memory_space<hbm>>
    %dma_start3A_257 = tpu.memref_slice %arg3[%add3A_255] : memref<640000xi32, #tpu.memory_space<hbm>> -> memref<2000xi32, #tpu.memory_space<hbm>>
    tpu.enqueue_dma source(%dma_start3A_257 : memref<2000xi32, #tpu.memory_space<hbm>>) target(%arg12 : memref<2000xi32, #tpu.memory_space<vmem>>) target_semaphore(%arg18 : memref<!tpu.dma_semaphore, #tpu.memory_space<semaphore_mem>>)
    %dma_wait3A_258 = tpu.memref_slice %arg3[%add3A_236] : memref<640000xi32, #tpu.memory_space<hbm>> -> memref<2000xi32, #tpu.memory_space<hbm>>
    %dma_wait3A_259 = tpu.memref_slice %arg3[%add3A_236] : memref<640000xi32, #tpu.memory_space<hbm>> -> memref<2000xi32, #tpu.memory_space<hbm>>
    tpu.wait_dma2 semaphore(%arg19 : memref<!tpu.dma_semaphore, #tpu.memory_space<semaphore_mem>>) src(%dma_wait3A_259 : memref<2000xi32, #tpu.memory_space<hbm>>) dst(%arg11 : memref<2000xi32, #tpu.memory_space<vmem>>)
    %dma_wait3A_260 = tpu.memref_slice %arg3[%add3A_240] : memref<640000xi32, #tpu.memory_space<hbm>> -> memref<2000xi32, #tpu.memory_space<hbm>>
    %dma_wait3A_261 = tpu.memref_slice %arg3[%add3A_240] : memref<640000xi32, #tpu.memory_space<hbm>> -> memref<2000xi32, #tpu.memory_space<hbm>>
    tpu.wait_dma2 semaphore(%arg19 : memref<!tpu.dma_semaphore, #tpu.memory_space<semaphore_mem>>) src(%dma_wait3A_261 : memref<2000xi32, #tpu.memory_space<hbm>>) dst(%arg13 : memref<2000xi32, #tpu.memory_space<vmem>>)
    %parallel_loop3A_262 = arith.constant 0 : i32
    %parallel_loop3A_263 = arith.constant 125 : i32
    %parallel_loop3A_264 = arith.constant 1 : i32
    scf.for %parallel_loop3A_729 = %parallel_loop3A_262 to %parallel_loop3A_263 step %parallel_loop3A_264  : i32 {
      %parallel_loop3A_730 = arith.constant 16 : i32
      %parallel_loop3A_731 = arith.muli %parallel_loop3A_729, %parallel_loop3A_730 : i32
      %parallel_loop3A_732 = arith.index_cast %parallel_loop3A_731 : i32 to index
      %parallel_loop3A_733 = tpu.vector_load %arg11[%parallel_loop3A_732] {strides = array<i32>} : memref<2000xi32, #tpu.memory_space<vmem>>, vector<16xi32>,
      %parallel_loop3A_734 = arith.index_cast %parallel_loop3A_731 : i32 to index
      %parallel_loop3A_735 = tpu.vector_load %arg13[%parallel_loop3A_734] {strides = array<i32>} : memref<2000xi32, #tpu.memory_space<vmem>>, vector<16xi32>,
      %parallel_loop3A_736 = tpu.vector_load_idx %arg7[%parallel_loop3A_733] : memref<10240xi32, #tpu.memory_space<vmem>>[vector<16xi32>], vector<16xi32>,
      tpu.vector_store_idx %arg8[%parallel_loop3A_735], %parallel_loop3A_736 {add = true} : memref<10240xi32, #tpu.memory_space<vmem>>[vector<16xi32>], vector<16xi32>,
    } {sc.loop_unroll_factor = 5 : i64, sc.parallel_access}
    %add3A_265 = arith.constant 14000 : i32
    %add3A_266 = arith.addi %mul3A_163, %add3A_265 : i32
    %dma_start3A_267 = tpu.memref_slice %arg3[%add3A_266] : memref<640000xi32, #tpu.memory_space<hbm>> -> memref<2000xi32, #tpu.memory_space<hbm>>
    %dma_start3A_268 = tpu.memref_slice %arg3[%add3A_266] : memref<640000xi32, #tpu.memory_space<hbm>> -> memref<2000xi32, #tpu.memory_space<hbm>>
    tpu.enqueue_dma source(%dma_start3A_268 : memref<2000xi32, #tpu.memory_space<hbm>>) target(%arg11 : memref<2000xi32, #tpu.memory_space<vmem>>) target_semaphore(%arg19 : memref<!tpu.dma_semaphore, #tpu.memory_space<semaphore_mem>>)
    %add3A_269 = arith.constant 320000 : i32
    %add3A_270 = arith.addi %add3A_269, %add3A_266 : i32
    %dma_start3A_271 = tpu.memref_slice %arg3[%add3A_270] : memref<640000xi32, #tpu.memory_space<hbm>> -> memref<2000xi32, #tpu.memory_space<hbm>>
    %dma_start3A_272 = tpu.memref_slice %arg3[%add3A_270] : memref<640000xi32, #tpu.memory_space<hbm>> -> memref<2000xi32, #tpu.memory_space<hbm>>
    tpu.enqueue_dma source(%dma_start3A_272 : memref<2000xi32, #tpu.memory_space<hbm>>) target(%arg13 : memref<2000xi32, #tpu.memory_space<vmem>>) target_semaphore(%arg19 : memref<!tpu.dma_semaphore, #tpu.memory_space<semaphore_mem>>)
    %dma_wait3A_273 = tpu.memref_slice %arg3[%add3A_251] : memref<640000xi32, #tpu.memory_space<hbm>> -> memref<2000xi32, #tpu.memory_space<hbm>>
    %dma_wait3A_274 = tpu.memref_slice %arg3[%add3A_251] : memref<640000xi32, #tpu.memory_space<hbm>> -> memref<2000xi32, #tpu.memory_space<hbm>>
    tpu.wait_dma2 semaphore(%arg18 : memref<!tpu.dma_semaphore, #tpu.memory_space<semaphore_mem>>) src(%dma_wait3A_274 : memref<2000xi32, #tpu.memory_space<hbm>>) dst(%arg10 : memref<2000xi32, #tpu.memory_space<vmem>>)
    %dma_wait3A_275 = tpu.memref_slice %arg3[%add3A_255] : memref<640000xi32, #tpu.memory_space<hbm>> -> memref<2000xi32, #tpu.memory_space<hbm>>
    %dma_wait3A_276 = tpu.memref_slice %arg3[%add3A_255] : memref<640000xi32, #tpu.memory_space<hbm>> -> memref<2000xi32, #tpu.memory_space<hbm>>
    tpu.wait_dma2 semaphore(%arg18 : memref<!tpu.dma_semaphore, #tpu.memory_space<semaphore_mem>>) src(%dma_wait3A_276 : memref<2000xi32, #tpu.memory_space<hbm>>) dst(%arg12 : memref<2000xi32, #tpu.memory_space<vmem>>)
    %parallel_loop3A_277 = arith.constant 0 : i32
    %parallel_loop3A_278 = arith.constant 125 : i32
    %parallel_loop3A_279 = arith.constant 1 : i32
    scf.for %parallel_loop3A_729 = %parallel_loop3A_277 to %parallel_loop3A_278 step %parallel_loop3A_279  : i32 {
      %parallel_loop3A_730 = arith.constant 16 : i32
      %parallel_loop3A_731 = arith.muli %parallel_loop3A_729, %parallel_loop3A_730 : i32
      %parallel_loop3A_732 = arith.index_cast %parallel_loop3A_731 : i32 to index
      %parallel_loop3A_733 = tpu.vector_load %arg10[%parallel_loop3A_732] {strides = array<i32>} : memref<2000xi32, #tpu.memory_space<vmem>>, vector<16xi32>,
      %parallel_loop3A_734 = arith.index_cast %parallel_loop3A_731 : i32 to index
      %parallel_loop3A_735 = tpu.vector_load %arg12[%parallel_loop3A_734] {strides = array<i32>} : memref<2000xi32, #tpu.memory_space<vmem>>, vector<16xi32>,
      %parallel_loop3A_736 = tpu.vector_load_idx %arg7[%parallel_loop3A_733] : memref<10240xi32, #tpu.memory_space<vmem>>[vector<16xi32>], vector<16xi32>,
      tpu.vector_store_idx %arg8[%parallel_loop3A_735], %parallel_loop3A_736 {add = true} : memref<10240xi32, #tpu.memory_space<vmem>>[vector<16xi32>], vector<16xi32>,
    } {sc.loop_unroll_factor = 5 : i64, sc.parallel_access}
    %add3A_280 = arith.constant 16000 : i32
    %add3A_281 = arith.addi %mul3A_163, %add3A_280 : i32
    %dma_start3A_282 = tpu.memref_slice %arg3[%add3A_281] : memref<640000xi32, #tpu.memory_space<hbm>> -> memref<2000xi32, #tpu.memory_space<hbm>>
    %dma_start3A_283 = tpu.memref_slice %arg3[%add3A_281] : memref<640000xi32, #tpu.memory_space<hbm>> -> memref<2000xi32, #tpu.memory_space<hbm>>
    tpu.enqueue_dma source(%dma_start3A_283 : memref<2000xi32, #tpu.memory_space<hbm>>) target(%arg10 : memref<2000xi32, #tpu.memory_space<vmem>>) target_semaphore(%arg18 : memref<!tpu.dma_semaphore, #tpu.memory_space<semaphore_mem>>)
    %add3A_284 = arith.constant 320000 : i32
    %add3A_285 = arith.addi %add3A_284, %add3A_281 : i32
    %dma_start3A_286 = tpu.memref_slice %arg3[%add3A_285] : memref<640000xi32, #tpu.memory_space<hbm>> -> memref<2000xi32, #tpu.memory_space<hbm>>
    %dma_start3A_287 = tpu.memref_slice %arg3[%add3A_285] : memref<640000xi32, #tpu.memory_space<hbm>> -> memref<2000xi32, #tpu.memory_space<hbm>>
    tpu.enqueue_dma source(%dma_start3A_287 : memref<2000xi32, #tpu.memory_space<hbm>>) target(%arg12 : memref<2000xi32, #tpu.memory_space<vmem>>) target_semaphore(%arg18 : memref<!tpu.dma_semaphore, #tpu.memory_space<semaphore_mem>>)
    %dma_wait3A_288 = tpu.memref_slice %arg3[%add3A_266] : memref<640000xi32, #tpu.memory_space<hbm>> -> memref<2000xi32, #tpu.memory_space<hbm>>
    %dma_wait3A_289 = tpu.memref_slice %arg3[%add3A_266] : memref<640000xi32, #tpu.memory_space<hbm>> -> memref<2000xi32, #tpu.memory_space<hbm>>
    tpu.wait_dma2 semaphore(%arg19 : memref<!tpu.dma_semaphore, #tpu.memory_space<semaphore_mem>>) src(%dma_wait3A_289 : memref<2000xi32, #tpu.memory_space<hbm>>) dst(%arg11 : memref<2000xi32, #tpu.memory_space<vmem>>)
    %dma_wait3A_290 = tpu.memref_slice %arg3[%add3A_270] : memref<640000xi32, #tpu.memory_space<hbm>> -> memref<2000xi32, #tpu.memory_space<hbm>>
    %dma_wait3A_291 = tpu.memref_slice %arg3[%add3A_270] : memref<640000xi32, #tpu.memory_space<hbm>> -> memref<2000xi32, #tpu.memory_space<hbm>>
    tpu.wait_dma2 semaphore(%arg19 : memref<!tpu.dma_semaphore, #tpu.memory_space<semaphore_mem>>) src(%dma_wait3A_291 : memref<2000xi32, #tpu.memory_space<hbm>>) dst(%arg13 : memref<2000xi32, #tpu.memory_space<vmem>>)
    %parallel_loop3A_292 = arith.constant 0 : i32
    %parallel_loop3A_293 = arith.constant 125 : i32
    %parallel_loop3A_294 = arith.constant 1 : i32
    scf.for %parallel_loop3A_729 = %parallel_loop3A_292 to %parallel_loop3A_293 step %parallel_loop3A_294  : i32 {
      %parallel_loop3A_730 = arith.constant 16 : i32
      %parallel_loop3A_731 = arith.muli %parallel_loop3A_729, %parallel_loop3A_730 : i32
      %parallel_loop3A_732 = arith.index_cast %parallel_loop3A_731 : i32 to index
      %parallel_loop3A_733 = tpu.vector_load %arg11[%parallel_loop3A_732] {strides = array<i32>} : memref<2000xi32, #tpu.memory_space<vmem>>, vector<16xi32>,
      %parallel_loop3A_734 = arith.index_cast %parallel_loop3A_731 : i32 to index
      %parallel_loop3A_735 = tpu.vector_load %arg13[%parallel_loop3A_734] {strides = array<i32>} : memref<2000xi32, #tpu.memory_space<vmem>>, vector<16xi32>,
      %parallel_loop3A_736 = tpu.vector_load_idx %arg7[%parallel_loop3A_733] : memref<10240xi32, #tpu.memory_space<vmem>>[vector<16xi32>], vector<16xi32>,
      tpu.vector_store_idx %arg8[%parallel_loop3A_735], %parallel_loop3A_736 {add = true} : memref<10240xi32, #tpu.memory_space<vmem>>[vector<16xi32>], vector<16xi32>,
    } {sc.loop_unroll_factor = 5 : i64, sc.parallel_access}
    %add3A_295 = arith.constant 18000 : i32
    %add3A_296 = arith.addi %mul3A_163, %add3A_295 : i32
    %dma_start3A_297 = tpu.memref_slice %arg3[%add3A_296] : memref<640000xi32, #tpu.memory_space<hbm>> -> memref<2000xi32, #tpu.memory_space<hbm>>
    %dma_start3A_298 = tpu.memref_slice %arg3[%add3A_296] : memref<640000xi32, #tpu.memory_space<hbm>> -> memref<2000xi32, #tpu.memory_space<hbm>>
    tpu.enqueue_dma source(%dma_start3A_298 : memref<2000xi32, #tpu.memory_space<hbm>>) target(%arg11 : memref<2000xi32, #tpu.memory_space<vmem>>) target_semaphore(%arg19 : memref<!tpu.dma_semaphore, #tpu.memory_space<semaphore_mem>>)
    %add3A_299 = arith.constant 320000 : i32
    %add3A_300 = arith.addi %add3A_299, %add3A_296 : i32
    %dma_start3A_301 = tpu.memref_slice %arg3[%add3A_300] : memref<640000xi32, #tpu.memory_space<hbm>> -> memref<2000xi32, #tpu.memory_space<hbm>>
    %dma_start3A_302 = tpu.memref_slice %arg3[%add3A_300] : memref<640000xi32, #tpu.memory_space<hbm>> -> memref<2000xi32, #tpu.memory_space<hbm>>
    tpu.enqueue_dma source(%dma_start3A_302 : memref<2000xi32, #tpu.memory_space<hbm>>) target(%arg13 : memref<2000xi32, #tpu.memory_space<vmem>>) target_semaphore(%arg19 : memref<!tpu.dma_semaphore, #tpu.memory_space<semaphore_mem>>)
    %dma_wait3A_303 = tpu.memref_slice %arg3[%add3A_281] : memref<640000xi32, #tpu.memory_space<hbm>> -> memref<2000xi32, #tpu.memory_space<hbm>>
    %dma_wait3A_304 = tpu.memref_slice %arg3[%add3A_281] : memref<640000xi32, #tpu.memory_space<hbm>> -> memref<2000xi32, #tpu.memory_space<hbm>>
    tpu.wait_dma2 semaphore(%arg18 : memref<!tpu.dma_semaphore, #tpu.memory_space<semaphore_mem>>) src(%dma_wait3A_304 : memref<2000xi32, #tpu.memory_space<hbm>>) dst(%arg10 : memref<2000xi32, #tpu.memory_space<vmem>>)
    %dma_wait3A_305 = tpu.memref_slice %arg3[%add3A_285] : memref<640000xi32, #tpu.memory_space<hbm>> -> memref<2000xi32, #tpu.memory_space<hbm>>
    %dma_wait3A_306 = tpu.memref_slice %arg3[%add3A_285] : memref<640000xi32, #tpu.memory_space<hbm>> -> memref<2000xi32, #tpu.memory_space<hbm>>
    tpu.wait_dma2 semaphore(%arg18 : memref<!tpu.dma_semaphore, #tpu.memory_space<semaphore_mem>>) src(%dma_wait3A_306 : memref<2000xi32, #tpu.memory_space<hbm>>) dst(%arg12 : memref<2000xi32, #tpu.memory_space<vmem>>)
    %parallel_loop3A_307 = arith.constant 0 : i32
    %parallel_loop3A_308 = arith.constant 125 : i32
    %parallel_loop3A_309 = arith.constant 1 : i32
    scf.for %parallel_loop3A_729 = %parallel_loop3A_307 to %parallel_loop3A_308 step %parallel_loop3A_309  : i32 {
      %parallel_loop3A_730 = arith.constant 16 : i32
      %parallel_loop3A_731 = arith.muli %parallel_loop3A_729, %parallel_loop3A_730 : i32
      %parallel_loop3A_732 = arith.index_cast %parallel_loop3A_731 : i32 to index
      %parallel_loop3A_733 = tpu.vector_load %arg10[%parallel_loop3A_732] {strides = array<i32>} : memref<2000xi32, #tpu.memory_space<vmem>>, vector<16xi32>,
      %parallel_loop3A_734 = arith.index_cast %parallel_loop3A_731 : i32 to index
      %parallel_loop3A_735 = tpu.vector_load %arg12[%parallel_loop3A_734] {strides = array<i32>} : memref<2000xi32, #tpu.memory_space<vmem>>, vector<16xi32>,
      %parallel_loop3A_736 = tpu.vector_load_idx %arg7[%parallel_loop3A_733] : memref<10240xi32, #tpu.memory_space<vmem>>[vector<16xi32>], vector<16xi32>,
      tpu.vector_store_idx %arg8[%parallel_loop3A_735], %parallel_loop3A_736 {add = true} : memref<10240xi32, #tpu.memory_space<vmem>>[vector<16xi32>], vector<16xi32>,
    } {sc.loop_unroll_factor = 5 : i64, sc.parallel_access}
    %dma_wait3A_310 = tpu.memref_slice %arg3[%add3A_296] : memref<640000xi32, #tpu.memory_space<hbm>> -> memref<2000xi32, #tpu.memory_space<hbm>>
    %dma_wait3A_311 = tpu.memref_slice %arg3[%add3A_296] : memref<640000xi32, #tpu.memory_space<hbm>> -> memref<2000xi32, #tpu.memory_space<hbm>>
    tpu.wait_dma2 semaphore(%arg19 : memref<!tpu.dma_semaphore, #tpu.memory_space<semaphore_mem>>) src(%dma_wait3A_311 : memref<2000xi32, #tpu.memory_space<hbm>>) dst(%arg11 : memref<2000xi32, #tpu.memory_space<vmem>>)
    %dma_wait3A_312 = tpu.memref_slice %arg3[%add3A_300] : memref<640000xi32, #tpu.memory_space<hbm>> -> memref<2000xi32, #tpu.memory_space<hbm>>
    %dma_wait3A_313 = tpu.memref_slice %arg3[%add3A_300] : memref<640000xi32, #tpu.memory_space<hbm>> -> memref<2000xi32, #tpu.memory_space<hbm>>
    tpu.wait_dma2 semaphore(%arg19 : memref<!tpu.dma_semaphore, #tpu.memory_space<semaphore_mem>>) src(%dma_wait3A_313 : memref<2000xi32, #tpu.memory_space<hbm>>) dst(%arg13 : memref<2000xi32, #tpu.memory_space<vmem>>)
    %parallel_loop3A_314 = arith.constant 0 : i32
    %parallel_loop3A_315 = arith.constant 125 : i32
    %parallel_loop3A_316 = arith.constant 1 : i32
    scf.for %parallel_loop3A_729 = %parallel_loop3A_314 to %parallel_loop3A_315 step %parallel_loop3A_316  : i32 {
      %parallel_loop3A_730 = arith.constant 16 : i32
      %parallel_loop3A_731 = arith.muli %parallel_loop3A_729, %parallel_loop3A_730 : i32
      %parallel_loop3A_732 = arith.index_cast %parallel_loop3A_731 : i32 to index
      %parallel_loop3A_733 = tpu.vector_load %arg11[%parallel_loop3A_732] {strides = array<i32>} : memref<2000xi32, #tpu.memory_space<vmem>>, vector<16xi32>,
      %parallel_loop3A_734 = arith.index_cast %parallel_loop3A_731 : i32 to index
      %parallel_loop3A_735 = tpu.vector_load %arg13[%parallel_loop3A_734] {strides = array<i32>} : memref<2000xi32, #tpu.memory_space<vmem>>, vector<16xi32>,
      %parallel_loop3A_736 = tpu.vector_load_idx %arg7[%parallel_loop3A_733] : memref<10240xi32, #tpu.memory_space<vmem>>[vector<16xi32>], vector<16xi32>,
      tpu.vector_store_idx %arg8[%parallel_loop3A_735], %parallel_loop3A_736 {add = true} : memref<10240xi32, #tpu.memory_space<vmem>>[vector<16xi32>], vector<16xi32>,
    } {sc.loop_unroll_factor = 5 : i64, sc.parallel_access}
    "tpu.trace_stop"() : () -> ()
    "tpu.trace_start"() <{level = 10 : i32, message = "L1_reduce"}> : () -> ()
    "tpu.region"() ({
      %run_scoped3A = tpu.sem_alloc : memref<!tpu.dma_semaphore, #tpu.memory_space<semaphore_mem>>
      %dma_start3A_729 = arith.constant 0 : i32
      %dma_start3A_730 = tpu.memref_slice %arg16[%arg1, %dma_start3A_729] : memref<16x10240xi32, #tpu.memory_space<vmem_shared>> -> memref<1x10240xi32, #tpu.memory_space<vmem_shared>>
      %dma_start3A_731 = tpu.memref_squeeze %dma_start3A_730 : memref<1x10240xi32, #tpu.memory_space<vmem_shared>> -> memref<10240xi32, #tpu.memory_space<vmem_shared>>
      %dma_start3A_732 = arith.constant 0 : i32
      %dma_start3A_733 = tpu.memref_slice %arg16[%arg1, %dma_start3A_732] : memref<16x10240xi32, #tpu.memory_space<vmem_shared>> -> memref<1x10240xi32, #tpu.memory_space<vmem_shared>>
      %dma_start3A_734 = tpu.memref_squeeze %dma_start3A_733 : memref<1x10240xi32, #tpu.memory_space<vmem_shared>> -> memref<10240xi32, #tpu.memory_space<vmem_shared>>
      tpu.enqueue_dma source(%arg8 : memref<10240xi32, #tpu.memory_space<vmem>>) target(%dma_start3A_734 : memref<10240xi32, #tpu.memory_space<vmem_shared>>) target_semaphore(%run_scoped3A : memref<!tpu.dma_semaphore, #tpu.memory_space<semaphore_mem>>)
      %dma_wait3A_735 = arith.constant 0 : i32
      %dma_wait3A_736 = tpu.memref_slice %arg16[%arg1, %dma_wait3A_735] : memref<16x10240xi32, #tpu.memory_space<vmem_shared>> -> memref<1x10240xi32, #tpu.memory_space<vmem_shared>>
      %dma_wait3A_737 = tpu.memref_squeeze %dma_wait3A_736 : memref<1x10240xi32, #tpu.memory_space<vmem_shared>> -> memref<10240xi32, #tpu.memory_space<vmem_shared>>
      %dma_wait3A_738 = arith.constant 0 : i32
      %dma_wait3A_739 = tpu.memref_slice %arg16[%arg1, %dma_wait3A_738] : memref<16x10240xi32, #tpu.memory_space<vmem_shared>> -> memref<1x10240xi32, #tpu.memory_space<vmem_shared>>
      %dma_wait3A_740 = tpu.memref_squeeze %dma_wait3A_739 : memref<1x10240xi32, #tpu.memory_space<vmem_shared>> -> memref<10240xi32, #tpu.memory_space<vmem_shared>>
      tpu.wait_dma2 semaphore(%run_scoped3A : memref<!tpu.dma_semaphore, #tpu.memory_space<semaphore_mem>>) src(%arg8 : memref<10240xi32, #tpu.memory_space<vmem>>) dst(%dma_wait3A_740 : memref<10240xi32, #tpu.memory_space<vmem_shared>>)
      tpu.yield
    }) : () -> ()
    %barrier3A_317 = arith.constant 0 : index
    tpu.barrier barrier_id(%barrier3A_317)
    %mul3A_318 = arith.constant 640 : i32
    %mul3A_319 = arith.muli %arg1, %mul3A_318 : i32
    "tpu.region"() ({
      %run_scoped3A = tpu.sem_alloc : memref<!tpu.dma_semaphore, #tpu.memory_space<semaphore_mem>>
      %dma_start3A_729 = arith.constant 0 : i32
      %dma_start3A_730 = tpu.memref_slice %arg16[%dma_start3A_729, %mul3A_319] : memref<16x10240xi32, #tpu.memory_space<vmem_shared>> -> memref<16x640xi32, #tpu.memory_space<vmem_shared>>
      %dma_start3A_731 = arith.constant 0 : i32
      %dma_start3A_732 = tpu.memref_slice %arg16[%dma_start3A_731, %mul3A_319] : memref<16x10240xi32, #tpu.memory_space<vmem_shared>> -> memref<16x640xi32, #tpu.memory_space<vmem_shared>>
      tpu.enqueue_dma source(%dma_start3A_732 : memref<16x640xi32, #tpu.memory_space<vmem_shared>>) target(%arg14 : memref<16x640xi32, #tpu.memory_space<vmem>>) target_semaphore(%run_scoped3A : memref<!tpu.dma_semaphore, #tpu.memory_space<semaphore_mem>>)
      %dma_wait3A_733 = arith.constant 0 : i32
      %dma_wait3A_734 = tpu.memref_slice %arg16[%dma_wait3A_733, %mul3A_319] : memref<16x10240xi32, #tpu.memory_space<vmem_shared>> -> memref<16x640xi32, #tpu.memory_space<vmem_shared>>
      %dma_wait3A_735 = arith.constant 0 : i32
      %dma_wait3A_736 = tpu.memref_slice %arg16[%dma_wait3A_735, %mul3A_319] : memref<16x10240xi32, #tpu.memory_space<vmem_shared>> -> memref<16x640xi32, #tpu.memory_space<vmem_shared>>
      tpu.wait_dma2 semaphore(%run_scoped3A : memref<!tpu.dma_semaphore, #tpu.memory_space<semaphore_mem>>) src(%dma_wait3A_736 : memref<16x640xi32, #tpu.memory_space<vmem_shared>>) dst(%arg14 : memref<16x640xi32, #tpu.memory_space<vmem>>)
      tpu.yield
    }) : () -> ()
    %parallel_loop3A_320 = arith.constant 0 : i32
    %parallel_loop3A_321 = arith.constant 40 : i32
    %parallel_loop3A_322 = arith.constant 1 : i32
    scf.for %parallel_loop3A_729 = %parallel_loop3A_320 to %parallel_loop3A_321 step %parallel_loop3A_322  : i32 {
      %parallel_loop3A_730 = arith.constant 16 : i32
      %parallel_loop3A_731 = arith.muli %parallel_loop3A_729, %parallel_loop3A_730 : i32
      %parallel_loop3A_732 = arith.constant 0 : i32
      %parallel_loop3A_733 = arith.index_cast %parallel_loop3A_732 : i32 to index
      %parallel_loop3A_734 = arith.index_cast %parallel_loop3A_731 : i32 to index
      %parallel_loop3A_735 = tpu.vector_load %arg14[%parallel_loop3A_733, %parallel_loop3A_734] {strides = array<i32>} : memref<16x640xi32, #tpu.memory_space<vmem>>, vector<16xi32>,
      %parallel_loop3A_736 = arith.constant 1 : i32
      %parallel_loop3A_737 = arith.index_cast %parallel_loop3A_736 : i32 to index
      %parallel_loop3A_738 = arith.index_cast %parallel_loop3A_731 : i32 to index
      %parallel_loop3A_739 = tpu.vector_load %arg14[%parallel_loop3A_737, %parallel_loop3A_738] {strides = array<i32>} : memref<16x640xi32, #tpu.memory_space<vmem>>, vector<16xi32>,
      %parallel_loop3A_740 = arith.addi %parallel_loop3A_735, %parallel_loop3A_739 : vector<16xi32>
      %parallel_loop3A_741 = arith.constant 2 : i32
      %parallel_loop3A_742 = arith.index_cast %parallel_loop3A_741 : i32 to index
      %parallel_loop3A_743 = arith.index_cast %parallel_loop3A_731 : i32 to index
      %parallel_loop3A_744 = tpu.vector_load %arg14[%parallel_loop3A_742, %parallel_loop3A_743] {strides = array<i32>} : memref<16x640xi32, #tpu.memory_space<vmem>>, vector<16xi32>,
      %parallel_loop3A_745 = arith.addi %parallel_loop3A_740, %parallel_loop3A_744 : vector<16xi32>
      %parallel_loop3A_746 = arith.constant 3 : i32
      %parallel_loop3A_747 = arith.index_cast %parallel_loop3A_746 : i32 to index
      %parallel_loop3A_748 = arith.index_cast %parallel_loop3A_731 : i32 to index
      %parallel_loop3A_749 = tpu.vector_load %arg14[%parallel_loop3A_747, %parallel_loop3A_748] {strides = array<i32>} : memref<16x640xi32, #tpu.memory_space<vmem>>, vector<16xi32>,
      %parallel_loop3A_750 = arith.addi %parallel_loop3A_745, %parallel_loop3A_749 : vector<16xi32>
      %parallel_loop3A_751 = arith.constant 4 : i32
      %parallel_loop3A_752 = arith.index_cast %parallel_loop3A_751 : i32 to index
      %parallel_loop3A_753 = arith.index_cast %parallel_loop3A_731 : i32 to index
      %parallel_loop3A_754 = tpu.vector_load %arg14[%parallel_loop3A_752, %parallel_loop3A_753] {strides = array<i32>} : memref<16x640xi32, #tpu.memory_space<vmem>>, vector<16xi32>,
      %parallel_loop3A_755 = arith.addi %parallel_loop3A_750, %parallel_loop3A_754 : vector<16xi32>
      %parallel_loop3A_756 = arith.constant 5 : i32
      %parallel_loop3A_757 = arith.index_cast %parallel_loop3A_756 : i32 to index
      %parallel_loop3A_758 = arith.index_cast %parallel_loop3A_731 : i32 to index
      %parallel_loop3A_759 = tpu.vector_load %arg14[%parallel_loop3A_757, %parallel_loop3A_758] {strides = array<i32>} : memref<16x640xi32, #tpu.memory_space<vmem>>, vector<16xi32>,
      %parallel_loop3A_760 = arith.addi %parallel_loop3A_755, %parallel_loop3A_759 : vector<16xi32>
      %parallel_loop3A_761 = arith.constant 6 : i32
      %parallel_loop3A_762 = arith.index_cast %parallel_loop3A_761 : i32 to index
      %parallel_loop3A_763 = arith.index_cast %parallel_loop3A_731 : i32 to index
      %parallel_loop3A_764 = tpu.vector_load %arg14[%parallel_loop3A_762, %parallel_loop3A_763] {strides = array<i32>} : memref<16x640xi32, #tpu.memory_space<vmem>>, vector<16xi32>,
      %parallel_loop3A_765 = arith.addi %parallel_loop3A_760, %parallel_loop3A_764 : vector<16xi32>
      %parallel_loop3A_766 = arith.constant 7 : i32
      %parallel_loop3A_767 = arith.index_cast %parallel_loop3A_766 : i32 to index
      %parallel_loop3A_768 = arith.index_cast %parallel_loop3A_731 : i32 to index
      %parallel_loop3A_769 = tpu.vector_load %arg14[%parallel_loop3A_767, %parallel_loop3A_768] {strides = array<i32>} : memref<16x640xi32, #tpu.memory_space<vmem>>, vector<16xi32>,
      %parallel_loop3A_770 = arith.addi %parallel_loop3A_765, %parallel_loop3A_769 : vector<16xi32>
      %parallel_loop3A_771 = arith.constant 8 : i32
      %parallel_loop3A_772 = arith.index_cast %parallel_loop3A_771 : i32 to index
      %parallel_loop3A_773 = arith.index_cast %parallel_loop3A_731 : i32 to index
      %parallel_loop3A_774 = tpu.vector_load %arg14[%parallel_loop3A_772, %parallel_loop3A_773] {strides = array<i32>} : memref<16x640xi32, #tpu.memory_space<vmem>>, vector<16xi32>,
      %parallel_loop3A_775 = arith.addi %parallel_loop3A_770, %parallel_loop3A_774 : vector<16xi32>
      %parallel_loop3A_776 = arith.constant 9 : i32
      %parallel_loop3A_777 = arith.index_cast %parallel_loop3A_776 : i32 to index
      %parallel_loop3A_778 = arith.index_cast %parallel_loop3A_731 : i32 to index
      %parallel_loop3A_779 = tpu.vector_load %arg14[%parallel_loop3A_777, %parallel_loop3A_778] {strides = array<i32>} : memref<16x640xi32, #tpu.memory_space<vmem>>, vector<16xi32>,
      %parallel_loop3A_780 = arith.addi %parallel_loop3A_775, %parallel_loop3A_779 : vector<16xi32>
      %parallel_loop3A_781 = arith.constant 10 : i32
      %parallel_loop3A_782 = arith.index_cast %parallel_loop3A_781 : i32 to index
      %parallel_loop3A_783 = arith.index_cast %parallel_loop3A_731 : i32 to index
      %parallel_loop3A_784 = tpu.vector_load %arg14[%parallel_loop3A_782, %parallel_loop3A_783] {strides = array<i32>} : memref<16x640xi32, #tpu.memory_space<vmem>>, vector<16xi32>,
      %parallel_loop3A_785 = arith.addi %parallel_loop3A_780, %parallel_loop3A_784 : vector<16xi32>
      %parallel_loop3A_786 = arith.constant 11 : i32
      %parallel_loop3A_787 = arith.index_cast %parallel_loop3A_786 : i32 to index
      %parallel_loop3A_788 = arith.index_cast %parallel_loop3A_731 : i32 to index
      %parallel_loop3A_789 = tpu.vector_load %arg14[%parallel_loop3A_787, %parallel_loop3A_788] {strides = array<i32>} : memref<16x640xi32, #tpu.memory_space<vmem>>, vector<16xi32>,
      %parallel_loop3A_790 = arith.addi %parallel_loop3A_785, %parallel_loop3A_789 : vector<16xi32>
      %parallel_loop3A_791 = arith.constant 12 : i32
      %parallel_loop3A_792 = arith.index_cast %parallel_loop3A_791 : i32 to index
      %parallel_loop3A_793 = arith.index_cast %parallel_loop3A_731 : i32 to index
      %parallel_loop3A_794 = tpu.vector_load %arg14[%parallel_loop3A_792, %parallel_loop3A_793] {strides = array<i32>} : memref<16x640xi32, #tpu.memory_space<vmem>>, vector<16xi32>,
      %parallel_loop3A_795 = arith.addi %parallel_loop3A_790, %parallel_loop3A_794 : vector<16xi32>
      %parallel_loop3A_796 = arith.constant 13 : i32
      %parallel_loop3A_797 = arith.index_cast %parallel_loop3A_796 : i32 to index
      %parallel_loop3A_798 = arith.index_cast %parallel_loop3A_731 : i32 to index
      %parallel_loop3A_799 = tpu.vector_load %arg14[%parallel_loop3A_797, %parallel_loop3A_798] {strides = array<i32>} : memref<16x640xi32, #tpu.memory_space<vmem>>, vector<16xi32>,
      %parallel_loop3A_800 = arith.addi %parallel_loop3A_795, %parallel_loop3A_799 : vector<16xi32>
      %parallel_loop3A_801 = arith.constant 14 : i32
      %parallel_loop3A_802 = arith.index_cast %parallel_loop3A_801 : i32 to index
      %parallel_loop3A_803 = arith.index_cast %parallel_loop3A_731 : i32 to index
      %parallel_loop3A_804 = tpu.vector_load %arg14[%parallel_loop3A_802, %parallel_loop3A_803] {strides = array<i32>} : memref<16x640xi32, #tpu.memory_space<vmem>>, vector<16xi32>,
      %parallel_loop3A_805 = arith.addi %parallel_loop3A_800, %parallel_loop3A_804 : vector<16xi32>
      %parallel_loop3A_806 = arith.constant 15 : i32
      %parallel_loop3A_807 = arith.index_cast %parallel_loop3A_806 : i32 to index
      %parallel_loop3A_808 = arith.index_cast %parallel_loop3A_731 : i32 to index
      %parallel_loop3A_809 = tpu.vector_load %arg14[%parallel_loop3A_807, %parallel_loop3A_808] {strides = array<i32>} : memref<16x640xi32, #tpu.memory_space<vmem>>, vector<16xi32>,
      %parallel_loop3A_810 = arith.addi %parallel_loop3A_805, %parallel_loop3A_809 : vector<16xi32>
      %parallel_loop3A_811 = arith.constant 640 : i32
      %parallel_loop3A_812 = arith.muli %arg1, %parallel_loop3A_811 : i32
      %parallel_loop3A_813 = arith.constant 16 : i32
      %parallel_loop3A_814 = arith.muli %parallel_loop3A_729, %parallel_loop3A_813 : i32
      %parallel_loop3A_815 = arith.addi %parallel_loop3A_812, %parallel_loop3A_814 : i32
      %parallel_loop3A_816 = arith.index_cast %parallel_loop3A_815 : i32 to index
      %parallel_loop3A_817 = tpu.vector_load %arg6[%parallel_loop3A_816] {strides = array<i32>} : memref<10240xi32, #tpu.memory_space<vmem>>, vector<16xi32>,
      %parallel_loop3A_818 = arith.constant -1028477379 : i32
      %parallel_loop3A_819 = vector.broadcast %parallel_loop3A_818 : i32 to vector<16xi32>
      %parallel_loop3A_820 = arith.muli %parallel_loop3A_810, %parallel_loop3A_819 : vector<16xi32>
      %parallel_loop3A_821 = arith.constant 668265263 : i32
      %parallel_loop3A_822 = vector.broadcast %parallel_loop3A_821 : i32 to vector<16xi32>
      %parallel_loop3A_823 = arith.muli %parallel_loop3A_817, %parallel_loop3A_822 : vector<16xi32>
      %parallel_loop3A_824 = arith.addi %parallel_loop3A_820, %parallel_loop3A_823 : vector<16xi32>
      %parallel_loop3A_825 = arith.constant 13 : i32
      %parallel_loop3A_826 = vector.broadcast %parallel_loop3A_825 : i32 to vector<16xi32>
      %parallel_loop3A_827 = arith.shrui %parallel_loop3A_824, %parallel_loop3A_826 : vector<16xi32>
      %parallel_loop3A_828 = arith.xori %parallel_loop3A_824, %parallel_loop3A_827 : vector<16xi32>
      %parallel_loop3A_829 = arith.constant 65535 : i32
      %parallel_loop3A_830 = vector.broadcast %parallel_loop3A_829 : i32 to vector<16xi32>
      %parallel_loop3A_831 = arith.andi %parallel_loop3A_828, %parallel_loop3A_830 : vector<16xi32>
      %parallel_loop3A_832 = arith.index_cast %parallel_loop3A_731 : i32 to index
      %parallel_loop3A_833 = tpu.vector_load %arg15[%parallel_loop3A_832] {strides = array<i32>} : memref<640xi32, #tpu.memory_space<vmem>>, vector<16xi32>,
      tpu.vector_store %arg15[%parallel_loop3A_832], %parallel_loop3A_831 {strides = array<i32>} : memref<640xi32, #tpu.memory_space<vmem>>, vector<16xi32>,
    } {sc.loop_unroll_factor = 4 : i64, sc.parallel_access}
    "tpu.region"() ({
      %run_scoped3A = tpu.sem_alloc : memref<!tpu.dma_semaphore, #tpu.memory_space<semaphore_mem>>
      %dma_start3A_729 = tpu.memref_slice %arg17[%mul3A_319] : memref<10240xi32, #tpu.memory_space<vmem_shared>> -> memref<640xi32, #tpu.memory_space<vmem_shared>>
      %dma_start3A_730 = tpu.memref_slice %arg17[%mul3A_319] : memref<10240xi32, #tpu.memory_space<vmem_shared>> -> memref<640xi32, #tpu.memory_space<vmem_shared>>
      tpu.enqueue_dma source(%arg15 : memref<640xi32, #tpu.memory_space<vmem>>) target(%dma_start3A_730 : memref<640xi32, #tpu.memory_space<vmem_shared>>) target_semaphore(%run_scoped3A : memref<!tpu.dma_semaphore, #tpu.memory_space<semaphore_mem>>)
      %dma_wait3A_731 = tpu.memref_slice %arg17[%mul3A_319] : memref<10240xi32, #tpu.memory_space<vmem_shared>> -> memref<640xi32, #tpu.memory_space<vmem_shared>>
      %dma_wait3A_732 = tpu.memref_slice %arg17[%mul3A_319] : memref<10240xi32, #tpu.memory_space<vmem_shared>> -> memref<640xi32, #tpu.memory_space<vmem_shared>>
      tpu.wait_dma2 semaphore(%run_scoped3A : memref<!tpu.dma_semaphore, #tpu.memory_space<semaphore_mem>>) src(%arg15 : memref<640xi32, #tpu.memory_space<vmem>>) dst(%dma_wait3A_732 : memref<640xi32, #tpu.memory_space<vmem_shared>>)
      tpu.yield
    }) : () -> ()
    %barrier3A_323 = arith.constant 0 : index
    tpu.barrier barrier_id(%barrier3A_323)
    "tpu.trace_stop"() : () -> ()
    "tpu.trace_start"() <{level = 10 : i32, message = "L1_bcast"}> : () -> ()
    "tpu.region"() ({
      %run_scoped3A = tpu.sem_alloc : memref<!tpu.dma_semaphore, #tpu.memory_space<semaphore_mem>>
      tpu.enqueue_dma source(%arg17 : memref<10240xi32, #tpu.memory_space<vmem_shared>>) target(%arg6 : memref<10240xi32, #tpu.memory_space<vmem>>) target_semaphore(%run_scoped3A : memref<!tpu.dma_semaphore, #tpu.memory_space<semaphore_mem>>)
      tpu.wait_dma2 semaphore(%run_scoped3A : memref<!tpu.dma_semaphore, #tpu.memory_space<semaphore_mem>>) src(%arg17 : memref<10240xi32, #tpu.memory_space<vmem_shared>>) dst(%arg6 : memref<10240xi32, #tpu.memory_space<vmem>>)
      tpu.yield
    }) : () -> ()
    %barrier3A_324 = arith.constant 0 : index
    tpu.barrier barrier_id(%barrier3A_324)
    "tpu.trace_stop"() : () -> ()
    %mul3A_325 = arith.constant 20000 : i32
    %mul3A_326 = arith.muli %arg1, %mul3A_325 : i32
    %add3A_327 = arith.constant 0 : i32
    %add3A_328 = arith.addi %mul3A_326, %add3A_327 : i32
    %dma_start3A_329 = tpu.memref_slice %arg3[%add3A_328] : memref<640000xi32, #tpu.memory_space<hbm>> -> memref<2000xi32, #tpu.memory_space<hbm>>
    %dma_start3A_330 = tpu.memref_slice %arg3[%add3A_328] : memref<640000xi32, #tpu.memory_space<hbm>> -> memref<2000xi32, #tpu.memory_space<hbm>>
    tpu.enqueue_dma source(%dma_start3A_330 : memref<2000xi32, #tpu.memory_space<hbm>>) target(%arg10 : memref<2000xi32, #tpu.memory_space<vmem>>) target_semaphore(%arg18 : memref<!tpu.dma_semaphore, #tpu.memory_space<semaphore_mem>>)
    %add3A_331 = arith.constant 320000 : i32
    %add3A_332 = arith.addi %add3A_331, %add3A_328 : i32
    %dma_start3A_333 = tpu.memref_slice %arg3[%add3A_332] : memref<640000xi32, #tpu.memory_space<hbm>> -> memref<2000xi32, #tpu.memory_space<hbm>>
    %dma_start3A_334 = tpu.memref_slice %arg3[%add3A_332] : memref<640000xi32, #tpu.memory_space<hbm>> -> memref<2000xi32, #tpu.memory_space<hbm>>
    tpu.enqueue_dma source(%dma_start3A_334 : memref<2000xi32, #tpu.memory_space<hbm>>) target(%arg12 : memref<2000xi32, #tpu.memory_space<vmem>>) target_semaphore(%arg18 : memref<!tpu.dma_semaphore, #tpu.memory_space<semaphore_mem>>)
    %parallel_loop3A_335 = arith.constant 0 : i32
    %parallel_loop3A_336 = arith.constant 640 : i32
    %parallel_loop3A_337 = arith.constant 1 : i32
    "tpu.trace_start"() <{level = 10 : i32, message = "L2_hash"}> : () -> ()
    scf.for %parallel_loop3A_729 = %parallel_loop3A_335 to %parallel_loop3A_336 step %parallel_loop3A_337  : i32 {
      %parallel_loop3A_730 = arith.constant 16 : i32
      %parallel_loop3A_731 = arith.muli %parallel_loop3A_729, %parallel_loop3A_730 : i32
      %parallel_loop3A_732 = arith.index_cast %parallel_loop3A_731 : i32 to index
      %parallel_loop3A_733 = tpu.vector_load %arg6[%parallel_loop3A_732] {strides = array<i32>} : memref<10240xi32, #tpu.memory_space<vmem>>, vector<16xi32>,
      %parallel_loop3A_734 = arith.constant -1640531535 : i32
      %parallel_loop3A_735 = vector.broadcast %parallel_loop3A_734 : i32 to vector<16xi32>
      %parallel_loop3A_736 = arith.muli %parallel_loop3A_733, %parallel_loop3A_735 : vector<16xi32>
      %parallel_loop3A_737 = arith.constant -2048144777 : i32
      %parallel_loop3A_738 = vector.broadcast %parallel_loop3A_737 : i32 to vector<16xi32>
      %parallel_loop3A_739 = arith.xori %parallel_loop3A_736, %parallel_loop3A_738 : vector<16xi32>
      %parallel_loop3A_740 = arith.constant 15 : i32
      %parallel_loop3A_741 = vector.broadcast %parallel_loop3A_740 : i32 to vector<16xi32>
      %parallel_loop3A_742 = arith.shrui %parallel_loop3A_739, %parallel_loop3A_741 : vector<16xi32>
      %parallel_loop3A_743 = arith.xori %parallel_loop3A_739, %parallel_loop3A_742 : vector<16xi32>
      %parallel_loop3A_744 = arith.index_cast %parallel_loop3A_731 : i32 to index
      %parallel_loop3A_745 = tpu.vector_load %arg7[%parallel_loop3A_744] {strides = array<i32>} : memref<10240xi32, #tpu.memory_space<vmem>>, vector<16xi32>,
      tpu.vector_store %arg7[%parallel_loop3A_744], %parallel_loop3A_743 {strides = array<i32>} : memref<10240xi32, #tpu.memory_space<vmem>>, vector<16xi32>,
      %parallel_loop3A_746 = arith.index_cast %parallel_loop3A_731 : i32 to index
      %parallel_loop3A_747 = tpu.vector_load %arg8[%parallel_loop3A_746] {strides = array<i32>} : memref<10240xi32, #tpu.memory_space<vmem>>, vector<16xi32>,
      tpu.vector_store %arg8[%parallel_loop3A_746], %broadcast_in_dim3A_0 {strides = array<i32>} : memref<10240xi32, #tpu.memory_space<vmem>>, vector<16xi32>,
    } {sc.loop_unroll_factor = 8 : i64, sc.parallel_access}
    "tpu.trace_stop"() : () -> ()
    "tpu.trace_start"() <{level = 10 : i32, message = "L2_edges"}> : () -> ()
    %add3A_338 = arith.constant 2000 : i32
    %add3A_339 = arith.addi %mul3A_326, %add3A_338 : i32
    %dma_start3A_340 = tpu.memref_slice %arg3[%add3A_339] : memref<640000xi32, #tpu.memory_space<hbm>> -> memref<2000xi32, #tpu.memory_space<hbm>>
    %dma_start3A_341 = tpu.memref_slice %arg3[%add3A_339] : memref<640000xi32, #tpu.memory_space<hbm>> -> memref<2000xi32, #tpu.memory_space<hbm>>
    tpu.enqueue_dma source(%dma_start3A_341 : memref<2000xi32, #tpu.memory_space<hbm>>) target(%arg11 : memref<2000xi32, #tpu.memory_space<vmem>>) target_semaphore(%arg19 : memref<!tpu.dma_semaphore, #tpu.memory_space<semaphore_mem>>)
    %add3A_342 = arith.constant 320000 : i32
    %add3A_343 = arith.addi %add3A_342, %add3A_339 : i32
    %dma_start3A_344 = tpu.memref_slice %arg3[%add3A_343] : memref<640000xi32, #tpu.memory_space<hbm>> -> memref<2000xi32, #tpu.memory_space<hbm>>
    %dma_start3A_345 = tpu.memref_slice %arg3[%add3A_343] : memref<640000xi32, #tpu.memory_space<hbm>> -> memref<2000xi32, #tpu.memory_space<hbm>>
    tpu.enqueue_dma source(%dma_start3A_345 : memref<2000xi32, #tpu.memory_space<hbm>>) target(%arg13 : memref<2000xi32, #tpu.memory_space<vmem>>) target_semaphore(%arg19 : memref<!tpu.dma_semaphore, #tpu.memory_space<semaphore_mem>>)
    %dma_wait3A_346 = tpu.memref_slice %arg3[%add3A_328] : memref<640000xi32, #tpu.memory_space<hbm>> -> memref<2000xi32, #tpu.memory_space<hbm>>
    %dma_wait3A_347 = tpu.memref_slice %arg3[%add3A_328] : memref<640000xi32, #tpu.memory_space<hbm>> -> memref<2000xi32, #tpu.memory_space<hbm>>
    tpu.wait_dma2 semaphore(%arg18 : memref<!tpu.dma_semaphore, #tpu.memory_space<semaphore_mem>>) src(%dma_wait3A_347 : memref<2000xi32, #tpu.memory_space<hbm>>) dst(%arg10 : memref<2000xi32, #tpu.memory_space<vmem>>)
    %dma_wait3A_348 = tpu.memref_slice %arg3[%add3A_332] : memref<640000xi32, #tpu.memory_space<hbm>> -> memref<2000xi32, #tpu.memory_space<hbm>>
    %dma_wait3A_349 = tpu.memref_slice %arg3[%add3A_332] : memref<640000xi32, #tpu.memory_space<hbm>> -> memref<2000xi32, #tpu.memory_space<hbm>>
    tpu.wait_dma2 semaphore(%arg18 : memref<!tpu.dma_semaphore, #tpu.memory_space<semaphore_mem>>) src(%dma_wait3A_349 : memref<2000xi32, #tpu.memory_space<hbm>>) dst(%arg12 : memref<2000xi32, #tpu.memory_space<vmem>>)
    %parallel_loop3A_350 = arith.constant 0 : i32
    %parallel_loop3A_351 = arith.constant 125 : i32
    %parallel_loop3A_352 = arith.constant 1 : i32
    scf.for %parallel_loop3A_729 = %parallel_loop3A_350 to %parallel_loop3A_351 step %parallel_loop3A_352  : i32 {
      %parallel_loop3A_730 = arith.constant 16 : i32
      %parallel_loop3A_731 = arith.muli %parallel_loop3A_729, %parallel_loop3A_730 : i32
      %parallel_loop3A_732 = arith.index_cast %parallel_loop3A_731 : i32 to index
      %parallel_loop3A_733 = tpu.vector_load %arg10[%parallel_loop3A_732] {strides = array<i32>} : memref<2000xi32, #tpu.memory_space<vmem>>, vector<16xi32>,
      %parallel_loop3A_734 = arith.index_cast %parallel_loop3A_731 : i32 to index
      %parallel_loop3A_735 = tpu.vector_load %arg12[%parallel_loop3A_734] {strides = array<i32>} : memref<2000xi32, #tpu.memory_space<vmem>>, vector<16xi32>,
      %parallel_loop3A_736 = tpu.vector_load_idx %arg7[%parallel_loop3A_733] : memref<10240xi32, #tpu.memory_space<vmem>>[vector<16xi32>], vector<16xi32>,
      tpu.vector_store_idx %arg8[%parallel_loop3A_735], %parallel_loop3A_736 {add = true} : memref<10240xi32, #tpu.memory_space<vmem>>[vector<16xi32>], vector<16xi32>,
    } {sc.loop_unroll_factor = 5 : i64, sc.parallel_access}
    %add3A_353 = arith.constant 4000 : i32
    %add3A_354 = arith.addi %mul3A_326, %add3A_353 : i32
    %dma_start3A_355 = tpu.memref_slice %arg3[%add3A_354] : memref<640000xi32, #tpu.memory_space<hbm>> -> memref<2000xi32, #tpu.memory_space<hbm>>
    %dma_start3A_356 = tpu.memref_slice %arg3[%add3A_354] : memref<640000xi32, #tpu.memory_space<hbm>> -> memref<2000xi32, #tpu.memory_space<hbm>>
    tpu.enqueue_dma source(%dma_start3A_356 : memref<2000xi32, #tpu.memory_space<hbm>>) target(%arg10 : memref<2000xi32, #tpu.memory_space<vmem>>) target_semaphore(%arg18 : memref<!tpu.dma_semaphore, #tpu.memory_space<semaphore_mem>>)
    %add3A_357 = arith.constant 320000 : i32
    %add3A_358 = arith.addi %add3A_357, %add3A_354 : i32
    %dma_start3A_359 = tpu.memref_slice %arg3[%add3A_358] : memref<640000xi32, #tpu.memory_space<hbm>> -> memref<2000xi32, #tpu.memory_space<hbm>>
    %dma_start3A_360 = tpu.memref_slice %arg3[%add3A_358] : memref<640000xi32, #tpu.memory_space<hbm>> -> memref<2000xi32, #tpu.memory_space<hbm>>
    tpu.enqueue_dma source(%dma_start3A_360 : memref<2000xi32, #tpu.memory_space<hbm>>) target(%arg12 : memref<2000xi32, #tpu.memory_space<vmem>>) target_semaphore(%arg18 : memref<!tpu.dma_semaphore, #tpu.memory_space<semaphore_mem>>)
    %dma_wait3A_361 = tpu.memref_slice %arg3[%add3A_339] : memref<640000xi32, #tpu.memory_space<hbm>> -> memref<2000xi32, #tpu.memory_space<hbm>>
    %dma_wait3A_362 = tpu.memref_slice %arg3[%add3A_339] : memref<640000xi32, #tpu.memory_space<hbm>> -> memref<2000xi32, #tpu.memory_space<hbm>>
    tpu.wait_dma2 semaphore(%arg19 : memref<!tpu.dma_semaphore, #tpu.memory_space<semaphore_mem>>) src(%dma_wait3A_362 : memref<2000xi32, #tpu.memory_space<hbm>>) dst(%arg11 : memref<2000xi32, #tpu.memory_space<vmem>>)
    %dma_wait3A_363 = tpu.memref_slice %arg3[%add3A_343] : memref<640000xi32, #tpu.memory_space<hbm>> -> memref<2000xi32, #tpu.memory_space<hbm>>
    %dma_wait3A_364 = tpu.memref_slice %arg3[%add3A_343] : memref<640000xi32, #tpu.memory_space<hbm>> -> memref<2000xi32, #tpu.memory_space<hbm>>
    tpu.wait_dma2 semaphore(%arg19 : memref<!tpu.dma_semaphore, #tpu.memory_space<semaphore_mem>>) src(%dma_wait3A_364 : memref<2000xi32, #tpu.memory_space<hbm>>) dst(%arg13 : memref<2000xi32, #tpu.memory_space<vmem>>)
    %parallel_loop3A_365 = arith.constant 0 : i32
    %parallel_loop3A_366 = arith.constant 125 : i32
    %parallel_loop3A_367 = arith.constant 1 : i32
    scf.for %parallel_loop3A_729 = %parallel_loop3A_365 to %parallel_loop3A_366 step %parallel_loop3A_367  : i32 {
      %parallel_loop3A_730 = arith.constant 16 : i32
      %parallel_loop3A_731 = arith.muli %parallel_loop3A_729, %parallel_loop3A_730 : i32
      %parallel_loop3A_732 = arith.index_cast %parallel_loop3A_731 : i32 to index
      %parallel_loop3A_733 = tpu.vector_load %arg11[%parallel_loop3A_732] {strides = array<i32>} : memref<2000xi32, #tpu.memory_space<vmem>>, vector<16xi32>,
      %parallel_loop3A_734 = arith.index_cast %parallel_loop3A_731 : i32 to index
      %parallel_loop3A_735 = tpu.vector_load %arg13[%parallel_loop3A_734] {strides = array<i32>} : memref<2000xi32, #tpu.memory_space<vmem>>, vector<16xi32>,
      %parallel_loop3A_736 = tpu.vector_load_idx %arg7[%parallel_loop3A_733] : memref<10240xi32, #tpu.memory_space<vmem>>[vector<16xi32>], vector<16xi32>,
      tpu.vector_store_idx %arg8[%parallel_loop3A_735], %parallel_loop3A_736 {add = true} : memref<10240xi32, #tpu.memory_space<vmem>>[vector<16xi32>], vector<16xi32>,
    } {sc.loop_unroll_factor = 5 : i64, sc.parallel_access}
    %add3A_368 = arith.constant 6000 : i32
    %add3A_369 = arith.addi %mul3A_326, %add3A_368 : i32
    %dma_start3A_370 = tpu.memref_slice %arg3[%add3A_369] : memref<640000xi32, #tpu.memory_space<hbm>> -> memref<2000xi32, #tpu.memory_space<hbm>>
    %dma_start3A_371 = tpu.memref_slice %arg3[%add3A_369] : memref<640000xi32, #tpu.memory_space<hbm>> -> memref<2000xi32, #tpu.memory_space<hbm>>
    tpu.enqueue_dma source(%dma_start3A_371 : memref<2000xi32, #tpu.memory_space<hbm>>) target(%arg11 : memref<2000xi32, #tpu.memory_space<vmem>>) target_semaphore(%arg19 : memref<!tpu.dma_semaphore, #tpu.memory_space<semaphore_mem>>)
    %add3A_372 = arith.constant 320000 : i32
    %add3A_373 = arith.addi %add3A_372, %add3A_369 : i32
    %dma_start3A_374 = tpu.memref_slice %arg3[%add3A_373] : memref<640000xi32, #tpu.memory_space<hbm>> -> memref<2000xi32, #tpu.memory_space<hbm>>
    %dma_start3A_375 = tpu.memref_slice %arg3[%add3A_373] : memref<640000xi32, #tpu.memory_space<hbm>> -> memref<2000xi32, #tpu.memory_space<hbm>>
    tpu.enqueue_dma source(%dma_start3A_375 : memref<2000xi32, #tpu.memory_space<hbm>>) target(%arg13 : memref<2000xi32, #tpu.memory_space<vmem>>) target_semaphore(%arg19 : memref<!tpu.dma_semaphore, #tpu.memory_space<semaphore_mem>>)
    %dma_wait3A_376 = tpu.memref_slice %arg3[%add3A_354] : memref<640000xi32, #tpu.memory_space<hbm>> -> memref<2000xi32, #tpu.memory_space<hbm>>
    %dma_wait3A_377 = tpu.memref_slice %arg3[%add3A_354] : memref<640000xi32, #tpu.memory_space<hbm>> -> memref<2000xi32, #tpu.memory_space<hbm>>
    tpu.wait_dma2 semaphore(%arg18 : memref<!tpu.dma_semaphore, #tpu.memory_space<semaphore_mem>>) src(%dma_wait3A_377 : memref<2000xi32, #tpu.memory_space<hbm>>) dst(%arg10 : memref<2000xi32, #tpu.memory_space<vmem>>)
    %dma_wait3A_378 = tpu.memref_slice %arg3[%add3A_358] : memref<640000xi32, #tpu.memory_space<hbm>> -> memref<2000xi32, #tpu.memory_space<hbm>>
    %dma_wait3A_379 = tpu.memref_slice %arg3[%add3A_358] : memref<640000xi32, #tpu.memory_space<hbm>> -> memref<2000xi32, #tpu.memory_space<hbm>>
    tpu.wait_dma2 semaphore(%arg18 : memref<!tpu.dma_semaphore, #tpu.memory_space<semaphore_mem>>) src(%dma_wait3A_379 : memref<2000xi32, #tpu.memory_space<hbm>>) dst(%arg12 : memref<2000xi32, #tpu.memory_space<vmem>>)
    %parallel_loop3A_380 = arith.constant 0 : i32
    %parallel_loop3A_381 = arith.constant 125 : i32
    %parallel_loop3A_382 = arith.constant 1 : i32
    scf.for %parallel_loop3A_729 = %parallel_loop3A_380 to %parallel_loop3A_381 step %parallel_loop3A_382  : i32 {
      %parallel_loop3A_730 = arith.constant 16 : i32
      %parallel_loop3A_731 = arith.muli %parallel_loop3A_729, %parallel_loop3A_730 : i32
      %parallel_loop3A_732 = arith.index_cast %parallel_loop3A_731 : i32 to index
      %parallel_loop3A_733 = tpu.vector_load %arg10[%parallel_loop3A_732] {strides = array<i32>} : memref<2000xi32, #tpu.memory_space<vmem>>, vector<16xi32>,
      %parallel_loop3A_734 = arith.index_cast %parallel_loop3A_731 : i32 to index
      %parallel_loop3A_735 = tpu.vector_load %arg12[%parallel_loop3A_734] {strides = array<i32>} : memref<2000xi32, #tpu.memory_space<vmem>>, vector<16xi32>,
      %parallel_loop3A_736 = tpu.vector_load_idx %arg7[%parallel_loop3A_733] : memref<10240xi32, #tpu.memory_space<vmem>>[vector<16xi32>], vector<16xi32>,
      tpu.vector_store_idx %arg8[%parallel_loop3A_735], %parallel_loop3A_736 {add = true} : memref<10240xi32, #tpu.memory_space<vmem>>[vector<16xi32>], vector<16xi32>,
    } {sc.loop_unroll_factor = 5 : i64, sc.parallel_access}
    %add3A_383 = arith.constant 8000 : i32
    %add3A_384 = arith.addi %mul3A_326, %add3A_383 : i32
    %dma_start3A_385 = tpu.memref_slice %arg3[%add3A_384] : memref<640000xi32, #tpu.memory_space<hbm>> -> memref<2000xi32, #tpu.memory_space<hbm>>
    %dma_start3A_386 = tpu.memref_slice %arg3[%add3A_384] : memref<640000xi32, #tpu.memory_space<hbm>> -> memref<2000xi32, #tpu.memory_space<hbm>>
    tpu.enqueue_dma source(%dma_start3A_386 : memref<2000xi32, #tpu.memory_space<hbm>>) target(%arg10 : memref<2000xi32, #tpu.memory_space<vmem>>) target_semaphore(%arg18 : memref<!tpu.dma_semaphore, #tpu.memory_space<semaphore_mem>>)
    %add3A_387 = arith.constant 320000 : i32
    %add3A_388 = arith.addi %add3A_387, %add3A_384 : i32
    %dma_start3A_389 = tpu.memref_slice %arg3[%add3A_388] : memref<640000xi32, #tpu.memory_space<hbm>> -> memref<2000xi32, #tpu.memory_space<hbm>>
    %dma_start3A_390 = tpu.memref_slice %arg3[%add3A_388] : memref<640000xi32, #tpu.memory_space<hbm>> -> memref<2000xi32, #tpu.memory_space<hbm>>
    tpu.enqueue_dma source(%dma_start3A_390 : memref<2000xi32, #tpu.memory_space<hbm>>) target(%arg12 : memref<2000xi32, #tpu.memory_space<vmem>>) target_semaphore(%arg18 : memref<!tpu.dma_semaphore, #tpu.memory_space<semaphore_mem>>)
    %dma_wait3A_391 = tpu.memref_slice %arg3[%add3A_369] : memref<640000xi32, #tpu.memory_space<hbm>> -> memref<2000xi32, #tpu.memory_space<hbm>>
    %dma_wait3A_392 = tpu.memref_slice %arg3[%add3A_369] : memref<640000xi32, #tpu.memory_space<hbm>> -> memref<2000xi32, #tpu.memory_space<hbm>>
    tpu.wait_dma2 semaphore(%arg19 : memref<!tpu.dma_semaphore, #tpu.memory_space<semaphore_mem>>) src(%dma_wait3A_392 : memref<2000xi32, #tpu.memory_space<hbm>>) dst(%arg11 : memref<2000xi32, #tpu.memory_space<vmem>>)
    %dma_wait3A_393 = tpu.memref_slice %arg3[%add3A_373] : memref<640000xi32, #tpu.memory_space<hbm>> -> memref<2000xi32, #tpu.memory_space<hbm>>
    %dma_wait3A_394 = tpu.memref_slice %arg3[%add3A_373] : memref<640000xi32, #tpu.memory_space<hbm>> -> memref<2000xi32, #tpu.memory_space<hbm>>
    tpu.wait_dma2 semaphore(%arg19 : memref<!tpu.dma_semaphore, #tpu.memory_space<semaphore_mem>>) src(%dma_wait3A_394 : memref<2000xi32, #tpu.memory_space<hbm>>) dst(%arg13 : memref<2000xi32, #tpu.memory_space<vmem>>)
    %parallel_loop3A_395 = arith.constant 0 : i32
    %parallel_loop3A_396 = arith.constant 125 : i32
    %parallel_loop3A_397 = arith.constant 1 : i32
    scf.for %parallel_loop3A_729 = %parallel_loop3A_395 to %parallel_loop3A_396 step %parallel_loop3A_397  : i32 {
      %parallel_loop3A_730 = arith.constant 16 : i32
      %parallel_loop3A_731 = arith.muli %parallel_loop3A_729, %parallel_loop3A_730 : i32
      %parallel_loop3A_732 = arith.index_cast %parallel_loop3A_731 : i32 to index
      %parallel_loop3A_733 = tpu.vector_load %arg11[%parallel_loop3A_732] {strides = array<i32>} : memref<2000xi32, #tpu.memory_space<vmem>>, vector<16xi32>,
      %parallel_loop3A_734 = arith.index_cast %parallel_loop3A_731 : i32 to index
      %parallel_loop3A_735 = tpu.vector_load %arg13[%parallel_loop3A_734] {strides = array<i32>} : memref<2000xi32, #tpu.memory_space<vmem>>, vector<16xi32>,
      %parallel_loop3A_736 = tpu.vector_load_idx %arg7[%parallel_loop3A_733] : memref<10240xi32, #tpu.memory_space<vmem>>[vector<16xi32>], vector<16xi32>,
      tpu.vector_store_idx %arg8[%parallel_loop3A_735], %parallel_loop3A_736 {add = true} : memref<10240xi32, #tpu.memory_space<vmem>>[vector<16xi32>], vector<16xi32>,
    } {sc.loop_unroll_factor = 5 : i64, sc.parallel_access}
    %add3A_398 = arith.constant 10000 : i32
    %add3A_399 = arith.addi %mul3A_326, %add3A_398 : i32
    %dma_start3A_400 = tpu.memref_slice %arg3[%add3A_399] : memref<640000xi32, #tpu.memory_space<hbm>> -> memref<2000xi32, #tpu.memory_space<hbm>>
    %dma_start3A_401 = tpu.memref_slice %arg3[%add3A_399] : memref<640000xi32, #tpu.memory_space<hbm>> -> memref<2000xi32, #tpu.memory_space<hbm>>
    tpu.enqueue_dma source(%dma_start3A_401 : memref<2000xi32, #tpu.memory_space<hbm>>) target(%arg11 : memref<2000xi32, #tpu.memory_space<vmem>>) target_semaphore(%arg19 : memref<!tpu.dma_semaphore, #tpu.memory_space<semaphore_mem>>)
    %add3A_402 = arith.constant 320000 : i32
    %add3A_403 = arith.addi %add3A_402, %add3A_399 : i32
    %dma_start3A_404 = tpu.memref_slice %arg3[%add3A_403] : memref<640000xi32, #tpu.memory_space<hbm>> -> memref<2000xi32, #tpu.memory_space<hbm>>
    %dma_start3A_405 = tpu.memref_slice %arg3[%add3A_403] : memref<640000xi32, #tpu.memory_space<hbm>> -> memref<2000xi32, #tpu.memory_space<hbm>>
    tpu.enqueue_dma source(%dma_start3A_405 : memref<2000xi32, #tpu.memory_space<hbm>>) target(%arg13 : memref<2000xi32, #tpu.memory_space<vmem>>) target_semaphore(%arg19 : memref<!tpu.dma_semaphore, #tpu.memory_space<semaphore_mem>>)
    %dma_wait3A_406 = tpu.memref_slice %arg3[%add3A_384] : memref<640000xi32, #tpu.memory_space<hbm>> -> memref<2000xi32, #tpu.memory_space<hbm>>
    %dma_wait3A_407 = tpu.memref_slice %arg3[%add3A_384] : memref<640000xi32, #tpu.memory_space<hbm>> -> memref<2000xi32, #tpu.memory_space<hbm>>
    tpu.wait_dma2 semaphore(%arg18 : memref<!tpu.dma_semaphore, #tpu.memory_space<semaphore_mem>>) src(%dma_wait3A_407 : memref<2000xi32, #tpu.memory_space<hbm>>) dst(%arg10 : memref<2000xi32, #tpu.memory_space<vmem>>)
    %dma_wait3A_408 = tpu.memref_slice %arg3[%add3A_388] : memref<640000xi32, #tpu.memory_space<hbm>> -> memref<2000xi32, #tpu.memory_space<hbm>>
    %dma_wait3A_409 = tpu.memref_slice %arg3[%add3A_388] : memref<640000xi32, #tpu.memory_space<hbm>> -> memref<2000xi32, #tpu.memory_space<hbm>>
    tpu.wait_dma2 semaphore(%arg18 : memref<!tpu.dma_semaphore, #tpu.memory_space<semaphore_mem>>) src(%dma_wait3A_409 : memref<2000xi32, #tpu.memory_space<hbm>>) dst(%arg12 : memref<2000xi32, #tpu.memory_space<vmem>>)
    %parallel_loop3A_410 = arith.constant 0 : i32
    %parallel_loop3A_411 = arith.constant 125 : i32
    %parallel_loop3A_412 = arith.constant 1 : i32
    scf.for %parallel_loop3A_729 = %parallel_loop3A_410 to %parallel_loop3A_411 step %parallel_loop3A_412  : i32 {
      %parallel_loop3A_730 = arith.constant 16 : i32
      %parallel_loop3A_731 = arith.muli %parallel_loop3A_729, %parallel_loop3A_730 : i32
      %parallel_loop3A_732 = arith.index_cast %parallel_loop3A_731 : i32 to index
      %parallel_loop3A_733 = tpu.vector_load %arg10[%parallel_loop3A_732] {strides = array<i32>} : memref<2000xi32, #tpu.memory_space<vmem>>, vector<16xi32>,
      %parallel_loop3A_734 = arith.index_cast %parallel_loop3A_731 : i32 to index
      %parallel_loop3A_735 = tpu.vector_load %arg12[%parallel_loop3A_734] {strides = array<i32>} : memref<2000xi32, #tpu.memory_space<vmem>>, vector<16xi32>,
      %parallel_loop3A_736 = tpu.vector_load_idx %arg7[%parallel_loop3A_733] : memref<10240xi32, #tpu.memory_space<vmem>>[vector<16xi32>], vector<16xi32>,
      tpu.vector_store_idx %arg8[%parallel_loop3A_735], %parallel_loop3A_736 {add = true} : memref<10240xi32, #tpu.memory_space<vmem>>[vector<16xi32>], vector<16xi32>,
    } {sc.loop_unroll_factor = 5 : i64, sc.parallel_access}
    %add3A_413 = arith.constant 12000 : i32
    %add3A_414 = arith.addi %mul3A_326, %add3A_413 : i32
    %dma_start3A_415 = tpu.memref_slice %arg3[%add3A_414] : memref<640000xi32, #tpu.memory_space<hbm>> -> memref<2000xi32, #tpu.memory_space<hbm>>
    %dma_start3A_416 = tpu.memref_slice %arg3[%add3A_414] : memref<640000xi32, #tpu.memory_space<hbm>> -> memref<2000xi32, #tpu.memory_space<hbm>>
    tpu.enqueue_dma source(%dma_start3A_416 : memref<2000xi32, #tpu.memory_space<hbm>>) target(%arg10 : memref<2000xi32, #tpu.memory_space<vmem>>) target_semaphore(%arg18 : memref<!tpu.dma_semaphore, #tpu.memory_space<semaphore_mem>>)
    %add3A_417 = arith.constant 320000 : i32
    %add3A_418 = arith.addi %add3A_417, %add3A_414 : i32
    %dma_start3A_419 = tpu.memref_slice %arg3[%add3A_418] : memref<640000xi32, #tpu.memory_space<hbm>> -> memref<2000xi32, #tpu.memory_space<hbm>>
    %dma_start3A_420 = tpu.memref_slice %arg3[%add3A_418] : memref<640000xi32, #tpu.memory_space<hbm>> -> memref<2000xi32, #tpu.memory_space<hbm>>
    tpu.enqueue_dma source(%dma_start3A_420 : memref<2000xi32, #tpu.memory_space<hbm>>) target(%arg12 : memref<2000xi32, #tpu.memory_space<vmem>>) target_semaphore(%arg18 : memref<!tpu.dma_semaphore, #tpu.memory_space<semaphore_mem>>)
    %dma_wait3A_421 = tpu.memref_slice %arg3[%add3A_399] : memref<640000xi32, #tpu.memory_space<hbm>> -> memref<2000xi32, #tpu.memory_space<hbm>>
    %dma_wait3A_422 = tpu.memref_slice %arg3[%add3A_399] : memref<640000xi32, #tpu.memory_space<hbm>> -> memref<2000xi32, #tpu.memory_space<hbm>>
    tpu.wait_dma2 semaphore(%arg19 : memref<!tpu.dma_semaphore, #tpu.memory_space<semaphore_mem>>) src(%dma_wait3A_422 : memref<2000xi32, #tpu.memory_space<hbm>>) dst(%arg11 : memref<2000xi32, #tpu.memory_space<vmem>>)
    %dma_wait3A_423 = tpu.memref_slice %arg3[%add3A_403] : memref<640000xi32, #tpu.memory_space<hbm>> -> memref<2000xi32, #tpu.memory_space<hbm>>
    %dma_wait3A_424 = tpu.memref_slice %arg3[%add3A_403] : memref<640000xi32, #tpu.memory_space<hbm>> -> memref<2000xi32, #tpu.memory_space<hbm>>
    tpu.wait_dma2 semaphore(%arg19 : memref<!tpu.dma_semaphore, #tpu.memory_space<semaphore_mem>>) src(%dma_wait3A_424 : memref<2000xi32, #tpu.memory_space<hbm>>) dst(%arg13 : memref<2000xi32, #tpu.memory_space<vmem>>)
    %parallel_loop3A_425 = arith.constant 0 : i32
    %parallel_loop3A_426 = arith.constant 125 : i32
    %parallel_loop3A_427 = arith.constant 1 : i32
    scf.for %parallel_loop3A_729 = %parallel_loop3A_425 to %parallel_loop3A_426 step %parallel_loop3A_427  : i32 {
      %parallel_loop3A_730 = arith.constant 16 : i32
      %parallel_loop3A_731 = arith.muli %parallel_loop3A_729, %parallel_loop3A_730 : i32
      %parallel_loop3A_732 = arith.index_cast %parallel_loop3A_731 : i32 to index
      %parallel_loop3A_733 = tpu.vector_load %arg11[%parallel_loop3A_732] {strides = array<i32>} : memref<2000xi32, #tpu.memory_space<vmem>>, vector<16xi32>,
      %parallel_loop3A_734 = arith.index_cast %parallel_loop3A_731 : i32 to index
      %parallel_loop3A_735 = tpu.vector_load %arg13[%parallel_loop3A_734] {strides = array<i32>} : memref<2000xi32, #tpu.memory_space<vmem>>, vector<16xi32>,
      %parallel_loop3A_736 = tpu.vector_load_idx %arg7[%parallel_loop3A_733] : memref<10240xi32, #tpu.memory_space<vmem>>[vector<16xi32>], vector<16xi32>,
      tpu.vector_store_idx %arg8[%parallel_loop3A_735], %parallel_loop3A_736 {add = true} : memref<10240xi32, #tpu.memory_space<vmem>>[vector<16xi32>], vector<16xi32>,
    } {sc.loop_unroll_factor = 5 : i64, sc.parallel_access}
    %add3A_428 = arith.constant 14000 : i32
    %add3A_429 = arith.addi %mul3A_326, %add3A_428 : i32
    %dma_start3A_430 = tpu.memref_slice %arg3[%add3A_429] : memref<640000xi32, #tpu.memory_space<hbm>> -> memref<2000xi32, #tpu.memory_space<hbm>>
    %dma_start3A_431 = tpu.memref_slice %arg3[%add3A_429] : memref<640000xi32, #tpu.memory_space<hbm>> -> memref<2000xi32, #tpu.memory_space<hbm>>
    tpu.enqueue_dma source(%dma_start3A_431 : memref<2000xi32, #tpu.memory_space<hbm>>) target(%arg11 : memref<2000xi32, #tpu.memory_space<vmem>>) target_semaphore(%arg19 : memref<!tpu.dma_semaphore, #tpu.memory_space<semaphore_mem>>)
    %add3A_432 = arith.constant 320000 : i32
    %add3A_433 = arith.addi %add3A_432, %add3A_429 : i32
    %dma_start3A_434 = tpu.memref_slice %arg3[%add3A_433] : memref<640000xi32, #tpu.memory_space<hbm>> -> memref<2000xi32, #tpu.memory_space<hbm>>
    %dma_start3A_435 = tpu.memref_slice %arg3[%add3A_433] : memref<640000xi32, #tpu.memory_space<hbm>> -> memref<2000xi32, #tpu.memory_space<hbm>>
    tpu.enqueue_dma source(%dma_start3A_435 : memref<2000xi32, #tpu.memory_space<hbm>>) target(%arg13 : memref<2000xi32, #tpu.memory_space<vmem>>) target_semaphore(%arg19 : memref<!tpu.dma_semaphore, #tpu.memory_space<semaphore_mem>>)
    %dma_wait3A_436 = tpu.memref_slice %arg3[%add3A_414] : memref<640000xi32, #tpu.memory_space<hbm>> -> memref<2000xi32, #tpu.memory_space<hbm>>
    %dma_wait3A_437 = tpu.memref_slice %arg3[%add3A_414] : memref<640000xi32, #tpu.memory_space<hbm>> -> memref<2000xi32, #tpu.memory_space<hbm>>
    tpu.wait_dma2 semaphore(%arg18 : memref<!tpu.dma_semaphore, #tpu.memory_space<semaphore_mem>>) src(%dma_wait3A_437 : memref<2000xi32, #tpu.memory_space<hbm>>) dst(%arg10 : memref<2000xi32, #tpu.memory_space<vmem>>)
    %dma_wait3A_438 = tpu.memref_slice %arg3[%add3A_418] : memref<640000xi32, #tpu.memory_space<hbm>> -> memref<2000xi32, #tpu.memory_space<hbm>>
    %dma_wait3A_439 = tpu.memref_slice %arg3[%add3A_418] : memref<640000xi32, #tpu.memory_space<hbm>> -> memref<2000xi32, #tpu.memory_space<hbm>>
    tpu.wait_dma2 semaphore(%arg18 : memref<!tpu.dma_semaphore, #tpu.memory_space<semaphore_mem>>) src(%dma_wait3A_439 : memref<2000xi32, #tpu.memory_space<hbm>>) dst(%arg12 : memref<2000xi32, #tpu.memory_space<vmem>>)
    %parallel_loop3A_440 = arith.constant 0 : i32
    %parallel_loop3A_441 = arith.constant 125 : i32
    %parallel_loop3A_442 = arith.constant 1 : i32
    scf.for %parallel_loop3A_729 = %parallel_loop3A_440 to %parallel_loop3A_441 step %parallel_loop3A_442  : i32 {
      %parallel_loop3A_730 = arith.constant 16 : i32
      %parallel_loop3A_731 = arith.muli %parallel_loop3A_729, %parallel_loop3A_730 : i32
      %parallel_loop3A_732 = arith.index_cast %parallel_loop3A_731 : i32 to index
      %parallel_loop3A_733 = tpu.vector_load %arg10[%parallel_loop3A_732] {strides = array<i32>} : memref<2000xi32, #tpu.memory_space<vmem>>, vector<16xi32>,
      %parallel_loop3A_734 = arith.index_cast %parallel_loop3A_731 : i32 to index
      %parallel_loop3A_735 = tpu.vector_load %arg12[%parallel_loop3A_734] {strides = array<i32>} : memref<2000xi32, #tpu.memory_space<vmem>>, vector<16xi32>,
      %parallel_loop3A_736 = tpu.vector_load_idx %arg7[%parallel_loop3A_733] : memref<10240xi32, #tpu.memory_space<vmem>>[vector<16xi32>], vector<16xi32>,
      tpu.vector_store_idx %arg8[%parallel_loop3A_735], %parallel_loop3A_736 {add = true} : memref<10240xi32, #tpu.memory_space<vmem>>[vector<16xi32>], vector<16xi32>,
    } {sc.loop_unroll_factor = 5 : i64, sc.parallel_access}
    %add3A_443 = arith.constant 16000 : i32
    %add3A_444 = arith.addi %mul3A_326, %add3A_443 : i32
    %dma_start3A_445 = tpu.memref_slice %arg3[%add3A_444] : memref<640000xi32, #tpu.memory_space<hbm>> -> memref<2000xi32, #tpu.memory_space<hbm>>
    %dma_start3A_446 = tpu.memref_slice %arg3[%add3A_444] : memref<640000xi32, #tpu.memory_space<hbm>> -> memref<2000xi32, #tpu.memory_space<hbm>>
    tpu.enqueue_dma source(%dma_start3A_446 : memref<2000xi32, #tpu.memory_space<hbm>>) target(%arg10 : memref<2000xi32, #tpu.memory_space<vmem>>) target_semaphore(%arg18 : memref<!tpu.dma_semaphore, #tpu.memory_space<semaphore_mem>>)
    %add3A_447 = arith.constant 320000 : i32
    %add3A_448 = arith.addi %add3A_447, %add3A_444 : i32
    %dma_start3A_449 = tpu.memref_slice %arg3[%add3A_448] : memref<640000xi32, #tpu.memory_space<hbm>> -> memref<2000xi32, #tpu.memory_space<hbm>>
    %dma_start3A_450 = tpu.memref_slice %arg3[%add3A_448] : memref<640000xi32, #tpu.memory_space<hbm>> -> memref<2000xi32, #tpu.memory_space<hbm>>
    tpu.enqueue_dma source(%dma_start3A_450 : memref<2000xi32, #tpu.memory_space<hbm>>) target(%arg12 : memref<2000xi32, #tpu.memory_space<vmem>>) target_semaphore(%arg18 : memref<!tpu.dma_semaphore, #tpu.memory_space<semaphore_mem>>)
    %dma_wait3A_451 = tpu.memref_slice %arg3[%add3A_429] : memref<640000xi32, #tpu.memory_space<hbm>> -> memref<2000xi32, #tpu.memory_space<hbm>>
    %dma_wait3A_452 = tpu.memref_slice %arg3[%add3A_429] : memref<640000xi32, #tpu.memory_space<hbm>> -> memref<2000xi32, #tpu.memory_space<hbm>>
    tpu.wait_dma2 semaphore(%arg19 : memref<!tpu.dma_semaphore, #tpu.memory_space<semaphore_mem>>) src(%dma_wait3A_452 : memref<2000xi32, #tpu.memory_space<hbm>>) dst(%arg11 : memref<2000xi32, #tpu.memory_space<vmem>>)
    %dma_wait3A_453 = tpu.memref_slice %arg3[%add3A_433] : memref<640000xi32, #tpu.memory_space<hbm>> -> memref<2000xi32, #tpu.memory_space<hbm>>
    %dma_wait3A_454 = tpu.memref_slice %arg3[%add3A_433] : memref<640000xi32, #tpu.memory_space<hbm>> -> memref<2000xi32, #tpu.memory_space<hbm>>
    tpu.wait_dma2 semaphore(%arg19 : memref<!tpu.dma_semaphore, #tpu.memory_space<semaphore_mem>>) src(%dma_wait3A_454 : memref<2000xi32, #tpu.memory_space<hbm>>) dst(%arg13 : memref<2000xi32, #tpu.memory_space<vmem>>)
    %parallel_loop3A_455 = arith.constant 0 : i32
    %parallel_loop3A_456 = arith.constant 125 : i32
    %parallel_loop3A_457 = arith.constant 1 : i32
    scf.for %parallel_loop3A_729 = %parallel_loop3A_455 to %parallel_loop3A_456 step %parallel_loop3A_457  : i32 {
      %parallel_loop3A_730 = arith.constant 16 : i32
      %parallel_loop3A_731 = arith.muli %parallel_loop3A_729, %parallel_loop3A_730 : i32
      %parallel_loop3A_732 = arith.index_cast %parallel_loop3A_731 : i32 to index
      %parallel_loop3A_733 = tpu.vector_load %arg11[%parallel_loop3A_732] {strides = array<i32>} : memref<2000xi32, #tpu.memory_space<vmem>>, vector<16xi32>,
      %parallel_loop3A_734 = arith.index_cast %parallel_loop3A_731 : i32 to index
      %parallel_loop3A_735 = tpu.vector_load %arg13[%parallel_loop3A_734] {strides = array<i32>} : memref<2000xi32, #tpu.memory_space<vmem>>, vector<16xi32>,
      %parallel_loop3A_736 = tpu.vector_load_idx %arg7[%parallel_loop3A_733] : memref<10240xi32, #tpu.memory_space<vmem>>[vector<16xi32>], vector<16xi32>,
      tpu.vector_store_idx %arg8[%parallel_loop3A_735], %parallel_loop3A_736 {add = true} : memref<10240xi32, #tpu.memory_space<vmem>>[vector<16xi32>], vector<16xi32>,
    } {sc.loop_unroll_factor = 5 : i64, sc.parallel_access}
    %add3A_458 = arith.constant 18000 : i32
    %add3A_459 = arith.addi %mul3A_326, %add3A_458 : i32
    %dma_start3A_460 = tpu.memref_slice %arg3[%add3A_459] : memref<640000xi32, #tpu.memory_space<hbm>> -> memref<2000xi32, #tpu.memory_space<hbm>>
    %dma_start3A_461 = tpu.memref_slice %arg3[%add3A_459] : memref<640000xi32, #tpu.memory_space<hbm>> -> memref<2000xi32, #tpu.memory_space<hbm>>
    tpu.enqueue_dma source(%dma_start3A_461 : memref<2000xi32, #tpu.memory_space<hbm>>) target(%arg11 : memref<2000xi32, #tpu.memory_space<vmem>>) target_semaphore(%arg19 : memref<!tpu.dma_semaphore, #tpu.memory_space<semaphore_mem>>)
    %add3A_462 = arith.constant 320000 : i32
    %add3A_463 = arith.addi %add3A_462, %add3A_459 : i32
    %dma_start3A_464 = tpu.memref_slice %arg3[%add3A_463] : memref<640000xi32, #tpu.memory_space<hbm>> -> memref<2000xi32, #tpu.memory_space<hbm>>
    %dma_start3A_465 = tpu.memref_slice %arg3[%add3A_463] : memref<640000xi32, #tpu.memory_space<hbm>> -> memref<2000xi32, #tpu.memory_space<hbm>>
    tpu.enqueue_dma source(%dma_start3A_465 : memref<2000xi32, #tpu.memory_space<hbm>>) target(%arg13 : memref<2000xi32, #tpu.memory_space<vmem>>) target_semaphore(%arg19 : memref<!tpu.dma_semaphore, #tpu.memory_space<semaphore_mem>>)
    %dma_wait3A_466 = tpu.memref_slice %arg3[%add3A_444] : memref<640000xi32, #tpu.memory_space<hbm>> -> memref<2000xi32, #tpu.memory_space<hbm>>
    %dma_wait3A_467 = tpu.memref_slice %arg3[%add3A_444] : memref<640000xi32, #tpu.memory_space<hbm>> -> memref<2000xi32, #tpu.memory_space<hbm>>
    tpu.wait_dma2 semaphore(%arg18 : memref<!tpu.dma_semaphore, #tpu.memory_space<semaphore_mem>>) src(%dma_wait3A_467 : memref<2000xi32, #tpu.memory_space<hbm>>) dst(%arg10 : memref<2000xi32, #tpu.memory_space<vmem>>)
    %dma_wait3A_468 = tpu.memref_slice %arg3[%add3A_448] : memref<640000xi32, #tpu.memory_space<hbm>> -> memref<2000xi32, #tpu.memory_space<hbm>>
    %dma_wait3A_469 = tpu.memref_slice %arg3[%add3A_448] : memref<640000xi32, #tpu.memory_space<hbm>> -> memref<2000xi32, #tpu.memory_space<hbm>>
    tpu.wait_dma2 semaphore(%arg18 : memref<!tpu.dma_semaphore, #tpu.memory_space<semaphore_mem>>) src(%dma_wait3A_469 : memref<2000xi32, #tpu.memory_space<hbm>>) dst(%arg12 : memref<2000xi32, #tpu.memory_space<vmem>>)
    %parallel_loop3A_470 = arith.constant 0 : i32
    %parallel_loop3A_471 = arith.constant 125 : i32
    %parallel_loop3A_472 = arith.constant 1 : i32
    scf.for %parallel_loop3A_729 = %parallel_loop3A_470 to %parallel_loop3A_471 step %parallel_loop3A_472  : i32 {
      %parallel_loop3A_730 = arith.constant 16 : i32
      %parallel_loop3A_731 = arith.muli %parallel_loop3A_729, %parallel_loop3A_730 : i32
      %parallel_loop3A_732 = arith.index_cast %parallel_loop3A_731 : i32 to index
      %parallel_loop3A_733 = tpu.vector_load %arg10[%parallel_loop3A_732] {strides = array<i32>} : memref<2000xi32, #tpu.memory_space<vmem>>, vector<16xi32>,
      %parallel_loop3A_734 = arith.index_cast %parallel_loop3A_731 : i32 to index
      %parallel_loop3A_735 = tpu.vector_load %arg12[%parallel_loop3A_734] {strides = array<i32>} : memref<2000xi32, #tpu.memory_space<vmem>>, vector<16xi32>,
      %parallel_loop3A_736 = tpu.vector_load_idx %arg7[%parallel_loop3A_733] : memref<10240xi32, #tpu.memory_space<vmem>>[vector<16xi32>], vector<16xi32>,
      tpu.vector_store_idx %arg8[%parallel_loop3A_735], %parallel_loop3A_736 {add = true} : memref<10240xi32, #tpu.memory_space<vmem>>[vector<16xi32>], vector<16xi32>,
    } {sc.loop_unroll_factor = 5 : i64, sc.parallel_access}
    %dma_wait3A_473 = tpu.memref_slice %arg3[%add3A_459] : memref<640000xi32, #tpu.memory_space<hbm>> -> memref<2000xi32, #tpu.memory_space<hbm>>
    %dma_wait3A_474 = tpu.memref_slice %arg3[%add3A_459] : memref<640000xi32, #tpu.memory_space<hbm>> -> memref<2000xi32, #tpu.memory_space<hbm>>
    tpu.wait_dma2 semaphore(%arg19 : memref<!tpu.dma_semaphore, #tpu.memory_space<semaphore_mem>>) src(%dma_wait3A_474 : memref<2000xi32, #tpu.memory_space<hbm>>) dst(%arg11 : memref<2000xi32, #tpu.memory_space<vmem>>)
    %dma_wait3A_475 = tpu.memref_slice %arg3[%add3A_463] : memref<640000xi32, #tpu.memory_space<hbm>> -> memref<2000xi32, #tpu.memory_space<hbm>>
    %dma_wait3A_476 = tpu.memref_slice %arg3[%add3A_463] : memref<640000xi32, #tpu.memory_space<hbm>> -> memref<2000xi32, #tpu.memory_space<hbm>>
    tpu.wait_dma2 semaphore(%arg19 : memref<!tpu.dma_semaphore, #tpu.memory_space<semaphore_mem>>) src(%dma_wait3A_476 : memref<2000xi32, #tpu.memory_space<hbm>>) dst(%arg13 : memref<2000xi32, #tpu.memory_space<vmem>>)
    %parallel_loop3A_477 = arith.constant 0 : i32
    %parallel_loop3A_478 = arith.constant 125 : i32
    %parallel_loop3A_479 = arith.constant 1 : i32
    scf.for %parallel_loop3A_729 = %parallel_loop3A_477 to %parallel_loop3A_478 step %parallel_loop3A_479  : i32 {
      %parallel_loop3A_730 = arith.constant 16 : i32
      %parallel_loop3A_731 = arith.muli %parallel_loop3A_729, %parallel_loop3A_730 : i32
      %parallel_loop3A_732 = arith.index_cast %parallel_loop3A_731 : i32 to index
      %parallel_loop3A_733 = tpu.vector_load %arg11[%parallel_loop3A_732] {strides = array<i32>} : memref<2000xi32, #tpu.memory_space<vmem>>, vector<16xi32>,
      %parallel_loop3A_734 = arith.index_cast %parallel_loop3A_731 : i32 to index
      %parallel_loop3A_735 = tpu.vector_load %arg13[%parallel_loop3A_734] {strides = array<i32>} : memref<2000xi32, #tpu.memory_space<vmem>>, vector<16xi32>,
      %parallel_loop3A_736 = tpu.vector_load_idx %arg7[%parallel_loop3A_733] : memref<10240xi32, #tpu.memory_space<vmem>>[vector<16xi32>], vector<16xi32>,
      tpu.vector_store_idx %arg8[%parallel_loop3A_735], %parallel_loop3A_736 {add = true} : memref<10240xi32, #tpu.memory_space<vmem>>[vector<16xi32>], vector<16xi32>,
    } {sc.loop_unroll_factor = 5 : i64, sc.parallel_access}
    "tpu.trace_stop"() : () -> ()
    "tpu.trace_start"() <{level = 10 : i32, message = "L2_reduce"}> : () -> ()
    "tpu.region"() ({
      %run_scoped3A = tpu.sem_alloc : memref<!tpu.dma_semaphore, #tpu.memory_space<semaphore_mem>>
      %dma_start3A_729 = arith.constant 0 : i32
      %dma_start3A_730 = tpu.memref_slice %arg16[%arg1, %dma_start3A_729] : memref<16x10240xi32, #tpu.memory_space<vmem_shared>> -> memref<1x10240xi32, #tpu.memory_space<vmem_shared>>
      %dma_start3A_731 = tpu.memref_squeeze %dma_start3A_730 : memref<1x10240xi32, #tpu.memory_space<vmem_shared>> -> memref<10240xi32, #tpu.memory_space<vmem_shared>>
      %dma_start3A_732 = arith.constant 0 : i32
      %dma_start3A_733 = tpu.memref_slice %arg16[%arg1, %dma_start3A_732] : memref<16x10240xi32, #tpu.memory_space<vmem_shared>> -> memref<1x10240xi32, #tpu.memory_space<vmem_shared>>
      %dma_start3A_734 = tpu.memref_squeeze %dma_start3A_733 : memref<1x10240xi32, #tpu.memory_space<vmem_shared>> -> memref<10240xi32, #tpu.memory_space<vmem_shared>>
      tpu.enqueue_dma source(%arg8 : memref<10240xi32, #tpu.memory_space<vmem>>) target(%dma_start3A_734 : memref<10240xi32, #tpu.memory_space<vmem_shared>>) target_semaphore(%run_scoped3A : memref<!tpu.dma_semaphore, #tpu.memory_space<semaphore_mem>>)
      %dma_wait3A_735 = arith.constant 0 : i32
      %dma_wait3A_736 = tpu.memref_slice %arg16[%arg1, %dma_wait3A_735] : memref<16x10240xi32, #tpu.memory_space<vmem_shared>> -> memref<1x10240xi32, #tpu.memory_space<vmem_shared>>
      %dma_wait3A_737 = tpu.memref_squeeze %dma_wait3A_736 : memref<1x10240xi32, #tpu.memory_space<vmem_shared>> -> memref<10240xi32, #tpu.memory_space<vmem_shared>>
      %dma_wait3A_738 = arith.constant 0 : i32
      %dma_wait3A_739 = tpu.memref_slice %arg16[%arg1, %dma_wait3A_738] : memref<16x10240xi32, #tpu.memory_space<vmem_shared>> -> memref<1x10240xi32, #tpu.memory_space<vmem_shared>>
      %dma_wait3A_740 = tpu.memref_squeeze %dma_wait3A_739 : memref<1x10240xi32, #tpu.memory_space<vmem_shared>> -> memref<10240xi32, #tpu.memory_space<vmem_shared>>
      tpu.wait_dma2 semaphore(%run_scoped3A : memref<!tpu.dma_semaphore, #tpu.memory_space<semaphore_mem>>) src(%arg8 : memref<10240xi32, #tpu.memory_space<vmem>>) dst(%dma_wait3A_740 : memref<10240xi32, #tpu.memory_space<vmem_shared>>)
      tpu.yield
    }) : () -> ()
    %barrier3A_480 = arith.constant 0 : index
    tpu.barrier barrier_id(%barrier3A_480)
    %mul3A_481 = arith.constant 640 : i32
    %mul3A_482 = arith.muli %arg1, %mul3A_481 : i32
    "tpu.region"() ({
      %run_scoped3A = tpu.sem_alloc : memref<!tpu.dma_semaphore, #tpu.memory_space<semaphore_mem>>
      %dma_start3A_729 = arith.constant 0 : i32
      %dma_start3A_730 = tpu.memref_slice %arg16[%dma_start3A_729, %mul3A_482] : memref<16x10240xi32, #tpu.memory_space<vmem_shared>> -> memref<16x640xi32, #tpu.memory_space<vmem_shared>>
      %dma_start3A_731 = arith.constant 0 : i32
      %dma_start3A_732 = tpu.memref_slice %arg16[%dma_start3A_731, %mul3A_482] : memref<16x10240xi32, #tpu.memory_space<vmem_shared>> -> memref<16x640xi32, #tpu.memory_space<vmem_shared>>
      tpu.enqueue_dma source(%dma_start3A_732 : memref<16x640xi32, #tpu.memory_space<vmem_shared>>) target(%arg14 : memref<16x640xi32, #tpu.memory_space<vmem>>) target_semaphore(%run_scoped3A : memref<!tpu.dma_semaphore, #tpu.memory_space<semaphore_mem>>)
      %dma_wait3A_733 = arith.constant 0 : i32
      %dma_wait3A_734 = tpu.memref_slice %arg16[%dma_wait3A_733, %mul3A_482] : memref<16x10240xi32, #tpu.memory_space<vmem_shared>> -> memref<16x640xi32, #tpu.memory_space<vmem_shared>>
      %dma_wait3A_735 = arith.constant 0 : i32
      %dma_wait3A_736 = tpu.memref_slice %arg16[%dma_wait3A_735, %mul3A_482] : memref<16x10240xi32, #tpu.memory_space<vmem_shared>> -> memref<16x640xi32, #tpu.memory_space<vmem_shared>>
      tpu.wait_dma2 semaphore(%run_scoped3A : memref<!tpu.dma_semaphore, #tpu.memory_space<semaphore_mem>>) src(%dma_wait3A_736 : memref<16x640xi32, #tpu.memory_space<vmem_shared>>) dst(%arg14 : memref<16x640xi32, #tpu.memory_space<vmem>>)
      tpu.yield
    }) : () -> ()
    %parallel_loop3A_483 = arith.constant 0 : i32
    %parallel_loop3A_484 = arith.constant 40 : i32
    %parallel_loop3A_485 = arith.constant 1 : i32
    scf.for %parallel_loop3A_729 = %parallel_loop3A_483 to %parallel_loop3A_484 step %parallel_loop3A_485  : i32 {
      %parallel_loop3A_730 = arith.constant 16 : i32
      %parallel_loop3A_731 = arith.muli %parallel_loop3A_729, %parallel_loop3A_730 : i32
      %parallel_loop3A_732 = arith.constant 0 : i32
      %parallel_loop3A_733 = arith.index_cast %parallel_loop3A_732 : i32 to index
      %parallel_loop3A_734 = arith.index_cast %parallel_loop3A_731 : i32 to index
      %parallel_loop3A_735 = tpu.vector_load %arg14[%parallel_loop3A_733, %parallel_loop3A_734] {strides = array<i32>} : memref<16x640xi32, #tpu.memory_space<vmem>>, vector<16xi32>,
      %parallel_loop3A_736 = arith.constant 1 : i32
      %parallel_loop3A_737 = arith.index_cast %parallel_loop3A_736 : i32 to index
      %parallel_loop3A_738 = arith.index_cast %parallel_loop3A_731 : i32 to index
      %parallel_loop3A_739 = tpu.vector_load %arg14[%parallel_loop3A_737, %parallel_loop3A_738] {strides = array<i32>} : memref<16x640xi32, #tpu.memory_space<vmem>>, vector<16xi32>,
      %parallel_loop3A_740 = arith.addi %parallel_loop3A_735, %parallel_loop3A_739 : vector<16xi32>
      %parallel_loop3A_741 = arith.constant 2 : i32
      %parallel_loop3A_742 = arith.index_cast %parallel_loop3A_741 : i32 to index
      %parallel_loop3A_743 = arith.index_cast %parallel_loop3A_731 : i32 to index
      %parallel_loop3A_744 = tpu.vector_load %arg14[%parallel_loop3A_742, %parallel_loop3A_743] {strides = array<i32>} : memref<16x640xi32, #tpu.memory_space<vmem>>, vector<16xi32>,
      %parallel_loop3A_745 = arith.addi %parallel_loop3A_740, %parallel_loop3A_744 : vector<16xi32>
      %parallel_loop3A_746 = arith.constant 3 : i32
      %parallel_loop3A_747 = arith.index_cast %parallel_loop3A_746 : i32 to index
      %parallel_loop3A_748 = arith.index_cast %parallel_loop3A_731 : i32 to index
      %parallel_loop3A_749 = tpu.vector_load %arg14[%parallel_loop3A_747, %parallel_loop3A_748] {strides = array<i32>} : memref<16x640xi32, #tpu.memory_space<vmem>>, vector<16xi32>,
      %parallel_loop3A_750 = arith.addi %parallel_loop3A_745, %parallel_loop3A_749 : vector<16xi32>
      %parallel_loop3A_751 = arith.constant 4 : i32
      %parallel_loop3A_752 = arith.index_cast %parallel_loop3A_751 : i32 to index
      %parallel_loop3A_753 = arith.index_cast %parallel_loop3A_731 : i32 to index
      %parallel_loop3A_754 = tpu.vector_load %arg14[%parallel_loop3A_752, %parallel_loop3A_753] {strides = array<i32>} : memref<16x640xi32, #tpu.memory_space<vmem>>, vector<16xi32>,
      %parallel_loop3A_755 = arith.addi %parallel_loop3A_750, %parallel_loop3A_754 : vector<16xi32>
      %parallel_loop3A_756 = arith.constant 5 : i32
      %parallel_loop3A_757 = arith.index_cast %parallel_loop3A_756 : i32 to index
      %parallel_loop3A_758 = arith.index_cast %parallel_loop3A_731 : i32 to index
      %parallel_loop3A_759 = tpu.vector_load %arg14[%parallel_loop3A_757, %parallel_loop3A_758] {strides = array<i32>} : memref<16x640xi32, #tpu.memory_space<vmem>>, vector<16xi32>,
      %parallel_loop3A_760 = arith.addi %parallel_loop3A_755, %parallel_loop3A_759 : vector<16xi32>
      %parallel_loop3A_761 = arith.constant 6 : i32
      %parallel_loop3A_762 = arith.index_cast %parallel_loop3A_761 : i32 to index
      %parallel_loop3A_763 = arith.index_cast %parallel_loop3A_731 : i32 to index
      %parallel_loop3A_764 = tpu.vector_load %arg14[%parallel_loop3A_762, %parallel_loop3A_763] {strides = array<i32>} : memref<16x640xi32, #tpu.memory_space<vmem>>, vector<16xi32>,
      %parallel_loop3A_765 = arith.addi %parallel_loop3A_760, %parallel_loop3A_764 : vector<16xi32>
      %parallel_loop3A_766 = arith.constant 7 : i32
      %parallel_loop3A_767 = arith.index_cast %parallel_loop3A_766 : i32 to index
      %parallel_loop3A_768 = arith.index_cast %parallel_loop3A_731 : i32 to index
      %parallel_loop3A_769 = tpu.vector_load %arg14[%parallel_loop3A_767, %parallel_loop3A_768] {strides = array<i32>} : memref<16x640xi32, #tpu.memory_space<vmem>>, vector<16xi32>,
      %parallel_loop3A_770 = arith.addi %parallel_loop3A_765, %parallel_loop3A_769 : vector<16xi32>
      %parallel_loop3A_771 = arith.constant 8 : i32
      %parallel_loop3A_772 = arith.index_cast %parallel_loop3A_771 : i32 to index
      %parallel_loop3A_773 = arith.index_cast %parallel_loop3A_731 : i32 to index
      %parallel_loop3A_774 = tpu.vector_load %arg14[%parallel_loop3A_772, %parallel_loop3A_773] {strides = array<i32>} : memref<16x640xi32, #tpu.memory_space<vmem>>, vector<16xi32>,
      %parallel_loop3A_775 = arith.addi %parallel_loop3A_770, %parallel_loop3A_774 : vector<16xi32>
      %parallel_loop3A_776 = arith.constant 9 : i32
      %parallel_loop3A_777 = arith.index_cast %parallel_loop3A_776 : i32 to index
      %parallel_loop3A_778 = arith.index_cast %parallel_loop3A_731 : i32 to index
      %parallel_loop3A_779 = tpu.vector_load %arg14[%parallel_loop3A_777, %parallel_loop3A_778] {strides = array<i32>} : memref<16x640xi32, #tpu.memory_space<vmem>>, vector<16xi32>,
      %parallel_loop3A_780 = arith.addi %parallel_loop3A_775, %parallel_loop3A_779 : vector<16xi32>
      %parallel_loop3A_781 = arith.constant 10 : i32
      %parallel_loop3A_782 = arith.index_cast %parallel_loop3A_781 : i32 to index
      %parallel_loop3A_783 = arith.index_cast %parallel_loop3A_731 : i32 to index
      %parallel_loop3A_784 = tpu.vector_load %arg14[%parallel_loop3A_782, %parallel_loop3A_783] {strides = array<i32>} : memref<16x640xi32, #tpu.memory_space<vmem>>, vector<16xi32>,
      %parallel_loop3A_785 = arith.addi %parallel_loop3A_780, %parallel_loop3A_784 : vector<16xi32>
      %parallel_loop3A_786 = arith.constant 11 : i32
      %parallel_loop3A_787 = arith.index_cast %parallel_loop3A_786 : i32 to index
      %parallel_loop3A_788 = arith.index_cast %parallel_loop3A_731 : i32 to index
      %parallel_loop3A_789 = tpu.vector_load %arg14[%parallel_loop3A_787, %parallel_loop3A_788] {strides = array<i32>} : memref<16x640xi32, #tpu.memory_space<vmem>>, vector<16xi32>,
      %parallel_loop3A_790 = arith.addi %parallel_loop3A_785, %parallel_loop3A_789 : vector<16xi32>
      %parallel_loop3A_791 = arith.constant 12 : i32
      %parallel_loop3A_792 = arith.index_cast %parallel_loop3A_791 : i32 to index
      %parallel_loop3A_793 = arith.index_cast %parallel_loop3A_731 : i32 to index
      %parallel_loop3A_794 = tpu.vector_load %arg14[%parallel_loop3A_792, %parallel_loop3A_793] {strides = array<i32>} : memref<16x640xi32, #tpu.memory_space<vmem>>, vector<16xi32>,
      %parallel_loop3A_795 = arith.addi %parallel_loop3A_790, %parallel_loop3A_794 : vector<16xi32>
      %parallel_loop3A_796 = arith.constant 13 : i32
      %parallel_loop3A_797 = arith.index_cast %parallel_loop3A_796 : i32 to index
      %parallel_loop3A_798 = arith.index_cast %parallel_loop3A_731 : i32 to index
      %parallel_loop3A_799 = tpu.vector_load %arg14[%parallel_loop3A_797, %parallel_loop3A_798] {strides = array<i32>} : memref<16x640xi32, #tpu.memory_space<vmem>>, vector<16xi32>,
      %parallel_loop3A_800 = arith.addi %parallel_loop3A_795, %parallel_loop3A_799 : vector<16xi32>
      %parallel_loop3A_801 = arith.constant 14 : i32
      %parallel_loop3A_802 = arith.index_cast %parallel_loop3A_801 : i32 to index
      %parallel_loop3A_803 = arith.index_cast %parallel_loop3A_731 : i32 to index
      %parallel_loop3A_804 = tpu.vector_load %arg14[%parallel_loop3A_802, %parallel_loop3A_803] {strides = array<i32>} : memref<16x640xi32, #tpu.memory_space<vmem>>, vector<16xi32>,
      %parallel_loop3A_805 = arith.addi %parallel_loop3A_800, %parallel_loop3A_804 : vector<16xi32>
      %parallel_loop3A_806 = arith.constant 15 : i32
      %parallel_loop3A_807 = arith.index_cast %parallel_loop3A_806 : i32 to index
      %parallel_loop3A_808 = arith.index_cast %parallel_loop3A_731 : i32 to index
      %parallel_loop3A_809 = tpu.vector_load %arg14[%parallel_loop3A_807, %parallel_loop3A_808] {strides = array<i32>} : memref<16x640xi32, #tpu.memory_space<vmem>>, vector<16xi32>,
      %parallel_loop3A_810 = arith.addi %parallel_loop3A_805, %parallel_loop3A_809 : vector<16xi32>
      %parallel_loop3A_811 = arith.constant 640 : i32
      %parallel_loop3A_812 = arith.muli %arg1, %parallel_loop3A_811 : i32
      %parallel_loop3A_813 = arith.constant 16 : i32
      %parallel_loop3A_814 = arith.muli %parallel_loop3A_729, %parallel_loop3A_813 : i32
      %parallel_loop3A_815 = arith.addi %parallel_loop3A_812, %parallel_loop3A_814 : i32
      %parallel_loop3A_816 = arith.index_cast %parallel_loop3A_815 : i32 to index
      %parallel_loop3A_817 = tpu.vector_load %arg6[%parallel_loop3A_816] {strides = array<i32>} : memref<10240xi32, #tpu.memory_space<vmem>>, vector<16xi32>,
      %parallel_loop3A_818 = arith.constant -1028477379 : i32
      %parallel_loop3A_819 = vector.broadcast %parallel_loop3A_818 : i32 to vector<16xi32>
      %parallel_loop3A_820 = arith.muli %parallel_loop3A_810, %parallel_loop3A_819 : vector<16xi32>
      %parallel_loop3A_821 = arith.constant 668265263 : i32
      %parallel_loop3A_822 = vector.broadcast %parallel_loop3A_821 : i32 to vector<16xi32>
      %parallel_loop3A_823 = arith.muli %parallel_loop3A_817, %parallel_loop3A_822 : vector<16xi32>
      %parallel_loop3A_824 = arith.addi %parallel_loop3A_820, %parallel_loop3A_823 : vector<16xi32>
      %parallel_loop3A_825 = arith.constant 13 : i32
      %parallel_loop3A_826 = vector.broadcast %parallel_loop3A_825 : i32 to vector<16xi32>
      %parallel_loop3A_827 = arith.shrui %parallel_loop3A_824, %parallel_loop3A_826 : vector<16xi32>
      %parallel_loop3A_828 = arith.xori %parallel_loop3A_824, %parallel_loop3A_827 : vector<16xi32>
      %parallel_loop3A_829 = arith.constant 65535 : i32
      %parallel_loop3A_830 = vector.broadcast %parallel_loop3A_829 : i32 to vector<16xi32>
      %parallel_loop3A_831 = arith.andi %parallel_loop3A_828, %parallel_loop3A_830 : vector<16xi32>
      %parallel_loop3A_832 = arith.index_cast %parallel_loop3A_731 : i32 to index
      %parallel_loop3A_833 = tpu.vector_load %arg15[%parallel_loop3A_832] {strides = array<i32>} : memref<640xi32, #tpu.memory_space<vmem>>, vector<16xi32>,
      tpu.vector_store %arg15[%parallel_loop3A_832], %parallel_loop3A_831 {strides = array<i32>} : memref<640xi32, #tpu.memory_space<vmem>>, vector<16xi32>,
    } {sc.loop_unroll_factor = 4 : i64, sc.parallel_access}
    "tpu.region"() ({
      %run_scoped3A = tpu.sem_alloc : memref<!tpu.dma_semaphore, #tpu.memory_space<semaphore_mem>>
      %dma_start3A_729 = tpu.memref_slice %arg17[%mul3A_482] : memref<10240xi32, #tpu.memory_space<vmem_shared>> -> memref<640xi32, #tpu.memory_space<vmem_shared>>
      %dma_start3A_730 = tpu.memref_slice %arg17[%mul3A_482] : memref<10240xi32, #tpu.memory_space<vmem_shared>> -> memref<640xi32, #tpu.memory_space<vmem_shared>>
      tpu.enqueue_dma source(%arg15 : memref<640xi32, #tpu.memory_space<vmem>>) target(%dma_start3A_730 : memref<640xi32, #tpu.memory_space<vmem_shared>>) target_semaphore(%run_scoped3A : memref<!tpu.dma_semaphore, #tpu.memory_space<semaphore_mem>>)
      %dma_wait3A_731 = tpu.memref_slice %arg17[%mul3A_482] : memref<10240xi32, #tpu.memory_space<vmem_shared>> -> memref<640xi32, #tpu.memory_space<vmem_shared>>
      %dma_wait3A_732 = tpu.memref_slice %arg17[%mul3A_482] : memref<10240xi32, #tpu.memory_space<vmem_shared>> -> memref<640xi32, #tpu.memory_space<vmem_shared>>
      tpu.wait_dma2 semaphore(%run_scoped3A : memref<!tpu.dma_semaphore, #tpu.memory_space<semaphore_mem>>) src(%arg15 : memref<640xi32, #tpu.memory_space<vmem>>) dst(%dma_wait3A_732 : memref<640xi32, #tpu.memory_space<vmem_shared>>)
      tpu.yield
    }) : () -> ()
    %barrier3A_486 = arith.constant 0 : index
    tpu.barrier barrier_id(%barrier3A_486)
    "tpu.trace_stop"() : () -> ()
    "tpu.trace_start"() <{level = 10 : i32, message = "L2_bcast"}> : () -> ()
    "tpu.region"() ({
      %run_scoped3A = tpu.sem_alloc : memref<!tpu.dma_semaphore, #tpu.memory_space<semaphore_mem>>
      tpu.enqueue_dma source(%arg17 : memref<10240xi32, #tpu.memory_space<vmem_shared>>) target(%arg6 : memref<10240xi32, #tpu.memory_space<vmem>>) target_semaphore(%run_scoped3A : memref<!tpu.dma_semaphore, #tpu.memory_space<semaphore_mem>>)
      tpu.wait_dma2 semaphore(%run_scoped3A : memref<!tpu.dma_semaphore, #tpu.memory_space<semaphore_mem>>) src(%arg17 : memref<10240xi32, #tpu.memory_space<vmem_shared>>) dst(%arg6 : memref<10240xi32, #tpu.memory_space<vmem>>)
      tpu.yield
    }) : () -> ()
    %barrier3A_487 = arith.constant 0 : index
    tpu.barrier barrier_id(%barrier3A_487)
    "tpu.trace_stop"() : () -> ()
    "tpu.region"() ({
      %run_scoped3A = tpu.sem_alloc : memref<!tpu.dma_semaphore, #tpu.memory_space<semaphore_mem>>
      tpu.enqueue_dma source(%arg4 : memref<10240xi32, #tpu.memory_space<hbm>>) target(%arg7 : memref<10240xi32, #tpu.memory_space<vmem>>) target_semaphore(%run_scoped3A : memref<!tpu.dma_semaphore, #tpu.memory_space<semaphore_mem>>)
      tpu.wait_dma2 semaphore(%run_scoped3A : memref<!tpu.dma_semaphore, #tpu.memory_space<semaphore_mem>>) src(%arg4 : memref<10240xi32, #tpu.memory_space<hbm>>) dst(%arg7 : memref<10240xi32, #tpu.memory_space<vmem>>)
      tpu.yield
    }) : () -> ()
    %parallel_loop3A_488 = arith.constant 0 : i32
    %parallel_loop3A_489 = arith.constant 4096 : i32
    %parallel_loop3A_490 = arith.constant 1 : i32
    "tpu.trace_start"() <{level = 10 : i32, message = "hist_zero"}> : () -> ()
    scf.for %parallel_loop3A_729 = %parallel_loop3A_488 to %parallel_loop3A_489 step %parallel_loop3A_490  : i32 {
      %parallel_loop3A_730 = arith.constant 16 : i32
      %parallel_loop3A_731 = arith.muli %parallel_loop3A_729, %parallel_loop3A_730 : i32
      %parallel_loop3A_732 = arith.index_cast %parallel_loop3A_731 : i32 to index
      %parallel_loop3A_733 = tpu.vector_load %arg9[%parallel_loop3A_732] {strides = array<i32>} : memref<65536xf32, #tpu.memory_space<vmem>>, vector<16xf32>,
      tpu.vector_store %arg9[%parallel_loop3A_732], %broadcast_in_dim3A_2 {strides = array<i32>} : memref<65536xf32, #tpu.memory_space<vmem>>, vector<16xf32>,
    } {sc.loop_unroll_factor = 8 : i64, sc.parallel_access}
    %parallel_loop3A_491 = arith.constant 0 : i32
    %parallel_loop3A_492 = arith.constant 640 : i32
    %parallel_loop3A_493 = arith.constant 1 : i32
    "tpu.trace_stop"() : () -> ()
    "tpu.trace_start"() <{level = 10 : i32, message = "hist_scan"}> : () -> ()
    scf.for %parallel_loop3A_729 = %parallel_loop3A_491 to %parallel_loop3A_492 step %parallel_loop3A_493  : i32 {
      %parallel_loop3A_730 = arith.constant 16 : i32
      %parallel_loop3A_731 = arith.muli %parallel_loop3A_729, %parallel_loop3A_730 : i32
      %parallel_loop3A_732 = arith.index_cast %parallel_loop3A_731 : i32 to index
      %parallel_loop3A_733 = tpu.vector_load %arg6[%parallel_loop3A_732] {strides = array<i32>} : memref<10240xi32, #tpu.memory_space<vmem>>, vector<16xi32>,
      %parallel_loop3A_734 = arith.index_cast %parallel_loop3A_731 : i32 to index
      %parallel_loop3A_735 = tpu.vector_load %arg7[%parallel_loop3A_734] {strides = array<i32>} : memref<10240xi32, #tpu.memory_space<vmem>>, vector<16xi32>,
      %parallel_loop3A_736 = vector.broadcast %arg1 : i32 to vector<16xi32>
      %parallel_loop3A_737 = arith.cmpi eq, %parallel_loop3A_735, %parallel_loop3A_736 : vector<16xi32>
      tpu.vector_store_idx %arg9[%parallel_loop3A_733], %broadcast_in_dim3A_4 masked %parallel_loop3A_737 {add = true} : memref<65536xf32, #tpu.memory_space<vmem>>[vector<16xi32>], vector<16xf32>, vector<16xi1>
    } {sc.loop_unroll_factor = 8 : i64, sc.parallel_access}
    "tpu.trace_stop"() : () -> ()
    "tpu.trace_start"() <{level = 10 : i32, message = "norm_ssq"}> : () -> ()
    %scan3A = arith.constant 0 : i32
    %scan3A_494 = arith.constant 512 : i32
    %scan3A_495 = arith.addi %scan3A, %scan3A_494 : i32
    %scan3A_496 = arith.constant 1 : i32
    %scan3A_497:8 = scf.for %scan3A_729 = %scan3A to %scan3A_495 step %scan3A_496 iter_args(%scan3A_730 = %broadcast_in_dim3A_2, %scan3A_731 = %broadcast_in_dim3A_2, %scan3A_732 = %broadcast_in_dim3A_2, %scan3A_733 = %broadcast_in_dim3A_2, %scan3A_734 = %broadcast_in_dim3A_2, %scan3A_735 = %broadcast_in_dim3A_2, %scan3A_736 = %broadcast_in_dim3A_2, %scan3A_737 = %broadcast_in_dim3A_2) -> (vector<16xf32>, vector<16xf32>, vector<16xf32>, vector<16xf32>, vector<16xf32>, vector<16xf32>, vector<16xf32>, vector<16xf32>)  : i32 {
      %mul3A_738 = arith.constant 8 : i32
      %mul3A_739 = arith.muli %scan3A_729, %mul3A_738 : i32
      %add3A_740 = arith.constant 0 : i32
      %add3A_741 = arith.addi %mul3A_739, %add3A_740 : i32
      %mul3A_742 = arith.constant 16 : i32
      %mul3A_743 = arith.muli %add3A_741, %mul3A_742 : i32
      %get3A = arith.index_cast %mul3A_743 : i32 to index
      %get3A_744 = tpu.vector_load %arg9[%get3A] {strides = array<i32>} : memref<65536xf32, #tpu.memory_space<vmem>>, vector<16xf32>,
      %mul3A_745 = arith.constant 8 : i32
      %mul3A_746 = arith.muli %scan3A_729, %mul3A_745 : i32
      %add3A_747 = arith.constant 1 : i32
      %add3A_748 = arith.addi %mul3A_746, %add3A_747 : i32
      %mul3A_749 = arith.constant 16 : i32
      %mul3A_750 = arith.muli %add3A_748, %mul3A_749 : i32
      %get3A_751 = arith.index_cast %mul3A_750 : i32 to index
      %get3A_752 = tpu.vector_load %arg9[%get3A_751] {strides = array<i32>} : memref<65536xf32, #tpu.memory_space<vmem>>, vector<16xf32>,
      %mul3A_753 = arith.constant 8 : i32
      %mul3A_754 = arith.muli %scan3A_729, %mul3A_753 : i32
      %add3A_755 = arith.constant 2 : i32
      %add3A_756 = arith.addi %mul3A_754, %add3A_755 : i32
      %mul3A_757 = arith.constant 16 : i32
      %mul3A_758 = arith.muli %add3A_756, %mul3A_757 : i32
      %get3A_759 = arith.index_cast %mul3A_758 : i32 to index
      %get3A_760 = tpu.vector_load %arg9[%get3A_759] {strides = array<i32>} : memref<65536xf32, #tpu.memory_space<vmem>>, vector<16xf32>,
      %mul3A_761 = arith.constant 8 : i32
      %mul3A_762 = arith.muli %scan3A_729, %mul3A_761 : i32
      %add3A_763 = arith.constant 3 : i32
      %add3A_764 = arith.addi %mul3A_762, %add3A_763 : i32
      %mul3A_765 = arith.constant 16 : i32
      %mul3A_766 = arith.muli %add3A_764, %mul3A_765 : i32
      %get3A_767 = arith.index_cast %mul3A_766 : i32 to index
      %get3A_768 = tpu.vector_load %arg9[%get3A_767] {strides = array<i32>} : memref<65536xf32, #tpu.memory_space<vmem>>, vector<16xf32>,
      %mul3A_769 = arith.constant 8 : i32
      %mul3A_770 = arith.muli %scan3A_729, %mul3A_769 : i32
      %add3A_771 = arith.constant 4 : i32
      %add3A_772 = arith.addi %mul3A_770, %add3A_771 : i32
      %mul3A_773 = arith.constant 16 : i32
      %mul3A_774 = arith.muli %add3A_772, %mul3A_773 : i32
      %get3A_775 = arith.index_cast %mul3A_774 : i32 to index
      %get3A_776 = tpu.vector_load %arg9[%get3A_775] {strides = array<i32>} : memref<65536xf32, #tpu.memory_space<vmem>>, vector<16xf32>,
      %mul3A_777 = arith.constant 8 : i32
      %mul3A_778 = arith.muli %scan3A_729, %mul3A_777 : i32
      %add3A_779 = arith.constant 5 : i32
      %add3A_780 = arith.addi %mul3A_778, %add3A_779 : i32
      %mul3A_781 = arith.constant 16 : i32
      %mul3A_782 = arith.muli %add3A_780, %mul3A_781 : i32
      %get3A_783 = arith.index_cast %mul3A_782 : i32 to index
      %get3A_784 = tpu.vector_load %arg9[%get3A_783] {strides = array<i32>} : memref<65536xf32, #tpu.memory_space<vmem>>, vector<16xf32>,
      %mul3A_785 = arith.constant 8 : i32
      %mul3A_786 = arith.muli %scan3A_729, %mul3A_785 : i32
      %add3A_787 = arith.constant 6 : i32
      %add3A_788 = arith.addi %mul3A_786, %add3A_787 : i32
      %mul3A_789 = arith.constant 16 : i32
      %mul3A_790 = arith.muli %add3A_788, %mul3A_789 : i32
      %get3A_791 = arith.index_cast %mul3A_790 : i32 to index
      %get3A_792 = tpu.vector_load %arg9[%get3A_791] {strides = array<i32>} : memref<65536xf32, #tpu.memory_space<vmem>>, vector<16xf32>,
      %mul3A_793 = arith.constant 8 : i32
      %mul3A_794 = arith.muli %scan3A_729, %mul3A_793 : i32
      %add3A_795 = arith.constant 7 : i32
      %add3A_796 = arith.addi %mul3A_794, %add3A_795 : i32
      %mul3A_797 = arith.constant 16 : i32
      %mul3A_798 = arith.muli %add3A_796, %mul3A_797 : i32
      %get3A_799 = arith.index_cast %mul3A_798 : i32 to index
      %get3A_800 = tpu.vector_load %arg9[%get3A_799] {strides = array<i32>} : memref<65536xf32, #tpu.memory_space<vmem>>, vector<16xf32>,
      %mul3A_801 = arith.mulf %get3A_744, %get3A_744 : vector<16xf32>
      %add3A_802 = arith.addf %scan3A_730, %mul3A_801 : vector<16xf32>
      %mul3A_803 = arith.mulf %get3A_752, %get3A_752 : vector<16xf32>
      %add3A_804 = arith.addf %scan3A_731, %mul3A_803 : vector<16xf32>
      %mul3A_805 = arith.mulf %get3A_760, %get3A_760 : vector<16xf32>
      %add3A_806 = arith.addf %scan3A_732, %mul3A_805 : vector<16xf32>
      %mul3A_807 = arith.mulf %get3A_768, %get3A_768 : vector<16xf32>
      %add3A_808 = arith.addf %scan3A_733, %mul3A_807 : vector<16xf32>
      %mul3A_809 = arith.mulf %get3A_776, %get3A_776 : vector<16xf32>
      %add3A_810 = arith.addf %scan3A_734, %mul3A_809 : vector<16xf32>
      %mul3A_811 = arith.mulf %get3A_784, %get3A_784 : vector<16xf32>
      %add3A_812 = arith.addf %scan3A_735, %mul3A_811 : vector<16xf32>
      %mul3A_813 = arith.mulf %get3A_792, %get3A_792 : vector<16xf32>
      %add3A_814 = arith.addf %scan3A_736, %mul3A_813 : vector<16xf32>
      %mul3A_815 = arith.mulf %get3A_800, %get3A_800 : vector<16xf32>
      %add3A_816 = arith.addf %scan3A_737, %mul3A_815 : vector<16xf32>
      scf.yield %add3A_802, %add3A_804, %add3A_806, %add3A_808, %add3A_810, %add3A_812, %add3A_814, %add3A_816 : vector<16xf32>, vector<16xf32>, vector<16xf32>, vector<16xf32>, vector<16xf32>, vector<16xf32>, vector<16xf32>, vector<16xf32>
    }
    %scan3A_498 = arith.constant 512 : i32
    "tpu.trace_stop"() : () -> ()
    %add3A_499 = arith.addf %scan3A_497#0, %scan3A_497#1 : vector<16xf32>
    %add3A_500 = arith.addf %add3A_499, %scan3A_497#2 : vector<16xf32>
    %add3A_501 = arith.addf %add3A_500, %scan3A_497#3 : vector<16xf32>
    %add3A_502 = arith.addf %add3A_501, %scan3A_497#4 : vector<16xf32>
    %add3A_503 = arith.addf %add3A_502, %scan3A_497#5 : vector<16xf32>
    %add3A_504 = arith.addf %add3A_503, %scan3A_497#6 : vector<16xf32>
    %add3A_505 = arith.addf %add3A_504, %scan3A_497#7 : vector<16xf32>
    %reduce_sum3A = arith.constant true
    %reduce_sum3A_506 = vector.broadcast %reduce_sum3A : i1 to vector<16xi1>
    %reduce_sum3A_507 = tpu.scan <sum>, %add3A_505 masked %reduce_sum3A_506 : vector<16xf32>, vector<16xi1> -> vector<16xf32>
    %reduce_sum3A_508 = vector.extract %reduce_sum3A_507[15] : f32 from vector<16xf32>
    %broadcast_in_dim3A_509 = vector.broadcast %reduce_sum3A_508 : f32 to vector<16xf32>
    %bitcast3A = vector.bitcast %broadcast_in_dim3A_509 : vector<16xf32> to vector<16xi32>
    %shift_right_logical3A = arith.constant 1 : i32
    %shift_right_logical3A_510 = vector.broadcast %shift_right_logical3A : i32 to vector<16xi32>
    %shift_right_logical3A_511 = arith.shrui %bitcast3A, %shift_right_logical3A_510 : vector<16xi32>
    %sub3A = arith.constant 1597463007 : i32
    %sub3A_512 = vector.broadcast %sub3A : i32 to vector<16xi32>
    %sub3A_513 = arith.subi %sub3A_512, %shift_right_logical3A_511 : vector<16xi32>
    %bitcast3A_514 = vector.bitcast %sub3A_513 : vector<16xi32> to vector<16xf32>
    %mul3A_515 = arith.constant 5.000000e-01 : f32
    %mul3A_516 = vector.broadcast %mul3A_515 : f32 to vector<16xf32>
    %mul3A_517 = arith.mulf %broadcast_in_dim3A_509, %mul3A_516 : vector<16xf32>
    %mul3A_518 = arith.mulf %mul3A_517, %bitcast3A_514 : vector<16xf32>
    %mul3A_519 = arith.mulf %mul3A_518, %bitcast3A_514 : vector<16xf32>
    %sub3A_520 = arith.constant 1.500000e+00 : f32
    %sub3A_521 = vector.broadcast %sub3A_520 : f32 to vector<16xf32>
    %sub3A_522 = arith.subf %sub3A_521, %mul3A_519 : vector<16xf32>
    %mul3A_523 = arith.mulf %bitcast3A_514, %sub3A_522 : vector<16xf32>
    %mul3A_524 = arith.mulf %mul3A_517, %mul3A_523 : vector<16xf32>
    %mul3A_525 = arith.mulf %mul3A_524, %mul3A_523 : vector<16xf32>
    %sub3A_526 = arith.constant 1.500000e+00 : f32
    %sub3A_527 = vector.broadcast %sub3A_526 : f32 to vector<16xf32>
    %sub3A_528 = arith.subf %sub3A_527, %mul3A_525 : vector<16xf32>
    %mul3A_529 = arith.mulf %mul3A_523, %sub3A_528 : vector<16xf32>
    %mul3A_530 = arith.mulf %mul3A_517, %mul3A_529 : vector<16xf32>
    %mul3A_531 = arith.mulf %mul3A_530, %mul3A_529 : vector<16xf32>
    %sub3A_532 = arith.constant 1.500000e+00 : f32
    %sub3A_533 = vector.broadcast %sub3A_532 : f32 to vector<16xf32>
    %sub3A_534 = arith.subf %sub3A_533, %mul3A_531 : vector<16xf32>
    %mul3A_535 = arith.mulf %mul3A_529, %sub3A_534 : vector<16xf32>
    %mul3A_536 = arith.mulf %mul3A_517, %mul3A_535 : vector<16xf32>
    %mul3A_537 = arith.mulf %mul3A_536, %mul3A_535 : vector<16xf32>
    %sub3A_538 = arith.constant 1.500000e+00 : f32
    %sub3A_539 = vector.broadcast %sub3A_538 : f32 to vector<16xf32>
    %sub3A_540 = arith.subf %sub3A_539, %mul3A_537 : vector<16xf32>
    %mul3A_541 = arith.mulf %mul3A_535, %sub3A_540 : vector<16xf32>
    %eq3A = arith.constant 0.000000e+00 : f32
    %eq3A_542 = vector.broadcast %eq3A : f32 to vector<16xf32>
    %eq3A_543 = arith.cmpf oeq, %broadcast_in_dim3A_509, %eq3A_542 : vector<16xf32>
    %jit3A = arith.constant 1.000000e+00 : f32
    %broadcast_in_dim3A_544 = vector.broadcast %jit3A : f32 to vector<16xf32>
    %select_n3A = arith.select %eq3A_543, %broadcast_in_dim3A_544, %mul3A_541 : vector<16xi1>, vector<16xf32>
    %parallel_loop3A_545 = arith.constant 0 : i32
    %parallel_loop3A_546 = arith.constant 512 : i32
    %parallel_loop3A_547 = arith.constant 1 : i32
    "tpu.trace_start"() <{level = 10 : i32, message = "norm_scale_out"}> : () -> ()
    scf.for %parallel_loop3A_729 = %parallel_loop3A_545 to %parallel_loop3A_546 step %parallel_loop3A_547  : i32 {
      %parallel_loop3A_730 = arith.constant 16 : i32
      %parallel_loop3A_731 = arith.muli %parallel_loop3A_729, %parallel_loop3A_730 : i32
      %parallel_loop3A_732 = arith.index_cast %parallel_loop3A_731 : i32 to index
      %parallel_loop3A_733 = tpu.vector_load %arg9[%parallel_loop3A_732] {strides = array<i32>} : memref<65536xf32, #tpu.memory_space<vmem>>, vector<16xf32>,
      %parallel_loop3A_734 = arith.mulf %parallel_loop3A_733, %select_n3A : vector<16xf32>
      %parallel_loop3A_735 = arith.index_cast %parallel_loop3A_731 : i32 to index
      %parallel_loop3A_736 = tpu.vector_load %arg9[%parallel_loop3A_735] {strides = array<i32>} : memref<65536xf32, #tpu.memory_space<vmem>>, vector<16xf32>,
      tpu.vector_store %arg9[%parallel_loop3A_735], %parallel_loop3A_734 {strides = array<i32>} : memref<65536xf32, #tpu.memory_space<vmem>>, vector<16xf32>,
    } {sc.loop_unroll_factor = 8 : i64, sc.parallel_access}
    %dma_start3A_548 = arith.constant 0 : i32
    %dma_start3A_549 = tpu.memref_slice %arg9[%dma_start3A_548] : memref<65536xf32, #tpu.memory_space<vmem>> -> memref<8192xf32, #tpu.memory_space<vmem>>
    %dma_start3A_550 = arith.constant 0 : i32
    %dma_start3A_551 = tpu.memref_slice %arg5[%arg1, %dma_start3A_550] : memref<16x65536xf32, #tpu.memory_space<hbm>> -> memref<1x8192xf32, #tpu.memory_space<hbm>>
    %dma_start3A_552 = tpu.memref_squeeze %dma_start3A_551 : memref<1x8192xf32, #tpu.memory_space<hbm>> -> memref<8192xf32, #tpu.memory_space<hbm>>
    %dma_start3A_553 = arith.constant 0 : i32
    %dma_start3A_554 = tpu.memref_slice %arg5[%arg1, %dma_start3A_553] : memref<16x65536xf32, #tpu.memory_space<hbm>> -> memref<1x8192xf32, #tpu.memory_space<hbm>>
    %dma_start3A_555 = tpu.memref_squeeze %dma_start3A_554 : memref<1x8192xf32, #tpu.memory_space<hbm>> -> memref<8192xf32, #tpu.memory_space<hbm>>
    %dma_start3A_556 = arith.constant 0 : i32
    %dma_start3A_557 = tpu.memref_slice %arg9[%dma_start3A_556] : memref<65536xf32, #tpu.memory_space<vmem>> -> memref<8192xf32, #tpu.memory_space<vmem>>
    tpu.enqueue_dma source(%dma_start3A_557 : memref<8192xf32, #tpu.memory_space<vmem>>) target(%dma_start3A_555 : memref<8192xf32, #tpu.memory_space<hbm>>) target_semaphore(%arg18 : memref<!tpu.dma_semaphore, #tpu.memory_space<semaphore_mem>>)
    %parallel_loop3A_558 = arith.constant 512 : i32
    %parallel_loop3A_559 = arith.constant 1024 : i32
    %parallel_loop3A_560 = arith.constant 1 : i32
    scf.for %parallel_loop3A_729 = %parallel_loop3A_558 to %parallel_loop3A_559 step %parallel_loop3A_560  : i32 {
      %parallel_loop3A_730 = arith.constant 16 : i32
      %parallel_loop3A_731 = arith.muli %parallel_loop3A_729, %parallel_loop3A_730 : i32
      %parallel_loop3A_732 = arith.index_cast %parallel_loop3A_731 : i32 to index
      %parallel_loop3A_733 = tpu.vector_load %arg9[%parallel_loop3A_732] {strides = array<i32>} : memref<65536xf32, #tpu.memory_space<vmem>>, vector<16xf32>,
      %parallel_loop3A_734 = arith.mulf %parallel_loop3A_733, %select_n3A : vector<16xf32>
      %parallel_loop3A_735 = arith.index_cast %parallel_loop3A_731 : i32 to index
      %parallel_loop3A_736 = tpu.vector_load %arg9[%parallel_loop3A_735] {strides = array<i32>} : memref<65536xf32, #tpu.memory_space<vmem>>, vector<16xf32>,
      tpu.vector_store %arg9[%parallel_loop3A_735], %parallel_loop3A_734 {strides = array<i32>} : memref<65536xf32, #tpu.memory_space<vmem>>, vector<16xf32>,
    } {sc.loop_unroll_factor = 8 : i64, sc.parallel_access}
    %dma_start3A_561 = arith.constant 8192 : i32
    %dma_start3A_562 = tpu.memref_slice %arg9[%dma_start3A_561] : memref<65536xf32, #tpu.memory_space<vmem>> -> memref<8192xf32, #tpu.memory_space<vmem>>
    %dma_start3A_563 = arith.constant 8192 : i32
    %dma_start3A_564 = tpu.memref_slice %arg5[%arg1, %dma_start3A_563] : memref<16x65536xf32, #tpu.memory_space<hbm>> -> memref<1x8192xf32, #tpu.memory_space<hbm>>
    %dma_start3A_565 = tpu.memref_squeeze %dma_start3A_564 : memref<1x8192xf32, #tpu.memory_space<hbm>> -> memref<8192xf32, #tpu.memory_space<hbm>>
    %dma_start3A_566 = arith.constant 8192 : i32
    %dma_start3A_567 = tpu.memref_slice %arg5[%arg1, %dma_start3A_566] : memref<16x65536xf32, #tpu.memory_space<hbm>> -> memref<1x8192xf32, #tpu.memory_space<hbm>>
    %dma_start3A_568 = tpu.memref_squeeze %dma_start3A_567 : memref<1x8192xf32, #tpu.memory_space<hbm>> -> memref<8192xf32, #tpu.memory_space<hbm>>
    %dma_start3A_569 = arith.constant 8192 : i32
    %dma_start3A_570 = tpu.memref_slice %arg9[%dma_start3A_569] : memref<65536xf32, #tpu.memory_space<vmem>> -> memref<8192xf32, #tpu.memory_space<vmem>>
    tpu.enqueue_dma source(%dma_start3A_570 : memref<8192xf32, #tpu.memory_space<vmem>>) target(%dma_start3A_568 : memref<8192xf32, #tpu.memory_space<hbm>>) target_semaphore(%arg19 : memref<!tpu.dma_semaphore, #tpu.memory_space<semaphore_mem>>)
    %parallel_loop3A_571 = arith.constant 1024 : i32
    %parallel_loop3A_572 = arith.constant 1536 : i32
    %parallel_loop3A_573 = arith.constant 1 : i32
    scf.for %parallel_loop3A_729 = %parallel_loop3A_571 to %parallel_loop3A_572 step %parallel_loop3A_573  : i32 {
      %parallel_loop3A_730 = arith.constant 16 : i32
      %parallel_loop3A_731 = arith.muli %parallel_loop3A_729, %parallel_loop3A_730 : i32
      %parallel_loop3A_732 = arith.index_cast %parallel_loop3A_731 : i32 to index
      %parallel_loop3A_733 = tpu.vector_load %arg9[%parallel_loop3A_732] {strides = array<i32>} : memref<65536xf32, #tpu.memory_space<vmem>>, vector<16xf32>,
      %parallel_loop3A_734 = arith.mulf %parallel_loop3A_733, %select_n3A : vector<16xf32>
      %parallel_loop3A_735 = arith.index_cast %parallel_loop3A_731 : i32 to index
      %parallel_loop3A_736 = tpu.vector_load %arg9[%parallel_loop3A_735] {strides = array<i32>} : memref<65536xf32, #tpu.memory_space<vmem>>, vector<16xf32>,
      tpu.vector_store %arg9[%parallel_loop3A_735], %parallel_loop3A_734 {strides = array<i32>} : memref<65536xf32, #tpu.memory_space<vmem>>, vector<16xf32>,
    } {sc.loop_unroll_factor = 8 : i64, sc.parallel_access}
    %dma_start3A_574 = arith.constant 16384 : i32
    %dma_start3A_575 = tpu.memref_slice %arg9[%dma_start3A_574] : memref<65536xf32, #tpu.memory_space<vmem>> -> memref<8192xf32, #tpu.memory_space<vmem>>
    %dma_start3A_576 = arith.constant 16384 : i32
    %dma_start3A_577 = tpu.memref_slice %arg5[%arg1, %dma_start3A_576] : memref<16x65536xf32, #tpu.memory_space<hbm>> -> memref<1x8192xf32, #tpu.memory_space<hbm>>
    %dma_start3A_578 = tpu.memref_squeeze %dma_start3A_577 : memref<1x8192xf32, #tpu.memory_space<hbm>> -> memref<8192xf32, #tpu.memory_space<hbm>>
    %dma_start3A_579 = arith.constant 16384 : i32
    %dma_start3A_580 = tpu.memref_slice %arg5[%arg1, %dma_start3A_579] : memref<16x65536xf32, #tpu.memory_space<hbm>> -> memref<1x8192xf32, #tpu.memory_space<hbm>>
    %dma_start3A_581 = tpu.memref_squeeze %dma_start3A_580 : memref<1x8192xf32, #tpu.memory_space<hbm>> -> memref<8192xf32, #tpu.memory_space<hbm>>
    %dma_start3A_582 = arith.constant 16384 : i32
    %dma_start3A_583 = tpu.memref_slice %arg9[%dma_start3A_582] : memref<65536xf32, #tpu.memory_space<vmem>> -> memref<8192xf32, #tpu.memory_space<vmem>>
    tpu.enqueue_dma source(%dma_start3A_583 : memref<8192xf32, #tpu.memory_space<vmem>>) target(%dma_start3A_581 : memref<8192xf32, #tpu.memory_space<hbm>>) target_semaphore(%arg18 : memref<!tpu.dma_semaphore, #tpu.memory_space<semaphore_mem>>)
    %parallel_loop3A_584 = arith.constant 1536 : i32
    %parallel_loop3A_585 = arith.constant 2048 : i32
    %parallel_loop3A_586 = arith.constant 1 : i32
    scf.for %parallel_loop3A_729 = %parallel_loop3A_584 to %parallel_loop3A_585 step %parallel_loop3A_586  : i32 {
      %parallel_loop3A_730 = arith.constant 16 : i32
      %parallel_loop3A_731 = arith.muli %parallel_loop3A_729, %parallel_loop3A_730 : i32
      %parallel_loop3A_732 = arith.index_cast %parallel_loop3A_731 : i32 to index
      %parallel_loop3A_733 = tpu.vector_load %arg9[%parallel_loop3A_732] {strides = array<i32>} : memref<65536xf32, #tpu.memory_space<vmem>>, vector<16xf32>,
      %parallel_loop3A_734 = arith.mulf %parallel_loop3A_733, %select_n3A : vector<16xf32>
      %parallel_loop3A_735 = arith.index_cast %parallel_loop3A_731 : i32 to index
      %parallel_loop3A_736 = tpu.vector_load %arg9[%parallel_loop3A_735] {strides = array<i32>} : memref<65536xf32, #tpu.memory_space<vmem>>, vector<16xf32>,
      tpu.vector_store %arg9[%parallel_loop3A_735], %parallel_loop3A_734 {strides = array<i32>} : memref<65536xf32, #tpu.memory_space<vmem>>, vector<16xf32>,
    } {sc.loop_unroll_factor = 8 : i64, sc.parallel_access}
    %dma_start3A_587 = arith.constant 24576 : i32
    %dma_start3A_588 = tpu.memref_slice %arg9[%dma_start3A_587] : memref<65536xf32, #tpu.memory_space<vmem>> -> memref<8192xf32, #tpu.memory_space<vmem>>
    %dma_start3A_589 = arith.constant 24576 : i32
    %dma_start3A_590 = tpu.memref_slice %arg5[%arg1, %dma_start3A_589] : memref<16x65536xf32, #tpu.memory_space<hbm>> -> memref<1x8192xf32, #tpu.memory_space<hbm>>
    %dma_start3A_591 = tpu.memref_squeeze %dma_start3A_590 : memref<1x8192xf32, #tpu.memory_space<hbm>> -> memref<8192xf32, #tpu.memory_space<hbm>>
    %dma_start3A_592 = arith.constant 24576 : i32
    %dma_start3A_593 = tpu.memref_slice %arg5[%arg1, %dma_start3A_592] : memref<16x65536xf32, #tpu.memory_space<hbm>> -> memref<1x8192xf32, #tpu.memory_space<hbm>>
    %dma_start3A_594 = tpu.memref_squeeze %dma_start3A_593 : memref<1x8192xf32, #tpu.memory_space<hbm>> -> memref<8192xf32, #tpu.memory_space<hbm>>
    %dma_start3A_595 = arith.constant 24576 : i32
    %dma_start3A_596 = tpu.memref_slice %arg9[%dma_start3A_595] : memref<65536xf32, #tpu.memory_space<vmem>> -> memref<8192xf32, #tpu.memory_space<vmem>>
    tpu.enqueue_dma source(%dma_start3A_596 : memref<8192xf32, #tpu.memory_space<vmem>>) target(%dma_start3A_594 : memref<8192xf32, #tpu.memory_space<hbm>>) target_semaphore(%arg19 : memref<!tpu.dma_semaphore, #tpu.memory_space<semaphore_mem>>)
    %parallel_loop3A_597 = arith.constant 2048 : i32
    %parallel_loop3A_598 = arith.constant 2560 : i32
    %parallel_loop3A_599 = arith.constant 1 : i32
    scf.for %parallel_loop3A_729 = %parallel_loop3A_597 to %parallel_loop3A_598 step %parallel_loop3A_599  : i32 {
      %parallel_loop3A_730 = arith.constant 16 : i32
      %parallel_loop3A_731 = arith.muli %parallel_loop3A_729, %parallel_loop3A_730 : i32
      %parallel_loop3A_732 = arith.index_cast %parallel_loop3A_731 : i32 to index
      %parallel_loop3A_733 = tpu.vector_load %arg9[%parallel_loop3A_732] {strides = array<i32>} : memref<65536xf32, #tpu.memory_space<vmem>>, vector<16xf32>,
      %parallel_loop3A_734 = arith.mulf %parallel_loop3A_733, %select_n3A : vector<16xf32>
      %parallel_loop3A_735 = arith.index_cast %parallel_loop3A_731 : i32 to index
      %parallel_loop3A_736 = tpu.vector_load %arg9[%parallel_loop3A_735] {strides = array<i32>} : memref<65536xf32, #tpu.memory_space<vmem>>, vector<16xf32>,
      tpu.vector_store %arg9[%parallel_loop3A_735], %parallel_loop3A_734 {strides = array<i32>} : memref<65536xf32, #tpu.memory_space<vmem>>, vector<16xf32>,
    } {sc.loop_unroll_factor = 8 : i64, sc.parallel_access}
    %dma_start3A_600 = arith.constant 32768 : i32
    %dma_start3A_601 = tpu.memref_slice %arg9[%dma_start3A_600] : memref<65536xf32, #tpu.memory_space<vmem>> -> memref<8192xf32, #tpu.memory_space<vmem>>
    %dma_start3A_602 = arith.constant 32768 : i32
    %dma_start3A_603 = tpu.memref_slice %arg5[%arg1, %dma_start3A_602] : memref<16x65536xf32, #tpu.memory_space<hbm>> -> memref<1x8192xf32, #tpu.memory_space<hbm>>
    %dma_start3A_604 = tpu.memref_squeeze %dma_start3A_603 : memref<1x8192xf32, #tpu.memory_space<hbm>> -> memref<8192xf32, #tpu.memory_space<hbm>>
    %dma_start3A_605 = arith.constant 32768 : i32
    %dma_start3A_606 = tpu.memref_slice %arg5[%arg1, %dma_start3A_605] : memref<16x65536xf32, #tpu.memory_space<hbm>> -> memref<1x8192xf32, #tpu.memory_space<hbm>>
    %dma_start3A_607 = tpu.memref_squeeze %dma_start3A_606 : memref<1x8192xf32, #tpu.memory_space<hbm>> -> memref<8192xf32, #tpu.memory_space<hbm>>
    %dma_start3A_608 = arith.constant 32768 : i32
    %dma_start3A_609 = tpu.memref_slice %arg9[%dma_start3A_608] : memref<65536xf32, #tpu.memory_space<vmem>> -> memref<8192xf32, #tpu.memory_space<vmem>>
    tpu.enqueue_dma source(%dma_start3A_609 : memref<8192xf32, #tpu.memory_space<vmem>>) target(%dma_start3A_607 : memref<8192xf32, #tpu.memory_space<hbm>>) target_semaphore(%arg18 : memref<!tpu.dma_semaphore, #tpu.memory_space<semaphore_mem>>)
    %parallel_loop3A_610 = arith.constant 2560 : i32
    %parallel_loop3A_611 = arith.constant 3072 : i32
    %parallel_loop3A_612 = arith.constant 1 : i32
    scf.for %parallel_loop3A_729 = %parallel_loop3A_610 to %parallel_loop3A_611 step %parallel_loop3A_612  : i32 {
      %parallel_loop3A_730 = arith.constant 16 : i32
      %parallel_loop3A_731 = arith.muli %parallel_loop3A_729, %parallel_loop3A_730 : i32
      %parallel_loop3A_732 = arith.index_cast %parallel_loop3A_731 : i32 to index
      %parallel_loop3A_733 = tpu.vector_load %arg9[%parallel_loop3A_732] {strides = array<i32>} : memref<65536xf32, #tpu.memory_space<vmem>>, vector<16xf32>,
      %parallel_loop3A_734 = arith.mulf %parallel_loop3A_733, %select_n3A : vector<16xf32>
      %parallel_loop3A_735 = arith.index_cast %parallel_loop3A_731 : i32 to index
      %parallel_loop3A_736 = tpu.vector_load %arg9[%parallel_loop3A_735] {strides = array<i32>} : memref<65536xf32, #tpu.memory_space<vmem>>, vector<16xf32>,
      tpu.vector_store %arg9[%parallel_loop3A_735], %parallel_loop3A_734 {strides = array<i32>} : memref<65536xf32, #tpu.memory_space<vmem>>, vector<16xf32>,
    } {sc.loop_unroll_factor = 8 : i64, sc.parallel_access}
    %dma_start3A_613 = arith.constant 40960 : i32
    %dma_start3A_614 = tpu.memref_slice %arg9[%dma_start3A_613] : memref<65536xf32, #tpu.memory_space<vmem>> -> memref<8192xf32, #tpu.memory_space<vmem>>
    %dma_start3A_615 = arith.constant 40960 : i32
    %dma_start3A_616 = tpu.memref_slice %arg5[%arg1, %dma_start3A_615] : memref<16x65536xf32, #tpu.memory_space<hbm>> -> memref<1x8192xf32, #tpu.memory_space<hbm>>
    %dma_start3A_617 = tpu.memref_squeeze %dma_start3A_616 : memref<1x8192xf32, #tpu.memory_space<hbm>> -> memref<8192xf32, #tpu.memory_space<hbm>>
    %dma_start3A_618 = arith.constant 40960 : i32
    %dma_start3A_619 = tpu.memref_slice %arg5[%arg1, %dma_start3A_618] : memref<16x65536xf32, #tpu.memory_space<hbm>> -> memref<1x8192xf32, #tpu.memory_space<hbm>>
    %dma_start3A_620 = tpu.memref_squeeze %dma_start3A_619 : memref<1x8192xf32, #tpu.memory_space<hbm>> -> memref<8192xf32, #tpu.memory_space<hbm>>
    %dma_start3A_621 = arith.constant 40960 : i32
    %dma_start3A_622 = tpu.memref_slice %arg9[%dma_start3A_621] : memref<65536xf32, #tpu.memory_space<vmem>> -> memref<8192xf32, #tpu.memory_space<vmem>>
    tpu.enqueue_dma source(%dma_start3A_622 : memref<8192xf32, #tpu.memory_space<vmem>>) target(%dma_start3A_620 : memref<8192xf32, #tpu.memory_space<hbm>>) target_semaphore(%arg19 : memref<!tpu.dma_semaphore, #tpu.memory_space<semaphore_mem>>)
    %parallel_loop3A_623 = arith.constant 3072 : i32
    %parallel_loop3A_624 = arith.constant 3584 : i32
    %parallel_loop3A_625 = arith.constant 1 : i32
    scf.for %parallel_loop3A_729 = %parallel_loop3A_623 to %parallel_loop3A_624 step %parallel_loop3A_625  : i32 {
      %parallel_loop3A_730 = arith.constant 16 : i32
      %parallel_loop3A_731 = arith.muli %parallel_loop3A_729, %parallel_loop3A_730 : i32
      %parallel_loop3A_732 = arith.index_cast %parallel_loop3A_731 : i32 to index
      %parallel_loop3A_733 = tpu.vector_load %arg9[%parallel_loop3A_732] {strides = array<i32>} : memref<65536xf32, #tpu.memory_space<vmem>>, vector<16xf32>,
      %parallel_loop3A_734 = arith.mulf %parallel_loop3A_733, %select_n3A : vector<16xf32>
      %parallel_loop3A_735 = arith.index_cast %parallel_loop3A_731 : i32 to index
      %parallel_loop3A_736 = tpu.vector_load %arg9[%parallel_loop3A_735] {strides = array<i32>} : memref<65536xf32, #tpu.memory_space<vmem>>, vector<16xf32>,
      tpu.vector_store %arg9[%parallel_loop3A_735], %parallel_loop3A_734 {strides = array<i32>} : memref<65536xf32, #tpu.memory_space<vmem>>, vector<16xf32>,
    } {sc.loop_unroll_factor = 8 : i64, sc.parallel_access}
    %dma_start3A_626 = arith.constant 49152 : i32
    %dma_start3A_627 = tpu.memref_slice %arg9[%dma_start3A_626] : memref<65536xf32, #tpu.memory_space<vmem>> -> memref<8192xf32, #tpu.memory_space<vmem>>
    %dma_start3A_628 = arith.constant 49152 : i32
    %dma_start3A_629 = tpu.memref_slice %arg5[%arg1, %dma_start3A_628] : memref<16x65536xf32, #tpu.memory_space<hbm>> -> memref<1x8192xf32, #tpu.memory_space<hbm>>
    %dma_start3A_630 = tpu.memref_squeeze %dma_start3A_629 : memref<1x8192xf32, #tpu.memory_space<hbm>> -> memref<8192xf32, #tpu.memory_space<hbm>>
    %dma_start3A_631 = arith.constant 49152 : i32
    %dma_start3A_632 = tpu.memref_slice %arg5[%arg1, %dma_start3A_631] : memref<16x65536xf32, #tpu.memory_space<hbm>> -> memref<1x8192xf32, #tpu.memory_space<hbm>>
    %dma_start3A_633 = tpu.memref_squeeze %dma_start3A_632 : memref<1x8192xf32, #tpu.memory_space<hbm>> -> memref<8192xf32, #tpu.memory_space<hbm>>
    %dma_start3A_634 = arith.constant 49152 : i32
    %dma_start3A_635 = tpu.memref_slice %arg9[%dma_start3A_634] : memref<65536xf32, #tpu.memory_space<vmem>> -> memref<8192xf32, #tpu.memory_space<vmem>>
    tpu.enqueue_dma source(%dma_start3A_635 : memref<8192xf32, #tpu.memory_space<vmem>>) target(%dma_start3A_633 : memref<8192xf32, #tpu.memory_space<hbm>>) target_semaphore(%arg18 : memref<!tpu.dma_semaphore, #tpu.memory_space<semaphore_mem>>)
    %parallel_loop3A_636 = arith.constant 3584 : i32
    %parallel_loop3A_637 = arith.constant 4096 : i32
    %parallel_loop3A_638 = arith.constant 1 : i32
    scf.for %parallel_loop3A_729 = %parallel_loop3A_636 to %parallel_loop3A_637 step %parallel_loop3A_638  : i32 {
      %parallel_loop3A_730 = arith.constant 16 : i32
      %parallel_loop3A_731 = arith.muli %parallel_loop3A_729, %parallel_loop3A_730 : i32
      %parallel_loop3A_732 = arith.index_cast %parallel_loop3A_731 : i32 to index
      %parallel_loop3A_733 = tpu.vector_load %arg9[%parallel_loop3A_732] {strides = array<i32>} : memref<65536xf32, #tpu.memory_space<vmem>>, vector<16xf32>,
      %parallel_loop3A_734 = arith.mulf %parallel_loop3A_733, %select_n3A : vector<16xf32>
      %parallel_loop3A_735 = arith.index_cast %parallel_loop3A_731 : i32 to index
      %parallel_loop3A_736 = tpu.vector_load %arg9[%parallel_loop3A_735] {strides = array<i32>} : memref<65536xf32, #tpu.memory_space<vmem>>, vector<16xf32>,
      tpu.vector_store %arg9[%parallel_loop3A_735], %parallel_loop3A_734 {strides = array<i32>} : memref<65536xf32, #tpu.memory_space<vmem>>, vector<16xf32>,
    } {sc.loop_unroll_factor = 8 : i64, sc.parallel_access}
    %dma_start3A_639 = arith.constant 57344 : i32
    %dma_start3A_640 = tpu.memref_slice %arg9[%dma_start3A_639] : memref<65536xf32, #tpu.memory_space<vmem>> -> memref<8192xf32, #tpu.memory_space<vmem>>
    %dma_start3A_641 = arith.constant 57344 : i32
    %dma_start3A_642 = tpu.memref_slice %arg5[%arg1, %dma_start3A_641] : memref<16x65536xf32, #tpu.memory_space<hbm>> -> memref<1x8192xf32, #tpu.memory_space<hbm>>
    %dma_start3A_643 = tpu.memref_squeeze %dma_start3A_642 : memref<1x8192xf32, #tpu.memory_space<hbm>> -> memref<8192xf32, #tpu.memory_space<hbm>>
    %dma_start3A_644 = arith.constant 57344 : i32
    %dma_start3A_645 = tpu.memref_slice %arg5[%arg1, %dma_start3A_644] : memref<16x65536xf32, #tpu.memory_space<hbm>> -> memref<1x8192xf32, #tpu.memory_space<hbm>>
    %dma_start3A_646 = tpu.memref_squeeze %dma_start3A_645 : memref<1x8192xf32, #tpu.memory_space<hbm>> -> memref<8192xf32, #tpu.memory_space<hbm>>
    %dma_start3A_647 = arith.constant 57344 : i32
    %dma_start3A_648 = tpu.memref_slice %arg9[%dma_start3A_647] : memref<65536xf32, #tpu.memory_space<vmem>> -> memref<8192xf32, #tpu.memory_space<vmem>>
    tpu.enqueue_dma source(%dma_start3A_648 : memref<8192xf32, #tpu.memory_space<vmem>>) target(%dma_start3A_646 : memref<8192xf32, #tpu.memory_space<hbm>>) target_semaphore(%arg19 : memref<!tpu.dma_semaphore, #tpu.memory_space<semaphore_mem>>)
    %dma_wait3A_649 = arith.constant 0 : i32
    %dma_wait3A_650 = tpu.memref_slice %arg9[%dma_wait3A_649] : memref<65536xf32, #tpu.memory_space<vmem>> -> memref<8192xf32, #tpu.memory_space<vmem>>
    %dma_wait3A_651 = arith.constant 0 : i32
    %dma_wait3A_652 = tpu.memref_slice %arg5[%arg1, %dma_wait3A_651] : memref<16x65536xf32, #tpu.memory_space<hbm>> -> memref<1x8192xf32, #tpu.memory_space<hbm>>
    %dma_wait3A_653 = tpu.memref_squeeze %dma_wait3A_652 : memref<1x8192xf32, #tpu.memory_space<hbm>> -> memref<8192xf32, #tpu.memory_space<hbm>>
    %dma_wait3A_654 = arith.constant 0 : i32
    %dma_wait3A_655 = tpu.memref_slice %arg5[%arg1, %dma_wait3A_654] : memref<16x65536xf32, #tpu.memory_space<hbm>> -> memref<1x8192xf32, #tpu.memory_space<hbm>>
    %dma_wait3A_656 = tpu.memref_squeeze %dma_wait3A_655 : memref<1x8192xf32, #tpu.memory_space<hbm>> -> memref<8192xf32, #tpu.memory_space<hbm>>
    %dma_wait3A_657 = arith.constant 0 : i32
    %dma_wait3A_658 = tpu.memref_slice %arg9[%dma_wait3A_657] : memref<65536xf32, #tpu.memory_space<vmem>> -> memref<8192xf32, #tpu.memory_space<vmem>>
    tpu.wait_dma2 semaphore(%arg18 : memref<!tpu.dma_semaphore, #tpu.memory_space<semaphore_mem>>) src(%dma_wait3A_658 : memref<8192xf32, #tpu.memory_space<vmem>>) dst(%dma_wait3A_656 : memref<8192xf32, #tpu.memory_space<hbm>>)
    %dma_wait3A_659 = arith.constant 8192 : i32
    %dma_wait3A_660 = tpu.memref_slice %arg9[%dma_wait3A_659] : memref<65536xf32, #tpu.memory_space<vmem>> -> memref<8192xf32, #tpu.memory_space<vmem>>
    %dma_wait3A_661 = arith.constant 8192 : i32
    %dma_wait3A_662 = tpu.memref_slice %arg5[%arg1, %dma_wait3A_661] : memref<16x65536xf32, #tpu.memory_space<hbm>> -> memref<1x8192xf32, #tpu.memory_space<hbm>>
    %dma_wait3A_663 = tpu.memref_squeeze %dma_wait3A_662 : memref<1x8192xf32, #tpu.memory_space<hbm>> -> memref<8192xf32, #tpu.memory_space<hbm>>
    %dma_wait3A_664 = arith.constant 8192 : i32
    %dma_wait3A_665 = tpu.memref_slice %arg5[%arg1, %dma_wait3A_664] : memref<16x65536xf32, #tpu.memory_space<hbm>> -> memref<1x8192xf32, #tpu.memory_space<hbm>>
    %dma_wait3A_666 = tpu.memref_squeeze %dma_wait3A_665 : memref<1x8192xf32, #tpu.memory_space<hbm>> -> memref<8192xf32, #tpu.memory_space<hbm>>
    %dma_wait3A_667 = arith.constant 8192 : i32
    %dma_wait3A_668 = tpu.memref_slice %arg9[%dma_wait3A_667] : memref<65536xf32, #tpu.memory_space<vmem>> -> memref<8192xf32, #tpu.memory_space<vmem>>
    tpu.wait_dma2 semaphore(%arg19 : memref<!tpu.dma_semaphore, #tpu.memory_space<semaphore_mem>>) src(%dma_wait3A_668 : memref<8192xf32, #tpu.memory_space<vmem>>) dst(%dma_wait3A_666 : memref<8192xf32, #tpu.memory_space<hbm>>)
    %dma_wait3A_669 = arith.constant 16384 : i32
    %dma_wait3A_670 = tpu.memref_slice %arg9[%dma_wait3A_669] : memref<65536xf32, #tpu.memory_space<vmem>> -> memref<8192xf32, #tpu.memory_space<vmem>>
    %dma_wait3A_671 = arith.constant 16384 : i32
    %dma_wait3A_672 = tpu.memref_slice %arg5[%arg1, %dma_wait3A_671] : memref<16x65536xf32, #tpu.memory_space<hbm>> -> memref<1x8192xf32, #tpu.memory_space<hbm>>
    %dma_wait3A_673 = tpu.memref_squeeze %dma_wait3A_672 : memref<1x8192xf32, #tpu.memory_space<hbm>> -> memref<8192xf32, #tpu.memory_space<hbm>>
    %dma_wait3A_674 = arith.constant 16384 : i32
    %dma_wait3A_675 = tpu.memref_slice %arg5[%arg1, %dma_wait3A_674] : memref<16x65536xf32, #tpu.memory_space<hbm>> -> memref<1x8192xf32, #tpu.memory_space<hbm>>
    %dma_wait3A_676 = tpu.memref_squeeze %dma_wait3A_675 : memref<1x8192xf32, #tpu.memory_space<hbm>> -> memref<8192xf32, #tpu.memory_space<hbm>>
    %dma_wait3A_677 = arith.constant 16384 : i32
    %dma_wait3A_678 = tpu.memref_slice %arg9[%dma_wait3A_677] : memref<65536xf32, #tpu.memory_space<vmem>> -> memref<8192xf32, #tpu.memory_space<vmem>>
    tpu.wait_dma2 semaphore(%arg18 : memref<!tpu.dma_semaphore, #tpu.memory_space<semaphore_mem>>) src(%dma_wait3A_678 : memref<8192xf32, #tpu.memory_space<vmem>>) dst(%dma_wait3A_676 : memref<8192xf32, #tpu.memory_space<hbm>>)
    %dma_wait3A_679 = arith.constant 24576 : i32
    %dma_wait3A_680 = tpu.memref_slice %arg9[%dma_wait3A_679] : memref<65536xf32, #tpu.memory_space<vmem>> -> memref<8192xf32, #tpu.memory_space<vmem>>
    %dma_wait3A_681 = arith.constant 24576 : i32
    %dma_wait3A_682 = tpu.memref_slice %arg5[%arg1, %dma_wait3A_681] : memref<16x65536xf32, #tpu.memory_space<hbm>> -> memref<1x8192xf32, #tpu.memory_space<hbm>>
    %dma_wait3A_683 = tpu.memref_squeeze %dma_wait3A_682 : memref<1x8192xf32, #tpu.memory_space<hbm>> -> memref<8192xf32, #tpu.memory_space<hbm>>
    %dma_wait3A_684 = arith.constant 24576 : i32
    %dma_wait3A_685 = tpu.memref_slice %arg5[%arg1, %dma_wait3A_684] : memref<16x65536xf32, #tpu.memory_space<hbm>> -> memref<1x8192xf32, #tpu.memory_space<hbm>>
    %dma_wait3A_686 = tpu.memref_squeeze %dma_wait3A_685 : memref<1x8192xf32, #tpu.memory_space<hbm>> -> memref<8192xf32, #tpu.memory_space<hbm>>
    %dma_wait3A_687 = arith.constant 24576 : i32
    %dma_wait3A_688 = tpu.memref_slice %arg9[%dma_wait3A_687] : memref<65536xf32, #tpu.memory_space<vmem>> -> memref<8192xf32, #tpu.memory_space<vmem>>
    tpu.wait_dma2 semaphore(%arg19 : memref<!tpu.dma_semaphore, #tpu.memory_space<semaphore_mem>>) src(%dma_wait3A_688 : memref<8192xf32, #tpu.memory_space<vmem>>) dst(%dma_wait3A_686 : memref<8192xf32, #tpu.memory_space<hbm>>)
    %dma_wait3A_689 = arith.constant 32768 : i32
    %dma_wait3A_690 = tpu.memref_slice %arg9[%dma_wait3A_689] : memref<65536xf32, #tpu.memory_space<vmem>> -> memref<8192xf32, #tpu.memory_space<vmem>>
    %dma_wait3A_691 = arith.constant 32768 : i32
    %dma_wait3A_692 = tpu.memref_slice %arg5[%arg1, %dma_wait3A_691] : memref<16x65536xf32, #tpu.memory_space<hbm>> -> memref<1x8192xf32, #tpu.memory_space<hbm>>
    %dma_wait3A_693 = tpu.memref_squeeze %dma_wait3A_692 : memref<1x8192xf32, #tpu.memory_space<hbm>> -> memref<8192xf32, #tpu.memory_space<hbm>>
    %dma_wait3A_694 = arith.constant 32768 : i32
    %dma_wait3A_695 = tpu.memref_slice %arg5[%arg1, %dma_wait3A_694] : memref<16x65536xf32, #tpu.memory_space<hbm>> -> memref<1x8192xf32, #tpu.memory_space<hbm>>
    %dma_wait3A_696 = tpu.memref_squeeze %dma_wait3A_695 : memref<1x8192xf32, #tpu.memory_space<hbm>> -> memref<8192xf32, #tpu.memory_space<hbm>>
    %dma_wait3A_697 = arith.constant 32768 : i32
    %dma_wait3A_698 = tpu.memref_slice %arg9[%dma_wait3A_697] : memref<65536xf32, #tpu.memory_space<vmem>> -> memref<8192xf32, #tpu.memory_space<vmem>>
    tpu.wait_dma2 semaphore(%arg18 : memref<!tpu.dma_semaphore, #tpu.memory_space<semaphore_mem>>) src(%dma_wait3A_698 : memref<8192xf32, #tpu.memory_space<vmem>>) dst(%dma_wait3A_696 : memref<8192xf32, #tpu.memory_space<hbm>>)
    %dma_wait3A_699 = arith.constant 40960 : i32
    %dma_wait3A_700 = tpu.memref_slice %arg9[%dma_wait3A_699] : memref<65536xf32, #tpu.memory_space<vmem>> -> memref<8192xf32, #tpu.memory_space<vmem>>
    %dma_wait3A_701 = arith.constant 40960 : i32
    %dma_wait3A_702 = tpu.memref_slice %arg5[%arg1, %dma_wait3A_701] : memref<16x65536xf32, #tpu.memory_space<hbm>> -> memref<1x8192xf32, #tpu.memory_space<hbm>>
    %dma_wait3A_703 = tpu.memref_squeeze %dma_wait3A_702 : memref<1x8192xf32, #tpu.memory_space<hbm>> -> memref<8192xf32, #tpu.memory_space<hbm>>
    %dma_wait3A_704 = arith.constant 40960 : i32
    %dma_wait3A_705 = tpu.memref_slice %arg5[%arg1, %dma_wait3A_704] : memref<16x65536xf32, #tpu.memory_space<hbm>> -> memref<1x8192xf32, #tpu.memory_space<hbm>>
    %dma_wait3A_706 = tpu.memref_squeeze %dma_wait3A_705 : memref<1x8192xf32, #tpu.memory_space<hbm>> -> memref<8192xf32, #tpu.memory_space<hbm>>
    %dma_wait3A_707 = arith.constant 40960 : i32
    %dma_wait3A_708 = tpu.memref_slice %arg9[%dma_wait3A_707] : memref<65536xf32, #tpu.memory_space<vmem>> -> memref<8192xf32, #tpu.memory_space<vmem>>
    tpu.wait_dma2 semaphore(%arg19 : memref<!tpu.dma_semaphore, #tpu.memory_space<semaphore_mem>>) src(%dma_wait3A_708 : memref<8192xf32, #tpu.memory_space<vmem>>) dst(%dma_wait3A_706 : memref<8192xf32, #tpu.memory_space<hbm>>)
    %dma_wait3A_709 = arith.constant 49152 : i32
    %dma_wait3A_710 = tpu.memref_slice %arg9[%dma_wait3A_709] : memref<65536xf32, #tpu.memory_space<vmem>> -> memref<8192xf32, #tpu.memory_space<vmem>>
    %dma_wait3A_711 = arith.constant 49152 : i32
    %dma_wait3A_712 = tpu.memref_slice %arg5[%arg1, %dma_wait3A_711] : memref<16x65536xf32, #tpu.memory_space<hbm>> -> memref<1x8192xf32, #tpu.memory_space<hbm>>
    %dma_wait3A_713 = tpu.memref_squeeze %dma_wait3A_712 : memref<1x8192xf32, #tpu.memory_space<hbm>> -> memref<8192xf32, #tpu.memory_space<hbm>>
    %dma_wait3A_714 = arith.constant 49152 : i32
    %dma_wait3A_715 = tpu.memref_slice %arg5[%arg1, %dma_wait3A_714] : memref<16x65536xf32, #tpu.memory_space<hbm>> -> memref<1x8192xf32, #tpu.memory_space<hbm>>
    %dma_wait3A_716 = tpu.memref_squeeze %dma_wait3A_715 : memref<1x8192xf32, #tpu.memory_space<hbm>> -> memref<8192xf32, #tpu.memory_space<hbm>>
    %dma_wait3A_717 = arith.constant 49152 : i32
    %dma_wait3A_718 = tpu.memref_slice %arg9[%dma_wait3A_717] : memref<65536xf32, #tpu.memory_space<vmem>> -> memref<8192xf32, #tpu.memory_space<vmem>>
    tpu.wait_dma2 semaphore(%arg18 : memref<!tpu.dma_semaphore, #tpu.memory_space<semaphore_mem>>) src(%dma_wait3A_718 : memref<8192xf32, #tpu.memory_space<vmem>>) dst(%dma_wait3A_716 : memref<8192xf32, #tpu.memory_space<hbm>>)
    %dma_wait3A_719 = arith.constant 57344 : i32
    %dma_wait3A_720 = tpu.memref_slice %arg9[%dma_wait3A_719] : memref<65536xf32, #tpu.memory_space<vmem>> -> memref<8192xf32, #tpu.memory_space<vmem>>
    %dma_wait3A_721 = arith.constant 57344 : i32
    %dma_wait3A_722 = tpu.memref_slice %arg5[%arg1, %dma_wait3A_721] : memref<16x65536xf32, #tpu.memory_space<hbm>> -> memref<1x8192xf32, #tpu.memory_space<hbm>>
    %dma_wait3A_723 = tpu.memref_squeeze %dma_wait3A_722 : memref<1x8192xf32, #tpu.memory_space<hbm>> -> memref<8192xf32, #tpu.memory_space<hbm>>
    %dma_wait3A_724 = arith.constant 57344 : i32
    %dma_wait3A_725 = tpu.memref_slice %arg5[%arg1, %dma_wait3A_724] : memref<16x65536xf32, #tpu.memory_space<hbm>> -> memref<1x8192xf32, #tpu.memory_space<hbm>>
    %dma_wait3A_726 = tpu.memref_squeeze %dma_wait3A_725 : memref<1x8192xf32, #tpu.memory_space<hbm>> -> memref<8192xf32, #tpu.memory_space<hbm>>
    %dma_wait3A_727 = arith.constant 57344 : i32
    %dma_wait3A_728 = tpu.memref_slice %arg9[%dma_wait3A_727] : memref<65536xf32, #tpu.memory_space<vmem>> -> memref<8192xf32, #tpu.memory_space<vmem>>
    tpu.wait_dma2 semaphore(%arg19 : memref<!tpu.dma_semaphore, #tpu.memory_space<semaphore_mem>>) src(%dma_wait3A_728 : memref<8192xf32, #tpu.memory_space<vmem>>) dst(%dma_wait3A_726 : memref<8192xf32, #tpu.memory_space<hbm>>)
    "tpu.trace_stop"() : () -> ()
    return
  }
}

module attributes {stable_mosaic.version = 14 : i64} {
  func.func @body(%arg0: i32, %arg1: memref<2000x128xf32, #tpu.memory_space<vmem>>, %arg2: memref<1x1x2000xi32, #tpu.memory_space<vmem>>) attributes {dimension_semantics = [#tpu.dimension_semantics<arbitrary>], iteration_bounds = array<i64: 5>, scalar_prefetch = 0 : i64, scratch_operands = 0 : i64, tpu.core_type = #tpu.core_type<tc>, window_params = [{transform_indices = @transform_0, window_bounds = array<i64: 2000, 128>}, {transform_indices = @transform_1, window_bounds = array<i64: 1, 1, 2000>}]} {
    %get3A = arith.constant 0 : index
    %get3A_0 = arith.constant 0 : index
    %get3A_1 = vector.load %arg1[%get3A, %get3A_0] : memref<2000x128xf32, #tpu.memory_space<vmem>>, vector<2000x128xf32>
    %argmax3A = tpu.reduce_index %get3A_1 {axis = 1 : i32, kind = #tpu.reduction_kind<arg_max>} : vector<2000x128xf32> -> vector<2000xi32>
    %reshape3A = vector.shape_cast %argmax3A : vector<2000xi32> to vector<1x1x2000xi32>
    %swap3A = arith.constant 0 : index
    %swap3A_2 = arith.constant 0 : index
    %swap3A_3 = arith.constant 0 : index
    %swap3A_4 = vector.load %arg2[%swap3A, %swap3A_2, %swap3A_3] : memref<1x1x2000xi32, #tpu.memory_space<vmem>>, vector<1x1x2000xi32>
    tpu.vector_store %arg2[%swap3A, %swap3A_2, %swap3A_3], %reshape3A {strides = array<i32>} : memref<1x1x2000xi32, #tpu.memory_space<vmem>>, vector<1x1x2000xi32>,
    return
  }
  func.func @transform_0(%arg0: i32) -> (i32, i32) {
    %c0_i32 = arith.constant 0 : i32
    %c0_i32_0 = arith.constant 0 : i32
    return %arg0, %c0_i32 : i32, i32
  }
  func.func @transform_1(%arg0: i32) -> (i32, i32, i32) {
    %c0_i32 = arith.constant 0 : i32
    %c0_i32_0 = arith.constant 0 : i32
    %c0_i32_1 = arith.constant 0 : i32
    return %arg0, %c0_i32, %c0_i32_0 : i32, i32, i32
  }
}

</mosaic_0001>

<sc_bundles>
// kernel: kernel.4.cloned.1.call-start
scs
__scs_entry_jumppad:
0x0: {  	(pc) =	sbr.rel $0x88, $3  }
0x1: {  	(tag) =	ssettag $0x0;
	lr =	simm.s32 $0x1  }
0x2: {  	[smem:$0x3F9E] =	sst lr;
	_ =	strace $0xD0000000  }
0x3: {  	_ = 	snop  }
0x4: {  	_ = 	snop  }
0x5: {  	_ = 	snop  }
0x6: {  	_ = 	snop  }
0x7: {  	_ = 	snop  }
__scs_overlays_trampoline_lowered:
0x8: {  	[smem:$0x3FAD] =	sst s0  }
0x9: {  	[smem:$0x3FAE] =	sst s1  }
0xa: {  	[smem:$0x3FAF] =	sst s2  }
0xb: {  	[smem:$0x3FB0] =	sst s3  }
0xc: {  	[smem:$0x3FB1] =	sst s4  }
0xd: {  	[smem:$0x3FB2] =	sst s5  }
0xe: {  	[smem:$0x3FB3] =	sst s6  }
0xf: {  	[smem:$0x3FB4] =	sst s7  }
0x10: {  	[smem:$0x3FB5] =	sst s8  }
0x11: {  	[smem:$0x3FB6] =	sst s9;
	s0 =	simm.s32 @!p0 $0x0  }
0x12: {  	s1 =	sld [smem:$0x3F9C];
	s0 =	simm.s32 @p0 $0x1  }
0x13: {  	[smem:$0x3FB7] =	sst s0;
	s0 =	simm.s32 @!p1 $0x0  }
0x14: {  	s2 =	sld [smem:$0x3F9B];
	s0 =	simm.s32 @p1 $0x1  }
0x15: {  	[smem:$0x3FB8] =	sst s0;
	s0 =	simm.s32 @!p2 $0x0  }
0x16: {  	s3 =	sld [smem:$0x3FDB];
	s0 =	simm.s32 @p2 $0x1  }
0x17: {  	s4 =	simm.s32 $0x1BF5;
	[smem:$0x3FBA] =	sst s0  }
0x18: {  	s0 =	sld [smem:$0x3F9D];
	_ =	swait.ge [sflag:s4], $0x0  }
0x19: {  	s7 =	sld [smem:$0x3F9E]  }
0x1a: {  	s8 =	sadd.s32 $0xFFFFE003, lr  }
0x1b: {  	s9 =	sadd.s32 $0xFFFFFEF7, lr;
	s5 =	simm.s32 $0xFFFFFFFF;
	p2 =	slt.u32 s8, $0xFFFFF086  }
0x1c: {  	p1 =	slt.u32 s9, $0xF7A;
	s5 =	simm.s32 @!p2 $0x0  }
0x1d: {  	s5 =	simm.s32 @p1 $0x1;
	p0 =	seq.s32 s7, s2  }
0x1e: {  	s7 =	smul.u32 @!p0 $0xF7A, s2;
	p2 =	seq.s32 @!p0 s5, $0x0  }
0x1f: {  	s9 =	smul.u32 $0xF7A, s1;
	s8 =	simm.s32 @!p0 $0x1BF5;
	p2 =	por !p2, p0  }
0x20: {  	[sflag:s8] =	ssyncset.s32 @!p0 $0xFFFFF086;
	s6 =	sadd.s32 @!p0 s3, s7;
	s7 =	simm.s32 @!p0 $0x108  }
0x21: {  	s3 =	sadd.s32 s3, s9;
	s6 =	sadd.s32 @!p0 $0x88, s6;
	s7 =	simm.s32 @p2 $0x1082  }
0x22: {  	[simem:s7], [sflag:s8] =	dma.local @!p0 [hbm:s6], $0xF7A  }
0x23: {  	s9 =	sor.u32 $0xD0000000, s2;
	s6 =	simm.s32 $0x108;
	_ =	swait.ge @!p0 [sflag:s8], $0x0  }
0x24: {  	s3 =	sadd.s32 $0x88, s3;
	s6 =	simm.s32 @!p1 $0x1082;
	[sflag:s4] =	ssyncset.s32 $0xFFFFF086  }
0x25: {  	[simem:s6], [sflag:s4] =	dma.local [hbm:s3], $0xF7A  }
0x26: {  	[smem:$0x3F9E] =	sst s1;
	(tag) =	ssettag s2;
	_ =	strace s9  }
0x27: {  	s1 =	sld [smem:$0x3FAE]  }
0x28: {  	s2 =	sld [smem:$0x3FAF]  }
0x29: {  	s4 =	sld [smem:$0x3FB1]  }
0x2a: {  	p0 =	seq.s32 s5, $0x0;
	s5 =	sld [smem:$0x3FB2]  }
0x2b: {  	s6 =	sld [smem:$0x3FB3]  }
0x2c: {  	s7 =	sld [smem:$0x3FB4]  }
0x2d: {  	s3 =	simm.s32 $0x108;
	s8 =	sld [smem:$0x3FB5]  }
0x2e: {  	s3 =	simm.s32 @!p0 $0x1082;
	s9 =	sld [smem:$0x3FB6]  }
0x2f: {  	lr =	sadd.s32 s0, s3;
	s0 =	sld [smem:$0x3FAD]  }
0x30: {  	s3 =	sld [smem:$0x3FB0]  }
0x31: {  	[smem:$0x3FB9] =	sst s10  }
0x32: {  	s10 =	sld [smem:$0x3FB7];
	_ =	sdelay $0x3  }
0x33: {  	p0 =	seq.s32 s10, $0x1;
	s10 =	sld [smem:$0x3FB9];
	_ =	sdelay $0x3  }
0x34: {  	[smem:$0x3FB9] =	sst s10  }
0x35: {  	s10 =	sld [smem:$0x3FB8];
	_ =	sdelay $0x3  }
0x36: {  	p1 =	seq.s32 s10, $0x1;
	s10 =	sld [smem:$0x3FB9];
	_ =	sdelay $0x3  }
0x37: {  	[smem:$0x3FB9] =	sst s10  }
0x38: {  	s10 =	sld [smem:$0x3FBA]  }
0x39: {  	_ = 	snop;
	(pc) =	sbr.ind lr, $3  }
0x3a: {  	_ = 	snop  }
0x3b: {  	_ = 	snop  }
0x3c: {  	p2 =	seq.s32 s10, $0x1;
	s10 =	sld [smem:$0x3FB9]  }
0x3d: {  	_ =	shalt  }
0x3e: {  	_ =	shalt  }
0x3f: {  	_ =	shalt  }
0x40: {  	_ =	shalt  }
0x41: {  	_ =	shalt  }
0x42: {  	_ =	shalt  }
0x43: {  	_ =	shalt  }
0x44: {  	_ =	shalt  }
0x45: {  	_ =	shalt  }
0x46: {  	_ =	shalt  }
0x47: {  	_ =	shalt  }
0x48: {  	_ =	shalt  }
0x49: {  	_ =	shalt  }
0x4a: {  	_ =	shalt  }
0x4b: {  	_ =	shalt  }
0x4c: {  	_ =	shalt  }
0x4d: {  	_ =	shalt  }
0x4e: {  	_ =	shalt  }
0x4f: {  	_ =	shalt  }
0x50: {  	_ =	shalt  }
0x51: {  	_ =	shalt  }
0x52: {  	_ =	shalt  }
0x53: {  	_ =	shalt  }
0x54: {  	_ =	shalt  }
0x55: {  	_ =	shalt  }
0x56: {  	_ =	shalt  }
0x57: {  	_ =	shalt  }
0x58: {  	_ =	shalt  }
0x59: {  	_ =	shalt  }
0x5a: {  	_ =	shalt  }
0x5b: {  	_ =	shalt  }
0x5c: {  	_ =	shalt  }
0x5d: {  	_ =	shalt  }
0x5e: {  	_ =	shalt  }
0x5f: {  	_ =	shalt  }
0x60: {  	_ =	shalt  }
0x61: {  	_ =	shalt  }
0x62: {  	_ =	shalt  }
0x63: {  	_ =	shalt  }
0x64: {  	_ =	shalt  }
0x65: {  	_ =	shalt  }
0x66: {  	_ =	shalt  }
0x67: {  	_ =	shalt  }
0x68: {  	_ =	shalt  }
0x69: {  	_ =	shalt  }
0x6a: {  	_ =	shalt  }
0x6b: {  	_ =	shalt  }
0x6c: {  	_ =	shalt  }
0x6d: {  	_ =	shalt  }
0x6e: {  	_ =	shalt  }
0x6f: {  	_ =	shalt  }
0x70: {  	_ =	shalt  }
0x71: {  	_ =	shalt  }
0x72: {  	_ =	shalt  }
0x73: {  	_ =	shalt  }
0x74: {  	_ =	shalt  }
0x75: {  	_ =	shalt  }
0x76: {  	_ =	shalt  }
0x77: {  	_ =	shalt  }
0x78: {  	_ =	shalt  }
0x79: {  	_ =	shalt  }
0x7a: {  	_ =	shalt  }
0x7b: {  	_ =	shalt  }
0x7c: {  	_ =	shalt  }
0x7d: {  	_ =	shalt  }
0x7e: {  	_ =	shalt  }
0x7f: {  	_ =	shalt  }
0x80: {  	_ =	shalt  }
0x81: {  	_ =	shalt  }
0x82: {  	_ =	shalt  }
0x83: {  	_ =	shalt  }
0x84: {  	_ =	shalt  }
0x85: {  	_ =	shalt  }
0x86: {  	_ =	shalt  }
0x87: {  	_ =	shalt  }
.Lfunc_end0:
.L_simem_size_0:
called_computation_lowered:
.L_overlay_start_0:
0x88: {  	s0 =	sld [smem:$0x3FD9]  }
0x89: {  	s1 =	sld [smem:$0x3FFE];
	_ =	sdelay $0x3  }
0x8a: {  	s0 =	sadd.s32 s1, s0  }
0x8b: {  	[smem:$0x3FC5] =	sst s0  }
0x8c: {  	_ = 	snop  }
0x8d: {  	s0 =	sld [smem:$0x3FD0];
	(tm) =	ssettm $0x1  }
0x8e: {  	s16 =	sld [smem:$0x3FFB];
	_ =	sdelay $0x3  }
0x8f: {  	_ =	strace s16  }
0x90: {  	s1 =	sld [smem:$0x3FFC];
	_ =	sdelay $0x3  }
0x91: {  	_ =	strace s1  }
0x92: {  	s1 =	sld [smem:$0x3FFD];
	_ =	sdelay $0x3  }
0x93: {  	_ =	strace s1  }
0x94: {  	_ =	strace $0x8FFFFFFF  }
0x95: {  	s17 =	sld [smem:$0x3FDB];
	_ =	sdelay $0x1  }
0x96: {  	s2 =	simm.s32 $_scs_section_size  }
0x97: {  	s3 =	simm.s32 $_size__tile_overlayer_lowered;
	s4 =	simm.s32 $_tile_overlayer_lowered  }
0x98: {  	s20 =	simm.s32 $0x1BFF;
	s19 =	sshll.u32 s4, $0x1;
	s1 =	sadd.s32 s2, s17  }
0x99: {  	s5 =	simm.s32 $0x0;
	s18 =	sshll.u32 s3, $0x1;
	s3 =	sadd.s32 s19, s1  }
0x9a: {  	[timem:s5], [sflag:s20] =	dma.local [hbm:s3], s18  }
0x9b: {  	_ =	swait.ge [sflag:s20], s18  }
0x9c: {  	s2 =	ssub.s32 $0x0, s18;
	[sflag:s20] =	ssyncset.done $0x0  }
0x9d: {  	[sflag:s20] =	ssyncadd.s32 s2;
	_ =	sdelay $0x1  }
0x9e: {  	s21 =	simm.s32 $0x1B8B  }
0x9f: {  	_ =	swait.ge [sflag:s21], $0x1  }
0xa0: {  	[sflag:s21] =	ssyncset.done $0x0  }
0xa1: {  	s23 =	simm.s32 $0x1B8E;
	s22 =	sld [smem:$0x3FFE];
	[sflag:s21] =	ssyncadd.s32 $0xFFFFFFFF  }
0xa2: {  	s24 =	simm.s32 $execute0_lowered;
	[smem:$0x3FD2] =	sst s23  }
0xa3: {  	s3 =	sshll.u32 s24, $0x1;
	_ =	strace $0x80000046;
	[dreg:$0x1] =	wrdreg $0xFFFFFFFF  }
0xa4: {  	s25 =	simm.s32 $_size_execute0_lowered;
	s1 =	sadd.s32 s1, s3;
	[dreg:$0x0] =	wrdreg $0x0  }
0xa5: {  	s3 =	sshll.u32 s25, $0x1;
	[dreg:$0x2] =	wrdreg s1  }
0xa6: {  	[dreg:$0x3] =	wrdreg s3  }
0xa7: {  	[dreg:$0x4] =	wrdreg $0xC0  }
0xa8: {  	_ =	task [dreg:s5], $0x5FFFF  }
0xa9: {  	[dreg:$0x1] =	wrdreg $0xFFFFFFFF  }
0xaa: {  	[dreg:$0x0] =	wrdreg $0x60  }
0xab: {  	[dreg:$0x2] =	wrdreg s22  }
0xac: {  	[dreg:$0x3] =	wrdreg s0  }
0xad: {  	[dreg:$0x4] =	wrdreg $0x1C2800  }
0xae: {  	[dreg:$0x5] =	wrdreg $0x1EA800  }
0xaf: {  	[dreg:$0x6] =	wrdreg $0x9  }
0xb0: {  	_ =	task.clear_ibuf [dreg:s5], $0x7FFFF;
	_ =	strace $0x90000046  }
0xb1: {  	s26 =	simm.s32 $0x9;
	_ =	strace $0x80000058  }
0xb2: {  	_ =	swait.ge [sflag:s26], $0x1  }
0xb3: {  	[sflag:s26] =	ssyncadd.s32 $0xFFFFFFFF  }
0xb4: {  	_ =	strace $0x90000058  }
0xb5: {  	_ =	sfence  }
0xb6: {  	s28 =	sld [smem:$0x0];
	_ =	sdelay $0x1  }
0xb7: {  	s29 =	srdreg.scid  }
0xb8: {  	s30 =	sshll.u32 s29, $0xD;
	s31 =	sshrl.u32 s29, $0x2  }
0xb9: {  	s2 =	sand.u32 $0x4000, s30;
	s1 =	sand.u32 $0x1, s29;
	s0 =	sadd.s32 s31, s28  }
0xba: {  	s1 =	sor.u32 s2, s1;
	s0 =	sshll.u32 s0, $0x11  }
0xbb: {  	s0 =	sor.u32 s0, s1  }
0xbc: {  	s0 =	sadd.s32 $0x8F2B, s0  }
0xbd: {  	[sflag:s0] =	ssyncadd.remote.s32 $0x1  }
0xbe: {  	_ =	sfence.sel $0xFFFF  }
0xbf: {  	[dreg:$0x0] =	wrdreg $0xFFFFFFFF;
	(pc) =	sbr.abs _section_cstart, $3  }
0xc0: {  	[dreg:$0x1] =	wrdreg $0xFFFFFFFF  }
0xc1: {  	_ =	task.clear_ibuf [dreg:s5], $0x2FFFF;
	_ =	strace $0x9FFFFFFF  }
0xc2: {  	(tm) =	ssettm $0x7FFFFFFF  }
0xc3: {  	_ =	shalt  }
tec
execute0_lowered:
.L_overlay_start_1:
0x0: {  	(tag) =	ssettag $0x1  }
0x1: {  	s2 =	rddreg [dreg:$0x0]  }
0x2: {  	s7 =	rddreg [dreg:$0x2];
	s0 =	simm.s32 $0x0  }
0x3: {  	s6 =	stileid.u32;
	s3 =	simm.s32 $0x3;
	[smem:$0x7FF] =	sst s0  }
0x4: {  	s1 =	sadd.s32 $0x600, s2;
	s26 =	smul.u32 $0x4E20, s6;
	_ =	strace $0x80000047  }
0x5: {  	[tilespmem:s0], [sflag:$0x3] =	stream.linear.gather [hbm4b:s1+s0], $0x2800, $0x38;
	[tilespmem:$0x1ED00] =	vst v63  }
0x6: {  	s4 =	sadd.s32 $0xC00, s2;
	s1 =	sshrl.u32 s26, $0x3;
	_ =	swait.ge [sflag:s3], $0x2800  }
0x7: {  	s8 =	sadd.s32 s4, s1;
	[sflag:s3] =	ssyncset.done $0x0  }
0x8: {  	s28 =	simm.s32 $0x17800;
	s29 =	sadd.s32 $0x9C40, s8;
	[sflag:s3] =	ssyncadd.s32 $0xFFFFD800  }
0x9: {  	[tilespmem:s28], [sflag:$0x1] =	stream.linear.gather [hbm4b:s8+s0], $0x7D0, $0x38;
	[tilespmem:$0x1ED00] =	vst v63  }
0xa: {  	s30 =	simm.s32 $0x18800;
	[dreg:$0x1d] =	wrdreg s29  }
0xb: {  	[tilespmem:s30], [sflag:$0x1] =	stream.linear.gather [hbm4b:s29+s0], $0x7D0, $0x38;
	[tilespmem:$0x1ED00] =	vst v63  }
0xc: {  	s31 =	simm.s32 $0x40;
	_ =	strace $0x80000048  }
0xd: {  	v0 =	vld [tilespmem:s31+$0x30]  }
0xe: {  	v1 =	vld [tilespmem:s31+$0xFFFFFFD0]  }
0xf: {  	v2 =	vld [tilespmem:s31+$0xFFFFFFE0]  }
0x10: {  	v3 =	vld [tilespmem:s31+$0xFFFFFFF0]  }
0x11: {  	v7 =	vld [tilespmem:s31+$0x20]  }
0x12: {  	v8 =	vld [tilespmem:s31+$0xFFFFFFC0]  }
0x13: {  	v4 =	vld [tilespmem:s31+$0x0]  }
0x14: {  	v5 =	vld [tilespmem:s31+$0x10]  }
0x15: {  	v6 =	vmul.u32 $0x9E3779B1, v0;
	v1 =	vmul.u32 $0x9E3779B1, v1  }
0x16: {  	v0 =	vimm.s32 $0x0;
	v2 =	vmul.u32 $0x9E3779B1, v2;
	v7 =	vmul.u32 $0x9E3779B1, v7  }
0x17: {  	v8 =	vmul.u32 $0x9E3779B1, v8;
	v6 =	vxor.u32 $0x85EBCA77, v6;
	v10 =	vxor.u32 $0x85EBCA77, v1  }
0x18: {  	v1 =	vmul.u32 $0x9E3779B1, v3;
	v11 =	vxor.u32 $0x85EBCA77, v2;
	v2 =	vmul.u32 $0x9E3779B1, v4  }
0x19: {  	v4 =	vmul.u32 $0x9E3779B1, v5;
	v9 =	vxor.u32 $0x85EBCA77, v8;
	v3 =	vshrl.u32 v6, $0xF  }
0x1a: {  	s0 =	simm.s32 $0x2840;
	v13 =	vshrl.u32 v11, $0xF;
	v3 =	vxor.u32 v6, v3;
	v6 =	vshrl.u32 v10, $0xF  }
0x1b: {  	s2 =	sadd.s32 $0x14600, s2;
	v12 =	vxor.u32 $0x85EBCA77, v1;
	v1 =	vxor.u32 $0x85EBCA77, v2;
	v2 =	vxor.u32 $0x85EBCA77, v4;
	[tilespmem:s0+$0x30] =	vst v3  }
0x1c: {  	s1 =	simm.s32 $0x5040;
	v8 =	vxor.u32 v11, v13;
	v14 =	vshrl.u32 v12, $0xF;
	v5 =	vshrl.u32 v1, $0xF;
	[dreg:$0x18] =	wrdreg s2  }
0x1d: {  	s5 =	simm.s32 $0xC0;
	v4 =	vshrl.u32 v2, $0xF;
	v3 =	vxor.u32 $0x85EBCA77, v7;
	v7 =	vxor.u32 v10, v6;
	[tilespmem:s1+$0x30] =	vst v0  }
0x1e: {  	s4 =	simm.s32 $0x0;
	s3 =	simm.s32 $0x5040;
	v10 =	vshrl.u32 v9, $0xF;
	v6 =	vshrl.u32 v3, $0xF;
	s2 =	simm.s32 $0x2840;
	[tilespmem:s0+$0xFFFFFFD0] =	vst v7;
	v7 =	vxor.u32 v12, v14  }
.LBB2_1:
0x1f: {  	v11 =	vld [tilespmem:s5+$0x30];
	v9 =	vxor.u32 v9, v10;
	[tilespmem:s1+$0xFFFFFFD0] =	vst v0;
	v1 =	vxor.u32 v1, v5;
	v2 =	vxor.u32 v2, v4  }
0x20: {  	s4 =	sadd.s32 $0x8, s4;
	v6 =	vxor.u32 v3, v6;
	v4 =	vld [tilespmem:s5+$0xFFFFFFD0];
	[tilespmem:s0+$0xFFFFFFC0] =	vst v9  }
0x21: {  	p0 =	slt.u32 s4, $0x278;
	v3 =	vld [tilespmem:s5+$0xFFFFFFE0];
	[tilespmem:s1+$0xFFFFFFC0] =	vst v0  }
0x22: {  	v5 =	vld [tilespmem:s5+$0xFFFFFFF0];
	[tilespmem:s0+$0xFFFFFFE0] =	vst v8  }
0x23: {  	v8 =	vld [tilespmem:s5+$0x0]  }
0x24: {  	[tilespmem:s1+$0xFFFFFFE0] =	vst v0  }
0x25: {  	v9 =	vld [tilespmem:s5+$0x10];
	v10 =	vmul.u32 $0x9E3779B1, v11;
	[tilespmem:s0+$0xFFFFFFF0] =	vst v7;
	v4 =	vmul.u32 $0x9E3779B1, v4  }
0x26: {  	v7 =	vld [tilespmem:s5+$0x20];
	[tilespmem:s1+$0xFFFFFFF0] =	vst v0;
	v3 =	vmul.u32 $0x9E3779B1, v3  }
0x27: {  	v11 =	vld [tilespmem:s5+$0xFFFFFFC0];
	v10 =	vxor.u32 $0x85EBCA77, v10;
	[tilespmem:s0+$0x0] =	vst v1;
	v12 =	vxor.u32 $0x85EBCA77, v4;
	v1 =	vmul.u32 $0x9E3779B1, v5  }
0x28: {  	v4 =	vshrl.u32 v10, $0xF;
	[tilespmem:s1+$0x0] =	vst v0;
	v13 =	vxor.u32 $0x85EBCA77, v3;
	v3 =	vmul.u32 $0x9E3779B1, v8  }
0x29: {  	s0 =	sadd.s32 $0x80, s0;
	v4 =	vxor.u32 v10, v4;
	[tilespmem:s2+$0x10] =	vst v2;
	v8 =	vshrl.u32 v12, $0xF  }
0x2a: {  	s1 =	sadd.s32 $0x80, s1;
	v14 =	vxor.u32 $0x85EBCA77, v1;
	v2 =	vmul.u32 $0x9E3779B1, v9;
	[tilespmem:s0+$0x30] =	vst v4;
	v1 =	vxor.u32 $0x85EBCA77, v3  }
.Ltmp0:
0x2b: {  	v15 =	vshrl.u32 v13, $0xF;
	v3 =	vmul.u32 $0x9E3779B1, v7;
	[tilespmem:s1+$0x30] =	vst v0;
	(pc) =	sbr.rel @p0 .LBB2_1-.Ltmp0, $4  }
0x2c: {  	v7 =	vmul.u32 $0x9E3779B1, v11;
	v11 =	vshrl.u32 v14, $0xF;
	v2 =	vxor.u32 $0x85EBCA77, v2;
	[tilespmem:s3+$0x10] =	vst v0  }
0x2d: {  	v5 =	vshrl.u32 v1, $0xF;
	v4 =	vshrl.u32 v2, $0xF;
	v3 =	vxor.u32 $0x85EBCA77, v3;
	[tilespmem:s2+$0x20] =	vst v6;
	s2 =	smov.u32 s0  }
0x2e: {  	v9 =	vxor.u32 $0x85EBCA77, v7;
	v7 =	vxor.u32 v12, v8;
	v6 =	vshrl.u32 v3, $0xF;
	[tilespmem:s3+$0x20] =	vst v0;
	s3 =	smov.u32 s1  }
0x2f: {  	s5 =	sadd.s32 $0x80, s5;
	v8 =	vxor.u32 v13, v15;
	v10 =	vshrl.u32 v9, $0xF;
	[tilespmem:s0+$0xFFFFFFD0] =	vst v7;
	v7 =	vxor.u32 v14, v11  }
0x30: {  	[tilespmem:s1+$0xFFFFFFD0] =	vst v0  }
0x31: {  	[tilespmem:s0+$0xFFFFFFE0] =	vst v8  }
0x32: {  	v9 =	vxor.u32 v9, v10;
	[tilespmem:s0+$0xFFFFFFF0] =	vst v7  }
0x33: {  	[tilespmem:s0+$0xFFFFFFC0] =	vst v9  }
0x34: {  	[tilespmem:s1+$0xFFFFFFE0] =	vst v0  }
0x35: {  	v1 =	vxor.u32 v1, v5;
	[tilespmem:s1+$0xFFFFFFF0] =	vst v0  }
0x36: {  	[tilespmem:s0+$0x0] =	vst v1  }
0x37: {  	[tilespmem:s1+$0xFFFFFFC0] =	vst v0  }
0x38: {  	v1 =	vxor.u32 v2, v4;
	[tilespmem:s1+$0x0] =	vst v0  }
0x39: {  	[tilespmem:s2+$0x10] =	vst v1  }
0x3a: {  	v1 =	vxor.u32 v3, v6;
	[tilespmem:s3+$0x10] =	vst v0  }
0x3b: {  	[tilespmem:s2+$0x20] =	vst v1  }
0x3c: {  	s24 =	sadd.s32 $0xFA, s8;
	[tilespmem:s3+$0x20] =	vst v0  }
0x3d: {  	s25 =	simm.s32 $0x0;
	s26 =	simm.s32 $0x18000;
	_ =	strace $0x90000048  }
0x3e: {  	s28 =	sadd.s32 $0x9D3A, s8;
	_ =	strace $0x80000049;
	[dreg:$0x1c] =	wrdreg s24  }
0x3f: {  	[tilespmem:s26], [sflag:$0x2] =	stream.linear.gather [hbm4b:s24+s25], $0x7D0, $0x200038;
	[tilespmem:$0x1ED00] =	vst v63  }
0x40: {  	s29 =	simm.s32 $0x19000;
	s30 =	simm.s32 $0x1;
	[dreg:$0x1e] =	wrdreg s28  }
0x41: {  	[tilespmem:s29], [sflag:$0x2] =	stream.linear.gather [hbm4b:s28+s25], $0x7D0, $0x200038;
	[tilespmem:$0x1ED00] =	vst v63  }
0x42: {  	_ =	swait.ge [sflag:s30], $0x7D0  }
0x43: {  	[sflag:s30] =	ssyncset.done $0x0  }
0x44: {  	[sflag:s30] =	ssyncadd.s32 $0xFFFFF830  }
0x45: {  	_ =	swait.ge [sflag:s30], $0x7D0  }
0x46: {  	[sflag:s30] =	ssyncset.done $0x0  }
0x47: {  	s31 =	simm.s32 $0x17820;
	[sflag:s30] =	ssyncadd.s32 $0xFFFFF830  }
0x48: {  	v0 =	vld [tilespmem:s31+$0x20]  }
0x49: {  	v1 =	vld [tilespmem:s31+$0xFFFFFFF0]  }
0x4a: {  	v3 =	vld [tilespmem:s31+$0x0]  }
0x4b: {  	v4 =	vld [tilespmem:s31+$0x10]  }
0x4c: {  	v5 =	vld [tilespmem:s31+$0xFFFFFFE0]  }
0x4d: {  	s0 =	simm.s32 $0x18820  }
0x4e: {  	v6 =	vld [tilespmem:s0+$0x20]  }
0x4f: {  	s1 =	simm.s32 $0x2800;
	v7 =	vld [tilespmem:s0+$0xFFFFFFE0]  }
0x50: {  	v62 =	vld.idx.msk [tilespmem:v0+s1+$0x0], $0xffff  }
0x51: {  	v2 =	vld.idx.msk [tilespmem:v1+s1+$0x0], $0xffff  }
0x52: {  	v0 =	vld.idx.msk [tilespmem:v3+s1+$0x0], $0xffff  }
0x53: {  	v1 =	vld.idx.msk [tilespmem:v4+s1+$0x0], $0xffff  }
0x54: {  	v63 =	vld.idx.msk [tilespmem:v5+s1+$0x0], $0xffff  }
0x55: {  	v5 =	vld [tilespmem:s0+$0x0]  }
0x56: {  	v4 =	vld [tilespmem:s0+$0x10]  }
0x57: {  	s2 =	simm.s32 $0x5000;
	v3 =	vld [tilespmem:s0+$0xFFFFFFF0]  }
0x58: {  	[tilespmem:v6+s2+$0x0] =	vst.idx.add.s32.msk $0xffff, v62  }
0x59: {  	s4 =	simm.s32 $0x17870;
	s3 =	simm.s32 $0x0;
	[tilespmem:v7+s2+$0x0] =	vst.idx.add.s32.msk $0xffff, v63  }
.LBB2_3:
0x5a: {  	v6 =	vld [tilespmem:s4+$0x20];
	s3 =	sadd.s32 $0x5, s3;
	v7 =	vmov v5  }
0x5b: {  	v5 =	vld [tilespmem:s4+$0xFFFFFFF0];
	p0 =	slt.u32 s3, $0x78;
	v8 =	vmov v4  }
0x5c: {  	v4 =	vld [tilespmem:s4+$0x0]  }
0x5d: {  	v9 =	vld [tilespmem:s4+$0x10]  }
0x5e: {  	v10 =	vld [tilespmem:s4+$0xFFFFFFE0]  }
0x5f: {  	s0 =	sadd.s32 $0x50, s0;
	[tilespmem:v3+s2+$0x0] =	vst.idx.add.s32.msk $0xffff, v2  }
0x60: {  	v11 =	vld [tilespmem:s0+$0x20]  }
0x61: {  	v12 =	vld [tilespmem:s0+$0xFFFFFFE0]  }
0x62: {  	v6 =	vld.idx.msk [tilespmem:v6+s1+$0x0], $0xffff  }
0x63: {  	v2 =	vld.idx.msk [tilespmem:v5+s1+$0x0], $0xffff  }
0x64: {  	v13 =	vld.idx.msk [tilespmem:v4+s1+$0x0], $0xffff  }
0x65: {  	v9 =	vld.idx.msk [tilespmem:v9+s1+$0x0], $0xffff  }
0x66: {  	v10 =	vld.idx.msk [tilespmem:v10+s1+$0x0], $0xffff  }
0x67: {  	v3 =	vld [tilespmem:s0+$0xFFFFFFF0]  }
0x68: {  	[tilespmem:v11+s2+$0x0] =	vst.idx.add.s32.msk $0xffff, v6  }
.Ltmp1:
0x69: {  	v5 =	vld [tilespmem:s0+$0x0];
	(pc) =	sbr.rel @p0 .LBB2_3-.Ltmp1, $4  }
0x6a: {  	v4 =	vld [tilespmem:s0+$0x10]  }
0x6b: {  	[tilespmem:v7+s2+$0x0] =	vst.idx.add.s32.msk $0xffff, v0;
	v0 =	vmov v13  }
0x6c: {  	[tilespmem:v12+s2+$0x0] =	vst.idx.add.s32.msk $0xffff, v10  }
0x6d: {  	s4 =	sadd.s32 $0x50, s4;
	[tilespmem:v8+s2+$0x0] =	vst.idx.add.s32.msk $0xffff, v1;
	v1 =	vmov v9  }
0x6e: {  	_ =	sdelay $0x3  }
0x6f: {  	[tilespmem:v3+s2+$0x0] =	vst.idx.add.s32.msk $0xffff, v2  }
0x70: {  	[tilespmem:v5+s2+$0x0] =	vst.idx.add.s32.msk $0xffff, v0  }
0x71: {  	s26 =	sadd.s32 $0x1F4, s8;
	s0 =	simm.s32 $0x0;
	[tilespmem:v4+s2+$0x0] =	vst.idx.add.s32.msk $0xffff, v1  }
0x72: {  	s1 =	simm.s32 $0x17800;
	s28 =	sadd.s32 $0x9E34, s8;
	[dreg:$0x1f] =	wrdreg s26  }
0x73: {  	[tilespmem:s1], [sflag:$0x1] =	stream.linear.gather [hbm4b:s26+s0], $0x7D0, $0x200038;
	[tilespmem:$0x1ED00] =	vst v63  }
0x74: {  	s29 =	simm.s32 $0x18800;
	s30 =	simm.s32 $0x2;
	[smem:$0x7FD] =	sst s28  }
0x75: {  	[tilespmem:s29], [sflag:$0x1] =	stream.linear.gather [hbm4b:s28+s0], $0x7D0, $0x200038;
	[tilespmem:$0x1ED00] =	vst v63  }
0x76: {  	_ =	swait.ge [sflag:s30], $0x7D0  }
0x77: {  	[sflag:s30] =	ssyncset.done $0x0  }
0x78: {  	[sflag:s30] =	ssyncadd.s32 $0xFFFFF830  }
0x79: {  	_ =	swait.ge [sflag:s30], $0x7D0  }
0x7a: {  	[sflag:s30] =	ssyncset.done $0x0  }
0x7b: {  	s31 =	simm.s32 $0x18020;
	[sflag:s30] =	ssyncadd.s32 $0xFFFFF830  }
0x7c: {  	v0 =	vld [tilespmem:s31+$0x20]  }
0x7d: {  	v1 =	vld [tilespmem:s31+$0xFFFFFFF0]  }
0x7e: {  	v3 =	vld [tilespmem:s31+$0x0]  }
0x7f: {  	v4 =	vld [tilespmem:s31+$0x10]  }
0x80: {  	v5 =	vld [tilespmem:s31+$0xFFFFFFE0]  }
0x81: {  	s0 =	simm.s32 $0x19020  }
0x82: {  	v6 =	vld [tilespmem:s0+$0x20]  }
0x83: {  	s1 =	simm.s32 $0x2800;
	v7 =	vld [tilespmem:s0+$0xFFFFFFE0]  }
0x84: {  	v8 =	vld.idx.msk [tilespmem:v0+s1+$0x0], $0xffff  }
0x85: {  	v2 =	vld.idx.msk [tilespmem:v1+s1+$0x0], $0xffff  }
0x86: {  	v0 =	vld.idx.msk [tilespmem:v3+s1+$0x0], $0xffff  }
0x87: {  	v1 =	vld.idx.msk [tilespmem:v4+s1+$0x0], $0xffff  }
0x88: {  	v9 =	vld.idx.msk [tilespmem:v5+s1+$0x0], $0xffff  }
0x89: {  	v5 =	vld [tilespmem:s0+$0x0]  }
0x8a: {  	v4 =	vld [tilespmem:s0+$0x10]  }
0x8b: {  	s2 =	simm.s32 $0x5000;
	v3 =	vld [tilespmem:s0+$0xFFFFFFF0]  }
0x8c: {  	[tilespmem:v6+s2+$0x0] =	vst.idx.add.s32.msk $0xffff, v8  }
0x8d: {  	s3 =	simm.s32 $0x0;
	s4 =	simm.s32 $0x18070;
	[tilespmem:v7+s2+$0x0] =	vst.idx.add.s32.msk $0xffff, v9  }
.LBB2_5:
0x8e: {  	v6 =	vld [tilespmem:s4+$0x20];
	s3 =	sadd.s32 $0x5, s3;
	v7 =	vmov v5  }
0x8f: {  	v5 =	vld [tilespmem:s4+$0xFFFFFFF0];
	p0 =	slt.u32 s3, $0x78;
	v8 =	vmov v4  }
0x90: {  	v4 =	vld [tilespmem:s4+$0x0]  }
0x91: {  	v9 =	vld [tilespmem:s4+$0x10]  }
0x92: {  	v10 =	vld [tilespmem:s4+$0xFFFFFFE0]  }
0x93: {  	s0 =	sadd.s32 $0x50, s0;
	[tilespmem:v3+s2+$0x0] =	vst.idx.add.s32.msk $0xffff, v2  }
0x94: {  	v11 =	vld [tilespmem:s0+$0x20]  }
0x95: {  	v12 =	vld [tilespmem:s0+$0xFFFFFFE0]  }
0x96: {  	v6 =	vld.idx.msk [tilespmem:v6+s1+$0x0], $0xffff  }
0x97: {  	v2 =	vld.idx.msk [tilespmem:v5+s1+$0x0], $0xffff  }
0x98: {  	v13 =	vld.idx.msk [tilespmem:v4+s1+$0x0], $0xffff  }
0x99: {  	v9 =	vld.idx.msk [tilespmem:v9+s1+$0x0], $0xffff  }
0x9a: {  	v10 =	vld.idx.msk [tilespmem:v10+s1+$0x0], $0xffff  }
0x9b: {  	v3 =	vld [tilespmem:s0+$0xFFFFFFF0]  }
0x9c: {  	[tilespmem:v11+s2+$0x0] =	vst.idx.add.s32.msk $0xffff, v6  }
.Ltmp2:
0x9d: {  	v5 =	vld [tilespmem:s0+$0x0];
	(pc) =	sbr.rel @p0 .LBB2_5-.Ltmp2, $4  }
0x9e: {  	v4 =	vld [tilespmem:s0+$0x10]  }
0x9f: {  	[tilespmem:v7+s2+$0x0] =	vst.idx.add.s32.msk $0xffff, v0;
	v0 =	vmov v13  }
0xa0: {  	[tilespmem:v12+s2+$0x0] =	vst.idx.add.s32.msk $0xffff, v10  }
0xa1: {  	s4 =	sadd.s32 $0x50, s4;
	[tilespmem:v8+s2+$0x0] =	vst.idx.add.s32.msk $0xffff, v1;
	v1 =	vmov v9  }
0xa2: {  	_ =	sdelay $0x3  }
0xa3: {  	[tilespmem:v3+s2+$0x0] =	vst.idx.add.s32.msk $0xffff, v2  }
0xa4: {  	[tilespmem:v5+s2+$0x0] =	vst.idx.add.s32.msk $0xffff, v0  }
0xa5: {  	s26 =	sadd.s32 $0x2EE, s8;
	s0 =	simm.s32 $0x0;
	[tilespmem:v4+s2+$0x0] =	vst.idx.add.s32.msk $0xffff, v1  }
0xa6: {  	s1 =	simm.s32 $0x18000;
	s28 =	sadd.s32 $0x9F2E, s8;
	[smem:$0x7FB] =	sst s26  }
0xa7: {  	[tilespmem:s1], [sflag:$0x2] =	stream.linear.gather [hbm4b:s26+s0], $0x7D0, $0x200038;
	[tilespmem:$0x1ED00] =	vst v63  }
0xa8: {  	s29 =	simm.s32 $0x19000;
	s30 =	simm.s32 $0x1;
	[smem:$0x7FC] =	sst s28  }
0xa9: {  	[tilespmem:s29], [sflag:$0x2] =	stream.linear.gather [hbm4b:s28+s0], $0x7D0, $0x200038;
	[tilespmem:$0x1ED00] =	vst v63  }
0xaa: {  	_ =	swait.ge [sflag:s30], $0x7D0  }
0xab: {  	[sflag:s30] =	ssyncset.done $0x0  }
0xac: {  	[sflag:s30] =	ssyncadd.s32 $0xFFFFF830  }
0xad: {  	_ =	swait.ge [sflag:s30], $0x7D0  }
0xae: {  	[sflag:s30] =	ssyncset.done $0x0  }
0xaf: {  	s31 =	simm.s32 $0x17820;
	[sflag:s30] =	ssyncadd.s32 $0xFFFFF830  }
0xb0: {  	v0 =	vld [tilespmem:s31+$0x20]  }
0xb1: {  	v1 =	vld [tilespmem:s31+$0xFFFFFFF0]  }
0xb2: {  	v3 =	vld [tilespmem:s31+$0x0]  }
0xb3: {  	v4 =	vld [tilespmem:s31+$0x10]  }
0xb4: {  	v5 =	vld [tilespmem:s31+$0xFFFFFFE0]  }
0xb5: {  	s0 =	simm.s32 $0x18820  }
0xb6: {  	v6 =	vld [tilespmem:s0+$0x20]  }
0xb7: {  	s1 =	simm.s32 $0x2800;
	v7 =	vld [tilespmem:s0+$0xFFFFFFE0]  }
0xb8: {  	v8 =	vld.idx.msk [tilespmem:v0+s1+$0x0], $0xffff  }
0xb9: {  	v2 =	vld.idx.msk [tilespmem:v1+s1+$0x0], $0xffff  }
0xba: {  	v0 =	vld.idx.msk [tilespmem:v3+s1+$0x0], $0xffff  }
0xbb: {  	v1 =	vld.idx.msk [tilespmem:v4+s1+$0x0], $0xffff  }
0xbc: {  	v9 =	vld.idx.msk [tilespmem:v5+s1+$0x0], $0xffff  }
0xbd: {  	v5 =	vld [tilespmem:s0+$0x0]  }
0xbe: {  	v4 =	vld [tilespmem:s0+$0x10]  }
0xbf: {  	s2 =	simm.s32 $0x5000;
	v3 =	vld [tilespmem:s0+$0xFFFFFFF0]  }
0xc0: {  	[tilespmem:v6+s2+$0x0] =	vst.idx.add.s32.msk $0xffff, v8  }
0xc1: {  	s3 =	simm.s32 $0x0;
	s4 =	simm.s32 $0x17870;
	[tilespmem:v7+s2+$0x0] =	vst.idx.add.s32.msk $0xffff, v9  }
.LBB2_7:
0xc2: {  	v6 =	vld [tilespmem:s4+$0x20];
	s3 =	sadd.s32 $0x5, s3;
	v7 =	vmov v5  }
0xc3: {  	v5 =	vld [tilespmem:s4+$0xFFFFFFF0];
	p0 =	slt.u32 s3, $0x78;
	v8 =	vmov v4  }
0xc4: {  	v4 =	vld [tilespmem:s4+$0x0]  }
0xc5: {  	v9 =	vld [tilespmem:s4+$0x10]  }
0xc6: {  	v10 =	vld [tilespmem:s4+$0xFFFFFFE0]  }
0xc7: {  	s0 =	sadd.s32 $0x50, s0;
	[tilespmem:v3+s2+$0x0] =	vst.idx.add.s32.msk $0xffff, v2  }
0xc8: {  	v11 =	vld [tilespmem:s0+$0x20]  }
0xc9: {  	v12 =	vld [tilespmem:s0+$0xFFFFFFE0]  }
0xca: {  	v6 =	vld.idx.msk [tilespmem:v6+s1+$0x0], $0xffff  }
0xcb: {  	v2 =	vld.idx.msk [tilespmem:v5+s1+$0x0], $0xffff  }
0xcc: {  	v13 =	vld.idx.msk [tilespmem:v4+s1+$0x0], $0xffff  }
0xcd: {  	v9 =	vld.idx.msk [tilespmem:v9+s1+$0x0], $0xffff  }
0xce: {  	v10 =	vld.idx.msk [tilespmem:v10+s1+$0x0], $0xffff  }
0xcf: {  	v3 =	vld [tilespmem:s0+$0xFFFFFFF0]  }
0xd0: {  	[tilespmem:v11+s2+$0x0] =	vst.idx.add.s32.msk $0xffff, v6  }
.Ltmp3:
0xd1: {  	v5 =	vld [tilespmem:s0+$0x0];
	(pc) =	sbr.rel @p0 .LBB2_7-.Ltmp3, $4  }
0xd2: {  	v4 =	vld [tilespmem:s0+$0x10]  }
0xd3: {  	[tilespmem:v7+s2+$0x0] =	vst.idx.add.s32.msk $0xffff, v0;
	v0 =	vmov v13  }
0xd4: {  	[tilespmem:v12+s2+$0x0] =	vst.idx.add.s32.msk $0xffff, v10  }
0xd5: {  	s4 =	sadd.s32 $0x50, s4;
	[tilespmem:v8+s2+$0x0] =	vst.idx.add.s32.msk $0xffff, v1;
	v1 =	vmov v9  }
0xd6: {  	_ =	sdelay $0x3  }
0xd7: {  	[tilespmem:v3+s2+$0x0] =	vst.idx.add.s32.msk $0xffff, v2  }
0xd8: {  	[tilespmem:v5+s2+$0x0] =	vst.idx.add.s32.msk $0xffff, v0  }
0xd9: {  	s26 =	sadd.s32 $0x3E8, s8;
	s0 =	simm.s32 $0x0;
	[tilespmem:v4+s2+$0x0] =	vst.idx.add.s32.msk $0xffff, v1  }
0xda: {  	s1 =	simm.s32 $0x17800;
	s28 =	sadd.s32 $0xA028, s8;
	[smem:$0x7F9] =	sst s26  }
0xdb: {  	[tilespmem:s1], [sflag:$0x1] =	stream.linear.gather [hbm4b:s26+s0], $0x7D0, $0x200038;
	[tilespmem:$0x1ED00] =	vst v63  }
0xdc: {  	s29 =	simm.s32 $0x18800;
	s30 =	simm.s32 $0x2;
	[smem:$0x7FA] =	sst s28  }
0xdd: {  	[tilespmem:s29], [sflag:$0x1] =	stream.linear.gather [hbm4b:s28+s0], $0x7D0, $0x200038;
	[tilespmem:$0x1ED00] =	vst v63  }
0xde: {  	_ =	swait.ge [sflag:s30], $0x7D0  }
0xdf: {  	[sflag:s30] =	ssyncset.done $0x0  }
0xe0: {  	[sflag:s30] =	ssyncadd.s32 $0xFFFFF830  }
0xe1: {  	_ =	swait.ge [sflag:s30], $0x7D0  }
0xe2: {  	[sflag:s30] =	ssyncset.done $0x0  }
0xe3: {  	s31 =	simm.s32 $0x18020;
	[sflag:s30] =	ssyncadd.s32 $0xFFFFF830  }
0xe4: {  	v0 =	vld [tilespmem:s31+$0x20]  }
0xe5: {  	v1 =	vld [tilespmem:s31+$0xFFFFFFF0]  }
0xe6: {  	v3 =	vld [tilespmem:s31+$0x0]  }
0xe7: {  	v4 =	vld [tilespmem:s31+$0x10]  }
0xe8: {  	v5 =	vld [tilespmem:s31+$0xFFFFFFE0]  }
0xe9: {  	s0 =	simm.s32 $0x19020  }
0xea: {  	v6 =	vld [tilespmem:s0+$0x20]  }
0xeb: {  	s1 =	simm.s32 $0x2800;
	v7 =	vld [tilespmem:s0+$0xFFFFFFE0]  }
0xec: {  	v8 =	vld.idx.msk [tilespmem:v0+s1+$0x0], $0xffff  }
0xed: {  	v2 =	vld.idx.msk [tilespmem:v1+s1+$0x0], $0xffff  }
0xee: {  	v0 =	vld.idx.msk [tilespmem:v3+s1+$0x0], $0xffff  }
0xef: {  	v1 =	vld.idx.msk [tilespmem:v4+s1+$0x0], $0xffff  }
0xf0: {  	v9 =	vld.idx.msk [tilespmem:v5+s1+$0x0], $0xffff  }
0xf1: {  	v5 =	vld [tilespmem:s0+$0x0]  }
0xf2: {  	v4 =	vld [tilespmem:s0+$0x10]  }
0xf3: {  	s2 =	simm.s32 $0x5000;
	v3 =	vld [tilespmem:s0+$0xFFFFFFF0]  }
0xf4: {  	[tilespmem:v6+s2+$0x0] =	vst.idx.add.s32.msk $0xffff, v8  }
0xf5: {  	s3 =	simm.s32 $0x0;
	s4 =	simm.s32 $0x18070;
	[tilespmem:v7+s2+$0x0] =	vst.idx.add.s32.msk $0xffff, v9  }
.LBB2_9:
0xf6: {  	v6 =	vld [tilespmem:s4+$0x20];
	s3 =	sadd.s32 $0x5, s3;
	v7 =	vmov v5  }
0xf7: {  	v5 =	vld [tilespmem:s4+$0xFFFFFFF0];
	p0 =	slt.u32 s3, $0x78;
	v8 =	vmov v4  }
0xf8: {  	v4 =	vld [tilespmem:s4+$0x0]  }
0xf9: {  	v9 =	vld [tilespmem:s4+$0x10]  }
0xfa: {  	v10 =	vld [tilespmem:s4+$0xFFFFFFE0]  }
0xfb: {  	s0 =	sadd.s32 $0x50, s0;
	[tilespmem:v3+s2+$0x0] =	vst.idx.add.s32.msk $0xffff, v2  }
0xfc: {  	v11 =	vld [tilespmem:s0+$0x20]  }
0xfd: {  	v12 =	vld [tilespmem:s0+$0xFFFFFFE0]  }
0xfe: {  	v6 =	vld.idx.msk [tilespmem:v6+s1+$0x0], $0xffff  }
0xff: {  	v2 =	vld.idx.msk [tilespmem:v5+s1+$0x0], $0xffff  }
0x100: {  	v13 =	vld.idx.msk [tilespmem:v4+s1+$0x0], $0xffff  }
0x101: {  	v9 =	vld.idx.msk [tilespmem:v9+s1+$0x0], $0xffff  }
0x102: {  	v10 =	vld.idx.msk [tilespmem:v10+s1+$0x0], $0xffff  }
0x103: {  	v3 =	vld [tilespmem:s0+$0xFFFFFFF0]  }
0x104: {  	[tilespmem:v11+s2+$0x0] =	vst.idx.add.s32.msk $0xffff, v6  }
.Ltmp4:
0x105: {  	v5 =	vld [tilespmem:s0+$0x0];
	(pc) =	sbr.rel @p0 .LBB2_9-.Ltmp4, $4  }
0x106: {  	v4 =	vld [tilespmem:s0+$0x10]  }
0x107: {  	[tilespmem:v7+s2+$0x0] =	vst.idx.add.s32.msk $0xffff, v0;
	v0 =	vmov v13  }
0x108: {  	[tilespmem:v12+s2+$0x0] =	vst.idx.add.s32.msk $0xffff, v10  }
0x109: {  	s4 =	sadd.s32 $0x50, s4;
	[tilespmem:v8+s2+$0x0] =	vst.idx.add.s32.msk $0xffff, v1;
	v1 =	vmov v9  }
0x10a: {  	_ =	sdelay $0x3  }
0x10b: {  	[tilespmem:v3+s2+$0x0] =	vst.idx.add.s32.msk $0xffff, v2  }
0x10c: {  	[tilespmem:v5+s2+$0x0] =	vst.idx.add.s32.msk $0xffff, v0  }
0x10d: {  	s26 =	sadd.s32 $0x4E2, s8;
	s0 =	simm.s32 $0x0;
	[tilespmem:v4+s2+$0x0] =	vst.idx.add.s32.msk $0xffff, v1  }
0x10e: {  	s1 =	simm.s32 $0x18000;
	s28 =	sadd.s32 $0xA122, s8;
	[smem:$0x7F7] =	sst s26  }
0x10f: {  	[tilespmem:s1], [sflag:$0x2] =	stream.linear.gather [hbm4b:s26+s0], $0x7D0, $0x200038;
	[tilespmem:$0x1ED00] =	vst v63  }
0x110: {  	s29 =	simm.s32 $0x19000;
	s30 =	simm.s32 $0x1;
	[smem:$0x7F8] =	sst s28  }
0x111: {  	[tilespmem:s29], [sflag:$0x2] =	stream.linear.gather [hbm4b:s28+s0], $0x7D0, $0x200038;
	[tilespmem:$0x1ED00] =	vst v63  }
0x112: {  	_ =	swait.ge [sflag:s30], $0x7D0  }
0x113: {  	[sflag:s30] =	ssyncset.done $0x0  }
0x114: {  	[sflag:s30] =	ssyncadd.s32 $0xFFFFF830  }
0x115: {  	_ =	swait.ge [sflag:s30], $0x7D0  }
0x116: {  	[sflag:s30] =	ssyncset.done $0x0  }
0x117: {  	s31 =	simm.s32 $0x17820;
	[sflag:s30] =	ssyncadd.s32 $0xFFFFF830  }
0x118: {  	v0 =	vld [tilespmem:s31+$0x20]  }
0x119: {  	v1 =	vld [tilespmem:s31+$0xFFFFFFF0]  }
0x11a: {  	v3 =	vld [tilespmem:s31+$0x0]  }
0x11b: {  	v4 =	vld [tilespmem:s31+$0x10]  }
0x11c: {  	v5 =	vld [tilespmem:s31+$0xFFFFFFE0]  }
0x11d: {  	s0 =	simm.s32 $0x18820  }
0x11e: {  	v6 =	vld [tilespmem:s0+$0x20]  }
0x11f: {  	s1 =	simm.s32 $0x2800;
	v7 =	vld [tilespmem:s0+$0xFFFFFFE0]  }
0x120: {  	v8 =	vld.idx.msk [tilespmem:v0+s1+$0x0], $0xffff  }
0x121: {  	v2 =	vld.idx.msk [tilespmem:v1+s1+$0x0], $0xffff  }
0x122: {  	v0 =	vld.idx.msk [tilespmem:v3+s1+$0x0], $0xffff  }
0x123: {  	v1 =	vld.idx.msk [tilespmem:v4+s1+$0x0], $0xffff  }
0x124: {  	v9 =	vld.idx.msk [tilespmem:v5+s1+$0x0], $0xffff  }
0x125: {  	v5 =	vld [tilespmem:s0+$0x0]  }
0x126: {  	v4 =	vld [tilespmem:s0+$0x10]  }
0x127: {  	s2 =	simm.s32 $0x5000;
	v3 =	vld [tilespmem:s0+$0xFFFFFFF0]  }
0x128: {  	[tilespmem:v6+s2+$0x0] =	vst.idx.add.s32.msk $0xffff, v8  }
0x129: {  	s3 =	simm.s32 $0x0;
	s4 =	simm.s32 $0x17870;
	[tilespmem:v7+s2+$0x0] =	vst.idx.add.s32.msk $0xffff, v9  }
.LBB2_11:
0x12a: {  	v6 =	vld [tilespmem:s4+$0x20];
	s3 =	sadd.s32 $0x5, s3;
	v7 =	vmov v5  }
0x12b: {  	v5 =	vld [tilespmem:s4+$0xFFFFFFF0];
	p0 =	slt.u32 s3, $0x78;
	v8 =	vmov v4  }
0x12c: {  	v4 =	vld [tilespmem:s4+$0x0]  }
0x12d: {  	v9 =	vld [tilespmem:s4+$0x10]  }
0x12e: {  	v10 =	vld [tilespmem:s4+$0xFFFFFFE0]  }
0x12f: {  	s0 =	sadd.s32 $0x50, s0;
	[tilespmem:v3+s2+$0x0] =	vst.idx.add.s32.msk $0xffff, v2  }
0x130: {  	v11 =	vld [tilespmem:s0+$0x20]  }
0x131: {  	v12 =	vld [tilespmem:s0+$0xFFFFFFE0]  }
0x132: {  	v6 =	vld.idx.msk [tilespmem:v6+s1+$0x0], $0xffff  }
0x133: {  	v2 =	vld.idx.msk [tilespmem:v5+s1+$0x0], $0xffff  }
0x134: {  	v13 =	vld.idx.msk [tilespmem:v4+s1+$0x0], $0xffff  }
0x135: {  	v9 =	vld.idx.msk [tilespmem:v9+s1+$0x0], $0xffff  }
0x136: {  	v10 =	vld.idx.msk [tilespmem:v10+s1+$0x0], $0xffff  }
0x137: {  	v3 =	vld [tilespmem:s0+$0xFFFFFFF0]  }
0x138: {  	[tilespmem:v11+s2+$0x0] =	vst.idx.add.s32.msk $0xffff, v6  }
.Ltmp5:
0x139: {  	v5 =	vld [tilespmem:s0+$0x0];
	(pc) =	sbr.rel @p0 .LBB2_11-.Ltmp5, $4  }
0x13a: {  	v4 =	vld [tilespmem:s0+$0x10]  }
0x13b: {  	[tilespmem:v7+s2+$0x0] =	vst.idx.add.s32.msk $0xffff, v0;
	v0 =	vmov v13  }
0x13c: {  	[tilespmem:v12+s2+$0x0] =	vst.idx.add.s32.msk $0xffff, v10  }
0x13d: {  	s4 =	sadd.s32 $0x50, s4;
	[tilespmem:v8+s2+$0x0] =	vst.idx.add.s32.msk $0xffff, v1;
	v1 =	vmov v9  }
0x13e: {  	_ =	sdelay $0x3  }
0x13f: {  	[tilespmem:v3+s2+$0x0] =	vst.idx.add.s32.msk $0xffff, v2  }
0x140: {  	[tilespmem:v5+s2+$0x0] =	vst.idx.add.s32.msk $0xffff, v0  }
0x141: {  	s26 =	sadd.s32 $0x5DC, s8;
	s0 =	simm.s32 $0x0;
	[tilespmem:v4+s2+$0x0] =	vst.idx.add.s32.msk $0xffff, v1  }
0x142: {  	s1 =	simm.s32 $0x17800;
	s28 =	sadd.s32 $0xA21C, s8;
	[smem:$0x7F5] =	sst s26  }
0x143: {  	[tilespmem:s1], [sflag:$0x1] =	stream.linear.gather [hbm4b:s26+s0], $0x7D0, $0x200038;
	[tilespmem:$0x1ED00] =	vst v63  }
0x144: {  	s29 =	simm.s32 $0x18800;
	s30 =	simm.s32 $0x2;
	[smem:$0x7F6] =	sst s28  }
0x145: {  	[tilespmem:s29], [sflag:$0x1] =	stream.linear.gather [hbm4b:s28+s0], $0x7D0, $0x200038;
	[tilespmem:$0x1ED00] =	vst v63  }
0x146: {  	_ =	swait.ge [sflag:s30], $0x7D0  }
0x147: {  	[sflag:s30] =	ssyncset.done $0x0  }
0x148: {  	[sflag:s30] =	ssyncadd.s32 $0xFFFFF830  }
0x149: {  	_ =	swait.ge [sflag:s30], $0x7D0  }
0x14a: {  	[sflag:s30] =	ssyncset.done $0x0  }
0x14b: {  	s31 =	simm.s32 $0x18020;
	[sflag:s30] =	ssyncadd.s32 $0xFFFFF830  }
0x14c: {  	v0 =	vld [tilespmem:s31+$0x20]  }
0x14d: {  	v1 =	vld [tilespmem:s31+$0xFFFFFFF0]  }
0x14e: {  	v3 =	vld [tilespmem:s31+$0x0]  }
0x14f: {  	v4 =	vld [tilespmem:s31+$0x10]  }
0x150: {  	v5 =	vld [tilespmem:s31+$0xFFFFFFE0]  }
0x151: {  	s0 =	simm.s32 $0x19020  }
0x152: {  	v6 =	vld [tilespmem:s0+$0x20]  }
0x153: {  	s1 =	simm.s32 $0x2800;
	v7 =	vld [tilespmem:s0+$0xFFFFFFE0]  }
0x154: {  	v8 =	vld.idx.msk [tilespmem:v0+s1+$0x0], $0xffff  }
0x155: {  	v2 =	vld.idx.msk [tilespmem:v1+s1+$0x0], $0xffff  }
0x156: {  	v0 =	vld.idx.msk [tilespmem:v3+s1+$0x0], $0xffff  }
0x157: {  	v1 =	vld.idx.msk [tilespmem:v4+s1+$0x0], $0xffff  }
0x158: {  	v9 =	vld.idx.msk [tilespmem:v5+s1+$0x0], $0xffff  }
0x159: {  	v5 =	vld [tilespmem:s0+$0x0]  }
0x15a: {  	v4 =	vld [tilespmem:s0+$0x10]  }
0x15b: {  	s2 =	simm.s32 $0x5000;
	v3 =	vld [tilespmem:s0+$0xFFFFFFF0]  }
0x15c: {  	[tilespmem:v6+s2+$0x0] =	vst.idx.add.s32.msk $0xffff, v8  }
0x15d: {  	s3 =	simm.s32 $0x0;
	s4 =	simm.s32 $0x18070;
	[tilespmem:v7+s2+$0x0] =	vst.idx.add.s32.msk $0xffff, v9  }
.LBB2_13:
0x15e: {  	v6 =	vld [tilespmem:s4+$0x20];
	s3 =	sadd.s32 $0x5, s3;
	v7 =	vmov v5  }
0x15f: {  	v5 =	vld [tilespmem:s4+$0xFFFFFFF0];
	p0 =	slt.u32 s3, $0x78;
	v8 =	vmov v4  }
0x160: {  	v4 =	vld [tilespmem:s4+$0x0]  }
0x161: {  	v9 =	vld [tilespmem:s4+$0x10]  }
0x162: {  	v10 =	vld [tilespmem:s4+$0xFFFFFFE0]  }
0x163: {  	s0 =	sadd.s32 $0x50, s0;
	[tilespmem:v3+s2+$0x0] =	vst.idx.add.s32.msk $0xffff, v2  }
0x164: {  	v11 =	vld [tilespmem:s0+$0x20]  }
0x165: {  	v12 =	vld [tilespmem:s0+$0xFFFFFFE0]  }
0x166: {  	v6 =	vld.idx.msk [tilespmem:v6+s1+$0x0], $0xffff  }
0x167: {  	v2 =	vld.idx.msk [tilespmem:v5+s1+$0x0], $0xffff  }
0x168: {  	v13 =	vld.idx.msk [tilespmem:v4+s1+$0x0], $0xffff  }
0x169: {  	v9 =	vld.idx.msk [tilespmem:v9+s1+$0x0], $0xffff  }
0x16a: {  	v10 =	vld.idx.msk [tilespmem:v10+s1+$0x0], $0xffff  }
0x16b: {  	v3 =	vld [tilespmem:s0+$0xFFFFFFF0]  }
0x16c: {  	[tilespmem:v11+s2+$0x0] =	vst.idx.add.s32.msk $0xffff, v6  }
.Ltmp6:
0x16d: {  	v5 =	vld [tilespmem:s0+$0x0];
	(pc) =	sbr.rel @p0 .LBB2_13-.Ltmp6, $4  }
0x16e: {  	v4 =	vld [tilespmem:s0+$0x10]  }
0x16f: {  	[tilespmem:v7+s2+$0x0] =	vst.idx.add.s32.msk $0xffff, v0;
	v0 =	vmov v13  }
0x170: {  	[tilespmem:v12+s2+$0x0] =	vst.idx.add.s32.msk $0xffff, v10  }
0x171: {  	s4 =	sadd.s32 $0x50, s4;
	[tilespmem:v8+s2+$0x0] =	vst.idx.add.s32.msk $0xffff, v1;
	v1 =	vmov v9  }
0x172: {  	_ =	sdelay $0x3  }
0x173: {  	[tilespmem:v3+s2+$0x0] =	vst.idx.add.s32.msk $0xffff, v2  }
0x174: {  	[tilespmem:v5+s2+$0x0] =	vst.idx.add.s32.msk $0xffff, v0  }
0x175: {  	s26 =	sadd.s32 $0x6D6, s8;
	s0 =	simm.s32 $0x0;
	[tilespmem:v4+s2+$0x0] =	vst.idx.add.s32.msk $0xffff, v1  }
0x176: {  	s1 =	simm.s32 $0x18000;
	s28 =	sadd.s32 $0xA316, s8;
	[smem:$0x7F3] =	sst s26  }
0x177: {  	[tilespmem:s1], [sflag:$0x2] =	stream.linear.gather [hbm4b:s26+s0], $0x7D0, $0x200038;
	[tilespmem:$0x1ED00] =	vst v63  }
0x178: {  	s29 =	simm.s32 $0x19000;
	s30 =	simm.s32 $0x1;
	[smem:$0x7F4] =	sst s28  }
0x179: {  	[tilespmem:s29], [sflag:$0x2] =	stream.linear.gather [hbm4b:s28+s0], $0x7D0, $0x200038;
	[tilespmem:$0x1ED00] =	vst v63  }
0x17a: {  	_ =	swait.ge [sflag:s30], $0x7D0  }
0x17b: {  	[sflag:s30] =	ssyncset.done $0x0  }
0x17c: {  	[sflag:s30] =	ssyncadd.s32 $0xFFFFF830  }
0x17d: {  	_ =	swait.ge [sflag:s30], $0x7D0  }
0x17e: {  	[sflag:s30] =	ssyncset.done $0x0  }
0x17f: {  	s31 =	simm.s32 $0x17820;
	[sflag:s30] =	ssyncadd.s32 $0xFFFFF830  }
0x180: {  	v0 =	vld [tilespmem:s31+$0x20]  }
0x181: {  	v1 =	vld [tilespmem:s31+$0xFFFFFFF0]  }
0x182: {  	v3 =	vld [tilespmem:s31+$0x0]  }
0x183: {  	v4 =	vld [tilespmem:s31+$0x10]  }
0x184: {  	v5 =	vld [tilespmem:s31+$0xFFFFFFE0]  }
0x185: {  	s0 =	simm.s32 $0x18820  }
0x186: {  	v6 =	vld [tilespmem:s0+$0x20]  }
0x187: {  	s1 =	simm.s32 $0x2800;
	v7 =	vld [tilespmem:s0+$0xFFFFFFE0]  }
0x188: {  	v8 =	vld.idx.msk [tilespmem:v0+s1+$0x0], $0xffff  }
0x189: {  	v2 =	vld.idx.msk [tilespmem:v1+s1+$0x0], $0xffff  }
0x18a: {  	v0 =	vld.idx.msk [tilespmem:v3+s1+$0x0], $0xffff  }
0x18b: {  	v1 =	vld.idx.msk [tilespmem:v4+s1+$0x0], $0xffff  }
0x18c: {  	v9 =	vld.idx.msk [tilespmem:v5+s1+$0x0], $0xffff  }
0x18d: {  	v5 =	vld [tilespmem:s0+$0x0]  }
0x18e: {  	v4 =	vld [tilespmem:s0+$0x10]  }
0x18f: {  	s2 =	simm.s32 $0x5000;
	v3 =	vld [tilespmem:s0+$0xFFFFFFF0]  }
0x190: {  	[tilespmem:v6+s2+$0x0] =	vst.idx.add.s32.msk $0xffff, v8  }
0x191: {  	s3 =	simm.s32 $0x0;
	s4 =	simm.s32 $0x17870;
	[tilespmem:v7+s2+$0x0] =	vst.idx.add.s32.msk $0xffff, v9  }
.LBB2_15:
0x192: {  	v6 =	vld [tilespmem:s4+$0x20];
	s3 =	sadd.s32 $0x5, s3;
	v7 =	vmov v5  }
0x193: {  	v5 =	vld [tilespmem:s4+$0xFFFFFFF0];
	p0 =	slt.u32 s3, $0x78;
	v8 =	vmov v4  }
0x194: {  	v4 =	vld [tilespmem:s4+$0x0]  }
0x195: {  	v9 =	vld [tilespmem:s4+$0x10]  }
0x196: {  	v10 =	vld [tilespmem:s4+$0xFFFFFFE0]  }
0x197: {  	s0 =	sadd.s32 $0x50, s0;
	[tilespmem:v3+s2+$0x0] =	vst.idx.add.s32.msk $0xffff, v2  }
0x198: {  	v11 =	vld [tilespmem:s0+$0x20]  }
0x199: {  	v12 =	vld [tilespmem:s0+$0xFFFFFFE0]  }
0x19a: {  	v6 =	vld.idx.msk [tilespmem:v6+s1+$0x0], $0xffff  }
0x19b: {  	v2 =	vld.idx.msk [tilespmem:v5+s1+$0x0], $0xffff  }
0x19c: {  	v13 =	vld.idx.msk [tilespmem:v4+s1+$0x0], $0xffff  }
0x19d: {  	v9 =	vld.idx.msk [tilespmem:v9+s1+$0x0], $0xffff  }
0x19e: {  	v10 =	vld.idx.msk [tilespmem:v10+s1+$0x0], $0xffff  }
0x19f: {  	v3 =	vld [tilespmem:s0+$0xFFFFFFF0]  }
0x1a0: {  	[tilespmem:v11+s2+$0x0] =	vst.idx.add.s32.msk $0xffff, v6  }
.Ltmp7:
0x1a1: {  	v5 =	vld [tilespmem:s0+$0x0];
	(pc) =	sbr.rel @p0 .LBB2_15-.Ltmp7, $4  }
0x1a2: {  	v4 =	vld [tilespmem:s0+$0x10]  }
0x1a3: {  	[tilespmem:v7+s2+$0x0] =	vst.idx.add.s32.msk $0xffff, v0;
	v0 =	vmov v13  }
0x1a4: {  	[tilespmem:v12+s2+$0x0] =	vst.idx.add.s32.msk $0xffff, v10  }
0x1a5: {  	s4 =	sadd.s32 $0x50, s4;
	[tilespmem:v8+s2+$0x0] =	vst.idx.add.s32.msk $0xffff, v1;
	v1 =	vmov v9  }
0x1a6: {  	_ =	sdelay $0x3  }
0x1a7: {  	[tilespmem:v3+s2+$0x0] =	vst.idx.add.s32.msk $0xffff, v2  }
0x1a8: {  	[tilespmem:v5+s2+$0x0] =	vst.idx.add.s32.msk $0xffff, v0  }
0x1a9: {  	s26 =	sadd.s32 $0x7D0, s8;
	s0 =	simm.s32 $0x0;
	[tilespmem:v4+s2+$0x0] =	vst.idx.add.s32.msk $0xffff, v1  }
0x1aa: {  	s1 =	simm.s32 $0x17800;
	s28 =	sadd.s32 $0xA410, s8;
	[smem:$0x7F1] =	sst s26  }
0x1ab: {  	[tilespmem:s1], [sflag:$0x1] =	stream.linear.gather [hbm4b:s26+s0], $0x7D0, $0x200038;
	[tilespmem:$0x1ED00] =	vst v63  }
0x1ac: {  	s29 =	simm.s32 $0x18800;
	s30 =	simm.s32 $0x2;
	[smem:$0x7F2] =	sst s28  }
0x1ad: {  	[tilespmem:s29], [sflag:$0x1] =	stream.linear.gather [hbm4b:s28+s0], $0x7D0, $0x200038;
	[tilespmem:$0x1ED00] =	vst v63  }
0x1ae: {  	_ =	swait.ge [sflag:s30], $0x7D0  }
0x1af: {  	[sflag:s30] =	ssyncset.done $0x0  }
0x1b0: {  	[sflag:s30] =	ssyncadd.s32 $0xFFFFF830  }
0x1b1: {  	_ =	swait.ge [sflag:s30], $0x7D0  }
0x1b2: {  	[sflag:s30] =	ssyncset.done $0x0  }
0x1b3: {  	s31 =	simm.s32 $0x18020;
	[sflag:s30] =	ssyncadd.s32 $0xFFFFF830  }
0x1b4: {  	v0 =	vld [tilespmem:s31+$0x20]  }
0x1b5: {  	v1 =	vld [tilespmem:s31+$0xFFFFFFF0]  }
0x1b6: {  	v3 =	vld [tilespmem:s31+$0x0]  }
0x1b7: {  	v4 =	vld [tilespmem:s31+$0x10]  }
0x1b8: {  	v5 =	vld [tilespmem:s31+$0xFFFFFFE0]  }
0x1b9: {  	s0 =	simm.s32 $0x19020  }
0x1ba: {  	v6 =	vld [tilespmem:s0+$0x20]  }
0x1bb: {  	s1 =	simm.s32 $0x2800;
	v7 =	vld [tilespmem:s0+$0xFFFFFFE0]  }
0x1bc: {  	v8 =	vld.idx.msk [tilespmem:v0+s1+$0x0], $0xffff  }
0x1bd: {  	v2 =	vld.idx.msk [tilespmem:v1+s1+$0x0], $0xffff  }
0x1be: {  	v0 =	vld.idx.msk [tilespmem:v3+s1+$0x0], $0xffff  }
0x1bf: {  	v1 =	vld.idx.msk [tilespmem:v4+s1+$0x0], $0xffff  }
0x1c0: {  	v9 =	vld.idx.msk [tilespmem:v5+s1+$0x0], $0xffff  }
0x1c1: {  	v5 =	vld [tilespmem:s0+$0x0]  }
0x1c2: {  	v4 =	vld [tilespmem:s0+$0x10]  }
0x1c3: {  	s2 =	simm.s32 $0x5000;
	v3 =	vld [tilespmem:s0+$0xFFFFFFF0]  }
0x1c4: {  	[tilespmem:v6+s2+$0x0] =	vst.idx.add.s32.msk $0xffff, v8  }
0x1c5: {  	s3 =	simm.s32 $0x0;
	s4 =	simm.s32 $0x18070;
	[tilespmem:v7+s2+$0x0] =	vst.idx.add.s32.msk $0xffff, v9  }
.LBB2_17:
0x1c6: {  	v6 =	vld [tilespmem:s4+$0x20];
	s3 =	sadd.s32 $0x5, s3;
	v7 =	vmov v5  }
0x1c7: {  	v5 =	vld [tilespmem:s4+$0xFFFFFFF0];
	p0 =	slt.u32 s3, $0x78;
	v8 =	vmov v4  }
0x1c8: {  	v4 =	vld [tilespmem:s4+$0x0]  }
0x1c9: {  	v9 =	vld [tilespmem:s4+$0x10]  }
0x1ca: {  	v10 =	vld [tilespmem:s4+$0xFFFFFFE0]  }
0x1cb: {  	s0 =	sadd.s32 $0x50, s0;
	[tilespmem:v3+s2+$0x0] =	vst.idx.add.s32.msk $0xffff, v2  }
0x1cc: {  	v11 =	vld [tilespmem:s0+$0x20]  }
0x1cd: {  	v12 =	vld [tilespmem:s0+$0xFFFFFFE0]  }
0x1ce: {  	v6 =	vld.idx.msk [tilespmem:v6+s1+$0x0], $0xffff  }
0x1cf: {  	v2 =	vld.idx.msk [tilespmem:v5+s1+$0x0], $0xffff  }
0x1d0: {  	v13 =	vld.idx.msk [tilespmem:v4+s1+$0x0], $0xffff  }
0x1d1: {  	v9 =	vld.idx.msk [tilespmem:v9+s1+$0x0], $0xffff  }
0x1d2: {  	v10 =	vld.idx.msk [tilespmem:v10+s1+$0x0], $0xffff  }
0x1d3: {  	v3 =	vld [tilespmem:s0+$0xFFFFFFF0]  }
0x1d4: {  	[tilespmem:v11+s2+$0x0] =	vst.idx.add.s32.msk $0xffff, v6  }
.Ltmp8:
0x1d5: {  	v5 =	vld [tilespmem:s0+$0x0];
	(pc) =	sbr.rel @p0 .LBB2_17-.Ltmp8, $4  }
0x1d6: {  	v4 =	vld [tilespmem:s0+$0x10]  }
0x1d7: {  	[tilespmem:v7+s2+$0x0] =	vst.idx.add.s32.msk $0xffff, v0;
	v0 =	vmov v13  }
0x1d8: {  	[tilespmem:v12+s2+$0x0] =	vst.idx.add.s32.msk $0xffff, v10  }
0x1d9: {  	s4 =	sadd.s32 $0x50, s4;
	[tilespmem:v8+s2+$0x0] =	vst.idx.add.s32.msk $0xffff, v1;
	v1 =	vmov v9  }
0x1da: {  	_ =	sdelay $0x3  }
0x1db: {  	[tilespmem:v3+s2+$0x0] =	vst.idx.add.s32.msk $0xffff, v2  }
0x1dc: {  	[tilespmem:v5+s2+$0x0] =	vst.idx.add.s32.msk $0xffff, v0  }
0x1dd: {  	s26 =	sadd.s32 $0x8CA, s8;
	s0 =	simm.s32 $0x0;
	[tilespmem:v4+s2+$0x0] =	vst.idx.add.s32.msk $0xffff, v1  }
0x1de: {  	s1 =	simm.s32 $0x18000;
	s28 =	sadd.s32 $0xA50A, s8;
	[smem:$0x7EF] =	sst s26  }
0x1df: {  	[tilespmem:s1], [sflag:$0x2] =	stream.linear.gather [hbm4b:s26+s0], $0x7D0, $0x200038;
	[tilespmem:$0x1ED00] =	vst v63  }
0x1e0: {  	s29 =	simm.s32 $0x19000;
	s30 =	simm.s32 $0x1;
	[smem:$0x7F0] =	sst s28  }
0x1e1: {  	[tilespmem:s29], [sflag:$0x2] =	stream.linear.gather [hbm4b:s28+s0], $0x7D0, $0x200038;
	[tilespmem:$0x1ED00] =	vst v63  }
0x1e2: {  	_ =	swait.ge [sflag:s30], $0x7D0  }
0x1e3: {  	[sflag:s30] =	ssyncset.done $0x0  }
0x1e4: {  	[sflag:s30] =	ssyncadd.s32 $0xFFFFF830  }
0x1e5: {  	_ =	swait.ge [sflag:s30], $0x7D0  }
0x1e6: {  	[sflag:s30] =	ssyncset.done $0x0  }
0x1e7: {  	s31 =	simm.s32 $0x17820;
	[sflag:s30] =	ssyncadd.s32 $0xFFFFF830  }
0x1e8: {  	v0 =	vld [tilespmem:s31+$0x20]  }
0x1e9: {  	v1 =	vld [tilespmem:s31+$0xFFFFFFF0]  }
0x1ea: {  	v3 =	vld [tilespmem:s31+$0x0]  }
0x1eb: {  	v4 =	vld [tilespmem:s31+$0x10]  }
0x1ec: {  	v5 =	vld [tilespmem:s31+$0xFFFFFFE0]  }
0x1ed: {  	s0 =	simm.s32 $0x18820  }
0x1ee: {  	v6 =	vld [tilespmem:s0+$0x20]  }
0x1ef: {  	s1 =	simm.s32 $0x2800;
	v7 =	vld [tilespmem:s0+$0xFFFFFFE0]  }
0x1f0: {  	v8 =	vld.idx.msk [tilespmem:v0+s1+$0x0], $0xffff  }
0x1f1: {  	v2 =	vld.idx.msk [tilespmem:v1+s1+$0x0], $0xffff  }
0x1f2: {  	v0 =	vld.idx.msk [tilespmem:v3+s1+$0x0], $0xffff  }
0x1f3: {  	v1 =	vld.idx.msk [tilespmem:v4+s1+$0x0], $0xffff  }
0x1f4: {  	v9 =	vld.idx.msk [tilespmem:v5+s1+$0x0], $0xffff  }
0x1f5: {  	v5 =	vld [tilespmem:s0+$0x0]  }
0x1f6: {  	v4 =	vld [tilespmem:s0+$0x10]  }
0x1f7: {  	s2 =	simm.s32 $0x5000;
	v3 =	vld [tilespmem:s0+$0xFFFFFFF0]  }
0x1f8: {  	[tilespmem:v6+s2+$0x0] =	vst.idx.add.s32.msk $0xffff, v8  }
0x1f9: {  	s3 =	simm.s32 $0x0;
	s4 =	simm.s32 $0x17870;
	[tilespmem:v7+s2+$0x0] =	vst.idx.add.s32.msk $0xffff, v9  }
.LBB2_19:
0x1fa: {  	v6 =	vld [tilespmem:s4+$0x20];
	s3 =	sadd.s32 $0x5, s3;
	v7 =	vmov v5  }
0x1fb: {  	v5 =	vld [tilespmem:s4+$0xFFFFFFF0];
	p0 =	slt.u32 s3, $0x78;
	v8 =	vmov v4  }
0x1fc: {  	v4 =	vld [tilespmem:s4+$0x0]  }
0x1fd: {  	v9 =	vld [tilespmem:s4+$0x10]  }
0x1fe: {  	v10 =	vld [tilespmem:s4+$0xFFFFFFE0]  }
0x1ff: {  	s0 =	sadd.s32 $0x50, s0;
	[tilespmem:v3+s2+$0x0] =	vst.idx.add.s32.msk $0xffff, v2  }
0x200: {  	v11 =	vld [tilespmem:s0+$0x20]  }
0x201: {  	v12 =	vld [tilespmem:s0+$0xFFFFFFE0]  }
0x202: {  	v6 =	vld.idx.msk [tilespmem:v6+s1+$0x0], $0xffff  }
0x203: {  	v2 =	vld.idx.msk [tilespmem:v5+s1+$0x0], $0xffff  }
0x204: {  	v13 =	vld.idx.msk [tilespmem:v4+s1+$0x0], $0xffff  }
0x205: {  	v9 =	vld.idx.msk [tilespmem:v9+s1+$0x0], $0xffff  }
0x206: {  	v10 =	vld.idx.msk [tilespmem:v10+s1+$0x0], $0xffff  }
0x207: {  	v3 =	vld [tilespmem:s0+$0xFFFFFFF0]  }
0x208: {  	[tilespmem:v11+s2+$0x0] =	vst.idx.add.s32.msk $0xffff, v6  }
.Ltmp9:
0x209: {  	v5 =	vld [tilespmem:s0+$0x0];
	(pc) =	sbr.rel @p0 .LBB2_19-.Ltmp9, $4  }
0x20a: {  	v4 =	vld [tilespmem:s0+$0x10]  }
0x20b: {  	[tilespmem:v7+s2+$0x0] =	vst.idx.add.s32.msk $0xffff, v0;
	v0 =	vmov v13  }
0x20c: {  	[tilespmem:v12+s2+$0x0] =	vst.idx.add.s32.msk $0xffff, v10  }
0x20d: {  	s4 =	sadd.s32 $0x50, s4;
	[tilespmem:v8+s2+$0x0] =	vst.idx.add.s32.msk $0xffff, v1;
	v1 =	vmov v9  }
0x20e: {  	_ =	sdelay $0x2  }
0x20f: {  	[dreg:$0x1b] =	wrdreg s8  }
0x210: {  	[tilespmem:v3+s2+$0x0] =	vst.idx.add.s32.msk $0xffff, v2  }
0x211: {  	[tilespmem:v5+s2+$0x0] =	vst.idx.add.s32.msk $0xffff, v0  }
0x212: {  	s0 =	simm.s32 $0x2;
	[tilespmem:v4+s2+$0x0] =	vst.idx.add.s32.msk $0xffff, v1  }
0x213: {  	_ =	swait.ge [sflag:s0], $0x7D0  }
0x214: {  	[sflag:s0] =	ssyncset.done $0x0  }
0x215: {  	[sflag:s0] =	ssyncadd.s32 $0xFFFFF830  }
0x216: {  	_ =	swait.ge [sflag:s0], $0x7D0  }
0x217: {  	[sflag:s0] =	ssyncset.done $0x0  }
0x218: {  	s31 =	simm.s32 $0x18020;
	[sflag:s0] =	ssyncadd.s32 $0xFFFFF830  }
0x219: {  	v0 =	vld [tilespmem:s31+$0x20]  }
0x21a: {  	v1 =	vld [tilespmem:s31+$0xFFFFFFF0]  }
0x21b: {  	v3 =	vld [tilespmem:s31+$0x0]  }
0x21c: {  	v4 =	vld [tilespmem:s31+$0x10]  }
0x21d: {  	v5 =	vld [tilespmem:s31+$0xFFFFFFE0]  }
0x21e: {  	s0 =	simm.s32 $0x19020  }
0x21f: {  	v6 =	vld [tilespmem:s0+$0x20]  }
0x220: {  	s1 =	simm.s32 $0x2800;
	v7 =	vld [tilespmem:s0+$0xFFFFFFE0]  }
0x221: {  	v8 =	vld.idx.msk [tilespmem:v0+s1+$0x0], $0xffff  }
0x222: {  	v2 =	vld.idx.msk [tilespmem:v1+s1+$0x0], $0xffff  }
0x223: {  	v0 =	vld.idx.msk [tilespmem:v3+s1+$0x0], $0xffff  }
0x224: {  	v1 =	vld.idx.msk [tilespmem:v4+s1+$0x0], $0xffff  }
0x225: {  	v9 =	vld.idx.msk [tilespmem:v5+s1+$0x0], $0xffff  }
0x226: {  	v5 =	vld [tilespmem:s0+$0x0]  }
0x227: {  	v4 =	vld [tilespmem:s0+$0x10]  }
0x228: {  	s2 =	simm.s32 $0x5000;
	v3 =	vld [tilespmem:s0+$0xFFFFFFF0]  }
0x229: {  	[tilespmem:v6+s2+$0x0] =	vst.idx.add.s32.msk $0xffff, v8  }
0x22a: {  	s3 =	simm.s32 $0x0;
	s4 =	simm.s32 $0x18070;
	[tilespmem:v7+s2+$0x0] =	vst.idx.add.s32.msk $0xffff, v9  }
.LBB2_21:
0x22b: {  	v6 =	vld [tilespmem:s4+$0x20];
	s3 =	sadd.s32 $0x5, s3;
	v7 =	vmov v5  }
0x22c: {  	v5 =	vld [tilespmem:s4+$0xFFFFFFF0];
	p0 =	slt.u32 s3, $0x78;
	v8 =	vmov v4  }
0x22d: {  	v4 =	vld [tilespmem:s4+$0x0]  }
0x22e: {  	v9 =	vld [tilespmem:s4+$0x10]  }
0x22f: {  	v10 =	vld [tilespmem:s4+$0xFFFFFFE0]  }
0x230: {  	s0 =	sadd.s32 $0x50, s0;
	[tilespmem:v3+s2+$0x0] =	vst.idx.add.s32.msk $0xffff, v2  }
0x231: {  	v11 =	vld [tilespmem:s0+$0x20]  }
0x232: {  	v12 =	vld [tilespmem:s0+$0xFFFFFFE0]  }
0x233: {  	v6 =	vld.idx.msk [tilespmem:v6+s1+$0x0], $0xffff  }
0x234: {  	v2 =	vld.idx.msk [tilespmem:v5+s1+$0x0], $0xffff  }
0x235: {  	v13 =	vld.idx.msk [tilespmem:v4+s1+$0x0], $0xffff  }
0x236: {  	v9 =	vld.idx.msk [tilespmem:v9+s1+$0x0], $0xffff  }
0x237: {  	v10 =	vld.idx.msk [tilespmem:v10+s1+$0x0], $0xffff  }
0x238: {  	v3 =	vld [tilespmem:s0+$0xFFFFFFF0]  }
0x239: {  	[tilespmem:v11+s2+$0x0] =	vst.idx.add.s32.msk $0xffff, v6  }
.Ltmp10:
0x23a: {  	v5 =	vld [tilespmem:s0+$0x0];
	(pc) =	sbr.rel @p0 .LBB2_21-.Ltmp10, $4  }
0x23b: {  	v4 =	vld [tilespmem:s0+$0x10]  }
0x23c: {  	[tilespmem:v7+s2+$0x0] =	vst.idx.add.s32.msk $0xffff, v0;
	v0 =	vmov v13  }
0x23d: {  	[tilespmem:v12+s2+$0x0] =	vst.idx.add.s32.msk $0xffff, v10  }
0x23e: {  	s4 =	sadd.s32 $0x50, s4;
	[tilespmem:v8+s2+$0x0] =	vst.idx.add.s32.msk $0xffff, v1;
	v1 =	vmov v9  }
0x23f: {  	_ =	sdelay $0x3  }
0x240: {  	s0 =	sshrl.u32 s6, $0x3;
	[tilespmem:v3+s2+$0x0] =	vst.idx.add.s32.msk $0xffff, v2  }
0x241: {  	[dreg:$0x19] =	wrdreg s0;
	s0 =	smul.u32 $0x50000, s0  }
0x242: {  	s1 =	sshll.u32 s6, $0x7  }
0x243: {  	s8 =	simm.s32 $0x80;
	s9 =	simm.s32 $0x400;
	[tilespmem:v5+s2+$0x0] =	vst.idx.add.s32.msk $0xffff, v0;
	s0 =	sshrl.u32 s0, $0x2  }
0x244: {  	s10 =	simm.s32 $0x5000;
	s1 =	sand.u32 $0x380, s1;
	[tilespmem:v4+s2+$0x0] =	vst.idx.add.s32.msk $0xffff, v1;
	s0 =	sadd.s32 s0, s7  }
0x245: {  	_ =	strace $0x90000049;
	[dreg:$0x1a] =	wrdreg s1;
	s3 =	sadd.s32 s1, s0  }
0x246: {  	s11 =	simm.s32 $0x3;
	_ =	strace $0x8000004A;
	[smem:$0x7ED] =	sst s3  }
0x247: {  	[spmem:s3] =	stream.strided.scatter [tilespmem:s10], [sflag:$0x3], $0x2800, s9, s8, $0x200038;
	[tilespmem:$0x1ED00] =	vst v63  }
0x248: {  	s12 =	smul.u32 $0x5000, s6;
	_ =	swait.ge [sflag:s11], $0x2800  }
0x249: {  	[sflag:s11] =	ssyncset.done $0x0  }
0x24a: {  	s13 =	simm.s32 $0x1400;
	s1 =	sshrl.u32 s12, $0x2;
	[sflag:s11] =	ssyncadd.s32 $0xFFFFD800  }
0x24b: {  	s14 =	simm.s32 $0x14000;
	s4 =	sadd.s32 s1, s7;
	[bflag:$0x0] =	sbarrier.arrive $0xFFFF  }
0x24c: {  	s15 =	simm.s32 $0x19800;
	s16 =	simm.s32 $0x0;
	[smem:$0x7EE] =	sst s4  }
0x24d: {  	[tilespmem:s15], [sflag:$0x3] =	stream.strided.gather [spmem:s4], $0x2800, s14, s13, $0x200038;
	[tilespmem:$0x1ED00] =	vst v63  }
0x24e: {  	s18 =	simm.s32 $0x30;
	s17 =	sand.u32 $0x1C00, s16;
	_ =	swait.ge [sflag:s11], $0x2800  }
0x24f: {  	s19 =	sand.u32 $0x70, s18;
	s12 =	sadd.s32 $0x19800, s17;
	[sflag:s11] =	ssyncset.done $0x0  }
0x250: {  	s20 =	sor.u32 s19, s12;
	[sflag:s11] =	ssyncadd.s32 $0xFFFFD800  }
0x251: {  	v0 =	vld [tilespmem:s20+$0x0]  }
0x252: {  	v1 =	vld [tilespmem:s20+$0x80]  }
0x253: {  	v2 =	vld [tilespmem:s20+$0x100]  }
0x254: {  	v3 =	vld [tilespmem:s20+$0x180]  }
0x255: {  	v4 =	vld [tilespmem:s20+$0x200]  }
0x256: {  	v5 =	vld [tilespmem:s20+$0x280]  }
0x257: {  	s10 =	sadd.s32 $0x1AC80, s17;
	v6 =	vld [tilespmem:s20+$0x300]  }
0x258: {  	s9 =	sadd.s32 $0x1AD00, s17;
	s22 =	sor.u32 s19, s10;
	v7 =	vld [tilespmem:s20+$0x380]  }
0x259: {  	s8 =	sadd.s32 $0x1AD80, s17;
	s23 =	sor.u32 s19, s9;
	v9 =	vld [tilespmem:s22+$0x0]  }
0x25a: {  	s7 =	sadd.s32 $0x1AE00, s17;
	s24 =	sor.u32 s19, s8;
	v10 =	vld [tilespmem:s23+$0x0]  }
0x25b: {  	s0 =	sadd.s32 $0x1AF00, s17;
	s2 =	sor.u32 s19, s7;
	v11 =	vld [tilespmem:s24+$0x0]  }
0x25c: {  	s26 =	sor.u32 s19, s0;
	s3 =	sand.u32 $0x40, s16;
	v12 =	vld [tilespmem:s2+$0x0]  }
0x25d: {  	s13 =	sor.u32 s3, s12;
	v14 =	vld [tilespmem:s26+$0x0]  }
0x25e: {  	v17 =	vld [tilespmem:s13+$0x0]  }
0x25f: {  	v18 =	vld [tilespmem:s13+$0x80]  }
0x260: {  	v21 =	vld [tilespmem:s13+$0x100]  }
0x261: {  	v23 =	vld [tilespmem:s13+$0x180]  }
0x262: {  	v25 =	vld [tilespmem:s13+$0x200]  }
0x263: {  	v27 =	vld [tilespmem:s13+$0x280]  }
0x264: {  	v28 =	vld [tilespmem:s13+$0x300]  }
0x265: {  	s15 =	sor.u32 s3, s10;
	s11 =	sadd.s32 $0x1AC00, s17;
	v29 =	vld [tilespmem:s13+$0x380]  }
0x266: {  	s21 =	sor.u32 s19, s11;
	v52 =	vld [tilespmem:s15+$0x0]  }
0x267: {  	s22 =	smul.u32 $0x280, s6;
	s13 =	sor.u32 s3, s11;
	v8 =	vld [tilespmem:s21+$0x0]  }
0x268: {  	s6 =	sadd.s32 $0x1AE80, s17;
	s2 =	sadd.s32 $0x1AF80, s17;
	s17 =	sor.u32 s3, s9;
	v49 =	vld [tilespmem:s13+$0x0]  }
0x269: {  	s26 =	sor.u32 s3, s0;
	v55 =	vld [tilespmem:s17+$0x0]  }
0x26a: {  	s5 =	sor.u32 s19, s6;
	v61 =	vld [tilespmem:s26+$0x0];
	s25 =	sadd.s32 $0x0, s22  }
0x26b: {  	s28 =	sor.u32 s19, s2;
	v13 =	vld [tilespmem:s5+$0x0];
	s1 =	sand.u32 $0x7F80, s25  }
0x26c: {  	s29 =	simm.s32 $0x10;
	v15 =	vld [tilespmem:s28+$0x0];
	s4 =	sor.u32 s19, s1  }
0x26d: {  	s19 =	sor.u32 s3, s8;
	v16 =	vld [tilespmem:s4+$0x0];
	s4 =	sand.u32 $0x50, s29  }
0x26e: {  	v56 =	vld [tilespmem:s19+$0x0];
	s14 =	sor.u32 s4, s12  }
0x26f: {  	v19 =	vld [tilespmem:s14+$0x0]  }
0x270: {  	v20 =	vld [tilespmem:s14+$0x80]  }
0x271: {  	v0 =	vadd.s32 v0, v1;
	v22 =	vld [tilespmem:s14+$0x100]  }
0x272: {  	v0 =	vadd.s32 v2, v0;
	v24 =	vld [tilespmem:s14+$0x180]  }
0x273: {  	v26 =	vld [tilespmem:s14+$0x200];
	v0 =	vadd.s32 v3, v0  }
0x274: {  	s30 =	simm.s32 $0x20;
	v30 =	vld [tilespmem:s14+$0x280];
	v0 =	vadd.s32 v4, v0  }
0x275: {  	s5 =	sand.u32 $0x60, s30;
	v31 =	vld [tilespmem:s14+$0x300];
	v0 =	vadd.s32 v5, v0  }
0x276: {  	s12 =	sor.u32 s5, s12;
	v32 =	vld [tilespmem:s14+$0x380];
	v0 =	vadd.s32 v6, v0  }
0x277: {  	v1 =	vld [tilespmem:s12+$0x0];
	v0 =	vadd.s32 v7, v0  }
0x278: {  	v2 =	vld [tilespmem:s12+$0x80];
	v0 =	vadd.s32 v8, v0  }
0x279: {  	s16 =	sor.u32 s4, s10;
	v3 =	vld [tilespmem:s12+$0x100];
	v0 =	vadd.s32 v9, v0  }
0x27a: {  	s10 =	sor.u32 s5, s10;
	v53 =	vld [tilespmem:s16+$0x0];
	v0 =	vadd.s32 v10, v0  }
0x27b: {  	s18 =	sor.u32 s4, s9;
	v54 =	vld [tilespmem:s10+$0x0];
	v0 =	vadd.s32 v11, v0  }
0x27c: {  	s9 =	sor.u32 s5, s9;
	v33 =	vld [tilespmem:s18+$0x0];
	v0 =	vadd.s32 v12, v0  }
0x27d: {  	s20 =	sor.u32 s4, s8;
	v34 =	vld [tilespmem:s9+$0x0];
	v0 =	vadd.s32 v13, v0  }
0x27e: {  	s8 =	sor.u32 s5, s8;
	v36 =	vld [tilespmem:s20+$0x0];
	v0 =	vadd.s32 v14, v0  }
0x27f: {  	s23 =	sor.u32 s4, s7;
	v59 =	vld [tilespmem:s8+$0x0];
	v0 =	vadd.s32 v15, v0  }
0x280: {  	v60 =	vld [tilespmem:s23+$0x0];
	v16 =	vmul.u32 $0x27D4EB2F, v16;
	v0 =	vmul.u32 $0xC2B2AE3D, v0  }
0x281: {  	s14 =	sor.u32 s4, s11;
	v4 =	vld [tilespmem:s12+$0x180]  }
0x282: {  	v50 =	vld [tilespmem:s14+$0x0];
	v0 =	vadd.s32 v16, v0  }
0x283: {  	v17 =	vadd.s32 v17, v18;
	v5 =	vld [tilespmem:s12+$0x200];
	v57 =	vadd.s32 v19, v20;
	v35 =	vshrl.u32 v0, $0xD  }
0x284: {  	v6 =	vld [tilespmem:s12+$0x280];
	v58 =	vxor.u32 v0, v35;
	v0 =	vadd.s32 v1, v2;
	v1 =	vadd.s32 v21, v17  }
0x285: {  	v7 =	vld [tilespmem:s12+$0x300];
	v2 =	vadd.s32 v22, v57;
	v1 =	vadd.s32 v23, v1  }
0x286: {  	s11 =	sor.u32 s5, s11;
	v8 =	vld [tilespmem:s12+$0x380];
	v0 =	vadd.s32 v3, v0;
	v2 =	vadd.s32 v24, v2;
	v1 =	vadd.s32 v25, v1  }
0x287: {  	s21 =	sor.u32 s3, s7;
	v51 =	vld [tilespmem:s11+$0x0];
	v0 =	vadd.s32 v4, v0;
	v2 =	vadd.s32 v26, v2;
	v1 =	vadd.s32 v27, v1  }
0x288: {  	s7 =	sor.u32 s5, s7;
	v3 =	vld [tilespmem:s21+$0x0];
	v0 =	vadd.s32 v5, v0;
	v2 =	vadd.s32 v30, v2;
	v1 =	vadd.s32 v28, v1  }
0x289: {  	s24 =	sor.u32 s3, s6;
	v4 =	vld [tilespmem:s7+$0x0];
	v0 =	vadd.s32 v6, v0;
	v2 =	vadd.s32 v31, v2;
	v1 =	vadd.s32 v29, v1  }
0x28a: {  	s25 =	sor.u32 s4, s6;
	v5 =	vld [tilespmem:s24+$0x0];
	v0 =	vadd.s32 v7, v0;
	v2 =	vadd.s32 v32, v2;
	v1 =	vadd.s32 v49, v1  }
0x28b: {  	s6 =	sor.u32 s5, s6;
	v6 =	vld [tilespmem:s25+$0x0];
	v0 =	vadd.s32 v8, v0;
	v2 =	vadd.s32 v50, v2;
	v1 =	vadd.s32 v52, v1  }
0x28c: {  	s28 =	sor.u32 s4, s0;
	v8 =	vld [tilespmem:s6+$0x0];
	v0 =	vadd.s32 v51, v0;
	v2 =	vadd.s32 v53, v2;
	v7 =	vadd.s32 v55, v1  }
0x28d: {  	s0 =	sor.u32 s5, s0;
	v0 =	vadd.s32 v54, v0;
	v2 =	vadd.s32 v33, v2;
	v1 =	vld [tilespmem:s28+$0x0];
	v7 =	vadd.s32 v56, v7  }
0x28e: {  	s31 =	simm.s32 $0x1C020;
	s29 =	sor.u32 s3, s2;
	v0 =	vadd.s32 v34, v0;
	v62 =	vadd.s32 v36, v2;
	v2 =	vld [tilespmem:s0+$0x0];
	v7 =	vadd.s32 v3, v7  }
0x28f: {  	s30 =	sor.u32 s4, s2;
	s2 =	sor.u32 s5, s2;
	s18 =	simm.s32 $0x0;
	v63 =	vadd.s32 v59, v0;
	v3 =	vld [tilespmem:s29+$0x0];
	v5 =	vadd.s32 v5, v7;
	v7 =	vand.u32 $0xFFFF, v58  }
0x290: {  	s9 =	sor.u32 s4, s1;
	s4 =	simm.s32 $0x40;
	s11 =	sor.u32 s3, s1;
	v10 =	vadd.s32 v60, v62;
	v0 =	vld [tilespmem:s30+$0x0];
	v4 =	vadd.s32 v4, v63;
	[tilespmem:s31+$0x10] =	vst v7  }
0x291: {  	s6 =	sor.u32 s5, s1;
	v7 =	vadd.s32 v6, v10;
	v6 =	vadd.s32 v8, v4;
	v5 =	vadd.s32 v61, v5;
	v4 =	vld [tilespmem:s2+$0x0];
	s2 =	simm.s32 $0x200;
	[dreg:$0x5] =	wrdreg s22  }
.LBB2_23:
0x292: {  	s8 =	sand.u32 $0x1C00, s2;
	s3 =	sadd.s32 $0x30, s4  }
0x293: {  	s10 =	sadd.s32 $0x19800, s8;
	s7 =	sand.u32 $0x70, s3  }
0x294: {  	v8 =	vld [tilespmem:s11+$0x0];
	s19 =	sor.u32 s7, s10  }
0x295: {  	v9 =	vld [tilespmem:s19+$0x180]  }
0x296: {  	v1 =	vadd.s32 v1, v7;
	v7 =	vld [tilespmem:s9+$0x0]  }
0x297: {  	v3 =	vadd.s32 v3, v5;
	v5 =	vld [tilespmem:s6+$0x0]  }
0x298: {  	v2 =	vadd.s32 v2, v6;
	v6 =	vld [tilespmem:s19+$0x0]  }
0x299: {  	v0 =	vadd.s32 v0, v1;
	v1 =	vld [tilespmem:s19+$0x80]  }
0x29a: {  	s20 =	sadd.s32 $0x1AC00, s8;
	v3 =	vmul.u32 $0xC2B2AE3D, v3;
	v2 =	vadd.s32 v4, v2;
	v4 =	vld [tilespmem:s19+$0x100];
	v8 =	vmul.u32 $0x27D4EB2F, v8  }
0x29b: {  	s21 =	sor.u32 s7, s20;
	v10 =	vld [tilespmem:s19+$0x200]  }
0x29c: {  	v60 =	vld [tilespmem:s21+$0x0];
	v0 =	vmul.u32 $0xC2B2AE3D, v0;
	v3 =	vadd.s32 v8, v3  }
0x29d: {  	v2 =	vmul.u32 $0xC2B2AE3D, v2;
	v8 =	vld [tilespmem:s19+$0x280];
	v11 =	vshrl.u32 v3, $0xD;
	v5 =	vmul.u32 $0x27D4EB2F, v5  }
0x29e: {  	s16 =	sadd.s32 $0x1AD80, s8;
	v7 =	vmul.u32 $0x27D4EB2F, v7;
	v3 =	vxor.u32 v3, v11;
	v1 =	vadd.s32 v6, v1;
	v6 =	vld [tilespmem:s19+$0x300]  }
0x29f: {  	s1 =	sadd.s32 $0x10, s4;
	s12 =	sadd.s32 $0x1AC80, s8;
	s30 =	sor.u32 s7, s16;
	v3 =	vand.u32 $0xFFFF, v3;
	v2 =	vadd.s32 v5, v2;
	v1 =	vadd.s32 v4, v1;
	v4 =	vld [tilespmem:s19+$0x380]  }
0x2a0: {  	s17 =	sadd.s32 $0x20, s4;
	s13 =	sadd.s32 $0x1AD00, s8;
	s24 =	sor.u32 s7, s12;
	v0 =	vadd.s32 v7, v0;
	[tilespmem:s31+$0xFFFFFFE0] =	vst v3;
	v3 =	vld [tilespmem:s30+$0x0];
	v5 =	vshrl.u32 v2, $0xD  }
0x2a1: {  	s26 =	sor.u32 s7, s13;
	s6 =	sand.u32 $0x60, s17;
	s17 =	sadd.s32 $0x1AE80, s8;
	v7 =	vshrl.u32 v0, $0xD;
	v1 =	vadd.s32 v9, v1;
	v2 =	vxor.u32 v2, v5;
	v5 =	vld [tilespmem:s24+$0x0]  }
0x2a2: {  	s28 =	sand.u32 $0x50, s1;
	s9 =	sand.u32 $0x40, s4;
	s21 =	sor.u32 s7, s17;
	v0 =	vxor.u32 v0, v7;
	v1 =	vadd.s32 v10, v1;
	v7 =	vld [tilespmem:s26+$0x0];
	v2 =	vand.u32 $0xFFFF, v2  }
0x2a3: {  	s11 =	sadd.s32 $0x1AE00, s8;
	s1 =	sor.u32 s28, s10;
	s5 =	sor.u32 s9, s10;
	v1 =	vadd.s32 v8, v1;
	[tilespmem:s31+$0x0] =	vst v2;
	v2 =	vld [tilespmem:s21+$0x0]  }
0x2a4: {  	s23 =	sor.u32 s28, s20;
	s15 =	sor.u32 s7, s11;
	s19 =	sadd.s32 $0x1AF00, s8;
	v0 =	vand.u32 $0xFFFF, v0;
	v1 =	vadd.s32 v6, v1;
	v6 =	vld [tilespmem:s5+$0x0]  }
0x2a5: {  	[dreg:$0x9] =	wrdreg s23;
	s0 =	sor.u32 s9, s20;
	s24 =	sor.u32 s7, s19;
	[tilespmem:s31+$0xFFFFFFF0] =	vst v0;
	v0 =	vadd.s32 v4, v1;
	v1 =	vld [tilespmem:s15+$0x0]  }
0x2a6: {  	s23 =	sadd.s32 s4, s22;
	s25 =	sor.u32 s6, s20;
	[dreg:$0x6] =	wrdreg s0;
	v4 =	vld [tilespmem:s24+$0x0]  }
0x2a7: {  	s0 =	sadd.s32 $0x1AF80, s8;
	s15 =	sand.u32 $0x7F80, s23;
	s23 =	sor.u32 s9, s19;
	v61 =	vld [tilespmem:s1+$0x180];
	v0 =	vadd.s32 v60, v0  }
0x2a8: {  	[dreg:$0xc] =	wrdreg s25;
	s25 =	sor.u32 s7, s0;
	v62 =	vld [tilespmem:s23+$0x0];
	v0 =	vadd.s32 v5, v0  }
0x2a9: {  	s26 =	sor.u32 s7, s15;
	v5 =	vld [tilespmem:s25+$0x0];
	v0 =	vadd.s32 v7, v0  }
0x2aa: {  	v0 =	vadd.s32 v3, v0;
	v3 =	vld [tilespmem:s26+$0x0]  }
0x2ab: {  	v0 =	vadd.s32 v1, v0;
	v1 =	vld [tilespmem:s5+$0x80]  }
0x2ac: {  	v0 =	vadd.s32 v2, v0;
	v2 =	vld [tilespmem:s1+$0x0]  }
0x2ad: {  	s3 =	sor.u32 s6, s10;
	v0 =	vadd.s32 v4, v0;
	v4 =	vld [tilespmem:s1+$0x80]  }
0x2ae: {  	v7 =	vld [tilespmem:s3+$0x80];
	v0 =	vadd.s32 v5, v0  }
0x2af: {  	v5 =	vld [tilespmem:s3+$0x0];
	v0 =	vmul.u32 $0xC2B2AE3D, v0;
	v3 =	vmul.u32 $0x27D4EB2F, v3  }
0x2b0: {  	v1 =	vadd.s32 v6, v1;
	v6 =	vld [tilespmem:s5+$0x100]  }
0x2b1: {  	v0 =	vadd.s32 v3, v0;
	v3 =	vld [tilespmem:s1+$0x100]  }
0x2b2: {  	v8 =	vshrl.u32 v0, $0xD;
	v2 =	vadd.s32 v2, v4;
	v4 =	vld [tilespmem:s3+$0x100]  }
0x2b3: {  	v0 =	vxor.u32 v0, v8;
	v8 =	vld [tilespmem:s5+$0x180]  }
0x2b4: {  	s31 =	sadd.s32 $0x40, s31;
	v5 =	vadd.s32 v5, v7;
	v7 =	vld [tilespmem:s5+$0x280];
	v0 =	vand.u32 $0xFFFF, v0  }
0x2b5: {  	[tilespmem:s31+$0x10] =	vst v0;
	v0 =	vadd.s32 v6, v1;
	v1 =	vld [tilespmem:s3+$0x180]  }
0x2b6: {  	v6 =	vld [tilespmem:s5+$0x200]  }
0x2b7: {  	v2 =	vadd.s32 v3, v2;
	v3 =	vld [tilespmem:s1+$0x200]  }
0x2b8: {  	v4 =	vadd.s32 v4, v5;
	v5 =	vld [tilespmem:s3+$0x200]  }
0x2b9: {  	s14 =	sor.u32 s28, s12;
	v0 =	vadd.s32 v8, v0;
	v8 =	vld [tilespmem:s1+$0x280]  }
0x2ba: {  	[dreg:$0x12] =	wrdreg s14;
	s29 =	sor.u32 s9, s12;
	s20 =	sor.u32 s6, s12;
	v1 =	vadd.s32 v1, v4;
	v4 =	vld [tilespmem:s3+$0x280]  }
0x2bb: {  	s14 =	sor.u32 s9, s13;
	s12 =	sor.u32 s28, s16;
	[dreg:$0xf] =	wrdreg s29;
	v2 =	vadd.s32 v61, v2;
	v0 =	vadd.s32 v6, v0;
	v6 =	vld [tilespmem:s5+$0x300]  }
0x2bc: {  	s10 =	sor.u32 s9, s11;
	s22 =	sor.u32 s6, s17;
	[dreg:$0x15] =	wrdreg s20;
	v2 =	vadd.s32 v3, v2;
	v3 =	vld [tilespmem:s1+$0x300]  }
0x2bd: {  	s20 =	sor.u32 s9, s0;
	s8 =	sor.u32 s28, s13;
	s30 =	sor.u32 s28, s11;
	v0 =	vadd.s32 v7, v0;
	v7 =	vld [tilespmem:s5+$0x380]  }
0x2be: {  	s21 =	sor.u32 s28, s19;
	s24 =	sor.u32 s28, s17;
	s7 =	sor.u32 s9, s16;
	v1 =	vadd.s32 v5, v1;
	v5 =	vld [tilespmem:s3+$0x300]  }
0x2bf: {  	s25 =	sor.u32 s6, s11;
	s11 =	sor.u32 s9, s15;
	s26 =	sor.u32 s9, s17;
	v2 =	vadd.s32 v8, v2;
	v8 =	vld [tilespmem:s1+$0x380]  }
0x2c0: {  	s17 =	sor.u32 s28, s0;
	s9 =	sor.u32 s28, s15;
	s28 =	rddreg [dreg:$0x6];
	v1 =	vadd.s32 v4, v1;
	v4 =	vld [tilespmem:s3+$0x380]  }
0x2c1: {  	s1 =	rddreg [dreg:$0x9];
	v0 =	vadd.s32 v6, v0;
	v6 =	vld [tilespmem:s28+$0x0]  }
0x2c2: {  	s29 =	sor.u32 s6, s16;
	s5 =	rddreg [dreg:$0xf];
	v2 =	vadd.s32 v3, v2;
	v3 =	vld [tilespmem:s1+$0x0]  }
0x2c3: {  	s13 =	sor.u32 s6, s13;
	s19 =	sor.u32 s6, s19;
	s3 =	rddreg [dreg:$0xc];
	v0 =	vadd.s32 v7, v0;
	v7 =	vld [tilespmem:s5+$0x0]  }
0x2c4: {  	s16 =	sor.u32 s6, s0;
	s6 =	sor.u32 s6, s15;
	s15 =	rddreg [dreg:$0x12];
	v1 =	vadd.s32 v5, v1;
	v5 =	vld [tilespmem:s3+$0x0]  }
0x2c5: {  	s28 =	rddreg [dreg:$0x15];
	v2 =	vadd.s32 v8, v2;
	v8 =	vld [tilespmem:s15+$0x0]  }
0x2c6: {  	v1 =	vadd.s32 v4, v1;
	v4 =	vld [tilespmem:s28+$0x0]  }
0x2c7: {  	v0 =	vadd.s32 v6, v0;
	v6 =	vld [tilespmem:s14+$0x0]  }
0x2c8: {  	v2 =	vadd.s32 v3, v2;
	v3 =	vld [tilespmem:s8+$0x0]  }
0x2c9: {  	v0 =	vadd.s32 v7, v0;
	v7 =	vld [tilespmem:s7+$0x0]  }
0x2ca: {  	v1 =	vadd.s32 v5, v1;
	v5 =	vld [tilespmem:s13+$0x0]  }
0x2cb: {  	v2 =	vadd.s32 v8, v2;
	v8 =	vld [tilespmem:s12+$0x0]  }
0x2cc: {  	v1 =	vadd.s32 v4, v1;
	v4 =	vld [tilespmem:s29+$0x0]  }
0x2cd: {  	v0 =	vadd.s32 v6, v0;
	v6 =	vld [tilespmem:s10+$0x0]  }
0x2ce: {  	v2 =	vadd.s32 v3, v2;
	v3 =	vld [tilespmem:s30+$0x0]  }
0x2cf: {  	v0 =	vadd.s32 v7, v0;
	v7 =	vld [tilespmem:s26+$0x0]  }
0x2d0: {  	v1 =	vadd.s32 v5, v1;
	v5 =	vld [tilespmem:s25+$0x0]  }
0x2d1: {  	s18 =	sadd.s32 $0x4, s18;
	v2 =	vadd.s32 v8, v2;
	v8 =	vld [tilespmem:s24+$0x0]  }
0x2d2: {  	p0 =	slt.u32 s18, $0x24;
	v0 =	vadd.s32 v6, v0;
	v6 =	vld [tilespmem:s22+$0x0]  }
.Ltmp11:
0x2d3: {  	v4 =	vadd.s32 v4, v1;
	v1 =	vld [tilespmem:s21+$0x0];
	(pc) =	sbr.rel @p0 .LBB2_23-.Ltmp11, $4  }
0x2d4: {  	v63 =	vadd.s32 v3, v2;
	v2 =	vld [tilespmem:s19+$0x0]  }
0x2d5: {  	v3 =	vld [tilespmem:s20+$0x0]  }
0x2d6: {  	v4 =	vadd.s32 v5, v4;
	v5 =	vadd.s32 v7, v0;
	v0 =	vld [tilespmem:s17+$0x0]  }
0x2d7: {  	s2 =	sadd.s32 $0x200, s2;
	s4 =	sadd.s32 $0x40, s4;
	s22 =	rddreg [dreg:$0x5];
	v7 =	vadd.s32 v8, v63;
	v5 =	vadd.s32 v62, v5;
	v6 =	vadd.s32 v6, v4;
	v4 =	vld [tilespmem:s16+$0x0]  }
0x2d8: {  	v8 =	vld [tilespmem:s11+$0x0]  }
0x2d9: {  	v9 =	vld [tilespmem:s9+$0x0]  }
0x2da: {  	v10 =	vld [tilespmem:s6+$0x0];
	_ =	sdelay $0x1  }
0x2db: {  	v1 =	vadd.s32 v1, v7;
	v2 =	vadd.s32 v2, v6;
	v3 =	vadd.s32 v3, v5  }
0x2dc: {  	v3 =	vmul.u32 $0xC2B2AE3D, v3;
	v0 =	vadd.s32 v0, v1;
	v1 =	vmul.u32 $0x27D4EB2F, v8  }
0x2dd: {  	v0 =	vmul.u32 $0xC2B2AE3D, v0;
	v2 =	vadd.s32 v4, v2;
	v4 =	vmul.u32 $0x27D4EB2F, v9  }
0x2de: {  	v2 =	vmul.u32 $0xC2B2AE3D, v2;
	v1 =	vadd.s32 v1, v3;
	v3 =	vmul.u32 $0x27D4EB2F, v10  }
0x2df: {  	v0 =	vadd.s32 v4, v0;
	v5 =	vshrl.u32 v1, $0xD  }
0x2e0: {  	v4 =	vshrl.u32 v0, $0xD;
	v2 =	vadd.s32 v3, v2;
	v1 =	vxor.u32 v1, v5  }
0x2e1: {  	v0 =	vxor.u32 v0, v4;
	v3 =	vshrl.u32 v2, $0xD;
	v1 =	vand.u32 $0xFFFF, v1  }
0x2e2: {  	v0 =	vand.u32 $0xFFFF, v0;
	v2 =	vxor.u32 v2, v3;
	[tilespmem:s31+$0xFFFFFFE0] =	vst v1  }
0x2e3: {  	s2 =	rddreg [dreg:$0x3];
	[tilespmem:s31+$0xFFFFFFF0] =	vst v0;
	v1 =	vand.u32 $0xFFFF, v2  }
0x2e4: {  	s1 =	sadd.s32 s22, s2;
	[tilespmem:s31+$0x0] =	vst v1  }
0x2e5: {  	s0 =	simm.s32 $0x1C000;
	s24 =	simm.s32 $0x3;
	[smem:$0x7EC] =	sst s1  }
0x2e6: {  	[spmem:s1] =	stream.linear.scatter [tilespmem:s0], [sflag:$0x3], $0x280, $0x200038;
	[tilespmem:$0x1ED00] =	vst v63  }
0x2e7: {  	_ =	swait.ge [sflag:s24], $0x280  }
0x2e8: {  	[sflag:s24] =	ssyncset.done $0x0  }
0x2e9: {  	[sflag:s24] =	ssyncadd.s32 $0xFFFFFD80  }
0x2ea: {  	[bflag:$0x0] =	sbarrier.arrive $0xFFFF  }
0x2eb: {  	_ =	strace $0x9000004A  }
0x2ec: {  	s25 =	simm.s32 $0x0;
	_ =	strace $0x8000004B  }
0x2ed: {  	[tilespmem:s25], [sflag:$0x3] =	stream.linear.gather [spmem:s2], $0x2800, $0x200038;
	[tilespmem:$0x1ED00] =	vst v63  }
0x2ee: {  	_ =	swait.ge [sflag:s24], $0x2800  }
0x2ef: {  	[sflag:s24] =	ssyncset.done $0x0  }
0x2f0: {  	[sflag:s24] =	ssyncadd.s32 $0xFFFFD800  }
0x2f1: {  	[bflag:$0x0] =	sbarrier.arrive $0xFFFF  }
0x2f2: {  	_ =	strace $0x9000004B  }
0x2f3: {  	s26 =	simm.s32 $0x17800;
	s28 =	rddreg [dreg:$0x1b]  }
0x2f4: {  	[tilespmem:s26], [sflag:$0x1] =	stream.linear.gather [hbm4b:s28+s25], $0x7D0, $0x38;
	[tilespmem:$0x1ED00] =	vst v63  }
0x2f5: {  	s29 =	simm.s32 $0x18800;
	s30 =	rddreg [dreg:$0x1d]  }
0x2f6: {  	[tilespmem:s29], [sflag:$0x1] =	stream.linear.gather [hbm4b:s30+s25], $0x7D0, $0x38;
	[tilespmem:$0x1ED00] =	vst v63  }
0x2f7: {  	s31 =	simm.s32 $0x40;
	_ =	strace $0x8000004C  }
0x2f8: {  	v0 =	vld [tilespmem:s31+$0x30]  }
0x2f9: {  	v1 =	vld [tilespmem:s31+$0xFFFFFFD0]  }
0x2fa: {  	v2 =	vld [tilespmem:s31+$0xFFFFFFE0]  }
0x2fb: {  	v3 =	vld [tilespmem:s31+$0xFFFFFFF0]  }
0x2fc: {  	v7 =	vld [tilespmem:s31+$0x20]  }
0x2fd: {  	v8 =	vld [tilespmem:s31+$0xFFFFFFC0]  }
0x2fe: {  	v4 =	vld [tilespmem:s31+$0x0]  }
0x2ff: {  	v5 =	vld [tilespmem:s31+$0x10]  }
0x300: {  	v6 =	vmul.u32 $0x9E3779B1, v0;
	v1 =	vmul.u32 $0x9E3779B1, v1  }
0x301: {  	v0 =	vimm.s32 $0x0;
	v2 =	vmul.u32 $0x9E3779B1, v2;
	v7 =	vmul.u32 $0x9E3779B1, v7  }
0x302: {  	v8 =	vmul.u32 $0x9E3779B1, v8;
	v6 =	vxor.u32 $0x85EBCA77, v6;
	v10 =	vxor.u32 $0x85EBCA77, v1  }
0x303: {  	v1 =	vmul.u32 $0x9E3779B1, v3;
	v11 =	vxor.u32 $0x85EBCA77, v2;
	v2 =	vmul.u32 $0x9E3779B1, v4  }
0x304: {  	v4 =	vmul.u32 $0x9E3779B1, v5;
	v9 =	vxor.u32 $0x85EBCA77, v8;
	v3 =	vshrl.u32 v6, $0xF  }
0x305: {  	v13 =	vshrl.u32 v11, $0xF;
	v3 =	vxor.u32 v6, v3;
	v6 =	vshrl.u32 v10, $0xF  }
0x306: {  	s0 =	simm.s32 $0x2840;
	v12 =	vxor.u32 $0x85EBCA77, v1;
	v1 =	vxor.u32 $0x85EBCA77, v2;
	v2 =	vxor.u32 $0x85EBCA77, v4  }
0x307: {  	s1 =	simm.s32 $0x5040;
	v8 =	vxor.u32 v11, v13;
	v14 =	vshrl.u32 v12, $0xF;
	[tilespmem:s0+$0x30] =	vst v3;
	v5 =	vshrl.u32 v1, $0xF  }
0x308: {  	s4 =	simm.s32 $0x0;
	v4 =	vshrl.u32 v2, $0xF;
	v3 =	vxor.u32 $0x85EBCA77, v7;
	v7 =	vxor.u32 v10, v6;
	[tilespmem:s1+$0x30] =	vst v0  }
0x309: {  	s5 =	simm.s32 $0xC0;
	s3 =	simm.s32 $0x5040;
	s2 =	simm.s32 $0x2840;
	v10 =	vshrl.u32 v9, $0xF;
	v6 =	vshrl.u32 v3, $0xF;
	[tilespmem:s0+$0xFFFFFFD0] =	vst v7;
	v7 =	vxor.u32 v12, v14  }
.LBB2_25:
0x30a: {  	v11 =	vld [tilespmem:s5+$0x30];
	v9 =	vxor.u32 v9, v10;
	[tilespmem:s1+$0xFFFFFFD0] =	vst v0;
	v1 =	vxor.u32 v1, v5;
	v2 =	vxor.u32 v2, v4  }
0x30b: {  	s4 =	sadd.s32 $0x8, s4;
	v6 =	vxor.u32 v3, v6;
	v4 =	vld [tilespmem:s5+$0xFFFFFFD0];
	[tilespmem:s0+$0xFFFFFFC0] =	vst v9  }
0x30c: {  	p0 =	slt.u32 s4, $0x278;
	v3 =	vld [tilespmem:s5+$0xFFFFFFE0];
	[tilespmem:s1+$0xFFFFFFC0] =	vst v0  }
0x30d: {  	v5 =	vld [tilespmem:s5+$0xFFFFFFF0];
	[tilespmem:s0+$0xFFFFFFE0] =	vst v8  }
0x30e: {  	v8 =	vld [tilespmem:s5+$0x0]  }
0x30f: {  	[tilespmem:s1+$0xFFFFFFE0] =	vst v0  }
0x310: {  	v9 =	vld [tilespmem:s5+$0x10];
	v10 =	vmul.u32 $0x9E3779B1, v11;
	[tilespmem:s0+$0xFFFFFFF0] =	vst v7;
	v4 =	vmul.u32 $0x9E3779B1, v4  }
0x311: {  	v7 =	vld [tilespmem:s5+$0x20];
	[tilespmem:s1+$0xFFFFFFF0] =	vst v0;
	v3 =	vmul.u32 $0x9E3779B1, v3  }
0x312: {  	v11 =	vld [tilespmem:s5+$0xFFFFFFC0];
	v10 =	vxor.u32 $0x85EBCA77, v10;
	[tilespmem:s0+$0x0] =	vst v1;
	v12 =	vxor.u32 $0x85EBCA77, v4;
	v1 =	vmul.u32 $0x9E3779B1, v5  }
0x313: {  	v4 =	vshrl.u32 v10, $0xF;
	[tilespmem:s1+$0x0] =	vst v0;
	v13 =	vxor.u32 $0x85EBCA77, v3;
	v3 =	vmul.u32 $0x9E3779B1, v8  }
0x314: {  	s0 =	sadd.s32 $0x80, s0;
	v4 =	vxor.u32 v10, v4;
	[tilespmem:s2+$0x10] =	vst v2;
	v8 =	vshrl.u32 v12, $0xF  }
0x315: {  	s1 =	sadd.s32 $0x80, s1;
	v14 =	vxor.u32 $0x85EBCA77, v1;
	v2 =	vmul.u32 $0x9E3779B1, v9;
	[tilespmem:s0+$0x30] =	vst v4;
	v1 =	vxor.u32 $0x85EBCA77, v3  }
.Ltmp12:
0x316: {  	v15 =	vshrl.u32 v13, $0xF;
	v3 =	vmul.u32 $0x9E3779B1, v7;
	[tilespmem:s1+$0x30] =	vst v0;
	(pc) =	sbr.rel @p0 .LBB2_25-.Ltmp12, $4  }
0x317: {  	v7 =	vmul.u32 $0x9E3779B1, v11;
	v11 =	vshrl.u32 v14, $0xF;
	v2 =	vxor.u32 $0x85EBCA77, v2;
	[tilespmem:s3+$0x10] =	vst v0  }
0x318: {  	v5 =	vshrl.u32 v1, $0xF;
	v4 =	vshrl.u32 v2, $0xF;
	v3 =	vxor.u32 $0x85EBCA77, v3;
	[tilespmem:s2+$0x20] =	vst v6;
	s2 =	smov.u32 s0  }
0x319: {  	v9 =	vxor.u32 $0x85EBCA77, v7;
	v7 =	vxor.u32 v12, v8;
	v6 =	vshrl.u32 v3, $0xF;
	[tilespmem:s3+$0x20] =	vst v0;
	s3 =	smov.u32 s1  }
0x31a: {  	s5 =	sadd.s32 $0x80, s5;
	v8 =	vxor.u32 v13, v15;
	v10 =	vshrl.u32 v9, $0xF;
	[tilespmem:s0+$0xFFFFFFD0] =	vst v7;
	v7 =	vxor.u32 v14, v11  }
0x31b: {  	[tilespmem:s1+$0xFFFFFFD0] =	vst v0  }
0x31c: {  	[tilespmem:s0+$0xFFFFFFE0] =	vst v8  }
0x31d: {  	v9 =	vxor.u32 v9, v10;
	[tilespmem:s0+$0xFFFFFFF0] =	vst v7  }
0x31e: {  	[tilespmem:s0+$0xFFFFFFC0] =	vst v9  }
0x31f: {  	[tilespmem:s1+$0xFFFFFFE0] =	vst v0  }
0x320: {  	v1 =	vxor.u32 v1, v5;
	[tilespmem:s1+$0xFFFFFFF0] =	vst v0  }
0x321: {  	[tilespmem:s0+$0x0] =	vst v1  }
0x322: {  	[tilespmem:s1+$0xFFFFFFC0] =	vst v0  }
0x323: {  	v1 =	vxor.u32 v2, v4;
	[tilespmem:s1+$0x0] =	vst v0  }
0x324: {  	[tilespmem:s2+$0x10] =	vst v1  }
0x325: {  	v1 =	vxor.u32 v3, v6;
	[tilespmem:s3+$0x10] =	vst v0  }
0x326: {  	[tilespmem:s2+$0x20] =	vst v1  }
0x327: {  	[tilespmem:s3+$0x20] =	vst v0  }
0x328: {  	_ =	strace $0x9000004C  }
0x329: {  	_ =	strace $0x8000004D  }
0x32a: {  	s24 =	simm.s32 $0x0;
	s25 =	simm.s32 $0x18000;
	s26 =	rddreg [dreg:$0x1c]  }
0x32b: {  	[tilespmem:s25], [sflag:$0x2] =	stream.linear.gather [hbm4b:s26+s24], $0x7D0, $0x200038;
	[tilespmem:$0x1ED00] =	vst v63  }
0x32c: {  	s28 =	simm.s32 $0x19000;
	s30 =	simm.s32 $0x1;
	s29 =	rddreg [dreg:$0x1e]  }
0x32d: {  	[tilespmem:s28], [sflag:$0x2] =	stream.linear.gather [hbm4b:s29+s24], $0x7D0, $0x200038;
	[tilespmem:$0x1ED00] =	vst v63  }
0x32e: {  	_ =	swait.ge [sflag:s30], $0x7D0  }
0x32f: {  	[sflag:s30] =	ssyncset.done $0x0  }
0x330: {  	[sflag:s30] =	ssyncadd.s32 $0xFFFFF830  }
0x331: {  	_ =	swait.ge [sflag:s30], $0x7D0  }
0x332: {  	[sflag:s30] =	ssyncset.done $0x0  }
0x333: {  	s31 =	simm.s32 $0x17820;
	[sflag:s30] =	ssyncadd.s32 $0xFFFFF830  }
0x334: {  	v0 =	vld [tilespmem:s31+$0x20]  }
0x335: {  	v1 =	vld [tilespmem:s31+$0xFFFFFFF0]  }
0x336: {  	v3 =	vld [tilespmem:s31+$0x0]  }
0x337: {  	v4 =	vld [tilespmem:s31+$0x10]  }
0x338: {  	v5 =	vld [tilespmem:s31+$0xFFFFFFE0]  }
0x339: {  	s0 =	simm.s32 $0x18820  }
0x33a: {  	v6 =	vld [tilespmem:s0+$0x20]  }
0x33b: {  	s1 =	simm.s32 $0x2800;
	v7 =	vld [tilespmem:s0+$0xFFFFFFE0]  }
0x33c: {  	v62 =	vld.idx.msk [tilespmem:v0+s1+$0x0], $0xffff  }
0x33d: {  	v2 =	vld.idx.msk [tilespmem:v1+s1+$0x0], $0xffff  }
0x33e: {  	v0 =	vld.idx.msk [tilespmem:v3+s1+$0x0], $0xffff  }
0x33f: {  	v1 =	vld.idx.msk [tilespmem:v4+s1+$0x0], $0xffff  }
0x340: {  	v63 =	vld.idx.msk [tilespmem:v5+s1+$0x0], $0xffff  }
0x341: {  	v5 =	vld [tilespmem:s0+$0x0]  }
0x342: {  	v4 =	vld [tilespmem:s0+$0x10]  }
0x343: {  	s2 =	simm.s32 $0x5000;
	v3 =	vld [tilespmem:s0+$0xFFFFFFF0]  }
0x344: {  	[tilespmem:v6+s2+$0x0] =	vst.idx.add.s32.msk $0xffff, v62  }
0x345: {  	s4 =	simm.s32 $0x17870;
	s3 =	simm.s32 $0x0;
	[tilespmem:v7+s2+$0x0] =	vst.idx.add.s32.msk $0xffff, v63  }
.LBB2_27:
0x346: {  	v6 =	vld [tilespmem:s4+$0x20];
	s3 =	sadd.s32 $0x5, s3;
	v7 =	vmov v5  }
0x347: {  	v5 =	vld [tilespmem:s4+$0xFFFFFFF0];
	p0 =	slt.u32 s3, $0x78;
	v8 =	vmov v4  }
0x348: {  	v4 =	vld [tilespmem:s4+$0x0]  }
0x349: {  	v9 =	vld [tilespmem:s4+$0x10]  }
0x34a: {  	v10 =	vld [tilespmem:s4+$0xFFFFFFE0]  }
0x34b: {  	s0 =	sadd.s32 $0x50, s0;
	[tilespmem:v3+s2+$0x0] =	vst.idx.add.s32.msk $0xffff, v2  }
0x34c: {  	v11 =	vld [tilespmem:s0+$0x20]  }
0x34d: {  	v12 =	vld [tilespmem:s0+$0xFFFFFFE0]  }
0x34e: {  	v6 =	vld.idx.msk [tilespmem:v6+s1+$0x0], $0xffff  }
0x34f: {  	v2 =	vld.idx.msk [tilespmem:v5+s1+$0x0], $0xffff  }
0x350: {  	v13 =	vld.idx.msk [tilespmem:v4+s1+$0x0], $0xffff  }
0x351: {  	v9 =	vld.idx.msk [tilespmem:v9+s1+$0x0], $0xffff  }
0x352: {  	v10 =	vld.idx.msk [tilespmem:v10+s1+$0x0], $0xffff  }
0x353: {  	v3 =	vld [tilespmem:s0+$0xFFFFFFF0]  }
0x354: {  	[tilespmem:v11+s2+$0x0] =	vst.idx.add.s32.msk $0xffff, v6  }
.Ltmp13:
0x355: {  	v5 =	vld [tilespmem:s0+$0x0];
	(pc) =	sbr.rel @p0 .LBB2_27-.Ltmp13, $4  }
0x356: {  	v4 =	vld [tilespmem:s0+$0x10]  }
0x357: {  	[tilespmem:v7+s2+$0x0] =	vst.idx.add.s32.msk $0xffff, v0;
	v0 =	vmov v13  }
0x358: {  	[tilespmem:v12+s2+$0x0] =	vst.idx.add.s32.msk $0xffff, v10  }
0x359: {  	s4 =	sadd.s32 $0x50, s4;
	[tilespmem:v8+s2+$0x0] =	vst.idx.add.s32.msk $0xffff, v1;
	v1 =	vmov v9  }
0x35a: {  	_ =	sdelay $0x3  }
0x35b: {  	[tilespmem:v3+s2+$0x0] =	vst.idx.add.s32.msk $0xffff, v2  }
0x35c: {  	[tilespmem:v5+s2+$0x0] =	vst.idx.add.s32.msk $0xffff, v0  }
0x35d: {  	[tilespmem:v4+s2+$0x0] =	vst.idx.add.s32.msk $0xffff, v1  }
0x35e: {  	s2 =	rddreg [dreg:$0x1f]  }
0x35f: {  	s0 =	simm.s32 $0x0;
	s1 =	simm.s32 $0x17800;
	s29 =	sld [smem:$0x7FD]  }
0x360: {  	[tilespmem:s1], [sflag:$0x1] =	stream.linear.gather [hbm4b:s2+s0], $0x7D0, $0x200038;
	[tilespmem:$0x1ED00] =	vst v63  }
0x361: {  	s28 =	simm.s32 $0x18800;
	s30 =	simm.s32 $0x2  }
0x362: {  	[tilespmem:s28], [sflag:$0x1] =	stream.linear.gather [hbm4b:s29+s0], $0x7D0, $0x200038;
	[tilespmem:$0x1ED00] =	vst v63  }
0x363: {  	_ =	swait.ge [sflag:s30], $0x7D0  }
0x364: {  	[sflag:s30] =	ssyncset.done $0x0  }
0x365: {  	[sflag:s30] =	ssyncadd.s32 $0xFFFFF830  }
0x366: {  	_ =	swait.ge [sflag:s30], $0x7D0  }
0x367: {  	[sflag:s30] =	ssyncset.done $0x0  }
0x368: {  	s31 =	simm.s32 $0x18020;
	[sflag:s30] =	ssyncadd.s32 $0xFFFFF830  }
0x369: {  	v0 =	vld [tilespmem:s31+$0x20]  }
0x36a: {  	v1 =	vld [tilespmem:s31+$0xFFFFFFF0]  }
0x36b: {  	v3 =	vld [tilespmem:s31+$0x0]  }
0x36c: {  	v4 =	vld [tilespmem:s31+$0x10]  }
0x36d: {  	v5 =	vld [tilespmem:s31+$0xFFFFFFE0]  }
0x36e: {  	s0 =	simm.s32 $0x19020  }
0x36f: {  	v6 =	vld [tilespmem:s0+$0x20]  }
0x370: {  	s1 =	simm.s32 $0x2800;
	v7 =	vld [tilespmem:s0+$0xFFFFFFE0]  }
0x371: {  	v8 =	vld.idx.msk [tilespmem:v0+s1+$0x0], $0xffff  }
0x372: {  	v2 =	vld.idx.msk [tilespmem:v1+s1+$0x0], $0xffff  }
0x373: {  	v0 =	vld.idx.msk [tilespmem:v3+s1+$0x0], $0xffff  }
0x374: {  	v1 =	vld.idx.msk [tilespmem:v4+s1+$0x0], $0xffff  }
0x375: {  	v9 =	vld.idx.msk [tilespmem:v5+s1+$0x0], $0xffff  }
0x376: {  	v5 =	vld [tilespmem:s0+$0x0]  }
0x377: {  	v4 =	vld [tilespmem:s0+$0x10]  }
0x378: {  	s2 =	simm.s32 $0x5000;
	v3 =	vld [tilespmem:s0+$0xFFFFFFF0]  }
0x379: {  	[tilespmem:v6+s2+$0x0] =	vst.idx.add.s32.msk $0xffff, v8  }
0x37a: {  	s3 =	simm.s32 $0x0;
	s4 =	simm.s32 $0x18070;
	[tilespmem:v7+s2+$0x0] =	vst.idx.add.s32.msk $0xffff, v9  }
.LBB2_29:
0x37b: {  	v6 =	vld [tilespmem:s4+$0x20];
	s3 =	sadd.s32 $0x5, s3;
	v7 =	vmov v5  }
0x37c: {  	v5 =	vld [tilespmem:s4+$0xFFFFFFF0];
	p0 =	slt.u32 s3, $0x78;
	v8 =	vmov v4  }
0x37d: {  	v4 =	vld [tilespmem:s4+$0x0]  }
0x37e: {  	v9 =	vld [tilespmem:s4+$0x10]  }
0x37f: {  	v10 =	vld [tilespmem:s4+$0xFFFFFFE0]  }
0x380: {  	s0 =	sadd.s32 $0x50, s0;
	[tilespmem:v3+s2+$0x0] =	vst.idx.add.s32.msk $0xffff, v2  }
0x381: {  	v11 =	vld [tilespmem:s0+$0x20]  }
0x382: {  	v12 =	vld [tilespmem:s0+$0xFFFFFFE0]  }
0x383: {  	v6 =	vld.idx.msk [tilespmem:v6+s1+$0x0], $0xffff  }
0x384: {  	v2 =	vld.idx.msk [tilespmem:v5+s1+$0x0], $0xffff  }
0x385: {  	v13 =	vld.idx.msk [tilespmem:v4+s1+$0x0], $0xffff  }
0x386: {  	v9 =	vld.idx.msk [tilespmem:v9+s1+$0x0], $0xffff  }
0x387: {  	v10 =	vld.idx.msk [tilespmem:v10+s1+$0x0], $0xffff  }
0x388: {  	v3 =	vld [tilespmem:s0+$0xFFFFFFF0]  }
0x389: {  	[tilespmem:v11+s2+$0x0] =	vst.idx.add.s32.msk $0xffff, v6  }
.Ltmp14:
0x38a: {  	v5 =	vld [tilespmem:s0+$0x0];
	(pc) =	sbr.rel @p0 .LBB2_29-.Ltmp14, $4  }
0x38b: {  	v4 =	vld [tilespmem:s0+$0x10]  }
0x38c: {  	[tilespmem:v7+s2+$0x0] =	vst.idx.add.s32.msk $0xffff, v0;
	v0 =	vmov v13  }
0x38d: {  	[tilespmem:v12+s2+$0x0] =	vst.idx.add.s32.msk $0xffff, v10  }
0x38e: {  	s4 =	sadd.s32 $0x50, s4;
	[tilespmem:v8+s2+$0x0] =	vst.idx.add.s32.msk $0xffff, v1;
	v1 =	vmov v9  }
0x38f: {  	_ =	sdelay $0x3  }
0x390: {  	[tilespmem:v3+s2+$0x0] =	vst.idx.add.s32.msk $0xffff, v2  }
0x391: {  	[tilespmem:v5+s2+$0x0] =	vst.idx.add.s32.msk $0xffff, v0  }
0x392: {  	[tilespmem:v4+s2+$0x0] =	vst.idx.add.s32.msk $0xffff, v1  }
0x393: {  	s2 =	sld [smem:$0x7FB];
	_ =	sdelay $0x1  }
0x394: {  	s0 =	simm.s32 $0x0;
	s1 =	simm.s32 $0x18000;
	s29 =	sld [smem:$0x7FC]  }
0x395: {  	[tilespmem:s1], [sflag:$0x2] =	stream.linear.gather [hbm4b:s2+s0], $0x7D0, $0x200038;
	[tilespmem:$0x1ED00] =	vst v63  }
0x396: {  	s28 =	simm.s32 $0x19000;
	s30 =	simm.s32 $0x1  }
0x397: {  	[tilespmem:s28], [sflag:$0x2] =	stream.linear.gather [hbm4b:s29+s0], $0x7D0, $0x200038;
	[tilespmem:$0x1ED00] =	vst v63  }
0x398: {  	_ =	swait.ge [sflag:s30], $0x7D0  }
0x399: {  	[sflag:s30] =	ssyncset.done $0x0  }
0x39a: {  	[sflag:s30] =	ssyncadd.s32 $0xFFFFF830  }
0x39b: {  	_ =	swait.ge [sflag:s30], $0x7D0  }
0x39c: {  	[sflag:s30] =	ssyncset.done $0x0  }
0x39d: {  	s31 =	simm.s32 $0x17820;
	[sflag:s30] =	ssyncadd.s32 $0xFFFFF830  }
0x39e: {  	v0 =	vld [tilespmem:s31+$0x20]  }
0x39f: {  	v1 =	vld [tilespmem:s31+$0xFFFFFFF0]  }
0x3a0: {  	v3 =	vld [tilespmem:s31+$0x0]  }
0x3a1: {  	v4 =	vld [tilespmem:s31+$0x10]  }
0x3a2: {  	v5 =	vld [tilespmem:s31+$0xFFFFFFE0]  }
0x3a3: {  	s0 =	simm.s32 $0x18820  }
0x3a4: {  	v6 =	vld [tilespmem:s0+$0x20]  }
0x3a5: {  	s1 =	simm.s32 $0x2800;
	v7 =	vld [tilespmem:s0+$0xFFFFFFE0]  }
0x3a6: {  	v8 =	vld.idx.msk [tilespmem:v0+s1+$0x0], $0xffff  }
0x3a7: {  	v2 =	vld.idx.msk [tilespmem:v1+s1+$0x0], $0xffff  }
0x3a8: {  	v0 =	vld.idx.msk [tilespmem:v3+s1+$0x0], $0xffff  }
0x3a9: {  	v1 =	vld.idx.msk [tilespmem:v4+s1+$0x0], $0xffff  }
0x3aa: {  	v9 =	vld.idx.msk [tilespmem:v5+s1+$0x0], $0xffff  }
0x3ab: {  	v5 =	vld [tilespmem:s0+$0x0]  }
0x3ac: {  	v4 =	vld [tilespmem:s0+$0x10]  }
0x3ad: {  	s2 =	simm.s32 $0x5000;
	v3 =	vld [tilespmem:s0+$0xFFFFFFF0]  }
0x3ae: {  	[tilespmem:v6+s2+$0x0] =	vst.idx.add.s32.msk $0xffff, v8  }
0x3af: {  	s3 =	simm.s32 $0x0;
	s4 =	simm.s32 $0x17870;
	[tilespmem:v7+s2+$0x0] =	vst.idx.add.s32.msk $0xffff, v9  }
.LBB2_31:
0x3b0: {  	v6 =	vld [tilespmem:s4+$0x20];
	s3 =	sadd.s32 $0x5, s3;
	v7 =	vmov v5  }
0x3b1: {  	v5 =	vld [tilespmem:s4+$0xFFFFFFF0];
	p0 =	slt.u32 s3, $0x78;
	v8 =	vmov v4  }
0x3b2: {  	v4 =	vld [tilespmem:s4+$0x0]  }
0x3b3: {  	v9 =	vld [tilespmem:s4+$0x10]  }
0x3b4: {  	v10 =	vld [tilespmem:s4+$0xFFFFFFE0]  }
0x3b5: {  	s0 =	sadd.s32 $0x50, s0;
	[tilespmem:v3+s2+$0x0] =	vst.idx.add.s32.msk $0xffff, v2  }
0x3b6: {  	v11 =	vld [tilespmem:s0+$0x20]  }
0x3b7: {  	v12 =	vld [tilespmem:s0+$0xFFFFFFE0]  }
0x3b8: {  	v6 =	vld.idx.msk [tilespmem:v6+s1+$0x0], $0xffff  }
0x3b9: {  	v2 =	vld.idx.msk [tilespmem:v5+s1+$0x0], $0xffff  }
0x3ba: {  	v13 =	vld.idx.msk [tilespmem:v4+s1+$0x0], $0xffff  }
0x3bb: {  	v9 =	vld.idx.msk [tilespmem:v9+s1+$0x0], $0xffff  }
0x3bc: {  	v10 =	vld.idx.msk [tilespmem:v10+s1+$0x0], $0xffff  }
0x3bd: {  	v3 =	vld [tilespmem:s0+$0xFFFFFFF0]  }
0x3be: {  	[tilespmem:v11+s2+$0x0] =	vst.idx.add.s32.msk $0xffff, v6  }
.Ltmp15:
0x3bf: {  	v5 =	vld [tilespmem:s0+$0x0];
	(pc) =	sbr.rel @p0 .LBB2_31-.Ltmp15, $4  }
0x3c0: {  	v4 =	vld [tilespmem:s0+$0x10]  }
0x3c1: {  	[tilespmem:v7+s2+$0x0] =	vst.idx.add.s32.msk $0xffff, v0;
	v0 =	vmov v13  }
0x3c2: {  	[tilespmem:v12+s2+$0x0] =	vst.idx.add.s32.msk $0xffff, v10  }
0x3c3: {  	s4 =	sadd.s32 $0x50, s4;
	[tilespmem:v8+s2+$0x0] =	vst.idx.add.s32.msk $0xffff, v1;
	v1 =	vmov v9  }
0x3c4: {  	_ =	sdelay $0x3  }
0x3c5: {  	[tilespmem:v3+s2+$0x0] =	vst.idx.add.s32.msk $0xffff, v2  }
0x3c6: {  	[tilespmem:v5+s2+$0x0] =	vst.idx.add.s32.msk $0xffff, v0  }
0x3c7: {  	[tilespmem:v4+s2+$0x0] =	vst.idx.add.s32.msk $0xffff, v1  }
0x3c8: {  	s2 =	sld [smem:$0x7F9];
	_ =	sdelay $0x1  }
0x3c9: {  	s0 =	simm.s32 $0x0;
	s1 =	simm.s32 $0x17800;
	s29 =	sld [smem:$0x7FA]  }
0x3ca: {  	[tilespmem:s1], [sflag:$0x1] =	stream.linear.gather [hbm4b:s2+s0], $0x7D0, $0x200038;
	[tilespmem:$0x1ED00] =	vst v63  }
0x3cb: {  	s28 =	simm.s32 $0x18800;
	s30 =	simm.s32 $0x2  }
0x3cc: {  	[tilespmem:s28], [sflag:$0x1] =	stream.linear.gather [hbm4b:s29+s0], $0x7D0, $0x200038;
	[tilespmem:$0x1ED00] =	vst v63  }
0x3cd: {  	_ =	swait.ge [sflag:s30], $0x7D0  }
0x3ce: {  	[sflag:s30] =	ssyncset.done $0x0  }
0x3cf: {  	[sflag:s30] =	ssyncadd.s32 $0xFFFFF830  }
0x3d0: {  	_ =	swait.ge [sflag:s30], $0x7D0  }
0x3d1: {  	[sflag:s30] =	ssyncset.done $0x0  }
0x3d2: {  	s31 =	simm.s32 $0x18020;
	[sflag:s30] =	ssyncadd.s32 $0xFFFFF830  }
0x3d3: {  	v0 =	vld [tilespmem:s31+$0x20]  }
0x3d4: {  	v1 =	vld [tilespmem:s31+$0xFFFFFFF0]  }
0x3d5: {  	v3 =	vld [tilespmem:s31+$0x0]  }
0x3d6: {  	v4 =	vld [tilespmem:s31+$0x10]  }
0x3d7: {  	v5 =	vld [tilespmem:s31+$0xFFFFFFE0]  }
0x3d8: {  	s0 =	simm.s32 $0x19020  }
0x3d9: {  	v6 =	vld [tilespmem:s0+$0x20]  }
0x3da: {  	s1 =	simm.s32 $0x2800;
	v7 =	vld [tilespmem:s0+$0xFFFFFFE0]  }
0x3db: {  	v8 =	vld.idx.msk [tilespmem:v0+s1+$0x0], $0xffff  }
0x3dc: {  	v2 =	vld.idx.msk [tilespmem:v1+s1+$0x0], $0xffff  }
0x3dd: {  	v0 =	vld.idx.msk [tilespmem:v3+s1+$0x0], $0xffff  }
0x3de: {  	v1 =	vld.idx.msk [tilespmem:v4+s1+$0x0], $0xffff  }
0x3df: {  	v9 =	vld.idx.msk [tilespmem:v5+s1+$0x0], $0xffff  }
0x3e0: {  	v5 =	vld [tilespmem:s0+$0x0]  }
0x3e1: {  	v4 =	vld [tilespmem:s0+$0x10]  }
0x3e2: {  	s2 =	simm.s32 $0x5000;
	v3 =	vld [tilespmem:s0+$0xFFFFFFF0]  }
0x3e3: {  	[tilespmem:v6+s2+$0x0] =	vst.idx.add.s32.msk $0xffff, v8  }
0x3e4: {  	s3 =	simm.s32 $0x0;
	s4 =	simm.s32 $0x18070;
	[tilespmem:v7+s2+$0x0] =	vst.idx.add.s32.msk $0xffff, v9  }
.LBB2_33:
0x3e5: {  	v6 =	vld [tilespmem:s4+$0x20];
	s3 =	sadd.s32 $0x5, s3;
	v7 =	vmov v5  }
0x3e6: {  	v5 =	vld [tilespmem:s4+$0xFFFFFFF0];
	p0 =	slt.u32 s3, $0x78;
	v8 =	vmov v4  }
0x3e7: {  	v4 =	vld [tilespmem:s4+$0x0]  }
0x3e8: {  	v9 =	vld [tilespmem:s4+$0x10]  }
0x3e9: {  	v10 =	vld [tilespmem:s4+$0xFFFFFFE0]  }
0x3ea: {  	s0 =	sadd.s32 $0x50, s0;
	[tilespmem:v3+s2+$0x0] =	vst.idx.add.s32.msk $0xffff, v2  }
0x3eb: {  	v11 =	vld [tilespmem:s0+$0x20]  }
0x3ec: {  	v12 =	vld [tilespmem:s0+$0xFFFFFFE0]  }
0x3ed: {  	v6 =	vld.idx.msk [tilespmem:v6+s1+$0x0], $0xffff  }
0x3ee: {  	v2 =	vld.idx.msk [tilespmem:v5+s1+$0x0], $0xffff  }
0x3ef: {  	v13 =	vld.idx.msk [tilespmem:v4+s1+$0x0], $0xffff  }
0x3f0: {  	v9 =	vld.idx.msk [tilespmem:v9+s1+$0x0], $0xffff  }
0x3f1: {  	v10 =	vld.idx.msk [tilespmem:v10+s1+$0x0], $0xffff  }
0x3f2: {  	v3 =	vld [tilespmem:s0+$0xFFFFFFF0]  }
0x3f3: {  	[tilespmem:v11+s2+$0x0] =	vst.idx.add.s32.msk $0xffff, v6  }
.Ltmp16:
0x3f4: {  	v5 =	vld [tilespmem:s0+$0x0];
	(pc) =	sbr.rel @p0 .LBB2_33-.Ltmp16, $4  }
0x3f5: {  	v4 =	vld [tilespmem:s0+$0x10]  }
0x3f6: {  	[tilespmem:v7+s2+$0x0] =	vst.idx.add.s32.msk $0xffff, v0;
	v0 =	vmov v13  }
0x3f7: {  	[tilespmem:v12+s2+$0x0] =	vst.idx.add.s32.msk $0xffff, v10  }
0x3f8: {  	s4 =	sadd.s32 $0x50, s4;
	[tilespmem:v8+s2+$0x0] =	vst.idx.add.s32.msk $0xffff, v1;
	v1 =	vmov v9  }
0x3f9: {  	_ =	sdelay $0x3  }
0x3fa: {  	[tilespmem:v3+s2+$0x0] =	vst.idx.add.s32.msk $0xffff, v2  }
0x3fb: {  	[tilespmem:v5+s2+$0x0] =	vst.idx.add.s32.msk $0xffff, v0  }
0x3fc: {  	[tilespmem:v4+s2+$0x0] =	vst.idx.add.s32.msk $0xffff, v1  }
0x3fd: {  	s2 =	sld [smem:$0x7F7];
	_ =	sdelay $0x1  }
0x3fe: {  	s0 =	simm.s32 $0x0;
	s1 =	simm.s32 $0x18000;
	s29 =	sld [smem:$0x7F8]  }
0x3ff: {  	[tilespmem:s1], [sflag:$0x2] =	stream.linear.gather [hbm4b:s2+s0], $0x7D0, $0x200038;
	[tilespmem:$0x1ED00] =	vst v63  }
0x400: {  	s28 =	simm.s32 $0x19000;
	s30 =	simm.s32 $0x1  }
0x401: {  	[tilespmem:s28], [sflag:$0x2] =	stream.linear.gather [hbm4b:s29+s0], $0x7D0, $0x200038;
	[tilespmem:$0x1ED00] =	vst v63  }
0x402: {  	_ =	swait.ge [sflag:s30], $0x7D0  }
0x403: {  	[sflag:s30] =	ssyncset.done $0x0  }
0x404: {  	[sflag:s30] =	ssyncadd.s32 $0xFFFFF830  }
0x405: {  	_ =	swait.ge [sflag:s30], $0x7D0  }
0x406: {  	[sflag:s30] =	ssyncset.done $0x0  }
0x407: {  	s31 =	simm.s32 $0x17820;
	[sflag:s30] =	ssyncadd.s32 $0xFFFFF830  }
0x408: {  	v0 =	vld [tilespmem:s31+$0x20]  }
0x409: {  	v1 =	vld [tilespmem:s31+$0xFFFFFFF0]  }
0x40a: {  	v3 =	vld [tilespmem:s31+$0x0]  }
0x40b: {  	v4 =	vld [tilespmem:s31+$0x10]  }
0x40c: {  	v5 =	vld [tilespmem:s31+$0xFFFFFFE0]  }
0x40d: {  	s0 =	simm.s32 $0x18820  }
0x40e: {  	v6 =	vld [tilespmem:s0+$0x20]  }
0x40f: {  	s1 =	simm.s32 $0x2800;
	v7 =	vld [tilespmem:s0+$0xFFFFFFE0]  }
0x410: {  	v8 =	vld.idx.msk [tilespmem:v0+s1+$0x0], $0xffff  }
0x411: {  	v2 =	vld.idx.msk [tilespmem:v1+s1+$0x0], $0xffff  }
0x412: {  	v0 =	vld.idx.msk [tilespmem:v3+s1+$0x0], $0xffff  }
0x413: {  	v1 =	vld.idx.msk [tilespmem:v4+s1+$0x0], $0xffff  }
0x414: {  	v9 =	vld.idx.msk [tilespmem:v5+s1+$0x0], $0xffff  }
0x415: {  	v5 =	vld [tilespmem:s0+$0x0]  }
0x416: {  	v4 =	vld [tilespmem:s0+$0x10]  }
0x417: {  	s2 =	simm.s32 $0x5000;
	v3 =	vld [tilespmem:s0+$0xFFFFFFF0]  }
0x418: {  	[tilespmem:v6+s2+$0x0] =	vst.idx.add.s32.msk $0xffff, v8  }
0x419: {  	s3 =	simm.s32 $0x0;
	s4 =	simm.s32 $0x17870;
	[tilespmem:v7+s2+$0x0] =	vst.idx.add.s32.msk $0xffff, v9  }
.LBB2_35:
0x41a: {  	v6 =	vld [tilespmem:s4+$0x20];
	s3 =	sadd.s32 $0x5, s3;
	v7 =	vmov v5  }
0x41b: {  	v5 =	vld [tilespmem:s4+$0xFFFFFFF0];
	p0 =	slt.u32 s3, $0x78;
	v8 =	vmov v4  }
0x41c: {  	v4 =	vld [tilespmem:s4+$0x0]  }
0x41d: {  	v9 =	vld [tilespmem:s4+$0x10]  }
0x41e: {  	v10 =	vld [tilespmem:s4+$0xFFFFFFE0]  }
0x41f: {  	s0 =	sadd.s32 $0x50, s0;
	[tilespmem:v3+s2+$0x0] =	vst.idx.add.s32.msk $0xffff, v2  }
0x420: {  	v11 =	vld [tilespmem:s0+$0x20]  }
0x421: {  	v12 =	vld [tilespmem:s0+$0xFFFFFFE0]  }
0x422: {  	v6 =	vld.idx.msk [tilespmem:v6+s1+$0x0], $0xffff  }
0x423: {  	v2 =	vld.idx.msk [tilespmem:v5+s1+$0x0], $0xffff  }
0x424: {  	v13 =	vld.idx.msk [tilespmem:v4+s1+$0x0], $0xffff  }
0x425: {  	v9 =	vld.idx.msk [tilespmem:v9+s1+$0x0], $0xffff  }
0x426: {  	v10 =	vld.idx.msk [tilespmem:v10+s1+$0x0], $0xffff  }
0x427: {  	v3 =	vld [tilespmem:s0+$0xFFFFFFF0]  }
0x428: {  	[tilespmem:v11+s2+$0x0] =	vst.idx.add.s32.msk $0xffff, v6  }
.Ltmp17:
0x429: {  	v5 =	vld [tilespmem:s0+$0x0];
	(pc) =	sbr.rel @p0 .LBB2_35-.Ltmp17, $4  }
0x42a: {  	v4 =	vld [tilespmem:s0+$0x10]  }
0x42b: {  	[tilespmem:v7+s2+$0x0] =	vst.idx.add.s32.msk $0xffff, v0;
	v0 =	vmov v13  }
0x42c: {  	[tilespmem:v12+s2+$0x0] =	vst.idx.add.s32.msk $0xffff, v10  }
0x42d: {  	s4 =	sadd.s32 $0x50, s4;
	[tilespmem:v8+s2+$0x0] =	vst.idx.add.s32.msk $0xffff, v1;
	v1 =	vmov v9  }
0x42e: {  	_ =	sdelay $0x3  }
0x42f: {  	[tilespmem:v3+s2+$0x0] =	vst.idx.add.s32.msk $0xffff, v2  }
0x430: {  	[tilespmem:v5+s2+$0x0] =	vst.idx.add.s32.msk $0xffff, v0  }
0x431: {  	[tilespmem:v4+s2+$0x0] =	vst.idx.add.s32.msk $0xffff, v1  }
0x432: {  	s2 =	sld [smem:$0x7F5];
	_ =	sdelay $0x1  }
0x433: {  	s0 =	simm.s32 $0x0;
	s1 =	simm.s32 $0x17800;
	s29 =	sld [smem:$0x7F6]  }
0x434: {  	[tilespmem:s1], [sflag:$0x1] =	stream.linear.gather [hbm4b:s2+s0], $0x7D0, $0x200038;
	[tilespmem:$0x1ED00] =	vst v63  }
0x435: {  	s28 =	simm.s32 $0x18800;
	s30 =	simm.s32 $0x2  }
0x436: {  	[tilespmem:s28], [sflag:$0x1] =	stream.linear.gather [hbm4b:s29+s0], $0x7D0, $0x200038;
	[tilespmem:$0x1ED00] =	vst v63  }
0x437: {  	_ =	swait.ge [sflag:s30], $0x7D0  }
0x438: {  	[sflag:s30] =	ssyncset.done $0x0  }
0x439: {  	[sflag:s30] =	ssyncadd.s32 $0xFFFFF830  }
0x43a: {  	_ =	swait.ge [sflag:s30], $0x7D0  }
0x43b: {  	[sflag:s30] =	ssyncset.done $0x0  }
0x43c: {  	s31 =	simm.s32 $0x18020;
	[sflag:s30] =	ssyncadd.s32 $0xFFFFF830  }
0x43d: {  	v0 =	vld [tilespmem:s31+$0x20]  }
0x43e: {  	v1 =	vld [tilespmem:s31+$0xFFFFFFF0]  }
0x43f: {  	v3 =	vld [tilespmem:s31+$0x0]  }
0x440: {  	v4 =	vld [tilespmem:s31+$0x10]  }
0x441: {  	v5 =	vld [tilespmem:s31+$0xFFFFFFE0]  }
0x442: {  	s0 =	simm.s32 $0x19020  }
0x443: {  	v6 =	vld [tilespmem:s0+$0x20]  }
0x444: {  	s1 =	simm.s32 $0x2800;
	v7 =	vld [tilespmem:s0+$0xFFFFFFE0]  }
0x445: {  	v8 =	vld.idx.msk [tilespmem:v0+s1+$0x0], $0xffff  }
0x446: {  	v2 =	vld.idx.msk [tilespmem:v1+s1+$0x0], $0xffff  }
0x447: {  	v0 =	vld.idx.msk [tilespmem:v3+s1+$0x0], $0xffff  }
0x448: {  	v1 =	vld.idx.msk [tilespmem:v4+s1+$0x0], $0xffff  }
0x449: {  	v9 =	vld.idx.msk [tilespmem:v5+s1+$0x0], $0xffff  }
0x44a: {  	v5 =	vld [tilespmem:s0+$0x0]  }
0x44b: {  	v4 =	vld [tilespmem:s0+$0x10]  }
0x44c: {  	s2 =	simm.s32 $0x5000;
	v3 =	vld [tilespmem:s0+$0xFFFFFFF0]  }
0x44d: {  	[tilespmem:v6+s2+$0x0] =	vst.idx.add.s32.msk $0xffff, v8  }
0x44e: {  	s3 =	simm.s32 $0x0;
	s4 =	simm.s32 $0x18070;
	[tilespmem:v7+s2+$0x0] =	vst.idx.add.s32.msk $0xffff, v9  }
.LBB2_37:
0x44f: {  	v6 =	vld [tilespmem:s4+$0x20];
	s3 =	sadd.s32 $0x5, s3;
	v7 =	vmov v5  }
0x450: {  	v5 =	vld [tilespmem:s4+$0xFFFFFFF0];
	p0 =	slt.u32 s3, $0x78;
	v8 =	vmov v4  }
0x451: {  	v4 =	vld [tilespmem:s4+$0x0]  }
0x452: {  	v9 =	vld [tilespmem:s4+$0x10]  }
0x453: {  	v10 =	vld [tilespmem:s4+$0xFFFFFFE0]  }
0x454: {  	s0 =	sadd.s32 $0x50, s0;
	[tilespmem:v3+s2+$0x0] =	vst.idx.add.s32.msk $0xffff, v2  }
0x455: {  	v11 =	vld [tilespmem:s0+$0x20]  }
0x456: {  	v12 =	vld [tilespmem:s0+$0xFFFFFFE0]  }
0x457: {  	v6 =	vld.idx.msk [tilespmem:v6+s1+$0x0], $0xffff  }
0x458: {  	v2 =	vld.idx.msk [tilespmem:v5+s1+$0x0], $0xffff  }
0x459: {  	v13 =	vld.idx.msk [tilespmem:v4+s1+$0x0], $0xffff  }
0x45a: {  	v9 =	vld.idx.msk [tilespmem:v9+s1+$0x0], $0xffff  }
0x45b: {  	v10 =	vld.idx.msk [tilespmem:v10+s1+$0x0], $0xffff  }
0x45c: {  	v3 =	vld [tilespmem:s0+$0xFFFFFFF0]  }
0x45d: {  	[tilespmem:v11+s2+$0x0] =	vst.idx.add.s32.msk $0xffff, v6  }
.Ltmp18:
0x45e: {  	v5 =	vld [tilespmem:s0+$0x0];
	(pc) =	sbr.rel @p0 .LBB2_37-.Ltmp18, $4  }
0x45f: {  	v4 =	vld [tilespmem:s0+$0x10]  }
0x460: {  	[tilespmem:v7+s2+$0x0] =	vst.idx.add.s32.msk $0xffff, v0;
	v0 =	vmov v13  }
0x461: {  	[tilespmem:v12+s2+$0x0] =	vst.idx.add.s32.msk $0xffff, v10  }
0x462: {  	s4 =	sadd.s32 $0x50, s4;
	[tilespmem:v8+s2+$0x0] =	vst.idx.add.s32.msk $0xffff, v1;
	v1 =	vmov v9  }
0x463: {  	_ =	sdelay $0x3  }
0x464: {  	[tilespmem:v3+s2+$0x0] =	vst.idx.add.s32.msk $0xffff, v2  }
0x465: {  	[tilespmem:v5+s2+$0x0] =	vst.idx.add.s32.msk $0xffff, v0  }
0x466: {  	[tilespmem:v4+s2+$0x0] =	vst.idx.add.s32.msk $0xffff, v1  }
0x467: {  	s2 =	sld [smem:$0x7F3];
	_ =	sdelay $0x1  }
0x468: {  	s0 =	simm.s32 $0x0;
	s1 =	simm.s32 $0x18000;
	s29 =	sld [smem:$0x7F4]  }
0x469: {  	[tilespmem:s1], [sflag:$0x2] =	stream.linear.gather [hbm4b:s2+s0], $0x7D0, $0x200038;
	[tilespmem:$0x1ED00] =	vst v63  }
0x46a: {  	s28 =	simm.s32 $0x19000;
	s30 =	simm.s32 $0x1  }
0x46b: {  	[tilespmem:s28], [sflag:$0x2] =	stream.linear.gather [hbm4b:s29+s0], $0x7D0, $0x200038;
	[tilespmem:$0x1ED00] =	vst v63  }
0x46c: {  	_ =	swait.ge [sflag:s30], $0x7D0  }
0x46d: {  	[sflag:s30] =	ssyncset.done $0x0  }
0x46e: {  	[sflag:s30] =	ssyncadd.s32 $0xFFFFF830  }
0x46f: {  	_ =	swait.ge [sflag:s30], $0x7D0  }
0x470: {  	[sflag:s30] =	ssyncset.done $0x0  }
0x471: {  	s31 =	simm.s32 $0x17820;
	[sflag:s30] =	ssyncadd.s32 $0xFFFFF830  }
0x472: {  	v0 =	vld [tilespmem:s31+$0x20]  }
0x473: {  	v1 =	vld [tilespmem:s31+$0xFFFFFFF0]  }
0x474: {  	v3 =	vld [tilespmem:s31+$0x0]  }
0x475: {  	v4 =	vld [tilespmem:s31+$0x10]  }
0x476: {  	v5 =	vld [tilespmem:s31+$0xFFFFFFE0]  }
0x477: {  	s0 =	simm.s32 $0x18820  }
0x478: {  	v6 =	vld [tilespmem:s0+$0x20]  }
0x479: {  	s1 =	simm.s32 $0x2800;
	v7 =	vld [tilespmem:s0+$0xFFFFFFE0]  }
0x47a: {  	v8 =	vld.idx.msk [tilespmem:v0+s1+$0x0], $0xffff  }
0x47b: {  	v2 =	vld.idx.msk [tilespmem:v1+s1+$0x0], $0xffff  }
0x47c: {  	v0 =	vld.idx.msk [tilespmem:v3+s1+$0x0], $0xffff  }
0x47d: {  	v1 =	vld.idx.msk [tilespmem:v4+s1+$0x0], $0xffff  }
0x47e: {  	v9 =	vld.idx.msk [tilespmem:v5+s1+$0x0], $0xffff  }
0x47f: {  	v5 =	vld [tilespmem:s0+$0x0]  }
0x480: {  	v4 =	vld [tilespmem:s0+$0x10]  }
0x481: {  	s2 =	simm.s32 $0x5000;
	v3 =	vld [tilespmem:s0+$0xFFFFFFF0]  }
0x482: {  	[tilespmem:v6+s2+$0x0] =	vst.idx.add.s32.msk $0xffff, v8  }
0x483: {  	s3 =	simm.s32 $0x0;
	s4 =	simm.s32 $0x17870;
	[tilespmem:v7+s2+$0x0] =	vst.idx.add.s32.msk $0xffff, v9  }
.LBB2_39:
0x484: {  	v6 =	vld [tilespmem:s4+$0x20];
	s3 =	sadd.s32 $0x5, s3;
	v7 =	vmov v5  }
0x485: {  	v5 =	vld [tilespmem:s4+$0xFFFFFFF0];
	p0 =	slt.u32 s3, $0x78;
	v8 =	vmov v4  }
0x486: {  	v4 =	vld [tilespmem:s4+$0x0]  }
0x487: {  	v9 =	vld [tilespmem:s4+$0x10]  }
0x488: {  	v10 =	vld [tilespmem:s4+$0xFFFFFFE0]  }
0x489: {  	s0 =	sadd.s32 $0x50, s0;
	[tilespmem:v3+s2+$0x0] =	vst.idx.add.s32.msk $0xffff, v2  }
0x48a: {  	v11 =	vld [tilespmem:s0+$0x20]  }
0x48b: {  	v12 =	vld [tilespmem:s0+$0xFFFFFFE0]  }
0x48c: {  	v6 =	vld.idx.msk [tilespmem:v6+s1+$0x0], $0xffff  }
0x48d: {  	v2 =	vld.idx.msk [tilespmem:v5+s1+$0x0], $0xffff  }
0x48e: {  	v13 =	vld.idx.msk [tilespmem:v4+s1+$0x0], $0xffff  }
0x48f: {  	v9 =	vld.idx.msk [tilespmem:v9+s1+$0x0], $0xffff  }
0x490: {  	v10 =	vld.idx.msk [tilespmem:v10+s1+$0x0], $0xffff  }
0x491: {  	v3 =	vld [tilespmem:s0+$0xFFFFFFF0]  }
0x492: {  	[tilespmem:v11+s2+$0x0] =	vst.idx.add.s32.msk $0xffff, v6  }
.Ltmp19:
0x493: {  	v5 =	vld [tilespmem:s0+$0x0];
	(pc) =	sbr.rel @p0 .LBB2_39-.Ltmp19, $4  }
0x494: {  	v4 =	vld [tilespmem:s0+$0x10]  }
0x495: {  	[tilespmem:v7+s2+$0x0] =	vst.idx.add.s32.msk $0xffff, v0;
	v0 =	vmov v13  }
0x496: {  	[tilespmem:v12+s2+$0x0] =	vst.idx.add.s32.msk $0xffff, v10  }
0x497: {  	s4 =	sadd.s32 $0x50, s4;
	[tilespmem:v8+s2+$0x0] =	vst.idx.add.s32.msk $0xffff, v1;
	v1 =	vmov v9  }
0x498: {  	_ =	sdelay $0x3  }
0x499: {  	[tilespmem:v3+s2+$0x0] =	vst.idx.add.s32.msk $0xffff, v2  }
0x49a: {  	[tilespmem:v5+s2+$0x0] =	vst.idx.add.s32.msk $0xffff, v0  }
0x49b: {  	[tilespmem:v4+s2+$0x0] =	vst.idx.add.s32.msk $0xffff, v1  }
0x49c: {  	s2 =	sld [smem:$0x7F1];
	_ =	sdelay $0x1  }
0x49d: {  	s0 =	simm.s32 $0x0;
	s1 =	simm.s32 $0x17800;
	s29 =	sld [smem:$0x7F2]  }
0x49e: {  	[tilespmem:s1], [sflag:$0x1] =	stream.linear.gather [hbm4b:s2+s0], $0x7D0, $0x200038;
	[tilespmem:$0x1ED00] =	vst v63  }
0x49f: {  	s28 =	simm.s32 $0x18800;
	s30 =	simm.s32 $0x2  }
0x4a0: {  	[tilespmem:s28], [sflag:$0x1] =	stream.linear.gather [hbm4b:s29+s0], $0x7D0, $0x200038;
	[tilespmem:$0x1ED00] =	vst v63  }
0x4a1: {  	_ =	swait.ge [sflag:s30], $0x7D0  }
0x4a2: {  	[sflag:s30] =	ssyncset.done $0x0  }
0x4a3: {  	[sflag:s30] =	ssyncadd.s32 $0xFFFFF830  }
0x4a4: {  	_ =	swait.ge [sflag:s30], $0x7D0  }
0x4a5: {  	[sflag:s30] =	ssyncset.done $0x0  }
0x4a6: {  	s31 =	simm.s32 $0x18020;
	[sflag:s30] =	ssyncadd.s32 $0xFFFFF830  }
0x4a7: {  	v0 =	vld [tilespmem:s31+$0x20]  }
0x4a8: {  	v1 =	vld [tilespmem:s31+$0xFFFFFFF0]  }
0x4a9: {  	v3 =	vld [tilespmem:s31+$0x0]  }
0x4aa: {  	v4 =	vld [tilespmem:s31+$0x10]  }
0x4ab: {  	v5 =	vld [tilespmem:s31+$0xFFFFFFE0]  }
0x4ac: {  	s0 =	simm.s32 $0x19020  }
0x4ad: {  	v6 =	vld [tilespmem:s0+$0x20]  }
0x4ae: {  	s1 =	simm.s32 $0x2800;
	v7 =	vld [tilespmem:s0+$0xFFFFFFE0]  }
0x4af: {  	v8 =	vld.idx.msk [tilespmem:v0+s1+$0x0], $0xffff  }
0x4b0: {  	v2 =	vld.idx.msk [tilespmem:v1+s1+$0x0], $0xffff  }
0x4b1: {  	v0 =	vld.idx.msk [tilespmem:v3+s1+$0x0], $0xffff  }
0x4b2: {  	v1 =	vld.idx.msk [tilespmem:v4+s1+$0x0], $0xffff  }
0x4b3: {  	v9 =	vld.idx.msk [tilespmem:v5+s1+$0x0], $0xffff  }
0x4b4: {  	v5 =	vld [tilespmem:s0+$0x0]  }
0x4b5: {  	v4 =	vld [tilespmem:s0+$0x10]  }
0x4b6: {  	s2 =	simm.s32 $0x5000;
	v3 =	vld [tilespmem:s0+$0xFFFFFFF0]  }
0x4b7: {  	[tilespmem:v6+s2+$0x0] =	vst.idx.add.s32.msk $0xffff, v8  }
0x4b8: {  	s3 =	simm.s32 $0x0;
	s4 =	simm.s32 $0x18070;
	[tilespmem:v7+s2+$0x0] =	vst.idx.add.s32.msk $0xffff, v9  }
.LBB2_41:
0x4b9: {  	v6 =	vld [tilespmem:s4+$0x20];
	s3 =	sadd.s32 $0x5, s3;
	v7 =	vmov v5  }
0x4ba: {  	v5 =	vld [tilespmem:s4+$0xFFFFFFF0];
	p0 =	slt.u32 s3, $0x78;
	v8 =	vmov v4  }
0x4bb: {  	v4 =	vld [tilespmem:s4+$0x0]  }
0x4bc: {  	v9 =	vld [tilespmem:s4+$0x10]  }
0x4bd: {  	v10 =	vld [tilespmem:s4+$0xFFFFFFE0]  }
0x4be: {  	s0 =	sadd.s32 $0x50, s0;
	[tilespmem:v3+s2+$0x0] =	vst.idx.add.s32.msk $0xffff, v2  }
0x4bf: {  	v11 =	vld [tilespmem:s0+$0x20]  }
0x4c0: {  	v12 =	vld [tilespmem:s0+$0xFFFFFFE0]  }
0x4c1: {  	v6 =	vld.idx.msk [tilespmem:v6+s1+$0x0], $0xffff  }
0x4c2: {  	v2 =	vld.idx.msk [tilespmem:v5+s1+$0x0], $0xffff  }
0x4c3: {  	v13 =	vld.idx.msk [tilespmem:v4+s1+$0x0], $0xffff  }
0x4c4: {  	v9 =	vld.idx.msk [tilespmem:v9+s1+$0x0], $0xffff  }
0x4c5: {  	v10 =	vld.idx.msk [tilespmem:v10+s1+$0x0], $0xffff  }
0x4c6: {  	v3 =	vld [tilespmem:s0+$0xFFFFFFF0]  }
0x4c7: {  	[tilespmem:v11+s2+$0x0] =	vst.idx.add.s32.msk $0xffff, v6  }
.Ltmp20:
0x4c8: {  	v5 =	vld [tilespmem:s0+$0x0];
	(pc) =	sbr.rel @p0 .LBB2_41-.Ltmp20, $4  }
0x4c9: {  	v4 =	vld [tilespmem:s0+$0x10]  }
0x4ca: {  	[tilespmem:v7+s2+$0x0] =	vst.idx.add.s32.msk $0xffff, v0;
	v0 =	vmov v13  }
0x4cb: {  	[tilespmem:v12+s2+$0x0] =	vst.idx.add.s32.msk $0xffff, v10  }
0x4cc: {  	s4 =	sadd.s32 $0x50, s4;
	[tilespmem:v8+s2+$0x0] =	vst.idx.add.s32.msk $0xffff, v1;
	v1 =	vmov v9  }
0x4cd: {  	_ =	sdelay $0x3  }
0x4ce: {  	[tilespmem:v3+s2+$0x0] =	vst.idx.add.s32.msk $0xffff, v2  }
0x4cf: {  	[tilespmem:v5+s2+$0x0] =	vst.idx.add.s32.msk $0xffff, v0  }
0x4d0: {  	[tilespmem:v4+s2+$0x0] =	vst.idx.add.s32.msk $0xffff, v1  }
0x4d1: {  	s2 =	sld [smem:$0x7EF];
	_ =	sdelay $0x1  }
0x4d2: {  	s0 =	simm.s32 $0x0;
	s1 =	simm.s32 $0x18000;
	s29 =	sld [smem:$0x7F0]  }
0x4d3: {  	[tilespmem:s1], [sflag:$0x2] =	stream.linear.gather [hbm4b:s2+s0], $0x7D0, $0x200038;
	[tilespmem:$0x1ED00] =	vst v63  }
0x4d4: {  	s28 =	simm.s32 $0x19000;
	s30 =	simm.s32 $0x1  }
0x4d5: {  	[tilespmem:s28], [sflag:$0x2] =	stream.linear.gather [hbm4b:s29+s0], $0x7D0, $0x200038;
	[tilespmem:$0x1ED00] =	vst v63  }
0x4d6: {  	_ =	swait.ge [sflag:s30], $0x7D0  }
0x4d7: {  	[sflag:s30] =	ssyncset.done $0x0  }
0x4d8: {  	[sflag:s30] =	ssyncadd.s32 $0xFFFFF830  }
0x4d9: {  	_ =	swait.ge [sflag:s30], $0x7D0  }
0x4da: {  	[sflag:s30] =	ssyncset.done $0x0  }
0x4db: {  	s31 =	simm.s32 $0x17820;
	[sflag:s30] =	ssyncadd.s32 $0xFFFFF830  }
0x4dc: {  	v0 =	vld [tilespmem:s31+$0x20]  }
0x4dd: {  	v1 =	vld [tilespmem:s31+$0xFFFFFFF0]  }
0x4de: {  	v3 =	vld [tilespmem:s31+$0x0]  }
0x4df: {  	v4 =	vld [tilespmem:s31+$0x10]  }
0x4e0: {  	v5 =	vld [tilespmem:s31+$0xFFFFFFE0]  }
0x4e1: {  	s0 =	simm.s32 $0x18820  }
0x4e2: {  	v6 =	vld [tilespmem:s0+$0x20]  }
0x4e3: {  	s1 =	simm.s32 $0x2800;
	v7 =	vld [tilespmem:s0+$0xFFFFFFE0]  }
0x4e4: {  	v8 =	vld.idx.msk [tilespmem:v0+s1+$0x0], $0xffff  }
0x4e5: {  	v2 =	vld.idx.msk [tilespmem:v1+s1+$0x0], $0xffff  }
0x4e6: {  	v0 =	vld.idx.msk [tilespmem:v3+s1+$0x0], $0xffff  }
0x4e7: {  	v1 =	vld.idx.msk [tilespmem:v4+s1+$0x0], $0xffff  }
0x4e8: {  	v9 =	vld.idx.msk [tilespmem:v5+s1+$0x0], $0xffff  }
0x4e9: {  	v5 =	vld [tilespmem:s0+$0x0]  }
0x4ea: {  	v4 =	vld [tilespmem:s0+$0x10]  }
0x4eb: {  	s2 =	simm.s32 $0x5000;
	v3 =	vld [tilespmem:s0+$0xFFFFFFF0]  }
0x4ec: {  	[tilespmem:v6+s2+$0x0] =	vst.idx.add.s32.msk $0xffff, v8  }
0x4ed: {  	s3 =	simm.s32 $0x0;
	s4 =	simm.s32 $0x17870;
	[tilespmem:v7+s2+$0x0] =	vst.idx.add.s32.msk $0xffff, v9  }
.LBB2_43:
0x4ee: {  	v6 =	vld [tilespmem:s4+$0x20];
	s3 =	sadd.s32 $0x5, s3;
	v7 =	vmov v5  }
0x4ef: {  	v5 =	vld [tilespmem:s4+$0xFFFFFFF0];
	p0 =	slt.u32 s3, $0x78;
	v8 =	vmov v4  }
0x4f0: {  	v4 =	vld [tilespmem:s4+$0x0]  }
0x4f1: {  	v9 =	vld [tilespmem:s4+$0x10]  }
0x4f2: {  	v10 =	vld [tilespmem:s4+$0xFFFFFFE0]  }
0x4f3: {  	s0 =	sadd.s32 $0x50, s0;
	[tilespmem:v3+s2+$0x0] =	vst.idx.add.s32.msk $0xffff, v2  }
0x4f4: {  	v11 =	vld [tilespmem:s0+$0x20]  }
0x4f5: {  	v12 =	vld [tilespmem:s0+$0xFFFFFFE0]  }
0x4f6: {  	v6 =	vld.idx.msk [tilespmem:v6+s1+$0x0], $0xffff  }
0x4f7: {  	v2 =	vld.idx.msk [tilespmem:v5+s1+$0x0], $0xffff  }
0x4f8: {  	v13 =	vld.idx.msk [tilespmem:v4+s1+$0x0], $0xffff  }
0x4f9: {  	v9 =	vld.idx.msk [tilespmem:v9+s1+$0x0], $0xffff  }
0x4fa: {  	v10 =	vld.idx.msk [tilespmem:v10+s1+$0x0], $0xffff  }
0x4fb: {  	v3 =	vld [tilespmem:s0+$0xFFFFFFF0]  }
0x4fc: {  	[tilespmem:v11+s2+$0x0] =	vst.idx.add.s32.msk $0xffff, v6  }
.Ltmp21:
0x4fd: {  	v5 =	vld [tilespmem:s0+$0x0];
	(pc) =	sbr.rel @p0 .LBB2_43-.Ltmp21, $4  }
0x4fe: {  	v4 =	vld [tilespmem:s0+$0x10]  }
0x4ff: {  	[tilespmem:v7+s2+$0x0] =	vst.idx.add.s32.msk $0xffff, v0;
	v0 =	vmov v13  }
0x500: {  	[tilespmem:v12+s2+$0x0] =	vst.idx.add.s32.msk $0xffff, v10  }
0x501: {  	s4 =	sadd.s32 $0x50, s4;
	[tilespmem:v8+s2+$0x0] =	vst.idx.add.s32.msk $0xffff, v1;
	v1 =	vmov v9  }
0x502: {  	_ =	sdelay $0x3  }
0x503: {  	[tilespmem:v3+s2+$0x0] =	vst.idx.add.s32.msk $0xffff, v2  }
0x504: {  	[tilespmem:v5+s2+$0x0] =	vst.idx.add.s32.msk $0xffff, v0  }
0x505: {  	s0 =	simm.s32 $0x2;
	[tilespmem:v4+s2+$0x0] =	vst.idx.add.s32.msk $0xffff, v1  }
0x506: {  	_ =	swait.ge [sflag:s0], $0x7D0  }
0x507: {  	[sflag:s0] =	ssyncset.done $0x0  }
0x508: {  	[sflag:s0] =	ssyncadd.s32 $0xFFFFF830  }
0x509: {  	_ =	swait.ge [sflag:s0], $0x7D0  }
0x50a: {  	[sflag:s0] =	ssyncset.done $0x0  }
0x50b: {  	s31 =	simm.s32 $0x18020;
	[sflag:s0] =	ssyncadd.s32 $0xFFFFF830  }
0x50c: {  	v0 =	vld [tilespmem:s31+$0x20]  }
0x50d: {  	v1 =	vld [tilespmem:s31+$0xFFFFFFF0]  }
0x50e: {  	v3 =	vld [tilespmem:s31+$0x0]  }
0x50f: {  	v4 =	vld [tilespmem:s31+$0x10]  }
0x510: {  	v5 =	vld [tilespmem:s31+$0xFFFFFFE0]  }
0x511: {  	s0 =	simm.s32 $0x19020  }
0x512: {  	v6 =	vld [tilespmem:s0+$0x20]  }
0x513: {  	s1 =	simm.s32 $0x2800;
	v7 =	vld [tilespmem:s0+$0xFFFFFFE0]  }
0x514: {  	v8 =	vld.idx.msk [tilespmem:v0+s1+$0x0], $0xffff  }
0x515: {  	v2 =	vld.idx.msk [tilespmem:v1+s1+$0x0], $0xffff  }
0x516: {  	v0 =	vld.idx.msk [tilespmem:v3+s1+$0x0], $0xffff  }
0x517: {  	v1 =	vld.idx.msk [tilespmem:v4+s1+$0x0], $0xffff  }
0x518: {  	v9 =	vld.idx.msk [tilespmem:v5+s1+$0x0], $0xffff  }
0x519: {  	v5 =	vld [tilespmem:s0+$0x0]  }
0x51a: {  	v4 =	vld [tilespmem:s0+$0x10]  }
0x51b: {  	s2 =	simm.s32 $0x5000;
	v3 =	vld [tilespmem:s0+$0xFFFFFFF0]  }
0x51c: {  	[tilespmem:v6+s2+$0x0] =	vst.idx.add.s32.msk $0xffff, v8  }
0x51d: {  	s3 =	simm.s32 $0x0;
	s4 =	simm.s32 $0x18070;
	[tilespmem:v7+s2+$0x0] =	vst.idx.add.s32.msk $0xffff, v9  }
.LBB2_45:
0x51e: {  	v6 =	vld [tilespmem:s4+$0x20];
	s3 =	sadd.s32 $0x5, s3;
	v7 =	vmov v5  }
0x51f: {  	v5 =	vld [tilespmem:s4+$0xFFFFFFF0];
	p0 =	slt.u32 s3, $0x78;
	v8 =	vmov v4  }
0x520: {  	v4 =	vld [tilespmem:s4+$0x0]  }
0x521: {  	v9 =	vld [tilespmem:s4+$0x10]  }
0x522: {  	v10 =	vld [tilespmem:s4+$0xFFFFFFE0]  }
0x523: {  	s0 =	sadd.s32 $0x50, s0;
	[tilespmem:v3+s2+$0x0] =	vst.idx.add.s32.msk $0xffff, v2  }
0x524: {  	v11 =	vld [tilespmem:s0+$0x20]  }
0x525: {  	v12 =	vld [tilespmem:s0+$0xFFFFFFE0]  }
0x526: {  	v6 =	vld.idx.msk [tilespmem:v6+s1+$0x0], $0xffff  }
0x527: {  	v2 =	vld.idx.msk [tilespmem:v5+s1+$0x0], $0xffff  }
0x528: {  	v13 =	vld.idx.msk [tilespmem:v4+s1+$0x0], $0xffff  }
0x529: {  	v9 =	vld.idx.msk [tilespmem:v9+s1+$0x0], $0xffff  }
0x52a: {  	v10 =	vld.idx.msk [tilespmem:v10+s1+$0x0], $0xffff  }
0x52b: {  	v3 =	vld [tilespmem:s0+$0xFFFFFFF0]  }
0x52c: {  	[tilespmem:v11+s2+$0x0] =	vst.idx.add.s32.msk $0xffff, v6  }
.Ltmp22:
0x52d: {  	v5 =	vld [tilespmem:s0+$0x0];
	(pc) =	sbr.rel @p0 .LBB2_45-.Ltmp22, $4  }
0x52e: {  	v4 =	vld [tilespmem:s0+$0x10]  }
0x52f: {  	[tilespmem:v7+s2+$0x0] =	vst.idx.add.s32.msk $0xffff, v0;
	v0 =	vmov v13  }
0x530: {  	[tilespmem:v12+s2+$0x0] =	vst.idx.add.s32.msk $0xffff, v10  }
0x531: {  	s4 =	sadd.s32 $0x50, s4;
	[tilespmem:v8+s2+$0x0] =	vst.idx.add.s32.msk $0xffff, v1;
	v1 =	vmov v9  }
0x532: {  	_ =	sdelay $0x3  }
0x533: {  	[tilespmem:v3+s2+$0x0] =	vst.idx.add.s32.msk $0xffff, v2  }
0x534: {  	[tilespmem:v5+s2+$0x0] =	vst.idx.add.s32.msk $0xffff, v0  }
0x535: {  	[tilespmem:v4+s2+$0x0] =	vst.idx.add.s32.msk $0xffff, v1  }
0x536: {  	_ =	strace $0x9000004D  }
0x537: {  	_ =	strace $0x8000004E  }
0x538: {  	s3 =	sld [smem:$0x7ED]  }
0x539: {  	s0 =	simm.s32 $0x80  }
0x53a: {  	s1 =	simm.s32 $0x400;
	s12 =	simm.s32 $0x5000;
	s13 =	simm.s32 $0x3  }
0x53b: {  	[spmem:s3] =	stream.strided.scatter [tilespmem:s12], [sflag:$0x3], $0x2800, s1, s0, $0x200038;
	[tilespmem:$0x1ED00] =	vst v63  }
0x53c: {  	_ =	swait.ge [sflag:s13], $0x2800  }
0x53d: {  	[sflag:s13] =	ssyncset.done $0x0  }
0x53e: {  	[sflag:s13] =	ssyncadd.s32 $0xFFFFD800  }
0x53f: {  	[bflag:$0x0] =	sbarrier.arrive $0xFFFF  }
0x540: {  	s4 =	sld [smem:$0x7EE]  }
0x541: {  	s14 =	simm.s32 $0x1400  }
0x542: {  	s15 =	simm.s32 $0x14000;
	s16 =	simm.s32 $0x19800;
	s17 =	simm.s32 $0x0  }
0x543: {  	[tilespmem:s16], [sflag:$0x3] =	stream.strided.gather [spmem:s4], $0x2800, s15, s14, $0x200038;
	[tilespmem:$0x1ED00] =	vst v63  }
0x544: {  	s19 =	simm.s32 $0x30;
	s18 =	sand.u32 $0x1C00, s17;
	_ =	swait.ge [sflag:s13], $0x2800  }
0x545: {  	s5 =	sand.u32 $0x70, s19;
	s12 =	sadd.s32 $0x19800, s18;
	[sflag:s13] =	ssyncset.done $0x0  }
0x546: {  	s20 =	sor.u32 s5, s12;
	[sflag:s13] =	ssyncadd.s32 $0xFFFFD800  }
0x547: {  	v0 =	vld [tilespmem:s20+$0x0]  }
0x548: {  	v1 =	vld [tilespmem:s20+$0x80]  }
0x549: {  	v2 =	vld [tilespmem:s20+$0x100]  }
0x54a: {  	v3 =	vld [tilespmem:s20+$0x180]  }
0x54b: {  	v4 =	vld [tilespmem:s20+$0x200]  }
0x54c: {  	v5 =	vld [tilespmem:s20+$0x280]  }
0x54d: {  	s11 =	sadd.s32 $0x1AC00, s18;
	v6 =	vld [tilespmem:s20+$0x300]  }
0x54e: {  	s10 =	sadd.s32 $0x1AC80, s18;
	s21 =	sor.u32 s5, s11;
	v7 =	vld [tilespmem:s20+$0x380]  }
0x54f: {  	s9 =	sadd.s32 $0x1AD00, s18;
	s23 =	sor.u32 s5, s10;
	v8 =	vld [tilespmem:s21+$0x0]  }
0x550: {  	s8 =	sadd.s32 $0x1AD80, s18;
	s24 =	sor.u32 s5, s9;
	v9 =	vld [tilespmem:s23+$0x0]  }
0x551: {  	s7 =	sadd.s32 $0x1AE00, s18;
	s25 =	sor.u32 s5, s8;
	v10 =	vld [tilespmem:s24+$0x0]  }
0x552: {  	s2 =	sadd.s32 $0x1AE80, s18;
	s26 =	sor.u32 s5, s7;
	v11 =	vld [tilespmem:s25+$0x0]  }
0x553: {  	s6 =	sor.u32 s5, s2;
	s0 =	sadd.s32 $0x1AF00, s18;
	v12 =	vld [tilespmem:s26+$0x0]  }
0x554: {  	s28 =	sadd.s32 $0x0, s22;
	s3 =	sadd.s32 $0x1AF80, s18;
	s29 =	sor.u32 s5, s0;
	v13 =	vld [tilespmem:s6+$0x0]  }
0x555: {  	s1 =	sand.u32 $0x7F80, s28;
	s30 =	sor.u32 s5, s3;
	v14 =	vld [tilespmem:s29+$0x0]  }
0x556: {  	s5 =	sor.u32 s5, s1;
	s4 =	sand.u32 $0x40, s17;
	v15 =	vld [tilespmem:s30+$0x0]  }
0x557: {  	s13 =	sor.u32 s4, s12;
	v16 =	vld [tilespmem:s5+$0x0]  }
0x558: {  	v17 =	vld [tilespmem:s13+$0x0]  }
0x559: {  	v18 =	vld [tilespmem:s13+$0x80]  }
0x55a: {  	v21 =	vld [tilespmem:s13+$0x100]  }
0x55b: {  	v23 =	vld [tilespmem:s13+$0x180]  }
0x55c: {  	v25 =	vld [tilespmem:s13+$0x200]  }
0x55d: {  	v27 =	vld [tilespmem:s13+$0x280]  }
0x55e: {  	v28 =	vld [tilespmem:s13+$0x300]  }
0x55f: {  	s16 =	sor.u32 s4, s10;
	v29 =	vld [tilespmem:s13+$0x380]  }
0x560: {  	s18 =	sor.u32 s4, s9;
	v52 =	vld [tilespmem:s16+$0x0]  }
0x561: {  	s31 =	simm.s32 $0x10;
	s28 =	sor.u32 s4, s0;
	v55 =	vld [tilespmem:s18+$0x0]  }
0x562: {  	s5 =	sand.u32 $0x50, s31;
	s20 =	sor.u32 s4, s8;
	v61 =	vld [tilespmem:s28+$0x0]  }
0x563: {  	s14 =	sor.u32 s5, s12;
	v56 =	vld [tilespmem:s20+$0x0]  }
0x564: {  	v19 =	vld [tilespmem:s14+$0x0]  }
0x565: {  	v20 =	vld [tilespmem:s14+$0x80]  }
0x566: {  	v22 =	vld [tilespmem:s14+$0x100]  }
0x567: {  	v24 =	vld [tilespmem:s14+$0x180];
	v0 =	vadd.s32 v0, v1  }
0x568: {  	v26 =	vld [tilespmem:s14+$0x200];
	v0 =	vadd.s32 v2, v0  }
0x569: {  	v30 =	vld [tilespmem:s14+$0x280];
	v0 =	vadd.s32 v3, v0  }
0x56a: {  	v31 =	vld [tilespmem:s14+$0x300];
	v0 =	vadd.s32 v4, v0  }
0x56b: {  	s15 =	sor.u32 s5, s11;
	v32 =	vld [tilespmem:s14+$0x380];
	v0 =	vadd.s32 v5, v0  }
0x56c: {  	s17 =	sor.u32 s5, s10;
	v50 =	vld [tilespmem:s15+$0x0];
	v0 =	vadd.s32 v6, v0  }
0x56d: {  	s19 =	sor.u32 s5, s9;
	v53 =	vld [tilespmem:s17+$0x0];
	v0 =	vadd.s32 v7, v0  }
0x56e: {  	s21 =	sor.u32 s5, s8;
	v33 =	vld [tilespmem:s19+$0x0];
	v0 =	vadd.s32 v8, v0  }
0x56f: {  	s13 =	simm.s32 $0x20;
	s24 =	sor.u32 s5, s7;
	v36 =	vld [tilespmem:s21+$0x0];
	v0 =	vadd.s32 v9, v0  }
0x570: {  	s6 =	sand.u32 $0x60, s13;
	s14 =	sor.u32 s4, s11;
	v60 =	vld [tilespmem:s24+$0x0];
	v0 =	vadd.s32 v10, v0  }
0x571: {  	s11 =	sor.u32 s6, s11;
	v49 =	vld [tilespmem:s14+$0x0];
	v0 =	vadd.s32 v11, v0  }
0x572: {  	s10 =	sor.u32 s6, s10;
	v51 =	vld [tilespmem:s11+$0x0];
	v0 =	vadd.s32 v12, v0  }
0x573: {  	s9 =	sor.u32 s6, s9;
	v54 =	vld [tilespmem:s10+$0x0];
	v0 =	vadd.s32 v13, v0  }
0x574: {  	s12 =	sor.u32 s6, s12;
	v34 =	vld [tilespmem:s9+$0x0];
	v0 =	vadd.s32 v14, v0  }
0x575: {  	v1 =	vld [tilespmem:s12+$0x0];
	v0 =	vadd.s32 v15, v0  }
0x576: {  	v16 =	vmul.u32 $0x27D4EB2F, v16;
	v2 =	vld [tilespmem:s12+$0x80];
	v0 =	vmul.u32 $0xC2B2AE3D, v0  }
0x577: {  	v3 =	vld [tilespmem:s12+$0x100]  }
0x578: {  	v4 =	vld [tilespmem:s12+$0x180];
	v0 =	vadd.s32 v16, v0  }
0x579: {  	v5 =	vld [tilespmem:s12+$0x200];
	v35 =	vshrl.u32 v0, $0xD  }
0x57a: {  	v17 =	vadd.s32 v17, v18;
	v57 =	vadd.s32 v19, v20;
	v6 =	vld [tilespmem:s12+$0x280];
	v58 =	vxor.u32 v0, v35  }
0x57b: {  	v7 =	vld [tilespmem:s12+$0x300];
	v0 =	vadd.s32 v1, v2;
	v1 =	vadd.s32 v21, v17;
	v2 =	vadd.s32 v22, v57  }
0x57c: {  	s8 =	sor.u32 s6, s8;
	v8 =	vld [tilespmem:s12+$0x380];
	v0 =	vadd.s32 v3, v0;
	v1 =	vadd.s32 v23, v1;
	v2 =	vadd.s32 v24, v2  }
0x57d: {  	s23 =	sor.u32 s4, s7;
	v59 =	vld [tilespmem:s8+$0x0];
	v0 =	vadd.s32 v4, v0;
	v1 =	vadd.s32 v25, v1;
	v2 =	vadd.s32 v26, v2  }
0x57e: {  	s7 =	sor.u32 s6, s7;
	v3 =	vld [tilespmem:s23+$0x0];
	v0 =	vadd.s32 v5, v0;
	v1 =	vadd.s32 v27, v1;
	v2 =	vadd.s32 v30, v2  }
0x57f: {  	s25 =	sor.u32 s4, s2;
	v4 =	vld [tilespmem:s7+$0x0];
	v0 =	vadd.s32 v6, v0;
	v1 =	vadd.s32 v28, v1;
	v2 =	vadd.s32 v31, v2  }
0x580: {  	s26 =	sor.u32 s5, s2;
	v5 =	vld [tilespmem:s25+$0x0];
	v0 =	vadd.s32 v7, v0;
	v1 =	vadd.s32 v29, v1;
	v2 =	vadd.s32 v32, v2  }
0x581: {  	s2 =	sor.u32 s6, s2;
	v6 =	vld [tilespmem:s26+$0x0];
	v0 =	vadd.s32 v8, v0;
	v1 =	vadd.s32 v49, v1;
	v2 =	vadd.s32 v50, v2  }
0x582: {  	s29 =	sor.u32 s5, s0;
	v8 =	vld [tilespmem:s2+$0x0];
	v0 =	vadd.s32 v51, v0;
	v1 =	vadd.s32 v52, v1;
	v2 =	vadd.s32 v53, v2  }
0x583: {  	s0 =	sor.u32 s6, s0;
	v0 =	vadd.s32 v54, v0;
	v7 =	vadd.s32 v55, v1;
	v2 =	vadd.s32 v33, v2;
	v1 =	vld [tilespmem:s29+$0x0]  }
0x584: {  	s30 =	sor.u32 s4, s3;
	v0 =	vadd.s32 v34, v0;
	v7 =	vadd.s32 v56, v7;
	v62 =	vadd.s32 v36, v2;
	v2 =	vld [tilespmem:s0+$0x0]  }
0x585: {  	s31 =	sor.u32 s5, s3;
	s19 =	simm.s32 $0x0;
	s3 =	sor.u32 s6, s3;
	v63 =	vadd.s32 v59, v0;
	v7 =	vadd.s32 v3, v7;
	v3 =	vld [tilespmem:s30+$0x0];
	v10 =	vadd.s32 v60, v62  }
0x586: {  	s10 =	sor.u32 s5, s1;
	s9 =	sor.u32 s6, s1;
	s0 =	simm.s32 $0x1C020;
	v0 =	vld [tilespmem:s31+$0x0];
	v4 =	vadd.s32 v4, v63;
	v5 =	vadd.s32 v5, v7;
	v7 =	vand.u32 $0xFFFF, v58  }
0x587: {  	s12 =	sor.u32 s4, s1;
	s4 =	simm.s32 $0x200;
	[tilespmem:s0+$0x10] =	vst v7;
	v7 =	vadd.s32 v6, v10;
	v6 =	vadd.s32 v8, v4;
	v5 =	vadd.s32 v61, v5;
	v4 =	vld [tilespmem:s3+$0x0];
	s3 =	simm.s32 $0x40  }
.LBB2_47:
0x588: {  	s8 =	sand.u32 $0x1C00, s4;
	s5 =	sadd.s32 $0x30, s3  }
0x589: {  	s11 =	sadd.s32 $0x19800, s8;
	s7 =	sand.u32 $0x70, s5  }
0x58a: {  	v8 =	vld [tilespmem:s12+$0x0];
	s20 =	sor.u32 s7, s11  }
0x58b: {  	v9 =	vld [tilespmem:s20+$0x180]  }
0x58c: {  	v1 =	vadd.s32 v1, v7;
	v7 =	vld [tilespmem:s10+$0x0]  }
0x58d: {  	v3 =	vadd.s32 v3, v5;
	v5 =	vld [tilespmem:s9+$0x0]  }
0x58e: {  	v2 =	vadd.s32 v2, v6;
	v6 =	vld [tilespmem:s20+$0x0]  }
0x58f: {  	v0 =	vadd.s32 v0, v1;
	v1 =	vld [tilespmem:s20+$0x80]  }
0x590: {  	s21 =	sadd.s32 $0x1AC00, s8;
	v3 =	vmul.u32 $0xC2B2AE3D, v3;
	v2 =	vadd.s32 v4, v2;
	v4 =	vld [tilespmem:s20+$0x100];
	v8 =	vmul.u32 $0x27D4EB2F, v8  }
0x591: {  	s23 =	sor.u32 s7, s21;
	v10 =	vld [tilespmem:s20+$0x200]  }
0x592: {  	v60 =	vld [tilespmem:s23+$0x0];
	v0 =	vmul.u32 $0xC2B2AE3D, v0;
	v3 =	vadd.s32 v8, v3  }
0x593: {  	v2 =	vmul.u32 $0xC2B2AE3D, v2;
	v8 =	vld [tilespmem:s20+$0x280];
	v11 =	vshrl.u32 v3, $0xD;
	v5 =	vmul.u32 $0x27D4EB2F, v5  }
0x594: {  	s17 =	sadd.s32 $0x1AD80, s8;
	v7 =	vmul.u32 $0x27D4EB2F, v7;
	v3 =	vxor.u32 v3, v11;
	v1 =	vadd.s32 v6, v1;
	v6 =	vld [tilespmem:s20+$0x300]  }
0x595: {  	s1 =	sadd.s32 $0x10, s3;
	s13 =	sadd.s32 $0x1AC80, s8;
	s31 =	sor.u32 s7, s17;
	v3 =	vand.u32 $0xFFFF, v3;
	v2 =	vadd.s32 v5, v2;
	v1 =	vadd.s32 v4, v1;
	v4 =	vld [tilespmem:s20+$0x380]  }
0x596: {  	s18 =	sadd.s32 $0x20, s3;
	s15 =	sadd.s32 $0x1AD00, s8;
	s25 =	sor.u32 s7, s13;
	v0 =	vadd.s32 v7, v0;
	[tilespmem:s0+$0xFFFFFFE0] =	vst v3;
	v3 =	vld [tilespmem:s31+$0x0];
	v5 =	vshrl.u32 v2, $0xD  }
0x597: {  	s28 =	sor.u32 s7, s15;
	s9 =	sand.u32 $0x60, s18;
	s18 =	sadd.s32 $0x1AE80, s8;
	v7 =	vshrl.u32 v0, $0xD;
	v1 =	vadd.s32 v9, v1;
	v2 =	vxor.u32 v2, v5;
	v5 =	vld [tilespmem:s25+$0x0]  }
0x598: {  	s29 =	sand.u32 $0x50, s1;
	s10 =	sand.u32 $0x40, s3;
	s23 =	sor.u32 s7, s18;
	v0 =	vxor.u32 v0, v7;
	v1 =	vadd.s32 v10, v1;
	v7 =	vld [tilespmem:s28+$0x0];
	v2 =	vand.u32 $0xFFFF, v2  }
0x599: {  	s12 =	sadd.s32 $0x1AE00, s8;
	s5 =	sor.u32 s29, s11;
	s6 =	sor.u32 s10, s11;
	v1 =	vadd.s32 v8, v1;
	[tilespmem:s0+$0x0] =	vst v2;
	v2 =	vld [tilespmem:s23+$0x0]  }
0x59a: {  	s24 =	sor.u32 s29, s21;
	s16 =	sor.u32 s7, s12;
	s20 =	sadd.s32 $0x1AF00, s8;
	v0 =	vand.u32 $0xFFFF, v0;
	v1 =	vadd.s32 v6, v1;
	v6 =	vld [tilespmem:s6+$0x0]  }
0x59b: {  	[dreg:$0xa] =	wrdreg s24;
	s2 =	sor.u32 s10, s21;
	s25 =	sor.u32 s7, s20;
	[tilespmem:s0+$0xFFFFFFF0] =	vst v0;
	v0 =	vadd.s32 v4, v1;
	v1 =	vld [tilespmem:s16+$0x0]  }
0x59c: {  	s24 =	sadd.s32 s3, s22;
	s26 =	sor.u32 s9, s21;
	[dreg:$0x7] =	wrdreg s2;
	v4 =	vld [tilespmem:s25+$0x0]  }
0x59d: {  	s2 =	sadd.s32 $0x1AF80, s8;
	s16 =	sand.u32 $0x7F80, s24;
	s24 =	sor.u32 s10, s20;
	v61 =	vld [tilespmem:s5+$0x180];
	v0 =	vadd.s32 v60, v0  }
0x59e: {  	[dreg:$0xd] =	wrdreg s26;
	s26 =	sor.u32 s7, s2;
	v62 =	vld [tilespmem:s24+$0x0];
	v0 =	vadd.s32 v5, v0  }
0x59f: {  	s28 =	sor.u32 s7, s16;
	v5 =	vld [tilespmem:s26+$0x0];
	v0 =	vadd.s32 v7, v0  }
0x5a0: {  	v0 =	vadd.s32 v3, v0;
	v3 =	vld [tilespmem:s28+$0x0]  }
0x5a1: {  	v0 =	vadd.s32 v1, v0;
	v1 =	vld [tilespmem:s6+$0x80]  }
0x5a2: {  	v0 =	vadd.s32 v2, v0;
	v2 =	vld [tilespmem:s5+$0x0]  }
0x5a3: {  	s1 =	sor.u32 s9, s11;
	v0 =	vadd.s32 v4, v0;
	v4 =	vld [tilespmem:s5+$0x80]  }
0x5a4: {  	v7 =	vld [tilespmem:s1+$0x80];
	v0 =	vadd.s32 v5, v0  }
0x5a5: {  	v5 =	vld [tilespmem:s1+$0x0];
	v0 =	vmul.u32 $0xC2B2AE3D, v0;
	v3 =	vmul.u32 $0x27D4EB2F, v3  }
0x5a6: {  	v1 =	vadd.s32 v6, v1;
	v6 =	vld [tilespmem:s6+$0x100]  }
0x5a7: {  	v0 =	vadd.s32 v3, v0;
	v3 =	vld [tilespmem:s5+$0x100]  }
0x5a8: {  	v8 =	vshrl.u32 v0, $0xD;
	v2 =	vadd.s32 v2, v4;
	v4 =	vld [tilespmem:s1+$0x100]  }
0x5a9: {  	v0 =	vxor.u32 v0, v8;
	v8 =	vld [tilespmem:s6+$0x180]  }
0x5aa: {  	s0 =	sadd.s32 $0x40, s0;
	v5 =	vadd.s32 v5, v7;
	v7 =	vld [tilespmem:s6+$0x280];
	v0 =	vand.u32 $0xFFFF, v0  }
0x5ab: {  	[tilespmem:s0+$0x10] =	vst v0;
	v0 =	vadd.s32 v6, v1;
	v1 =	vld [tilespmem:s1+$0x180]  }
0x5ac: {  	v6 =	vld [tilespmem:s6+$0x200]  }
0x5ad: {  	v2 =	vadd.s32 v3, v2;
	v3 =	vld [tilespmem:s5+$0x200]  }
0x5ae: {  	v4 =	vadd.s32 v4, v5;
	v5 =	vld [tilespmem:s1+$0x200]  }
0x5af: {  	s14 =	sor.u32 s29, s13;
	v0 =	vadd.s32 v8, v0;
	v8 =	vld [tilespmem:s5+$0x280]  }
0x5b0: {  	[dreg:$0x13] =	wrdreg s14;
	s30 =	sor.u32 s10, s13;
	s21 =	sor.u32 s9, s13;
	v1 =	vadd.s32 v1, v4;
	v4 =	vld [tilespmem:s1+$0x280]  }
0x5b1: {  	s14 =	sor.u32 s10, s15;
	s13 =	sor.u32 s29, s17;
	[dreg:$0x10] =	wrdreg s30;
	v2 =	vadd.s32 v61, v2;
	v0 =	vadd.s32 v6, v0;
	v6 =	vld [tilespmem:s6+$0x300]  }
0x5b2: {  	s11 =	sor.u32 s10, s12;
	[dreg:$0x16] =	wrdreg s21;
	s21 =	sor.u32 s10, s2;
	v2 =	vadd.s32 v3, v2;
	v3 =	vld [tilespmem:s5+$0x300]  }
0x5b3: {  	s8 =	sor.u32 s29, s15;
	s31 =	sor.u32 s29, s12;
	s22 =	sor.u32 s29, s20;
	v0 =	vadd.s32 v7, v0;
	v7 =	vld [tilespmem:s6+$0x380]  }
0x5b4: {  	s23 =	sor.u32 s9, s18;
	s25 =	sor.u32 s29, s18;
	s7 =	sor.u32 s10, s17;
	v1 =	vadd.s32 v5, v1;
	v5 =	vld [tilespmem:s1+$0x300]  }
0x5b5: {  	s26 =	sor.u32 s9, s12;
	s12 =	sor.u32 s10, s16;
	s28 =	sor.u32 s10, s18;
	v2 =	vadd.s32 v8, v2;
	v8 =	vld [tilespmem:s5+$0x380]  }
0x5b6: {  	s18 =	sor.u32 s29, s2;
	s10 =	sor.u32 s29, s16;
	s29 =	rddreg [dreg:$0x7];
	v1 =	vadd.s32 v4, v1;
	v4 =	vld [tilespmem:s1+$0x380]  }
0x5b7: {  	s30 =	sor.u32 s9, s17;
	s17 =	sor.u32 s9, s2;
	s2 =	rddreg [dreg:$0xa];
	v0 =	vadd.s32 v6, v0;
	v6 =	vld [tilespmem:s29+$0x0]  }
0x5b8: {  	s6 =	rddreg [dreg:$0x10];
	v2 =	vadd.s32 v3, v2;
	v3 =	vld [tilespmem:s2+$0x0]  }
0x5b9: {  	s15 =	sor.u32 s9, s15;
	s5 =	rddreg [dreg:$0xd];
	v0 =	vadd.s32 v7, v0;
	v7 =	vld [tilespmem:s6+$0x0]  }
0x5ba: {  	s20 =	sor.u32 s9, s20;
	s9 =	sor.u32 s9, s16;
	s16 =	rddreg [dreg:$0x13];
	v1 =	vadd.s32 v5, v1;
	v5 =	vld [tilespmem:s5+$0x0]  }
0x5bb: {  	s29 =	rddreg [dreg:$0x16];
	v2 =	vadd.s32 v8, v2;
	v8 =	vld [tilespmem:s16+$0x0]  }
0x5bc: {  	v1 =	vadd.s32 v4, v1;
	v4 =	vld [tilespmem:s29+$0x0]  }
0x5bd: {  	v0 =	vadd.s32 v6, v0;
	v6 =	vld [tilespmem:s14+$0x0]  }
0x5be: {  	v2 =	vadd.s32 v3, v2;
	v3 =	vld [tilespmem:s8+$0x0]  }
0x5bf: {  	v0 =	vadd.s32 v7, v0;
	v7 =	vld [tilespmem:s7+$0x0]  }
0x5c0: {  	v1 =	vadd.s32 v5, v1;
	v5 =	vld [tilespmem:s15+$0x0]  }
0x5c1: {  	v2 =	vadd.s32 v8, v2;
	v8 =	vld [tilespmem:s13+$0x0]  }
0x5c2: {  	v1 =	vadd.s32 v4, v1;
	v4 =	vld [tilespmem:s30+$0x0]  }
0x5c3: {  	v0 =	vadd.s32 v6, v0;
	v6 =	vld [tilespmem:s11+$0x0]  }
0x5c4: {  	v2 =	vadd.s32 v3, v2;
	v3 =	vld [tilespmem:s31+$0x0]  }
0x5c5: {  	v0 =	vadd.s32 v7, v0;
	v7 =	vld [tilespmem:s28+$0x0]  }
0x5c6: {  	v1 =	vadd.s32 v5, v1;
	v5 =	vld [tilespmem:s26+$0x0]  }
0x5c7: {  	s19 =	sadd.s32 $0x4, s19;
	v2 =	vadd.s32 v8, v2;
	v8 =	vld [tilespmem:s25+$0x0]  }
0x5c8: {  	p0 =	slt.u32 s19, $0x24;
	v0 =	vadd.s32 v6, v0;
	v6 =	vld [tilespmem:s23+$0x0]  }
.Ltmp23:
0x5c9: {  	v4 =	vadd.s32 v4, v1;
	v1 =	vld [tilespmem:s22+$0x0];
	(pc) =	sbr.rel @p0 .LBB2_47-.Ltmp23, $4  }
0x5ca: {  	v63 =	vadd.s32 v3, v2;
	v2 =	vld [tilespmem:s20+$0x0]  }
0x5cb: {  	v3 =	vld [tilespmem:s21+$0x0]  }
0x5cc: {  	v4 =	vadd.s32 v5, v4;
	v5 =	vadd.s32 v7, v0;
	v0 =	vld [tilespmem:s18+$0x0]  }
0x5cd: {  	s4 =	sadd.s32 $0x200, s4;
	s3 =	sadd.s32 $0x40, s3;
	s22 =	rddreg [dreg:$0x5];
	v7 =	vadd.s32 v8, v63;
	v5 =	vadd.s32 v62, v5;
	v6 =	vadd.s32 v6, v4;
	v4 =	vld [tilespmem:s17+$0x0]  }
0x5ce: {  	v8 =	vld [tilespmem:s12+$0x0]  }
0x5cf: {  	v9 =	vld [tilespmem:s10+$0x0]  }
0x5d0: {  	v10 =	vld [tilespmem:s9+$0x0];
	_ =	sdelay $0x1  }
0x5d1: {  	v1 =	vadd.s32 v1, v7;
	v2 =	vadd.s32 v2, v6;
	v3 =	vadd.s32 v3, v5  }
0x5d2: {  	v3 =	vmul.u32 $0xC2B2AE3D, v3;
	v0 =	vadd.s32 v0, v1;
	v1 =	vmul.u32 $0x27D4EB2F, v8  }
0x5d3: {  	v0 =	vmul.u32 $0xC2B2AE3D, v0;
	v2 =	vadd.s32 v4, v2;
	v4 =	vmul.u32 $0x27D4EB2F, v9  }
0x5d4: {  	v2 =	vmul.u32 $0xC2B2AE3D, v2;
	v1 =	vadd.s32 v1, v3;
	v3 =	vmul.u32 $0x27D4EB2F, v10  }
0x5d5: {  	v0 =	vadd.s32 v4, v0;
	v5 =	vshrl.u32 v1, $0xD  }
0x5d6: {  	v4 =	vshrl.u32 v0, $0xD;
	v2 =	vadd.s32 v3, v2;
	v1 =	vxor.u32 v1, v5  }
0x5d7: {  	v0 =	vxor.u32 v0, v4;
	v3 =	vshrl.u32 v2, $0xD;
	v1 =	vand.u32 $0xFFFF, v1  }
0x5d8: {  	v0 =	vand.u32 $0xFFFF, v0;
	v2 =	vxor.u32 v2, v3;
	[tilespmem:s0+$0xFFFFFFE0] =	vst v1  }
0x5d9: {  	[tilespmem:s0+$0xFFFFFFF0] =	vst v0;
	v1 =	vand.u32 $0xFFFF, v2  }
0x5da: {  	[tilespmem:s0+$0x0] =	vst v1  }
0x5db: {  	s1 =	sld [smem:$0x7EC];
	_ =	sdelay $0x1  }
0x5dc: {  	s23 =	simm.s32 $0x1C000;
	s24 =	simm.s32 $0x3  }
0x5dd: {  	[spmem:s1] =	stream.linear.scatter [tilespmem:s23], [sflag:$0x3], $0x280, $0x200038;
	[tilespmem:$0x1ED00] =	vst v63  }
0x5de: {  	_ =	swait.ge [sflag:s24], $0x280  }
0x5df: {  	[sflag:s24] =	ssyncset.done $0x0  }
0x5e0: {  	[sflag:s24] =	ssyncadd.s32 $0xFFFFFD80  }
0x5e1: {  	[bflag:$0x0] =	sbarrier.arrive $0xFFFF  }
0x5e2: {  	_ =	strace $0x9000004E  }
0x5e3: {  	_ =	strace $0x8000004F  }
0x5e4: {  	s25 =	simm.s32 $0x0;
	s2 =	rddreg [dreg:$0x3]  }
0x5e5: {  	[tilespmem:s25], [sflag:$0x3] =	stream.linear.gather [spmem:s2], $0x2800, $0x200038;
	[tilespmem:$0x1ED00] =	vst v63  }
0x5e6: {  	_ =	swait.ge [sflag:s24], $0x2800  }
0x5e7: {  	[sflag:s24] =	ssyncset.done $0x0  }
0x5e8: {  	[sflag:s24] =	ssyncadd.s32 $0xFFFFD800  }
0x5e9: {  	[bflag:$0x0] =	sbarrier.arrive $0xFFFF  }
0x5ea: {  	_ =	strace $0x9000004F  }
0x5eb: {  	s26 =	simm.s32 $0x17800;
	s28 =	rddreg [dreg:$0x1b]  }
0x5ec: {  	[tilespmem:s26], [sflag:$0x1] =	stream.linear.gather [hbm4b:s28+s25], $0x7D0, $0x38;
	[tilespmem:$0x1ED00] =	vst v63  }
0x5ed: {  	s29 =	simm.s32 $0x18800;
	s30 =	rddreg [dreg:$0x1d]  }
0x5ee: {  	[tilespmem:s29], [sflag:$0x1] =	stream.linear.gather [hbm4b:s30+s25], $0x7D0, $0x38;
	[tilespmem:$0x1ED00] =	vst v63  }
0x5ef: {  	s31 =	simm.s32 $0x40;
	_ =	strace $0x80000050  }
0x5f0: {  	v0 =	vld [tilespmem:s31+$0x30]  }
0x5f1: {  	v1 =	vld [tilespmem:s31+$0xFFFFFFD0]  }
0x5f2: {  	v2 =	vld [tilespmem:s31+$0xFFFFFFE0]  }
0x5f3: {  	v3 =	vld [tilespmem:s31+$0xFFFFFFF0]  }
0x5f4: {  	v7 =	vld [tilespmem:s31+$0x20]  }
0x5f5: {  	v8 =	vld [tilespmem:s31+$0xFFFFFFC0]  }
0x5f6: {  	v4 =	vld [tilespmem:s31+$0x0]  }
0x5f7: {  	v5 =	vld [tilespmem:s31+$0x10]  }
0x5f8: {  	v6 =	vmul.u32 $0x9E3779B1, v0;
	v1 =	vmul.u32 $0x9E3779B1, v1  }
0x5f9: {  	v0 =	vimm.s32 $0x0;
	v2 =	vmul.u32 $0x9E3779B1, v2;
	v7 =	vmul.u32 $0x9E3779B1, v7  }
0x5fa: {  	v8 =	vmul.u32 $0x9E3779B1, v8;
	v6 =	vxor.u32 $0x85EBCA77, v6;
	v10 =	vxor.u32 $0x85EBCA77, v1  }
0x5fb: {  	v1 =	vmul.u32 $0x9E3779B1, v3;
	v11 =	vxor.u32 $0x85EBCA77, v2;
	v2 =	vmul.u32 $0x9E3779B1, v4  }
0x5fc: {  	v4 =	vmul.u32 $0x9E3779B1, v5;
	v9 =	vxor.u32 $0x85EBCA77, v8;
	v3 =	vshrl.u32 v6, $0xF  }
0x5fd: {  	v13 =	vshrl.u32 v11, $0xF;
	v3 =	vxor.u32 v6, v3;
	v6 =	vshrl.u32 v10, $0xF  }
0x5fe: {  	s0 =	simm.s32 $0x2840;
	v12 =	vxor.u32 $0x85EBCA77, v1;
	v1 =	vxor.u32 $0x85EBCA77, v2;
	v2 =	vxor.u32 $0x85EBCA77, v4  }
0x5ff: {  	s1 =	simm.s32 $0x5040;
	v8 =	vxor.u32 v11, v13;
	v14 =	vshrl.u32 v12, $0xF;
	[tilespmem:s0+$0x30] =	vst v3;
	v5 =	vshrl.u32 v1, $0xF  }
0x600: {  	s4 =	simm.s32 $0x0;
	v4 =	vshrl.u32 v2, $0xF;
	v3 =	vxor.u32 $0x85EBCA77, v7;
	v7 =	vxor.u32 v10, v6;
	[tilespmem:s1+$0x30] =	vst v0  }
0x601: {  	s5 =	simm.s32 $0xC0;
	s3 =	simm.s32 $0x5040;
	s2 =	simm.s32 $0x2840;
	v10 =	vshrl.u32 v9, $0xF;
	v6 =	vshrl.u32 v3, $0xF;
	[tilespmem:s0+$0xFFFFFFD0] =	vst v7;
	v7 =	vxor.u32 v12, v14  }
.LBB2_49:
0x602: {  	v11 =	vld [tilespmem:s5+$0x30];
	v9 =	vxor.u32 v9, v10;
	[tilespmem:s1+$0xFFFFFFD0] =	vst v0;
	v1 =	vxor.u32 v1, v5;
	v2 =	vxor.u32 v2, v4  }
0x603: {  	s4 =	sadd.s32 $0x8, s4;
	v6 =	vxor.u32 v3, v6;
	v4 =	vld [tilespmem:s5+$0xFFFFFFD0];
	[tilespmem:s0+$0xFFFFFFC0] =	vst v9  }
0x604: {  	p0 =	slt.u32 s4, $0x278;
	v3 =	vld [tilespmem:s5+$0xFFFFFFE0];
	[tilespmem:s1+$0xFFFFFFC0] =	vst v0  }
0x605: {  	v5 =	vld [tilespmem:s5+$0xFFFFFFF0];
	[tilespmem:s0+$0xFFFFFFE0] =	vst v8  }
0x606: {  	v8 =	vld [tilespmem:s5+$0x0]  }
0x607: {  	[tilespmem:s1+$0xFFFFFFE0] =	vst v0  }
0x608: {  	v9 =	vld [tilespmem:s5+$0x10];
	v10 =	vmul.u32 $0x9E3779B1, v11;
	[tilespmem:s0+$0xFFFFFFF0] =	vst v7;
	v4 =	vmul.u32 $0x9E3779B1, v4  }
0x609: {  	v7 =	vld [tilespmem:s5+$0x20];
	[tilespmem:s1+$0xFFFFFFF0] =	vst v0;
	v3 =	vmul.u32 $0x9E3779B1, v3  }
0x60a: {  	v11 =	vld [tilespmem:s5+$0xFFFFFFC0];
	v10 =	vxor.u32 $0x85EBCA77, v10;
	[tilespmem:s0+$0x0] =	vst v1;
	v12 =	vxor.u32 $0x85EBCA77, v4;
	v1 =	vmul.u32 $0x9E3779B1, v5  }
0x60b: {  	v4 =	vshrl.u32 v10, $0xF;
	[tilespmem:s1+$0x0] =	vst v0;
	v13 =	vxor.u32 $0x85EBCA77, v3;
	v3 =	vmul.u32 $0x9E3779B1, v8  }
0x60c: {  	s0 =	sadd.s32 $0x80, s0;
	v4 =	vxor.u32 v10, v4;
	[tilespmem:s2+$0x10] =	vst v2;
	v8 =	vshrl.u32 v12, $0xF  }
0x60d: {  	s1 =	sadd.s32 $0x80, s1;
	v14 =	vxor.u32 $0x85EBCA77, v1;
	v2 =	vmul.u32 $0x9E3779B1, v9;
	[tilespmem:s0+$0x30] =	vst v4;
	v1 =	vxor.u32 $0x85EBCA77, v3  }
.Ltmp24:
0x60e: {  	v15 =	vshrl.u32 v13, $0xF;
	v3 =	vmul.u32 $0x9E3779B1, v7;
	[tilespmem:s1+$0x30] =	vst v0;
	(pc) =	sbr.rel @p0 .LBB2_49-.Ltmp24, $4  }
0x60f: {  	v7 =	vmul.u32 $0x9E3779B1, v11;
	v11 =	vshrl.u32 v14, $0xF;
	v2 =	vxor.u32 $0x85EBCA77, v2;
	[tilespmem:s3+$0x10] =	vst v0  }
0x610: {  	v5 =	vshrl.u32 v1, $0xF;
	v4 =	vshrl.u32 v2, $0xF;
	v3 =	vxor.u32 $0x85EBCA77, v3;
	[tilespmem:s2+$0x20] =	vst v6;
	s2 =	smov.u32 s0  }
0x611: {  	v9 =	vxor.u32 $0x85EBCA77, v7;
	v7 =	vxor.u32 v12, v8;
	v6 =	vshrl.u32 v3, $0xF;
	[tilespmem:s3+$0x20] =	vst v0;
	s3 =	smov.u32 s1  }
0x612: {  	s5 =	sadd.s32 $0x80, s5;
	v8 =	vxor.u32 v13, v15;
	v10 =	vshrl.u32 v9, $0xF;
	[tilespmem:s0+$0xFFFFFFD0] =	vst v7;
	v7 =	vxor.u32 v14, v11  }
0x613: {  	[tilespmem:s1+$0xFFFFFFD0] =	vst v0  }
0x614: {  	[tilespmem:s0+$0xFFFFFFE0] =	vst v8  }
0x615: {  	v9 =	vxor.u32 v9, v10;
	[tilespmem:s0+$0xFFFFFFF0] =	vst v7  }
0x616: {  	[tilespmem:s0+$0xFFFFFFC0] =	vst v9  }
0x617: {  	[tilespmem:s1+$0xFFFFFFE0] =	vst v0  }
0x618: {  	v1 =	vxor.u32 v1, v5;
	[tilespmem:s1+$0xFFFFFFF0] =	vst v0  }
0x619: {  	[tilespmem:s0+$0x0] =	vst v1  }
0x61a: {  	[tilespmem:s1+$0xFFFFFFC0] =	vst v0  }
0x61b: {  	v1 =	vxor.u32 v2, v4;
	[tilespmem:s1+$0x0] =	vst v0  }
0x61c: {  	[tilespmem:s2+$0x10] =	vst v1  }
0x61d: {  	v1 =	vxor.u32 v3, v6;
	[tilespmem:s3+$0x10] =	vst v0  }
0x61e: {  	[tilespmem:s2+$0x20] =	vst v1  }
0x61f: {  	[tilespmem:s3+$0x20] =	vst v0  }
0x620: {  	_ =	strace $0x90000050  }
0x621: {  	_ =	strace $0x80000051  }
0x622: {  	s24 =	simm.s32 $0x0;
	s25 =	simm.s32 $0x18000;
	s26 =	rddreg [dreg:$0x1c]  }
0x623: {  	[tilespmem:s25], [sflag:$0x2] =	stream.linear.gather [hbm4b:s26+s24], $0x7D0, $0x200038;
	[tilespmem:$0x1ED00] =	vst v63  }
0x624: {  	s28 =	simm.s32 $0x19000;
	s30 =	simm.s32 $0x1;
	s29 =	rddreg [dreg:$0x1e]  }
0x625: {  	[tilespmem:s28], [sflag:$0x2] =	stream.linear.gather [hbm4b:s29+s24], $0x7D0, $0x200038;
	[tilespmem:$0x1ED00] =	vst v63  }
0x626: {  	_ =	swait.ge [sflag:s30], $0x7D0  }
0x627: {  	[sflag:s30] =	ssyncset.done $0x0  }
0x628: {  	[sflag:s30] =	ssyncadd.s32 $0xFFFFF830  }
0x629: {  	_ =	swait.ge [sflag:s30], $0x7D0  }
0x62a: {  	[sflag:s30] =	ssyncset.done $0x0  }
0x62b: {  	s31 =	simm.s32 $0x17820;
	[sflag:s30] =	ssyncadd.s32 $0xFFFFF830  }
0x62c: {  	v0 =	vld [tilespmem:s31+$0x20]  }
0x62d: {  	v1 =	vld [tilespmem:s31+$0xFFFFFFF0]  }
0x62e: {  	v3 =	vld [tilespmem:s31+$0x0]  }
0x62f: {  	v4 =	vld [tilespmem:s31+$0x10]  }
0x630: {  	v5 =	vld [tilespmem:s31+$0xFFFFFFE0]  }
0x631: {  	s0 =	simm.s32 $0x18820  }
0x632: {  	v6 =	vld [tilespmem:s0+$0x20]  }
0x633: {  	s1 =	simm.s32 $0x2800;
	v7 =	vld [tilespmem:s0+$0xFFFFFFE0]  }
0x634: {  	v62 =	vld.idx.msk [tilespmem:v0+s1+$0x0], $0xffff  }
0x635: {  	v2 =	vld.idx.msk [tilespmem:v1+s1+$0x0], $0xffff  }
0x636: {  	v0 =	vld.idx.msk [tilespmem:v3+s1+$0x0], $0xffff  }
0x637: {  	v1 =	vld.idx.msk [tilespmem:v4+s1+$0x0], $0xffff  }
0x638: {  	v63 =	vld.idx.msk [tilespmem:v5+s1+$0x0], $0xffff  }
0x639: {  	v5 =	vld [tilespmem:s0+$0x0]  }
0x63a: {  	v4 =	vld [tilespmem:s0+$0x10]  }
0x63b: {  	s2 =	simm.s32 $0x5000;
	v3 =	vld [tilespmem:s0+$0xFFFFFFF0]  }
0x63c: {  	[tilespmem:v6+s2+$0x0] =	vst.idx.add.s32.msk $0xffff, v62  }
0x63d: {  	s4 =	simm.s32 $0x17870;
	s3 =	simm.s32 $0x0;
	[tilespmem:v7+s2+$0x0] =	vst.idx.add.s32.msk $0xffff, v63  }
.LBB2_51:
0x63e: {  	v6 =	vld [tilespmem:s4+$0x20];
	s3 =	sadd.s32 $0x5, s3;
	v7 =	vmov v5  }
0x63f: {  	v5 =	vld [tilespmem:s4+$0xFFFFFFF0];
	p0 =	slt.u32 s3, $0x78;
	v8 =	vmov v4  }
0x640: {  	v4 =	vld [tilespmem:s4+$0x0]  }
0x641: {  	v9 =	vld [tilespmem:s4+$0x10]  }
0x642: {  	v10 =	vld [tilespmem:s4+$0xFFFFFFE0]  }
0x643: {  	s0 =	sadd.s32 $0x50, s0;
	[tilespmem:v3+s2+$0x0] =	vst.idx.add.s32.msk $0xffff, v2  }
0x644: {  	v11 =	vld [tilespmem:s0+$0x20]  }
0x645: {  	v12 =	vld [tilespmem:s0+$0xFFFFFFE0]  }
0x646: {  	v6 =	vld.idx.msk [tilespmem:v6+s1+$0x0], $0xffff  }
0x647: {  	v2 =	vld.idx.msk [tilespmem:v5+s1+$0x0], $0xffff  }
0x648: {  	v13 =	vld.idx.msk [tilespmem:v4+s1+$0x0], $0xffff  }
0x649: {  	v9 =	vld.idx.msk [tilespmem:v9+s1+$0x0], $0xffff  }
0x64a: {  	v10 =	vld.idx.msk [tilespmem:v10+s1+$0x0], $0xffff  }
0x64b: {  	v3 =	vld [tilespmem:s0+$0xFFFFFFF0]  }
0x64c: {  	[tilespmem:v11+s2+$0x0] =	vst.idx.add.s32.msk $0xffff, v6  }
.Ltmp25:
0x64d: {  	v5 =	vld [tilespmem:s0+$0x0];
	(pc) =	sbr.rel @p0 .LBB2_51-.Ltmp25, $4  }
0x64e: {  	v4 =	vld [tilespmem:s0+$0x10]  }
0x64f: {  	[tilespmem:v7+s2+$0x0] =	vst.idx.add.s32.msk $0xffff, v0;
	v0 =	vmov v13  }
0x650: {  	[tilespmem:v12+s2+$0x0] =	vst.idx.add.s32.msk $0xffff, v10  }
0x651: {  	s4 =	sadd.s32 $0x50, s4;
	[tilespmem:v8+s2+$0x0] =	vst.idx.add.s32.msk $0xffff, v1;
	v1 =	vmov v9  }
0x652: {  	_ =	sdelay $0x3  }
0x653: {  	[tilespmem:v3+s2+$0x0] =	vst.idx.add.s32.msk $0xffff, v2  }
0x654: {  	[tilespmem:v5+s2+$0x0] =	vst.idx.add.s32.msk $0xffff, v0  }
0x655: {  	[tilespmem:v4+s2+$0x0] =	vst.idx.add.s32.msk $0xffff, v1  }
0x656: {  	s2 =	rddreg [dreg:$0x1f]  }
0x657: {  	s0 =	simm.s32 $0x0;
	s1 =	simm.s32 $0x17800;
	s29 =	sld [smem:$0x7FD]  }
0x658: {  	[tilespmem:s1], [sflag:$0x1] =	stream.linear.gather [hbm4b:s2+s0], $0x7D0, $0x200038;
	[tilespmem:$0x1ED00] =	vst v63  }
0x659: {  	s28 =	simm.s32 $0x18800;
	s30 =	simm.s32 $0x2  }
0x65a: {  	[tilespmem:s28], [sflag:$0x1] =	stream.linear.gather [hbm4b:s29+s0], $0x7D0, $0x200038;
	[tilespmem:$0x1ED00] =	vst v63  }
0x65b: {  	_ =	swait.ge [sflag:s30], $0x7D0  }
0x65c: {  	[sflag:s30] =	ssyncset.done $0x0  }
0x65d: {  	[sflag:s30] =	ssyncadd.s32 $0xFFFFF830  }
0x65e: {  	_ =	swait.ge [sflag:s30], $0x7D0  }
0x65f: {  	[sflag:s30] =	ssyncset.done $0x0  }
0x660: {  	s31 =	simm.s32 $0x18020;
	[sflag:s30] =	ssyncadd.s32 $0xFFFFF830  }
0x661: {  	v0 =	vld [tilespmem:s31+$0x20]  }
0x662: {  	v1 =	vld [tilespmem:s31+$0xFFFFFFF0]  }
0x663: {  	v3 =	vld [tilespmem:s31+$0x0]  }
0x664: {  	v4 =	vld [tilespmem:s31+$0x10]  }
0x665: {  	v5 =	vld [tilespmem:s31+$0xFFFFFFE0]  }
0x666: {  	s0 =	simm.s32 $0x19020  }
0x667: {  	v6 =	vld [tilespmem:s0+$0x20]  }
0x668: {  	s1 =	simm.s32 $0x2800;
	v7 =	vld [tilespmem:s0+$0xFFFFFFE0]  }
0x669: {  	v8 =	vld.idx.msk [tilespmem:v0+s1+$0x0], $0xffff  }
0x66a: {  	v2 =	vld.idx.msk [tilespmem:v1+s1+$0x0], $0xffff  }
0x66b: {  	v0 =	vld.idx.msk [tilespmem:v3+s1+$0x0], $0xffff  }
0x66c: {  	v1 =	vld.idx.msk [tilespmem:v4+s1+$0x0], $0xffff  }
0x66d: {  	v9 =	vld.idx.msk [tilespmem:v5+s1+$0x0], $0xffff  }
0x66e: {  	v5 =	vld [tilespmem:s0+$0x0]  }
0x66f: {  	v4 =	vld [tilespmem:s0+$0x10]  }
0x670: {  	s2 =	simm.s32 $0x5000;
	v3 =	vld [tilespmem:s0+$0xFFFFFFF0]  }
0x671: {  	[tilespmem:v6+s2+$0x0] =	vst.idx.add.s32.msk $0xffff, v8  }
0x672: {  	s3 =	simm.s32 $0x0;
	s4 =	simm.s32 $0x18070;
	[tilespmem:v7+s2+$0x0] =	vst.idx.add.s32.msk $0xffff, v9  }
.LBB2_53:
0x673: {  	v6 =	vld [tilespmem:s4+$0x20];
	s3 =	sadd.s32 $0x5, s3;
	v7 =	vmov v5  }
0x674: {  	v5 =	vld [tilespmem:s4+$0xFFFFFFF0];
	p0 =	slt.u32 s3, $0x78;
	v8 =	vmov v4  }
0x675: {  	v4 =	vld [tilespmem:s4+$0x0]  }
0x676: {  	v9 =	vld [tilespmem:s4+$0x10]  }
0x677: {  	v10 =	vld [tilespmem:s4+$0xFFFFFFE0]  }
0x678: {  	s0 =	sadd.s32 $0x50, s0;
	[tilespmem:v3+s2+$0x0] =	vst.idx.add.s32.msk $0xffff, v2  }
0x679: {  	v11 =	vld [tilespmem:s0+$0x20]  }
0x67a: {  	v12 =	vld [tilespmem:s0+$0xFFFFFFE0]  }
0x67b: {  	v6 =	vld.idx.msk [tilespmem:v6+s1+$0x0], $0xffff  }
0x67c: {  	v2 =	vld.idx.msk [tilespmem:v5+s1+$0x0], $0xffff  }
0x67d: {  	v13 =	vld.idx.msk [tilespmem:v4+s1+$0x0], $0xffff  }
0x67e: {  	v9 =	vld.idx.msk [tilespmem:v9+s1+$0x0], $0xffff  }
0x67f: {  	v10 =	vld.idx.msk [tilespmem:v10+s1+$0x0], $0xffff  }
0x680: {  	v3 =	vld [tilespmem:s0+$0xFFFFFFF0]  }
0x681: {  	[tilespmem:v11+s2+$0x0] =	vst.idx.add.s32.msk $0xffff, v6  }
.Ltmp26:
0x682: {  	v5 =	vld [tilespmem:s0+$0x0];
	(pc) =	sbr.rel @p0 .LBB2_53-.Ltmp26, $4  }
0x683: {  	v4 =	vld [tilespmem:s0+$0x10]  }
0x684: {  	[tilespmem:v7+s2+$0x0] =	vst.idx.add.s32.msk $0xffff, v0;
	v0 =	vmov v13  }
0x685: {  	[tilespmem:v12+s2+$0x0] =	vst.idx.add.s32.msk $0xffff, v10  }
0x686: {  	s4 =	sadd.s32 $0x50, s4;
	[tilespmem:v8+s2+$0x0] =	vst.idx.add.s32.msk $0xffff, v1;
	v1 =	vmov v9  }
0x687: {  	_ =	sdelay $0x3  }
0x688: {  	[tilespmem:v3+s2+$0x0] =	vst.idx.add.s32.msk $0xffff, v2  }
0x689: {  	[tilespmem:v5+s2+$0x0] =	vst.idx.add.s32.msk $0xffff, v0  }
0x68a: {  	[tilespmem:v4+s2+$0x0] =	vst.idx.add.s32.msk $0xffff, v1  }
0x68b: {  	s2 =	sld [smem:$0x7FB];
	_ =	sdelay $0x1  }
0x68c: {  	s0 =	simm.s32 $0x0;
	s1 =	simm.s32 $0x18000;
	s29 =	sld [smem:$0x7FC]  }
0x68d: {  	[tilespmem:s1], [sflag:$0x2] =	stream.linear.gather [hbm4b:s2+s0], $0x7D0, $0x200038;
	[tilespmem:$0x1ED00] =	vst v63  }
0x68e: {  	s28 =	simm.s32 $0x19000;
	s30 =	simm.s32 $0x1  }
0x68f: {  	[tilespmem:s28], [sflag:$0x2] =	stream.linear.gather [hbm4b:s29+s0], $0x7D0, $0x200038;
	[tilespmem:$0x1ED00] =	vst v63  }
0x690: {  	_ =	swait.ge [sflag:s30], $0x7D0  }
0x691: {  	[sflag:s30] =	ssyncset.done $0x0  }
0x692: {  	[sflag:s30] =	ssyncadd.s32 $0xFFFFF830  }
0x693: {  	_ =	swait.ge [sflag:s30], $0x7D0  }
0x694: {  	[sflag:s30] =	ssyncset.done $0x0  }
0x695: {  	s31 =	simm.s32 $0x17820;
	[sflag:s30] =	ssyncadd.s32 $0xFFFFF830  }
0x696: {  	v0 =	vld [tilespmem:s31+$0x20]  }
0x697: {  	v1 =	vld [tilespmem:s31+$0xFFFFFFF0]  }
0x698: {  	v3 =	vld [tilespmem:s31+$0x0]  }
0x699: {  	v4 =	vld [tilespmem:s31+$0x10]  }
0x69a: {  	v5 =	vld [tilespmem:s31+$0xFFFFFFE0]  }
0x69b: {  	s0 =	simm.s32 $0x18820  }
0x69c: {  	v6 =	vld [tilespmem:s0+$0x20]  }
0x69d: {  	s1 =	simm.s32 $0x2800;
	v7 =	vld [tilespmem:s0+$0xFFFFFFE0]  }
0x69e: {  	v8 =	vld.idx.msk [tilespmem:v0+s1+$0x0], $0xffff  }
0x69f: {  	v2 =	vld.idx.msk [tilespmem:v1+s1+$0x0], $0xffff  }
0x6a0: {  	v0 =	vld.idx.msk [tilespmem:v3+s1+$0x0], $0xffff  }
0x6a1: {  	v1 =	vld.idx.msk [tilespmem:v4+s1+$0x0], $0xffff  }
0x6a2: {  	v9 =	vld.idx.msk [tilespmem:v5+s1+$0x0], $0xffff  }
0x6a3: {  	v5 =	vld [tilespmem:s0+$0x0]  }
0x6a4: {  	v4 =	vld [tilespmem:s0+$0x10]  }
0x6a5: {  	s2 =	simm.s32 $0x5000;
	v3 =	vld [tilespmem:s0+$0xFFFFFFF0]  }
0x6a6: {  	[tilespmem:v6+s2+$0x0] =	vst.idx.add.s32.msk $0xffff, v8  }
0x6a7: {  	s3 =	simm.s32 $0x0;
	s4 =	simm.s32 $0x17870;
	[tilespmem:v7+s2+$0x0] =	vst.idx.add.s32.msk $0xffff, v9  }
.LBB2_55:
0x6a8: {  	v6 =	vld [tilespmem:s4+$0x20];
	s3 =	sadd.s32 $0x5, s3;
	v7 =	vmov v5  }
0x6a9: {  	v5 =	vld [tilespmem:s4+$0xFFFFFFF0];
	p0 =	slt.u32 s3, $0x78;
	v8 =	vmov v4  }
0x6aa: {  	v4 =	vld [tilespmem:s4+$0x0]  }
0x6ab: {  	v9 =	vld [tilespmem:s4+$0x10]  }
0x6ac: {  	v10 =	vld [tilespmem:s4+$0xFFFFFFE0]  }
0x6ad: {  	s0 =	sadd.s32 $0x50, s0;
	[tilespmem:v3+s2+$0x0] =	vst.idx.add.s32.msk $0xffff, v2  }
0x6ae: {  	v11 =	vld [tilespmem:s0+$0x20]  }
0x6af: {  	v12 =	vld [tilespmem:s0+$0xFFFFFFE0]  }
0x6b0: {  	v6 =	vld.idx.msk [tilespmem:v6+s1+$0x0], $0xffff  }
0x6b1: {  	v2 =	vld.idx.msk [tilespmem:v5+s1+$0x0], $0xffff  }
0x6b2: {  	v13 =	vld.idx.msk [tilespmem:v4+s1+$0x0], $0xffff  }
0x6b3: {  	v9 =	vld.idx.msk [tilespmem:v9+s1+$0x0], $0xffff  }
0x6b4: {  	v10 =	vld.idx.msk [tilespmem:v10+s1+$0x0], $0xffff  }
0x6b5: {  	v3 =	vld [tilespmem:s0+$0xFFFFFFF0]  }
0x6b6: {  	[tilespmem:v11+s2+$0x0] =	vst.idx.add.s32.msk $0xffff, v6  }
.Ltmp27:
0x6b7: {  	v5 =	vld [tilespmem:s0+$0x0];
	(pc) =	sbr.rel @p0 .LBB2_55-.Ltmp27, $4  }
0x6b8: {  	v4 =	vld [tilespmem:s0+$0x10]  }
0x6b9: {  	[tilespmem:v7+s2+$0x0] =	vst.idx.add.s32.msk $0xffff, v0;
	v0 =	vmov v13  }
0x6ba: {  	[tilespmem:v12+s2+$0x0] =	vst.idx.add.s32.msk $0xffff, v10  }
0x6bb: {  	s4 =	sadd.s32 $0x50, s4;
	[tilespmem:v8+s2+$0x0] =	vst.idx.add.s32.msk $0xffff, v1;
	v1 =	vmov v9  }
0x6bc: {  	_ =	sdelay $0x3  }
0x6bd: {  	[tilespmem:v3+s2+$0x0] =	vst.idx.add.s32.msk $0xffff, v2  }
0x6be: {  	[tilespmem:v5+s2+$0x0] =	vst.idx.add.s32.msk $0xffff, v0  }
0x6bf: {  	[tilespmem:v4+s2+$0x0] =	vst.idx.add.s32.msk $0xffff, v1  }
0x6c0: {  	s2 =	sld [smem:$0x7F9];
	_ =	sdelay $0x1  }
0x6c1: {  	s0 =	simm.s32 $0x0;
	s1 =	simm.s32 $0x17800;
	s29 =	sld [smem:$0x7FA]  }
0x6c2: {  	[tilespmem:s1], [sflag:$0x1] =	stream.linear.gather [hbm4b:s2+s0], $0x7D0, $0x200038;
	[tilespmem:$0x1ED00] =	vst v63  }
0x6c3: {  	s28 =	simm.s32 $0x18800;
	s30 =	simm.s32 $0x2  }
0x6c4: {  	[tilespmem:s28], [sflag:$0x1] =	stream.linear.gather [hbm4b:s29+s0], $0x7D0, $0x200038;
	[tilespmem:$0x1ED00] =	vst v63  }
0x6c5: {  	_ =	swait.ge [sflag:s30], $0x7D0  }
0x6c6: {  	[sflag:s30] =	ssyncset.done $0x0  }
0x6c7: {  	[sflag:s30] =	ssyncadd.s32 $0xFFFFF830  }
0x6c8: {  	_ =	swait.ge [sflag:s30], $0x7D0  }
0x6c9: {  	[sflag:s30] =	ssyncset.done $0x0  }
0x6ca: {  	s31 =	simm.s32 $0x18020;
	[sflag:s30] =	ssyncadd.s32 $0xFFFFF830  }
0x6cb: {  	v0 =	vld [tilespmem:s31+$0x20]  }
0x6cc: {  	v1 =	vld [tilespmem:s31+$0xFFFFFFF0]  }
0x6cd: {  	v3 =	vld [tilespmem:s31+$0x0]  }
0x6ce: {  	v4 =	vld [tilespmem:s31+$0x10]  }
0x6cf: {  	v5 =	vld [tilespmem:s31+$0xFFFFFFE0]  }
0x6d0: {  	s0 =	simm.s32 $0x19020  }
0x6d1: {  	v6 =	vld [tilespmem:s0+$0x20]  }
0x6d2: {  	s1 =	simm.s32 $0x2800;
	v7 =	vld [tilespmem:s0+$0xFFFFFFE0]  }
0x6d3: {  	v8 =	vld.idx.msk [tilespmem:v0+s1+$0x0], $0xffff  }
0x6d4: {  	v2 =	vld.idx.msk [tilespmem:v1+s1+$0x0], $0xffff  }
0x6d5: {  	v0 =	vld.idx.msk [tilespmem:v3+s1+$0x0], $0xffff  }
0x6d6: {  	v1 =	vld.idx.msk [tilespmem:v4+s1+$0x0], $0xffff  }
0x6d7: {  	v9 =	vld.idx.msk [tilespmem:v5+s1+$0x0], $0xffff  }
0x6d8: {  	v5 =	vld [tilespmem:s0+$0x0]  }
0x6d9: {  	v4 =	vld [tilespmem:s0+$0x10]  }
0x6da: {  	s2 =	simm.s32 $0x5000;
	v3 =	vld [tilespmem:s0+$0xFFFFFFF0]  }
0x6db: {  	[tilespmem:v6+s2+$0x0] =	vst.idx.add.s32.msk $0xffff, v8  }
0x6dc: {  	s3 =	simm.s32 $0x0;
	s4 =	simm.s32 $0x18070;
	[tilespmem:v7+s2+$0x0] =	vst.idx.add.s32.msk $0xffff, v9  }
.LBB2_57:
0x6dd: {  	v6 =	vld [tilespmem:s4+$0x20];
	s3 =	sadd.s32 $0x5, s3;
	v7 =	vmov v5  }
0x6de: {  	v5 =	vld [tilespmem:s4+$0xFFFFFFF0];
	p0 =	slt.u32 s3, $0x78;
	v8 =	vmov v4  }
0x6df: {  	v4 =	vld [tilespmem:s4+$0x0]  }
0x6e0: {  	v9 =	vld [tilespmem:s4+$0x10]  }
0x6e1: {  	v10 =	vld [tilespmem:s4+$0xFFFFFFE0]  }
0x6e2: {  	s0 =	sadd.s32 $0x50, s0;
	[tilespmem:v3+s2+$0x0] =	vst.idx.add.s32.msk $0xffff, v2  }
0x6e3: {  	v11 =	vld [tilespmem:s0+$0x20]  }
0x6e4: {  	v12 =	vld [tilespmem:s0+$0xFFFFFFE0]  }
0x6e5: {  	v6 =	vld.idx.msk [tilespmem:v6+s1+$0x0], $0xffff  }
0x6e6: {  	v2 =	vld.idx.msk [tilespmem:v5+s1+$0x0], $0xffff  }
0x6e7: {  	v13 =	vld.idx.msk [tilespmem:v4+s1+$0x0], $0xffff  }
0x6e8: {  	v9 =	vld.idx.msk [tilespmem:v9+s1+$0x0], $0xffff  }
0x6e9: {  	v10 =	vld.idx.msk [tilespmem:v10+s1+$0x0], $0xffff  }
0x6ea: {  	v3 =	vld [tilespmem:s0+$0xFFFFFFF0]  }
0x6eb: {  	[tilespmem:v11+s2+$0x0] =	vst.idx.add.s32.msk $0xffff, v6  }
.Ltmp28:
0x6ec: {  	v5 =	vld [tilespmem:s0+$0x0];
	(pc) =	sbr.rel @p0 .LBB2_57-.Ltmp28, $4  }
0x6ed: {  	v4 =	vld [tilespmem:s0+$0x10]  }
0x6ee: {  	[tilespmem:v7+s2+$0x0] =	vst.idx.add.s32.msk $0xffff, v0;
	v0 =	vmov v13  }
0x6ef: {  	[tilespmem:v12+s2+$0x0] =	vst.idx.add.s32.msk $0xffff, v10  }
0x6f0: {  	s4 =	sadd.s32 $0x50, s4;
	[tilespmem:v8+s2+$0x0] =	vst.idx.add.s32.msk $0xffff, v1;
	v1 =	vmov v9  }
0x6f1: {  	_ =	sdelay $0x3  }
0x6f2: {  	[tilespmem:v3+s2+$0x0] =	vst.idx.add.s32.msk $0xffff, v2  }
0x6f3: {  	[tilespmem:v5+s2+$0x0] =	vst.idx.add.s32.msk $0xffff, v0  }
0x6f4: {  	[tilespmem:v4+s2+$0x0] =	vst.idx.add.s32.msk $0xffff, v1  }
0x6f5: {  	s2 =	sld [smem:$0x7F7];
	_ =	sdelay $0x1  }
0x6f6: {  	s0 =	simm.s32 $0x0;
	s1 =	simm.s32 $0x18000;
	s29 =	sld [smem:$0x7F8]  }
0x6f7: {  	[tilespmem:s1], [sflag:$0x2] =	stream.linear.gather [hbm4b:s2+s0], $0x7D0, $0x200038;
	[tilespmem:$0x1ED00] =	vst v63  }
0x6f8: {  	s28 =	simm.s32 $0x19000;
	s30 =	simm.s32 $0x1  }
0x6f9: {  	[tilespmem:s28], [sflag:$0x2] =	stream.linear.gather [hbm4b:s29+s0], $0x7D0, $0x200038;
	[tilespmem:$0x1ED00] =	vst v63  }
0x6fa: {  	_ =	swait.ge [sflag:s30], $0x7D0  }
0x6fb: {  	[sflag:s30] =	ssyncset.done $0x0  }
0x6fc: {  	[sflag:s30] =	ssyncadd.s32 $0xFFFFF830  }
0x6fd: {  	_ =	swait.ge [sflag:s30], $0x7D0  }
0x6fe: {  	[sflag:s30] =	ssyncset.done $0x0  }
0x6ff: {  	s31 =	simm.s32 $0x17820;
	[sflag:s30] =	ssyncadd.s32 $0xFFFFF830  }
0x700: {  	v0 =	vld [tilespmem:s31+$0x20]  }
0x701: {  	v1 =	vld [tilespmem:s31+$0xFFFFFFF0]  }
0x702: {  	v3 =	vld [tilespmem:s31+$0x0]  }
0x703: {  	v4 =	vld [tilespmem:s31+$0x10]  }
0x704: {  	v5 =	vld [tilespmem:s31+$0xFFFFFFE0]  }
0x705: {  	s0 =	simm.s32 $0x18820  }
0x706: {  	v6 =	vld [tilespmem:s0+$0x20]  }
0x707: {  	s1 =	simm.s32 $0x2800;
	v7 =	vld [tilespmem:s0+$0xFFFFFFE0]  }
0x708: {  	v8 =	vld.idx.msk [tilespmem:v0+s1+$0x0], $0xffff  }
0x709: {  	v2 =	vld.idx.msk [tilespmem:v1+s1+$0x0], $0xffff  }
0x70a: {  	v0 =	vld.idx.msk [tilespmem:v3+s1+$0x0], $0xffff  }
0x70b: {  	v1 =	vld.idx.msk [tilespmem:v4+s1+$0x0], $0xffff  }
0x70c: {  	v9 =	vld.idx.msk [tilespmem:v5+s1+$0x0], $0xffff  }
0x70d: {  	v5 =	vld [tilespmem:s0+$0x0]  }
0x70e: {  	v4 =	vld [tilespmem:s0+$0x10]  }
0x70f: {  	s2 =	simm.s32 $0x5000;
	v3 =	vld [tilespmem:s0+$0xFFFFFFF0]  }
0x710: {  	[tilespmem:v6+s2+$0x0] =	vst.idx.add.s32.msk $0xffff, v8  }
0x711: {  	s3 =	simm.s32 $0x0;
	s4 =	simm.s32 $0x17870;
	[tilespmem:v7+s2+$0x0] =	vst.idx.add.s32.msk $0xffff, v9  }
.LBB2_59:
0x712: {  	v6 =	vld [tilespmem:s4+$0x20];
	s3 =	sadd.s32 $0x5, s3;
	v7 =	vmov v5  }
0x713: {  	v5 =	vld [tilespmem:s4+$0xFFFFFFF0];
	p0 =	slt.u32 s3, $0x78;
	v8 =	vmov v4  }
0x714: {  	v4 =	vld [tilespmem:s4+$0x0]  }
0x715: {  	v9 =	vld [tilespmem:s4+$0x10]  }
0x716: {  	v10 =	vld [tilespmem:s4+$0xFFFFFFE0]  }
0x717: {  	s0 =	sadd.s32 $0x50, s0;
	[tilespmem:v3+s2+$0x0] =	vst.idx.add.s32.msk $0xffff, v2  }
0x718: {  	v11 =	vld [tilespmem:s0+$0x20]  }
0x719: {  	v12 =	vld [tilespmem:s0+$0xFFFFFFE0]  }
0x71a: {  	v6 =	vld.idx.msk [tilespmem:v6+s1+$0x0], $0xffff  }
0x71b: {  	v2 =	vld.idx.msk [tilespmem:v5+s1+$0x0], $0xffff  }
0x71c: {  	v13 =	vld.idx.msk [tilespmem:v4+s1+$0x0], $0xffff  }
0x71d: {  	v9 =	vld.idx.msk [tilespmem:v9+s1+$0x0], $0xffff  }
0x71e: {  	v10 =	vld.idx.msk [tilespmem:v10+s1+$0x0], $0xffff  }
0x71f: {  	v3 =	vld [tilespmem:s0+$0xFFFFFFF0]  }
0x720: {  	[tilespmem:v11+s2+$0x0] =	vst.idx.add.s32.msk $0xffff, v6  }
.Ltmp29:
0x721: {  	v5 =	vld [tilespmem:s0+$0x0];
	(pc) =	sbr.rel @p0 .LBB2_59-.Ltmp29, $4  }
0x722: {  	v4 =	vld [tilespmem:s0+$0x10]  }
0x723: {  	[tilespmem:v7+s2+$0x0] =	vst.idx.add.s32.msk $0xffff, v0;
	v0 =	vmov v13  }
0x724: {  	[tilespmem:v12+s2+$0x0] =	vst.idx.add.s32.msk $0xffff, v10  }
0x725: {  	s4 =	sadd.s32 $0x50, s4;
	[tilespmem:v8+s2+$0x0] =	vst.idx.add.s32.msk $0xffff, v1;
	v1 =	vmov v9  }
0x726: {  	_ =	sdelay $0x3  }
0x727: {  	[tilespmem:v3+s2+$0x0] =	vst.idx.add.s32.msk $0xffff, v2  }
0x728: {  	[tilespmem:v5+s2+$0x0] =	vst.idx.add.s32.msk $0xffff, v0  }
0x729: {  	[tilespmem:v4+s2+$0x0] =	vst.idx.add.s32.msk $0xffff, v1  }
0x72a: {  	s2 =	sld [smem:$0x7F5];
	_ =	sdelay $0x1  }
0x72b: {  	s0 =	simm.s32 $0x0;
	s1 =	simm.s32 $0x17800;
	s29 =	sld [smem:$0x7F6]  }
0x72c: {  	[tilespmem:s1], [sflag:$0x1] =	stream.linear.gather [hbm4b:s2+s0], $0x7D0, $0x200038;
	[tilespmem:$0x1ED00] =	vst v63  }
0x72d: {  	s28 =	simm.s32 $0x18800;
	s30 =	simm.s32 $0x2  }
0x72e: {  	[tilespmem:s28], [sflag:$0x1] =	stream.linear.gather [hbm4b:s29+s0], $0x7D0, $0x200038;
	[tilespmem:$0x1ED00] =	vst v63  }
0x72f: {  	_ =	swait.ge [sflag:s30], $0x7D0  }
0x730: {  	[sflag:s30] =	ssyncset.done $0x0  }
0x731: {  	[sflag:s30] =	ssyncadd.s32 $0xFFFFF830  }
0x732: {  	_ =	swait.ge [sflag:s30], $0x7D0  }
0x733: {  	[sflag:s30] =	ssyncset.done $0x0  }
0x734: {  	s31 =	simm.s32 $0x18020;
	[sflag:s30] =	ssyncadd.s32 $0xFFFFF830  }
0x735: {  	v0 =	vld [tilespmem:s31+$0x20]  }
0x736: {  	v1 =	vld [tilespmem:s31+$0xFFFFFFF0]  }
0x737: {  	v3 =	vld [tilespmem:s31+$0x0]  }
0x738: {  	v4 =	vld [tilespmem:s31+$0x10]  }
0x739: {  	v5 =	vld [tilespmem:s31+$0xFFFFFFE0]  }
0x73a: {  	s0 =	simm.s32 $0x19020  }
0x73b: {  	v6 =	vld [tilespmem:s0+$0x20]  }
0x73c: {  	s1 =	simm.s32 $0x2800;
	v7 =	vld [tilespmem:s0+$0xFFFFFFE0]  }
0x73d: {  	v8 =	vld.idx.msk [tilespmem:v0+s1+$0x0], $0xffff  }
0x73e: {  	v2 =	vld.idx.msk [tilespmem:v1+s1+$0x0], $0xffff  }
0x73f: {  	v0 =	vld.idx.msk [tilespmem:v3+s1+$0x0], $0xffff  }
0x740: {  	v1 =	vld.idx.msk [tilespmem:v4+s1+$0x0], $0xffff  }
0x741: {  	v9 =	vld.idx.msk [tilespmem:v5+s1+$0x0], $0xffff  }
0x742: {  	v5 =	vld [tilespmem:s0+$0x0]  }
0x743: {  	v4 =	vld [tilespmem:s0+$0x10]  }
0x744: {  	s2 =	simm.s32 $0x5000;
	v3 =	vld [tilespmem:s0+$0xFFFFFFF0]  }
0x745: {  	[tilespmem:v6+s2+$0x0] =	vst.idx.add.s32.msk $0xffff, v8  }
0x746: {  	s3 =	simm.s32 $0x0;
	s4 =	simm.s32 $0x18070;
	[tilespmem:v7+s2+$0x0] =	vst.idx.add.s32.msk $0xffff, v9  }
.LBB2_61:
0x747: {  	v6 =	vld [tilespmem:s4+$0x20];
	s3 =	sadd.s32 $0x5, s3;
	v7 =	vmov v5  }
0x748: {  	v5 =	vld [tilespmem:s4+$0xFFFFFFF0];
	p0 =	slt.u32 s3, $0x78;
	v8 =	vmov v4  }
0x749: {  	v4 =	vld [tilespmem:s4+$0x0]  }
0x74a: {  	v9 =	vld [tilespmem:s4+$0x10]  }
0x74b: {  	v10 =	vld [tilespmem:s4+$0xFFFFFFE0]  }
0x74c: {  	s0 =	sadd.s32 $0x50, s0;
	[tilespmem:v3+s2+$0x0] =	vst.idx.add.s32.msk $0xffff, v2  }
0x74d: {  	v11 =	vld [tilespmem:s0+$0x20]  }
0x74e: {  	v12 =	vld [tilespmem:s0+$0xFFFFFFE0]  }
0x74f: {  	v6 =	vld.idx.msk [tilespmem:v6+s1+$0x0], $0xffff  }
0x750: {  	v2 =	vld.idx.msk [tilespmem:v5+s1+$0x0], $0xffff  }
0x751: {  	v13 =	vld.idx.msk [tilespmem:v4+s1+$0x0], $0xffff  }
0x752: {  	v9 =	vld.idx.msk [tilespmem:v9+s1+$0x0], $0xffff  }
0x753: {  	v10 =	vld.idx.msk [tilespmem:v10+s1+$0x0], $0xffff  }
0x754: {  	v3 =	vld [tilespmem:s0+$0xFFFFFFF0]  }
0x755: {  	[tilespmem:v11+s2+$0x0] =	vst.idx.add.s32.msk $0xffff, v6  }
.Ltmp30:
0x756: {  	v5 =	vld [tilespmem:s0+$0x0];
	(pc) =	sbr.rel @p0 .LBB2_61-.Ltmp30, $4  }
0x757: {  	v4 =	vld [tilespmem:s0+$0x10]  }
0x758: {  	[tilespmem:v7+s2+$0x0] =	vst.idx.add.s32.msk $0xffff, v0;
	v0 =	vmov v13  }
0x759: {  	[tilespmem:v12+s2+$0x0] =	vst.idx.add.s32.msk $0xffff, v10  }
0x75a: {  	s4 =	sadd.s32 $0x50, s4;
	[tilespmem:v8+s2+$0x0] =	vst.idx.add.s32.msk $0xffff, v1;
	v1 =	vmov v9  }
0x75b: {  	_ =	sdelay $0x3  }
0x75c: {  	[tilespmem:v3+s2+$0x0] =	vst.idx.add.s32.msk $0xffff, v2  }
0x75d: {  	[tilespmem:v5+s2+$0x0] =	vst.idx.add.s32.msk $0xffff, v0  }
0x75e: {  	[tilespmem:v4+s2+$0x0] =	vst.idx.add.s32.msk $0xffff, v1  }
0x75f: {  	s2 =	sld [smem:$0x7F3];
	_ =	sdelay $0x1  }
0x760: {  	s0 =	simm.s32 $0x0;
	s1 =	simm.s32 $0x18000;
	s29 =	sld [smem:$0x7F4]  }
0x761: {  	[tilespmem:s1], [sflag:$0x2] =	stream.linear.gather [hbm4b:s2+s0], $0x7D0, $0x200038;
	[tilespmem:$0x1ED00] =	vst v63  }
0x762: {  	s28 =	simm.s32 $0x19000;
	s30 =	simm.s32 $0x1  }
0x763: {  	[tilespmem:s28], [sflag:$0x2] =	stream.linear.gather [hbm4b:s29+s0], $0x7D0, $0x200038;
	[tilespmem:$0x1ED00] =	vst v63  }
0x764: {  	_ =	swait.ge [sflag:s30], $0x7D0  }
0x765: {  	[sflag:s30] =	ssyncset.done $0x0  }
0x766: {  	[sflag:s30] =	ssyncadd.s32 $0xFFFFF830  }
0x767: {  	_ =	swait.ge [sflag:s30], $0x7D0  }
0x768: {  	[sflag:s30] =	ssyncset.done $0x0  }
0x769: {  	s31 =	simm.s32 $0x17820;
	[sflag:s30] =	ssyncadd.s32 $0xFFFFF830  }
0x76a: {  	v0 =	vld [tilespmem:s31+$0x20]  }
0x76b: {  	v1 =	vld [tilespmem:s31+$0xFFFFFFF0]  }
0x76c: {  	v3 =	vld [tilespmem:s31+$0x0]  }
0x76d: {  	v4 =	vld [tilespmem:s31+$0x10]  }
0x76e: {  	v5 =	vld [tilespmem:s31+$0xFFFFFFE0]  }
0x76f: {  	s0 =	simm.s32 $0x18820  }
0x770: {  	v6 =	vld [tilespmem:s0+$0x20]  }
0x771: {  	s1 =	simm.s32 $0x2800;
	v7 =	vld [tilespmem:s0+$0xFFFFFFE0]  }
0x772: {  	v8 =	vld.idx.msk [tilespmem:v0+s1+$0x0], $0xffff  }
0x773: {  	v2 =	vld.idx.msk [tilespmem:v1+s1+$0x0], $0xffff  }
0x774: {  	v0 =	vld.idx.msk [tilespmem:v3+s1+$0x0], $0xffff  }
0x775: {  	v1 =	vld.idx.msk [tilespmem:v4+s1+$0x0], $0xffff  }
0x776: {  	v9 =	vld.idx.msk [tilespmem:v5+s1+$0x0], $0xffff  }
0x777: {  	v5 =	vld [tilespmem:s0+$0x0]  }
0x778: {  	v4 =	vld [tilespmem:s0+$0x10]  }
0x779: {  	s2 =	simm.s32 $0x5000;
	v3 =	vld [tilespmem:s0+$0xFFFFFFF0]  }
0x77a: {  	[tilespmem:v6+s2+$0x0] =	vst.idx.add.s32.msk $0xffff, v8  }
0x77b: {  	s3 =	simm.s32 $0x0;
	s4 =	simm.s32 $0x17870;
	[tilespmem:v7+s2+$0x0] =	vst.idx.add.s32.msk $0xffff, v9  }
.LBB2_63:
0x77c: {  	v6 =	vld [tilespmem:s4+$0x20];
	s3 =	sadd.s32 $0x5, s3;
	v7 =	vmov v5  }
0x77d: {  	v5 =	vld [tilespmem:s4+$0xFFFFFFF0];
	p0 =	slt.u32 s3, $0x78;
	v8 =	vmov v4  }
0x77e: {  	v4 =	vld [tilespmem:s4+$0x0]  }
0x77f: {  	v9 =	vld [tilespmem:s4+$0x10]  }
0x780: {  	v10 =	vld [tilespmem:s4+$0xFFFFFFE0]  }
0x781: {  	s0 =	sadd.s32 $0x50, s0;
	[tilespmem:v3+s2+$0x0] =	vst.idx.add.s32.msk $0xffff, v2  }
0x782: {  	v11 =	vld [tilespmem:s0+$0x20]  }
0x783: {  	v12 =	vld [tilespmem:s0+$0xFFFFFFE0]  }
0x784: {  	v6 =	vld.idx.msk [tilespmem:v6+s1+$0x0], $0xffff  }
0x785: {  	v2 =	vld.idx.msk [tilespmem:v5+s1+$0x0], $0xffff  }
0x786: {  	v13 =	vld.idx.msk [tilespmem:v4+s1+$0x0], $0xffff  }
0x787: {  	v9 =	vld.idx.msk [tilespmem:v9+s1+$0x0], $0xffff  }
0x788: {  	v10 =	vld.idx.msk [tilespmem:v10+s1+$0x0], $0xffff  }
0x789: {  	v3 =	vld [tilespmem:s0+$0xFFFFFFF0]  }
0x78a: {  	[tilespmem:v11+s2+$0x0] =	vst.idx.add.s32.msk $0xffff, v6  }
.Ltmp31:
0x78b: {  	v5 =	vld [tilespmem:s0+$0x0];
	(pc) =	sbr.rel @p0 .LBB2_63-.Ltmp31, $4  }
0x78c: {  	v4 =	vld [tilespmem:s0+$0x10]  }
0x78d: {  	[tilespmem:v7+s2+$0x0] =	vst.idx.add.s32.msk $0xffff, v0;
	v0 =	vmov v13  }
0x78e: {  	[tilespmem:v12+s2+$0x0] =	vst.idx.add.s32.msk $0xffff, v10  }
0x78f: {  	s4 =	sadd.s32 $0x50, s4;
	[tilespmem:v8+s2+$0x0] =	vst.idx.add.s32.msk $0xffff, v1;
	v1 =	vmov v9  }
0x790: {  	_ =	sdelay $0x3  }
0x791: {  	[tilespmem:v3+s2+$0x0] =	vst.idx.add.s32.msk $0xffff, v2  }
0x792: {  	[tilespmem:v5+s2+$0x0] =	vst.idx.add.s32.msk $0xffff, v0  }
0x793: {  	[tilespmem:v4+s2+$0x0] =	vst.idx.add.s32.msk $0xffff, v1  }
0x794: {  	s2 =	sld [smem:$0x7F1];
	_ =	sdelay $0x1  }
0x795: {  	s0 =	simm.s32 $0x0;
	s1 =	simm.s32 $0x17800;
	s29 =	sld [smem:$0x7F2]  }
0x796: {  	[tilespmem:s1], [sflag:$0x1] =	stream.linear.gather [hbm4b:s2+s0], $0x7D0, $0x200038;
	[tilespmem:$0x1ED00] =	vst v63  }
0x797: {  	s28 =	simm.s32 $0x18800;
	s30 =	simm.s32 $0x2  }
0x798: {  	[tilespmem:s28], [sflag:$0x1] =	stream.linear.gather [hbm4b:s29+s0], $0x7D0, $0x200038;
	[tilespmem:$0x1ED00] =	vst v63  }
0x799: {  	_ =	swait.ge [sflag:s30], $0x7D0  }
0x79a: {  	[sflag:s30] =	ssyncset.done $0x0  }
0x79b: {  	[sflag:s30] =	ssyncadd.s32 $0xFFFFF830  }
0x79c: {  	_ =	swait.ge [sflag:s30], $0x7D0  }
0x79d: {  	[sflag:s30] =	ssyncset.done $0x0  }
0x79e: {  	s31 =	simm.s32 $0x18020;
	[sflag:s30] =	ssyncadd.s32 $0xFFFFF830  }
0x79f: {  	v0 =	vld [tilespmem:s31+$0x20]  }
0x7a0: {  	v1 =	vld [tilespmem:s31+$0xFFFFFFF0]  }
0x7a1: {  	v3 =	vld [tilespmem:s31+$0x0]  }
0x7a2: {  	v4 =	vld [tilespmem:s31+$0x10]  }
0x7a3: {  	v5 =	vld [tilespmem:s31+$0xFFFFFFE0]  }
0x7a4: {  	s0 =	simm.s32 $0x19020  }
0x7a5: {  	v6 =	vld [tilespmem:s0+$0x20]  }
0x7a6: {  	s1 =	simm.s32 $0x2800;
	v7 =	vld [tilespmem:s0+$0xFFFFFFE0]  }
0x7a7: {  	v8 =	vld.idx.msk [tilespmem:v0+s1+$0x0], $0xffff  }
0x7a8: {  	v2 =	vld.idx.msk [tilespmem:v1+s1+$0x0], $0xffff  }
0x7a9: {  	v0 =	vld.idx.msk [tilespmem:v3+s1+$0x0], $0xffff  }
0x7aa: {  	v1 =	vld.idx.msk [tilespmem:v4+s1+$0x0], $0xffff  }
0x7ab: {  	v9 =	vld.idx.msk [tilespmem:v5+s1+$0x0], $0xffff  }
0x7ac: {  	v5 =	vld [tilespmem:s0+$0x0]  }
0x7ad: {  	v4 =	vld [tilespmem:s0+$0x10]  }
0x7ae: {  	s2 =	simm.s32 $0x5000;
	v3 =	vld [tilespmem:s0+$0xFFFFFFF0]  }
0x7af: {  	[tilespmem:v6+s2+$0x0] =	vst.idx.add.s32.msk $0xffff, v8  }
0x7b0: {  	s3 =	simm.s32 $0x0;
	s4 =	simm.s32 $0x18070;
	[tilespmem:v7+s2+$0x0] =	vst.idx.add.s32.msk $0xffff, v9  }
.LBB2_65:
0x7b1: {  	v6 =	vld [tilespmem:s4+$0x20];
	s3 =	sadd.s32 $0x5, s3;
	v7 =	vmov v5  }
0x7b2: {  	v5 =	vld [tilespmem:s4+$0xFFFFFFF0];
	p0 =	slt.u32 s3, $0x78;
	v8 =	vmov v4  }
0x7b3: {  	v4 =	vld [tilespmem:s4+$0x0]  }
0x7b4: {  	v9 =	vld [tilespmem:s4+$0x10]  }
0x7b5: {  	v10 =	vld [tilespmem:s4+$0xFFFFFFE0]  }
0x7b6: {  	s0 =	sadd.s32 $0x50, s0;
	[tilespmem:v3+s2+$0x0] =	vst.idx.add.s32.msk $0xffff, v2  }
0x7b7: {  	v11 =	vld [tilespmem:s0+$0x20]  }
0x7b8: {  	v12 =	vld [tilespmem:s0+$0xFFFFFFE0]  }
0x7b9: {  	v6 =	vld.idx.msk [tilespmem:v6+s1+$0x0], $0xffff  }
0x7ba: {  	v2 =	vld.idx.msk [tilespmem:v5+s1+$0x0], $0xffff  }
0x7bb: {  	v13 =	vld.idx.msk [tilespmem:v4+s1+$0x0], $0xffff  }
0x7bc: {  	v9 =	vld.idx.msk [tilespmem:v9+s1+$0x0], $0xffff  }
0x7bd: {  	v10 =	vld.idx.msk [tilespmem:v10+s1+$0x0], $0xffff  }
0x7be: {  	v3 =	vld [tilespmem:s0+$0xFFFFFFF0]  }
0x7bf: {  	[tilespmem:v11+s2+$0x0] =	vst.idx.add.s32.msk $0xffff, v6  }
.Ltmp32:
0x7c0: {  	v5 =	vld [tilespmem:s0+$0x0];
	(pc) =	sbr.rel @p0 .LBB2_65-.Ltmp32, $4  }
0x7c1: {  	v4 =	vld [tilespmem:s0+$0x10]  }
0x7c2: {  	[tilespmem:v7+s2+$0x0] =	vst.idx.add.s32.msk $0xffff, v0;
	v0 =	vmov v13  }
0x7c3: {  	[tilespmem:v12+s2+$0x0] =	vst.idx.add.s32.msk $0xffff, v10  }
0x7c4: {  	s4 =	sadd.s32 $0x50, s4;
	[tilespmem:v8+s2+$0x0] =	vst.idx.add.s32.msk $0xffff, v1;
	v1 =	vmov v9  }
0x7c5: {  	_ =	sdelay $0x3  }
0x7c6: {  	[tilespmem:v3+s2+$0x0] =	vst.idx.add.s32.msk $0xffff, v2  }
0x7c7: {  	[tilespmem:v5+s2+$0x0] =	vst.idx.add.s32.msk $0xffff, v0  }
0x7c8: {  	[tilespmem:v4+s2+$0x0] =	vst.idx.add.s32.msk $0xffff, v1  }
0x7c9: {  	s2 =	sld [smem:$0x7EF];
	_ =	sdelay $0x1  }
0x7ca: {  	s0 =	simm.s32 $0x0;
	s1 =	simm.s32 $0x18000;
	s29 =	sld [smem:$0x7F0]  }
0x7cb: {  	[tilespmem:s1], [sflag:$0x2] =	stream.linear.gather [hbm4b:s2+s0], $0x7D0, $0x200038;
	[tilespmem:$0x1ED00] =	vst v63  }
0x7cc: {  	s28 =	simm.s32 $0x19000;
	s30 =	simm.s32 $0x1  }
0x7cd: {  	[tilespmem:s28], [sflag:$0x2] =	stream.linear.gather [hbm4b:s29+s0], $0x7D0, $0x200038;
	[tilespmem:$0x1ED00] =	vst v63  }
0x7ce: {  	_ =	swait.ge [sflag:s30], $0x7D0  }
0x7cf: {  	[sflag:s30] =	ssyncset.done $0x0  }
0x7d0: {  	[sflag:s30] =	ssyncadd.s32 $0xFFFFF830  }
0x7d1: {  	_ =	swait.ge [sflag:s30], $0x7D0  }
0x7d2: {  	[sflag:s30] =	ssyncset.done $0x0  }
0x7d3: {  	s31 =	simm.s32 $0x17820;
	[sflag:s30] =	ssyncadd.s32 $0xFFFFF830  }
0x7d4: {  	v0 =	vld [tilespmem:s31+$0x20]  }
0x7d5: {  	v1 =	vld [tilespmem:s31+$0xFFFFFFF0]  }
0x7d6: {  	v3 =	vld [tilespmem:s31+$0x0]  }
0x7d7: {  	v4 =	vld [tilespmem:s31+$0x10]  }
0x7d8: {  	v5 =	vld [tilespmem:s31+$0xFFFFFFE0]  }
0x7d9: {  	s0 =	simm.s32 $0x18820  }
0x7da: {  	v6 =	vld [tilespmem:s0+$0x20]  }
0x7db: {  	s1 =	simm.s32 $0x2800;
	v7 =	vld [tilespmem:s0+$0xFFFFFFE0]  }
0x7dc: {  	v8 =	vld.idx.msk [tilespmem:v0+s1+$0x0], $0xffff  }
0x7dd: {  	v2 =	vld.idx.msk [tilespmem:v1+s1+$0x0], $0xffff  }
0x7de: {  	v0 =	vld.idx.msk [tilespmem:v3+s1+$0x0], $0xffff  }
0x7df: {  	v1 =	vld.idx.msk [tilespmem:v4+s1+$0x0], $0xffff  }
0x7e0: {  	v9 =	vld.idx.msk [tilespmem:v5+s1+$0x0], $0xffff  }
0x7e1: {  	v5 =	vld [tilespmem:s0+$0x0]  }
0x7e2: {  	v4 =	vld [tilespmem:s0+$0x10]  }
0x7e3: {  	s2 =	simm.s32 $0x5000;
	v3 =	vld [tilespmem:s0+$0xFFFFFFF0]  }
0x7e4: {  	[tilespmem:v6+s2+$0x0] =	vst.idx.add.s32.msk $0xffff, v8  }
0x7e5: {  	s3 =	simm.s32 $0x0;
	s4 =	simm.s32 $0x17870;
	[tilespmem:v7+s2+$0x0] =	vst.idx.add.s32.msk $0xffff, v9  }
.LBB2_67:
0x7e6: {  	v6 =	vld [tilespmem:s4+$0x20];
	s3 =	sadd.s32 $0x5, s3;
	v7 =	vmov v5  }
0x7e7: {  	v5 =	vld [tilespmem:s4+$0xFFFFFFF0];
	p0 =	slt.u32 s3, $0x78;
	v8 =	vmov v4  }
0x7e8: {  	v4 =	vld [tilespmem:s4+$0x0]  }
0x7e9: {  	v9 =	vld [tilespmem:s4+$0x10]  }
0x7ea: {  	v10 =	vld [tilespmem:s4+$0xFFFFFFE0]  }
0x7eb: {  	s0 =	sadd.s32 $0x50, s0;
	[tilespmem:v3+s2+$0x0] =	vst.idx.add.s32.msk $0xffff, v2  }
0x7ec: {  	v11 =	vld [tilespmem:s0+$0x20]  }
0x7ed: {  	v12 =	vld [tilespmem:s0+$0xFFFFFFE0]  }
0x7ee: {  	v6 =	vld.idx.msk [tilespmem:v6+s1+$0x0], $0xffff  }
0x7ef: {  	v2 =	vld.idx.msk [tilespmem:v5+s1+$0x0], $0xffff  }
0x7f0: {  	v13 =	vld.idx.msk [tilespmem:v4+s1+$0x0], $0xffff  }
0x7f1: {  	v9 =	vld.idx.msk [tilespmem:v9+s1+$0x0], $0xffff  }
0x7f2: {  	v10 =	vld.idx.msk [tilespmem:v10+s1+$0x0], $0xffff  }
0x7f3: {  	v3 =	vld [tilespmem:s0+$0xFFFFFFF0]  }
0x7f4: {  	[tilespmem:v11+s2+$0x0] =	vst.idx.add.s32.msk $0xffff, v6  }
.Ltmp33:
0x7f5: {  	v5 =	vld [tilespmem:s0+$0x0];
	(pc) =	sbr.rel @p0 .LBB2_67-.Ltmp33, $4  }
0x7f6: {  	v4 =	vld [tilespmem:s0+$0x10]  }
0x7f7: {  	[tilespmem:v7+s2+$0x0] =	vst.idx.add.s32.msk $0xffff, v0;
	v0 =	vmov v13  }
0x7f8: {  	[tilespmem:v12+s2+$0x0] =	vst.idx.add.s32.msk $0xffff, v10  }
0x7f9: {  	s4 =	sadd.s32 $0x50, s4;
	[tilespmem:v8+s2+$0x0] =	vst.idx.add.s32.msk $0xffff, v1;
	v1 =	vmov v9  }
0x7fa: {  	_ =	sdelay $0x3  }
0x7fb: {  	[tilespmem:v3+s2+$0x0] =	vst.idx.add.s32.msk $0xffff, v2  }
0x7fc: {  	[tilespmem:v5+s2+$0x0] =	vst.idx.add.s32.msk $0xffff, v0  }
0x7fd: {  	s0 =	simm.s32 $0x2;
	[tilespmem:v4+s2+$0x0] =	vst.idx.add.s32.msk $0xffff, v1  }
0x7fe: {  	_ =	swait.ge [sflag:s0], $0x7D0  }
0x7ff: {  	[sflag:s0] =	ssyncset.done $0x0  }
0x800: {  	[sflag:s0] =	ssyncadd.s32 $0xFFFFF830  }
0x801: {  	_ =	swait.ge [sflag:s0], $0x7D0  }
0x802: {  	[sflag:s0] =	ssyncset.done $0x0  }
0x803: {  	s31 =	simm.s32 $0x18020;
	[sflag:s0] =	ssyncadd.s32 $0xFFFFF830  }
0x804: {  	v0 =	vld [tilespmem:s31+$0x20]  }
0x805: {  	v1 =	vld [tilespmem:s31+$0xFFFFFFF0]  }
0x806: {  	v3 =	vld [tilespmem:s31+$0x0]  }
0x807: {  	v4 =	vld [tilespmem:s31+$0x10]  }
0x808: {  	v5 =	vld [tilespmem:s31+$0xFFFFFFE0]  }
0x809: {  	s0 =	simm.s32 $0x19020  }
0x80a: {  	v6 =	vld [tilespmem:s0+$0x20]  }
0x80b: {  	s1 =	simm.s32 $0x2800;
	v7 =	vld [tilespmem:s0+$0xFFFFFFE0]  }
0x80c: {  	v8 =	vld.idx.msk [tilespmem:v0+s1+$0x0], $0xffff  }
0x80d: {  	v2 =	vld.idx.msk [tilespmem:v1+s1+$0x0], $0xffff  }
0x80e: {  	v0 =	vld.idx.msk [tilespmem:v3+s1+$0x0], $0xffff  }
0x80f: {  	v1 =	vld.idx.msk [tilespmem:v4+s1+$0x0], $0xffff  }
0x810: {  	v9 =	vld.idx.msk [tilespmem:v5+s1+$0x0], $0xffff  }
0x811: {  	v5 =	vld [tilespmem:s0+$0x0]  }
0x812: {  	v4 =	vld [tilespmem:s0+$0x10]  }
0x813: {  	s2 =	simm.s32 $0x5000;
	v3 =	vld [tilespmem:s0+$0xFFFFFFF0]  }
0x814: {  	[tilespmem:v6+s2+$0x0] =	vst.idx.add.s32.msk $0xffff, v8  }
0x815: {  	s3 =	simm.s32 $0x0;
	s4 =	simm.s32 $0x18070;
	[tilespmem:v7+s2+$0x0] =	vst.idx.add.s32.msk $0xffff, v9  }
.LBB2_69:
0x816: {  	v6 =	vld [tilespmem:s4+$0x20];
	s3 =	sadd.s32 $0x5, s3;
	v7 =	vmov v5  }
0x817: {  	v5 =	vld [tilespmem:s4+$0xFFFFFFF0];
	p0 =	slt.u32 s3, $0x78;
	v8 =	vmov v4  }
0x818: {  	v4 =	vld [tilespmem:s4+$0x0]  }
0x819: {  	v9 =	vld [tilespmem:s4+$0x10]  }
0x81a: {  	v10 =	vld [tilespmem:s4+$0xFFFFFFE0]  }
0x81b: {  	s0 =	sadd.s32 $0x50, s0;
	[tilespmem:v3+s2+$0x0] =	vst.idx.add.s32.msk $0xffff, v2  }
0x81c: {  	v11 =	vld [tilespmem:s0+$0x20]  }
0x81d: {  	v12 =	vld [tilespmem:s0+$0xFFFFFFE0]  }
0x81e: {  	v6 =	vld.idx.msk [tilespmem:v6+s1+$0x0], $0xffff  }
0x81f: {  	v2 =	vld.idx.msk [tilespmem:v5+s1+$0x0], $0xffff  }
0x820: {  	v13 =	vld.idx.msk [tilespmem:v4+s1+$0x0], $0xffff  }
0x821: {  	v9 =	vld.idx.msk [tilespmem:v9+s1+$0x0], $0xffff  }
0x822: {  	v10 =	vld.idx.msk [tilespmem:v10+s1+$0x0], $0xffff  }
0x823: {  	v3 =	vld [tilespmem:s0+$0xFFFFFFF0]  }
0x824: {  	[tilespmem:v11+s2+$0x0] =	vst.idx.add.s32.msk $0xffff, v6  }
.Ltmp34:
0x825: {  	v5 =	vld [tilespmem:s0+$0x0];
	(pc) =	sbr.rel @p0 .LBB2_69-.Ltmp34, $4  }
0x826: {  	v4 =	vld [tilespmem:s0+$0x10]  }
0x827: {  	[tilespmem:v7+s2+$0x0] =	vst.idx.add.s32.msk $0xffff, v0;
	v0 =	vmov v13  }
0x828: {  	[tilespmem:v12+s2+$0x0] =	vst.idx.add.s32.msk $0xffff, v10  }
0x829: {  	s4 =	sadd.s32 $0x50, s4;
	[tilespmem:v8+s2+$0x0] =	vst.idx.add.s32.msk $0xffff, v1;
	v1 =	vmov v9  }
0x82a: {  	_ =	sdelay $0x3  }
0x82b: {  	[tilespmem:v3+s2+$0x0] =	vst.idx.add.s32.msk $0xffff, v2  }
0x82c: {  	[tilespmem:v5+s2+$0x0] =	vst.idx.add.s32.msk $0xffff, v0  }
0x82d: {  	[tilespmem:v4+s2+$0x0] =	vst.idx.add.s32.msk $0xffff, v1  }
0x82e: {  	_ =	strace $0x90000051  }
0x82f: {  	_ =	strace $0x80000052  }
0x830: {  	s3 =	sld [smem:$0x7ED]  }
0x831: {  	s0 =	simm.s32 $0x80  }
0x832: {  	s1 =	simm.s32 $0x400;
	s12 =	simm.s32 $0x5000;
	s13 =	simm.s32 $0x3  }
0x833: {  	[spmem:s3] =	stream.strided.scatter [tilespmem:s12], [sflag:$0x3], $0x2800, s1, s0, $0x200038;
	[tilespmem:$0x1ED00] =	vst v63  }
0x834: {  	_ =	swait.ge [sflag:s13], $0x2800  }
0x835: {  	[sflag:s13] =	ssyncset.done $0x0  }
0x836: {  	[sflag:s13] =	ssyncadd.s32 $0xFFFFD800  }
0x837: {  	[bflag:$0x0] =	sbarrier.arrive $0xFFFF  }
0x838: {  	s4 =	sld [smem:$0x7EE]  }
0x839: {  	s14 =	simm.s32 $0x1400  }
0x83a: {  	s15 =	simm.s32 $0x14000;
	s16 =	simm.s32 $0x19800;
	s17 =	simm.s32 $0x0  }
0x83b: {  	[tilespmem:s16], [sflag:$0x3] =	stream.strided.gather [spmem:s4], $0x2800, s15, s14, $0x200038;
	[tilespmem:$0x1ED00] =	vst v63  }
0x83c: {  	s19 =	simm.s32 $0x30;
	s18 =	sand.u32 $0x1C00, s17;
	_ =	swait.ge [sflag:s13], $0x2800  }
0x83d: {  	s5 =	sand.u32 $0x70, s19;
	s12 =	sadd.s32 $0x19800, s18;
	[sflag:s13] =	ssyncset.done $0x0  }
0x83e: {  	s20 =	sor.u32 s5, s12;
	[sflag:s13] =	ssyncadd.s32 $0xFFFFD800  }
0x83f: {  	v0 =	vld [tilespmem:s20+$0x0]  }
0x840: {  	v1 =	vld [tilespmem:s20+$0x80]  }
0x841: {  	v2 =	vld [tilespmem:s20+$0x100]  }
0x842: {  	v3 =	vld [tilespmem:s20+$0x180]  }
0x843: {  	v4 =	vld [tilespmem:s20+$0x200]  }
0x844: {  	v5 =	vld [tilespmem:s20+$0x280]  }
0x845: {  	s11 =	sadd.s32 $0x1AC00, s18;
	v6 =	vld [tilespmem:s20+$0x300]  }
0x846: {  	s10 =	sadd.s32 $0x1AC80, s18;
	s21 =	sor.u32 s5, s11;
	v7 =	vld [tilespmem:s20+$0x380]  }
0x847: {  	s9 =	sadd.s32 $0x1AD00, s18;
	s23 =	sor.u32 s5, s10;
	v8 =	vld [tilespmem:s21+$0x0]  }
0x848: {  	s8 =	sadd.s32 $0x1AD80, s18;
	s24 =	sor.u32 s5, s9;
	v9 =	vld [tilespmem:s23+$0x0]  }
0x849: {  	s7 =	sadd.s32 $0x1AE00, s18;
	s25 =	sor.u32 s5, s8;
	v10 =	vld [tilespmem:s24+$0x0]  }
0x84a: {  	s2 =	sadd.s32 $0x1AE80, s18;
	s26 =	sor.u32 s5, s7;
	v11 =	vld [tilespmem:s25+$0x0]  }
0x84b: {  	s6 =	sor.u32 s5, s2;
	s0 =	sadd.s32 $0x1AF00, s18;
	v12 =	vld [tilespmem:s26+$0x0]  }
0x84c: {  	s28 =	sadd.s32 $0x0, s22;
	s3 =	sadd.s32 $0x1AF80, s18;
	s29 =	sor.u32 s5, s0;
	v13 =	vld [tilespmem:s6+$0x0]  }
0x84d: {  	s1 =	sand.u32 $0x7F80, s28;
	s30 =	sor.u32 s5, s3;
	v14 =	vld [tilespmem:s29+$0x0]  }
0x84e: {  	s5 =	sor.u32 s5, s1;
	s4 =	sand.u32 $0x40, s17;
	v15 =	vld [tilespmem:s30+$0x0]  }
0x84f: {  	s13 =	sor.u32 s4, s12;
	v16 =	vld [tilespmem:s5+$0x0]  }
0x850: {  	v17 =	vld [tilespmem:s13+$0x0]  }
0x851: {  	v18 =	vld [tilespmem:s13+$0x80]  }
0x852: {  	v21 =	vld [tilespmem:s13+$0x100]  }
0x853: {  	v23 =	vld [tilespmem:s13+$0x180]  }
0x854: {  	v25 =	vld [tilespmem:s13+$0x200]  }
0x855: {  	v27 =	vld [tilespmem:s13+$0x280]  }
0x856: {  	v28 =	vld [tilespmem:s13+$0x300]  }
0x857: {  	s16 =	sor.u32 s4, s10;
	v29 =	vld [tilespmem:s13+$0x380]  }
0x858: {  	s18 =	sor.u32 s4, s9;
	v52 =	vld [tilespmem:s16+$0x0]  }
0x859: {  	s31 =	simm.s32 $0x10;
	s28 =	sor.u32 s4, s0;
	v55 =	vld [tilespmem:s18+$0x0]  }
0x85a: {  	s5 =	sand.u32 $0x50, s31;
	s20 =	sor.u32 s4, s8;
	v61 =	vld [tilespmem:s28+$0x0]  }
0x85b: {  	s14 =	sor.u32 s5, s12;
	v56 =	vld [tilespmem:s20+$0x0]  }
0x85c: {  	v19 =	vld [tilespmem:s14+$0x0]  }
0x85d: {  	v20 =	vld [tilespmem:s14+$0x80]  }
0x85e: {  	v22 =	vld [tilespmem:s14+$0x100]  }
0x85f: {  	v24 =	vld [tilespmem:s14+$0x180];
	v0 =	vadd.s32 v0, v1  }
0x860: {  	v26 =	vld [tilespmem:s14+$0x200];
	v0 =	vadd.s32 v2, v0  }
0x861: {  	v30 =	vld [tilespmem:s14+$0x280];
	v0 =	vadd.s32 v3, v0  }
0x862: {  	v31 =	vld [tilespmem:s14+$0x300];
	v0 =	vadd.s32 v4, v0  }
0x863: {  	s15 =	sor.u32 s5, s11;
	v32 =	vld [tilespmem:s14+$0x380];
	v0 =	vadd.s32 v5, v0  }
0x864: {  	s17 =	sor.u32 s5, s10;
	v50 =	vld [tilespmem:s15+$0x0];
	v0 =	vadd.s32 v6, v0  }
0x865: {  	s19 =	sor.u32 s5, s9;
	v53 =	vld [tilespmem:s17+$0x0];
	v0 =	vadd.s32 v7, v0  }
0x866: {  	s21 =	sor.u32 s5, s8;
	v33 =	vld [tilespmem:s19+$0x0];
	v0 =	vadd.s32 v8, v0  }
0x867: {  	s13 =	simm.s32 $0x20;
	s24 =	sor.u32 s5, s7;
	v36 =	vld [tilespmem:s21+$0x0];
	v0 =	vadd.s32 v9, v0  }
0x868: {  	s6 =	sand.u32 $0x60, s13;
	s14 =	sor.u32 s4, s11;
	v60 =	vld [tilespmem:s24+$0x0];
	v0 =	vadd.s32 v10, v0  }
0x869: {  	s11 =	sor.u32 s6, s11;
	v49 =	vld [tilespmem:s14+$0x0];
	v0 =	vadd.s32 v11, v0  }
0x86a: {  	s10 =	sor.u32 s6, s10;
	v51 =	vld [tilespmem:s11+$0x0];
	v0 =	vadd.s32 v12, v0  }
0x86b: {  	s9 =	sor.u32 s6, s9;
	v54 =	vld [tilespmem:s10+$0x0];
	v0 =	vadd.s32 v13, v0  }
0x86c: {  	s12 =	sor.u32 s6, s12;
	v34 =	vld [tilespmem:s9+$0x0];
	v0 =	vadd.s32 v14, v0  }
0x86d: {  	v1 =	vld [tilespmem:s12+$0x0];
	v0 =	vadd.s32 v15, v0  }
0x86e: {  	v16 =	vmul.u32 $0x27D4EB2F, v16;
	v2 =	vld [tilespmem:s12+$0x80];
	v0 =	vmul.u32 $0xC2B2AE3D, v0  }
0x86f: {  	v3 =	vld [tilespmem:s12+$0x100]  }
0x870: {  	v4 =	vld [tilespmem:s12+$0x180];
	v0 =	vadd.s32 v16, v0  }
0x871: {  	v5 =	vld [tilespmem:s12+$0x200];
	v35 =	vshrl.u32 v0, $0xD  }
0x872: {  	v17 =	vadd.s32 v17, v18;
	v57 =	vadd.s32 v19, v20;
	v6 =	vld [tilespmem:s12+$0x280];
	v58 =	vxor.u32 v0, v35  }
0x873: {  	v7 =	vld [tilespmem:s12+$0x300];
	v0 =	vadd.s32 v1, v2;
	v1 =	vadd.s32 v21, v17;
	v2 =	vadd.s32 v22, v57  }
0x874: {  	s8 =	sor.u32 s6, s8;
	v8 =	vld [tilespmem:s12+$0x380];
	v0 =	vadd.s32 v3, v0;
	v1 =	vadd.s32 v23, v1;
	v2 =	vadd.s32 v24, v2  }
0x875: {  	s23 =	sor.u32 s4, s7;
	v59 =	vld [tilespmem:s8+$0x0];
	v0 =	vadd.s32 v4, v0;
	v1 =	vadd.s32 v25, v1;
	v2 =	vadd.s32 v26, v2  }
0x876: {  	s7 =	sor.u32 s6, s7;
	v3 =	vld [tilespmem:s23+$0x0];
	v0 =	vadd.s32 v5, v0;
	v1 =	vadd.s32 v27, v1;
	v2 =	vadd.s32 v30, v2  }
0x877: {  	s25 =	sor.u32 s4, s2;
	v4 =	vld [tilespmem:s7+$0x0];
	v0 =	vadd.s32 v6, v0;
	v1 =	vadd.s32 v28, v1;
	v2 =	vadd.s32 v31, v2  }
0x878: {  	s26 =	sor.u32 s5, s2;
	v5 =	vld [tilespmem:s25+$0x0];
	v0 =	vadd.s32 v7, v0;
	v1 =	vadd.s32 v29, v1;
	v2 =	vadd.s32 v32, v2  }
0x879: {  	s2 =	sor.u32 s6, s2;
	v6 =	vld [tilespmem:s26+$0x0];
	v0 =	vadd.s32 v8, v0;
	v1 =	vadd.s32 v49, v1;
	v2 =	vadd.s32 v50, v2  }
0x87a: {  	s29 =	sor.u32 s5, s0;
	v8 =	vld [tilespmem:s2+$0x0];
	v0 =	vadd.s32 v51, v0;
	v1 =	vadd.s32 v52, v1;
	v2 =	vadd.s32 v53, v2  }
0x87b: {  	s0 =	sor.u32 s6, s0;
	v0 =	vadd.s32 v54, v0;
	v7 =	vadd.s32 v55, v1;
	v2 =	vadd.s32 v33, v2;
	v1 =	vld [tilespmem:s29+$0x0]  }
0x87c: {  	s30 =	sor.u32 s4, s3;
	v0 =	vadd.s32 v34, v0;
	v7 =	vadd.s32 v56, v7;
	v62 =	vadd.s32 v36, v2;
	v2 =	vld [tilespmem:s0+$0x0]  }
0x87d: {  	s31 =	sor.u32 s5, s3;
	s21 =	simm.s32 $0x0;
	s3 =	sor.u32 s6, s3;
	v63 =	vadd.s32 v59, v0;
	v7 =	vadd.s32 v3, v7;
	v3 =	vld [tilespmem:s30+$0x0];
	v10 =	vadd.s32 v60, v62  }
0x87e: {  	s11 =	sor.u32 s4, s1;
	s9 =	sor.u32 s5, s1;
	s0 =	simm.s32 $0x1C020;
	v0 =	vld [tilespmem:s31+$0x0];
	v4 =	vadd.s32 v4, v63;
	v5 =	vadd.s32 v5, v7;
	v7 =	vand.u32 $0xFFFF, v58  }
0x87f: {  	s8 =	sor.u32 s6, s1;
	s4 =	simm.s32 $0x200;
	[tilespmem:s0+$0x10] =	vst v7;
	v7 =	vadd.s32 v6, v10;
	v6 =	vadd.s32 v8, v4;
	v5 =	vadd.s32 v61, v5;
	v4 =	vld [tilespmem:s3+$0x0];
	s3 =	simm.s32 $0x40  }
.LBB2_71:
0x880: {  	s10 =	sand.u32 $0x1C00, s4;
	s5 =	sadd.s32 $0x30, s3  }
0x881: {  	s18 =	sadd.s32 $0x19800, s10;
	s7 =	sand.u32 $0x70, s5  }
0x882: {  	v8 =	vld [tilespmem:s11+$0x0];
	s12 =	sor.u32 s7, s18  }
0x883: {  	v9 =	vld [tilespmem:s12+$0x180]  }
0x884: {  	v1 =	vadd.s32 v1, v7;
	v7 =	vld [tilespmem:s9+$0x0]  }
0x885: {  	v3 =	vadd.s32 v3, v5;
	v5 =	vld [tilespmem:s8+$0x0]  }
0x886: {  	v2 =	vadd.s32 v2, v6;
	v6 =	vld [tilespmem:s12+$0x0]  }
0x887: {  	v0 =	vadd.s32 v0, v1;
	v1 =	vld [tilespmem:s12+$0x80]  }
0x888: {  	s20 =	sadd.s32 $0x1AC00, s10;
	v3 =	vmul.u32 $0xC2B2AE3D, v3;
	v2 =	vadd.s32 v4, v2;
	v4 =	vld [tilespmem:s12+$0x100];
	v8 =	vmul.u32 $0x27D4EB2F, v8  }
0x889: {  	s1 =	sadd.s32 $0x10, s3;
	s23 =	sor.u32 s7, s20;
	v10 =	vld [tilespmem:s12+$0x200]  }
0x88a: {  	s28 =	sand.u32 $0x50, s1;
	s13 =	sadd.s32 $0x1AC80, s10;
	v60 =	vld [tilespmem:s23+$0x0];
	v0 =	vmul.u32 $0xC2B2AE3D, v0;
	v3 =	vadd.s32 v8, v3  }
0x88b: {  	s19 =	sadd.s32 $0x20, s3;
	v2 =	vmul.u32 $0xC2B2AE3D, v2;
	v8 =	vld [tilespmem:s12+$0x280];
	v11 =	vshrl.u32 v3, $0xD;
	v5 =	vmul.u32 $0x27D4EB2F, v5  }
0x88c: {  	s16 =	sadd.s32 $0x1AD00, s10;
	s17 =	sadd.s32 $0x1AD80, s10;
	s5 =	sor.u32 s28, s18;
	v7 =	vmul.u32 $0x27D4EB2F, v7;
	v3 =	vxor.u32 v3, v11;
	v1 =	vadd.s32 v6, v1;
	v6 =	vld [tilespmem:s12+$0x300]  }
0x88d: {  	s24 =	sor.u32 s28, s20;
	s25 =	sor.u32 s7, s13;
	s31 =	sor.u32 s7, s17;
	v3 =	vand.u32 $0xFFFF, v3;
	v2 =	vadd.s32 v5, v2;
	v1 =	vadd.s32 v4, v1;
	v4 =	vld [tilespmem:s12+$0x380]  }
0x88e: {  	s29 =	sor.u32 s7, s16;
	s9 =	sand.u32 $0x40, s3;
	s8 =	sand.u32 $0x60, s19;
	v0 =	vadd.s32 v7, v0;
	[tilespmem:s0+$0xFFFFFFE0] =	vst v3;
	v3 =	vld [tilespmem:s31+$0x0];
	v5 =	vshrl.u32 v2, $0xD  }
0x88f: {  	s2 =	sor.u32 s9, s20;
	s26 =	sor.u32 s8, s20;
	s20 =	sadd.s32 $0x1AE80, s10;
	v7 =	vshrl.u32 v0, $0xD;
	v1 =	vadd.s32 v9, v1;
	v2 =	vxor.u32 v2, v5;
	v5 =	vld [tilespmem:s25+$0x0]  }
0x890: {  	s6 =	sor.u32 s9, s18;
	s1 =	sor.u32 s8, s18;
	s18 =	sor.u32 s7, s20;
	v0 =	vxor.u32 v0, v7;
	v1 =	vadd.s32 v10, v1;
	v7 =	vld [tilespmem:s29+$0x0];
	v2 =	vand.u32 $0xFFFF, v2  }
0x891: {  	s19 =	sadd.s32 $0x1AE00, s10;
	v1 =	vadd.s32 v8, v1;
	[tilespmem:s0+$0x0] =	vst v2;
	v2 =	vld [tilespmem:s18+$0x0]  }
0x892: {  	s14 =	sor.u32 s7, s19;
	[dreg:$0x8] =	wrdreg s2;
	s2 =	sadd.s32 $0x1AF00, s10;
	v0 =	vand.u32 $0xFFFF, v0;
	v1 =	vadd.s32 v6, v1;
	v6 =	vld [tilespmem:s6+$0x0]  }
0x893: {  	[dreg:$0xb] =	wrdreg s24;
	s15 =	sor.u32 s8, s13;
	s24 =	sor.u32 s7, s2;
	[tilespmem:s0+$0xFFFFFFF0] =	vst v0;
	v0 =	vadd.s32 v4, v1;
	v1 =	vld [tilespmem:s14+$0x0]  }
0x894: {  	s23 =	sadd.s32 s3, s22;
	[dreg:$0x17] =	wrdreg s15;
	v4 =	vld [tilespmem:s24+$0x0]  }
0x895: {  	s15 =	sadd.s32 $0x1AF80, s10;
	s18 =	sand.u32 $0x7F80, s23;
	s23 =	sor.u32 s9, s2;
	v61 =	vld [tilespmem:s5+$0x180];
	v0 =	vadd.s32 v60, v0  }
0x896: {  	s25 =	sor.u32 s7, s15;
	v62 =	vld [tilespmem:s23+$0x0];
	v0 =	vadd.s32 v5, v0  }
0x897: {  	[dreg:$0xe] =	wrdreg s26;
	s26 =	sor.u32 s7, s18;
	v5 =	vld [tilespmem:s25+$0x0];
	v0 =	vadd.s32 v7, v0  }
0x898: {  	v0 =	vadd.s32 v3, v0;
	v3 =	vld [tilespmem:s26+$0x0]  }
0x899: {  	v0 =	vadd.s32 v1, v0;
	v1 =	vld [tilespmem:s6+$0x80]  }
0x89a: {  	v0 =	vadd.s32 v2, v0;
	v2 =	vld [tilespmem:s5+$0x0]  }
0x89b: {  	v0 =	vadd.s32 v4, v0;
	v4 =	vld [tilespmem:s5+$0x80]  }
0x89c: {  	v7 =	vld [tilespmem:s1+$0x80];
	v0 =	vadd.s32 v5, v0  }
0x89d: {  	v5 =	vld [tilespmem:s1+$0x0];
	v0 =	vmul.u32 $0xC2B2AE3D, v0;
	v3 =	vmul.u32 $0x27D4EB2F, v3  }
0x89e: {  	v1 =	vadd.s32 v6, v1;
	v6 =	vld [tilespmem:s6+$0x100]  }
0x89f: {  	v0 =	vadd.s32 v3, v0;
	v3 =	vld [tilespmem:s5+$0x100]  }
0x8a0: {  	v8 =	vshrl.u32 v0, $0xD;
	v2 =	vadd.s32 v2, v4;
	v4 =	vld [tilespmem:s1+$0x100]  }
0x8a1: {  	v0 =	vxor.u32 v0, v8;
	v8 =	vld [tilespmem:s6+$0x180]  }
0x8a2: {  	s0 =	sadd.s32 $0x40, s0;
	v5 =	vadd.s32 v5, v7;
	v7 =	vld [tilespmem:s6+$0x280];
	v0 =	vand.u32 $0xFFFF, v0  }
0x8a3: {  	[tilespmem:s0+$0x10] =	vst v0;
	v0 =	vadd.s32 v6, v1;
	v1 =	vld [tilespmem:s1+$0x180]  }
0x8a4: {  	v6 =	vld [tilespmem:s6+$0x200]  }
0x8a5: {  	v2 =	vadd.s32 v3, v2;
	v3 =	vld [tilespmem:s5+$0x200]  }
0x8a6: {  	v4 =	vadd.s32 v4, v5;
	v5 =	vld [tilespmem:s1+$0x200]  }
0x8a7: {  	s30 =	sor.u32 s9, s13;
	v0 =	vadd.s32 v8, v0;
	v8 =	vld [tilespmem:s5+$0x280]  }
0x8a8: {  	[dreg:$0x11] =	wrdreg s30;
	s10 =	sor.u32 s28, s16;
	v1 =	vadd.s32 v1, v4;
	v4 =	vld [tilespmem:s1+$0x280]  }
0x8a9: {  	s30 =	sor.u32 s28, s19;
	s22 =	sor.u32 s8, s20;
	s12 =	sor.u32 s28, s13;
	v2 =	vadd.s32 v61, v2;
	v0 =	vadd.s32 v6, v0;
	v6 =	vld [tilespmem:s6+$0x300]  }
0x8aa: {  	s31 =	sor.u32 s8, s16;
	s13 =	sor.u32 s28, s17;
	[dreg:$0x14] =	wrdreg s12;
	v2 =	vadd.s32 v3, v2;
	v3 =	vld [tilespmem:s5+$0x300]  }
0x8ab: {  	s12 =	sor.u32 s9, s19;
	s29 =	sor.u32 s8, s17;
	s14 =	sor.u32 s9, s16;
	v0 =	vadd.s32 v7, v0;
	v7 =	vld [tilespmem:s6+$0x380]  }
0x8ac: {  	s7 =	sor.u32 s9, s17;
	s24 =	sor.u32 s28, s20;
	s16 =	sor.u32 s28, s2;
	v1 =	vadd.s32 v5, v1;
	v5 =	vld [tilespmem:s1+$0x300]  }
0x8ad: {  	s17 =	sor.u32 s28, s15;
	s11 =	sor.u32 s9, s18;
	s26 =	sor.u32 s9, s20;
	v2 =	vadd.s32 v8, v2;
	v8 =	vld [tilespmem:s5+$0x380]  }
0x8ae: {  	s20 =	sor.u32 s9, s15;
	s9 =	sor.u32 s28, s18;
	s28 =	rddreg [dreg:$0x8];
	v1 =	vadd.s32 v4, v1;
	v4 =	vld [tilespmem:s1+$0x380]  }
0x8af: {  	s25 =	sor.u32 s8, s19;
	s5 =	rddreg [dreg:$0xb];
	v0 =	vadd.s32 v6, v0;
	v6 =	vld [tilespmem:s28+$0x0]  }
0x8b0: {  	s19 =	sor.u32 s8, s2;
	s2 =	sor.u32 s8, s15;
	s15 =	rddreg [dreg:$0x11];
	v2 =	vadd.s32 v3, v2;
	v3 =	vld [tilespmem:s5+$0x0]  }
0x8b1: {  	s6 =	rddreg [dreg:$0xe];
	v0 =	vadd.s32 v7, v0;
	v7 =	vld [tilespmem:s15+$0x0]  }
0x8b2: {  	s8 =	sor.u32 s8, s18;
	s18 =	rddreg [dreg:$0x14];
	v1 =	vadd.s32 v5, v1;
	v5 =	vld [tilespmem:s6+$0x0]  }
0x8b3: {  	s28 =	rddreg [dreg:$0x17];
	v2 =	vadd.s32 v8, v2;
	v8 =	vld [tilespmem:s18+$0x0]  }
0x8b4: {  	v1 =	vadd.s32 v4, v1;
	v4 =	vld [tilespmem:s28+$0x0]  }
0x8b5: {  	v0 =	vadd.s32 v6, v0;
	v6 =	vld [tilespmem:s14+$0x0]  }
0x8b6: {  	v2 =	vadd.s32 v3, v2;
	v3 =	vld [tilespmem:s10+$0x0]  }
0x8b7: {  	v0 =	vadd.s32 v7, v0;
	v7 =	vld [tilespmem:s7+$0x0]  }
0x8b8: {  	v1 =	vadd.s32 v5, v1;
	v5 =	vld [tilespmem:s31+$0x0]  }
0x8b9: {  	v2 =	vadd.s32 v8, v2;
	v8 =	vld [tilespmem:s13+$0x0]  }
0x8ba: {  	v1 =	vadd.s32 v4, v1;
	v4 =	vld [tilespmem:s29+$0x0]  }
0x8bb: {  	v0 =	vadd.s32 v6, v0;
	v6 =	vld [tilespmem:s12+$0x0]  }
0x8bc: {  	v2 =	vadd.s32 v3, v2;
	v3 =	vld [tilespmem:s30+$0x0]  }
0x8bd: {  	v0 =	vadd.s32 v7, v0;
	v7 =	vld [tilespmem:s26+$0x0]  }
0x8be: {  	v1 =	vadd.s32 v5, v1;
	v5 =	vld [tilespmem:s25+$0x0]  }
0x8bf: {  	s21 =	sadd.s32 $0x4, s21;
	v2 =	vadd.s32 v8, v2;
	v8 =	vld [tilespmem:s24+$0x0]  }
0x8c0: {  	p0 =	slt.u32 s21, $0x24;
	v0 =	vadd.s32 v6, v0;
	v6 =	vld [tilespmem:s22+$0x0]  }
.Ltmp35:
0x8c1: {  	v4 =	vadd.s32 v4, v1;
	v1 =	vld [tilespmem:s16+$0x0];
	(pc) =	sbr.rel @p0 .LBB2_71-.Ltmp35, $4  }
0x8c2: {  	v63 =	vadd.s32 v3, v2;
	v2 =	vld [tilespmem:s19+$0x0]  }
0x8c3: {  	v3 =	vld [tilespmem:s20+$0x0]  }
0x8c4: {  	v4 =	vadd.s32 v5, v4;
	v5 =	vadd.s32 v7, v0;
	v0 =	vld [tilespmem:s17+$0x0]  }
0x8c5: {  	s4 =	sadd.s32 $0x200, s4;
	s3 =	sadd.s32 $0x40, s3;
	s22 =	rddreg [dreg:$0x5];
	v7 =	vadd.s32 v8, v63;
	v5 =	vadd.s32 v62, v5;
	v6 =	vadd.s32 v6, v4;
	v4 =	vld [tilespmem:s2+$0x0]  }
0x8c6: {  	v8 =	vld [tilespmem:s11+$0x0]  }
0x8c7: {  	v9 =	vld [tilespmem:s9+$0x0]  }
0x8c8: {  	v10 =	vld [tilespmem:s8+$0x0];
	_ =	sdelay $0x1  }
0x8c9: {  	v1 =	vadd.s32 v1, v7;
	v2 =	vadd.s32 v2, v6;
	v3 =	vadd.s32 v3, v5  }
0x8ca: {  	v3 =	vmul.u32 $0xC2B2AE3D, v3;
	v0 =	vadd.s32 v0, v1;
	v1 =	vmul.u32 $0x27D4EB2F, v8  }
0x8cb: {  	v0 =	vmul.u32 $0xC2B2AE3D, v0;
	v2 =	vadd.s32 v4, v2;
	v62 =	vmul.u32 $0x27D4EB2F, v9  }
0x8cc: {  	v2 =	vmul.u32 $0xC2B2AE3D, v2;
	v1 =	vadd.s32 v1, v3;
	v3 =	vmul.u32 $0x27D4EB2F, v10  }
0x8cd: {  	v0 =	vadd.s32 v62, v0;
	v63 =	vshrl.u32 v1, $0xD  }
0x8ce: {  	v4 =	vshrl.u32 v0, $0xD;
	v2 =	vadd.s32 v3, v2;
	v1 =	vxor.u32 v1, v63  }
0x8cf: {  	v0 =	vxor.u32 v0, v4;
	v3 =	vshrl.u32 v2, $0xD;
	v1 =	vand.u32 $0xFFFF, v1  }
0x8d0: {  	v0 =	vand.u32 $0xFFFF, v0;
	v2 =	vxor.u32 v2, v3;
	[tilespmem:s0+$0xFFFFFFE0] =	vst v1  }
0x8d1: {  	[tilespmem:s0+$0xFFFFFFF0] =	vst v0;
	v1 =	vand.u32 $0xFFFF, v2  }
0x8d2: {  	[tilespmem:s0+$0x0] =	vst v1  }
0x8d3: {  	s1 =	sld [smem:$0x7EC];
	_ =	sdelay $0x1  }
0x8d4: {  	s28 =	simm.s32 $0x1C000;
	s29 =	simm.s32 $0x3  }
0x8d5: {  	[spmem:s1] =	stream.linear.scatter [tilespmem:s28], [sflag:$0x3], $0x280, $0x200038;
	[tilespmem:$0x1ED00] =	vst v63  }
0x8d6: {  	_ =	swait.ge [sflag:s29], $0x280  }
0x8d7: {  	[sflag:s29] =	ssyncset.done $0x0  }
0x8d8: {  	[sflag:s29] =	ssyncadd.s32 $0xFFFFFD80  }
0x8d9: {  	[bflag:$0x0] =	sbarrier.arrive $0xFFFF  }
0x8da: {  	_ =	strace $0x90000052  }
0x8db: {  	_ =	strace $0x80000053  }
0x8dc: {  	s30 =	simm.s32 $0x0;
	s2 =	rddreg [dreg:$0x3]  }
0x8dd: {  	[tilespmem:s30], [sflag:$0x3] =	stream.linear.gather [spmem:s2], $0x2800, $0x200038;
	[tilespmem:$0x1ED00] =	vst v63  }
0x8de: {  	_ =	swait.ge [sflag:s29], $0x2800  }
0x8df: {  	[sflag:s29] =	ssyncset.done $0x0  }
0x8e0: {  	[sflag:s29] =	ssyncadd.s32 $0xFFFFD800  }
0x8e1: {  	[bflag:$0x0] =	sbarrier.arrive $0xFFFF  }
0x8e2: {  	_ =	strace $0x90000053  }
0x8e3: {  	s31 =	simm.s32 $0x2800;
	s3 =	rddreg [dreg:$0x18]  }
0x8e4: {  	[tilespmem:s31], [sflag:$0x3] =	stream.linear.gather [hbm4b:s3+s30], $0x2800, $0x38;
	[tilespmem:$0x1ED00] =	vst v63  }
0x8e5: {  	_ =	swait.ge [sflag:s29], $0x2800  }
0x8e6: {  	[sflag:s29] =	ssyncset.done $0x0  }
0x8e7: {  	v0 =	vimm.f32 $0.0e+00;
	s0 =	simm.s32 $0x7840;
	[sflag:s29] =	ssyncadd.s32 $0xFFFFD800  }
0x8e8: {  	_ =	strace $0x80000054;
	[tilespmem:s0+$0xFFFFFFC0] =	vst v0  }
0x8e9: {  	[tilespmem:s0+$0x30] =	vst v0  }
0x8ea: {  	[tilespmem:s0+$0x20] =	vst v0  }
0x8eb: {  	[tilespmem:s0+$0x10] =	vst v0  }
0x8ec: {  	[tilespmem:s0+$0x0] =	vst v0  }
0x8ed: {  	[tilespmem:s0+$0xFFFFFFF0] =	vst v0  }
0x8ee: {  	s1 =	simm.s32 $0x0;
	[tilespmem:s0+$0xFFFFFFE0] =	vst v0  }
.LBB2_73:
0x8ef: {  	s1 =	sadd.s32 $0x8, s1;
	[tilespmem:s0+$0xFFFFFFD0] =	vst v0;
	s0 =	sadd.s32 $0x80, s0  }
0x8f0: {  	[tilespmem:s0+$0xFFFFFFC0] =	vst v0;
	p0 =	slt.u32 s1, $0xFF8  }
0x8f1: {  	[tilespmem:s0+$0x30] =	vst v0  }
.Ltmp36:
0x8f2: {  	[tilespmem:s0+$0x20] =	vst v0;
	(pc) =	sbr.rel @p0 .LBB2_73-.Ltmp36, $4  }
0x8f3: {  	[tilespmem:s0+$0x10] =	vst v0  }
0x8f4: {  	[tilespmem:s0+$0x0] =	vst v0  }
0x8f5: {  	[tilespmem:s0+$0xFFFFFFF0] =	vst v0  }
0x8f6: {  	[tilespmem:s0+$0xFFFFFFE0] =	vst v0  }
0x8f7: {  	[tilespmem:s0+$0xFFFFFFD0] =	vst v0  }
0x8f8: {  	_ =	strace $0x90000054  }
0x8f9: {  	s2 =	simm.s32 $0x2840;
	_ =	strace $0x80000055  }
0x8fa: {  	v1 =	vld [tilespmem:s2+$0x30]  }
0x8fb: {  	s0 =	simm.s32 $0x40;
	v2 =	vld [tilespmem:s2+$0xFFFFFFD0]  }
0x8fc: {  	v3 =	vld [tilespmem:s0+$0x30]  }
0x8fd: {  	v4 =	vld [tilespmem:s2+$0xFFFFFFE0]  }
0x8fe: {  	v5 =	vld [tilespmem:s2+$0xFFFFFFF0]  }
0x8ff: {  	s5 =	stileid.u32;
	v6 =	vld [tilespmem:s2+$0x0]  }
0x900: {  	v0 =	vmov s5;
	v7 =	vld [tilespmem:s2+$0x10]  }
0x901: {  	v8 =	vld [tilespmem:s2+$0x20];
	vm0 =	veq.s32 v1, v0  }
0x902: {  	v9 =	vld [tilespmem:s0+$0xFFFFFFD0]  }
0x903: {  	v10 =	vld [tilespmem:s0+$0xFFFFFFE0]  }
0x904: {  	v60 =	vld [tilespmem:s0+$0x0]  }
0x905: {  	v61 =	vld [tilespmem:s0+$0x10];
	vm1 =	veq.s32 v2, v0  }
0x906: {  	s1 =	simm.s32 $0x7800;
	v62 =	vld [tilespmem:s0+$0x20];
	v1 =	vimm.f32 $1.000000000e+00;
	vm3 =	veq.s32 v6, v0  }
0x907: {  	vm4 =	veq.s32 v7, v0;
	[tilespmem:v3+s1+$0x0] =	vst.idx.add.f32.msk vm0, v1  }
0x908: {  	vm5 =	veq.s32 v8, v0;
	v3 =	vld [tilespmem:s0+$0xFFFFFFF0]  }
0x909: {  	v63 =	vld [tilespmem:s2+$0xFFFFFFC0];
	vm0 =	veq.s32 v4, v0  }
0x90a: {  	vm2 =	veq.s32 v5, v0;
	v2 =	vld [tilespmem:s0+$0xFFFFFFC0]  }
0x90b: {  	[tilespmem:v9+s1+$0x0] =	vst.idx.add.f32.msk vm1, v1  }
0x90c: {  	[tilespmem:v60+s1+$0x0] =	vst.idx.add.f32.msk vm3, v1  }
0x90d: {  	[tilespmem:v61+s1+$0x0] =	vst.idx.add.f32.msk vm4, v1  }
0x90e: {  	[tilespmem:v62+s1+$0x0] =	vst.idx.add.f32.msk vm5, v1  }
0x90f: {  	[tilespmem:v10+s1+$0x0] =	vst.idx.add.f32.msk vm0, v1;
	vm0 =	veq.s32 v63, v0  }
0x910: {  	s3 =	simm.s32 $0x28C0;
	s2 =	simm.s32 $0x0;
	s6 =	rddreg [dreg:$0x1];
	vm0 =	vmmov vm0;
	[tilespmem:v3+s1+$0x0] =	vst.idx.add.f32.msk vm2, v1  }
.LBB2_75:
0x911: {  	v3 =	vld [tilespmem:s3+$0x30];
	s2 =	sadd.s32 $0x8, s2  }
0x912: {  	v4 =	vld [tilespmem:s3+$0xFFFFFFC0];
	p0 =	slt.u32 s2, $0x278  }
0x913: {  	s0 =	sadd.s32 $0x80, s0;
	v5 =	vld [tilespmem:s3+$0xFFFFFFD0]  }
0x914: {  	v6 =	vld [tilespmem:s0+$0x30]  }
0x915: {  	v7 =	vld [tilespmem:s3+$0xFFFFFFE0]  }
0x916: {  	v8 =	vld [tilespmem:s3+$0xFFFFFFF0];
	vm1 =	veq.s32 v3, v0  }
0x917: {  	vm2 =	veq.s32 v4, v0;
	v3 =	vld [tilespmem:s3+$0x0]  }
0x918: {  	vm3 =	veq.s32 v5, v0;
	v4 =	vld [tilespmem:s3+$0x10]  }
0x919: {  	v5 =	vld [tilespmem:s3+$0x20]  }
0x91a: {  	v9 =	vld [tilespmem:s0+$0xFFFFFFD0];
	vm4 =	veq.s32 v7, v0  }
0x91b: {  	v7 =	vld [tilespmem:s0+$0xFFFFFFE0];
	vm5 =	veq.s32 v8, v0  }
0x91c: {  	vm6 =	veq.s32 v3, v0;
	[tilespmem:v6+s1+$0x0] =	vst.idx.add.f32.msk vm1, v1  }
0x91d: {  	v3 =	vld [tilespmem:s0+$0xFFFFFFF0];
	vm1 =	veq.s32 v4, v0  }
0x91e: {  	v4 =	vld [tilespmem:s0+$0x0];
	vm7 =	veq.s32 v5, v0  }
0x91f: {  	v5 =	vld [tilespmem:s0+$0x10]  }
0x920: {  	v6 =	vld [tilespmem:s0+$0x20]  }
0x921: {  	v8 =	vld [tilespmem:s0+$0xFFFFFFC0]  }
0x922: {  	[tilespmem:v2+s1+$0x0] =	vst.idx.add.f32.msk vm0, v1;
	vm0 =	vmmov vm2  }
0x923: {  	[tilespmem:v9+s1+$0x0] =	vst.idx.add.f32.msk vm3, v1  }
.Ltmp37:
0x924: {  	[tilespmem:v7+s1+$0x0] =	vst.idx.add.f32.msk vm4, v1;
	(pc) =	sbr.rel @p0 .LBB2_75-.Ltmp37, $4  }
0x925: {  	[tilespmem:v3+s1+$0x0] =	vst.idx.add.f32.msk vm5, v1  }
0x926: {  	[tilespmem:v4+s1+$0x0] =	vst.idx.add.f32.msk vm6, v1;
	v2 =	vmov v8  }
0x927: {  	[tilespmem:v5+s1+$0x0] =	vst.idx.add.f32.msk vm1, v1  }
0x928: {  	s3 =	sadd.s32 $0x80, s3;
	[tilespmem:v6+s1+$0x0] =	vst.idx.add.f32.msk vm7, v1  }
0x929: {  	_ =	sdelay $0x4  }
0x92a: {  	[tilespmem:v2+s1+$0x0] =	vst.idx.add.f32.msk vm0, v1  }
0x92b: {  	_ =	strace $0x90000055  }
0x92c: {  	s2 =	simm.s32 $0x0;
	_ =	strace $0x80000056  }
0x92d: {  	v0 =	vld [tilespmem:s2+$0x7870]  }
0x92e: {  	v1 =	vld [tilespmem:s2+$0x7800]  }
0x92f: {  	v2 =	vld [tilespmem:s2+$0x7810];
	_ =	sdelay $0x1  }
0x930: {  	v12 =	vld [tilespmem:s2+$0x7820]  }
0x931: {  	v7 =	vimm.f32 $0.0e+00;
	v10 =	vimm.f32 $0.0e+00;
	v11 =	vld [tilespmem:s2+$0x7830]  }
0x932: {  	v9 =	vimm.f32 $0.0e+00;
	v4 =	vimm.f32 $0.0e+00;
	v8 =	vld [tilespmem:s2+$0x7840];
	v0 =	vmul.f32 v0, v0  }
0x933: {  	v3 =	vimm.f32 $0.0e+00;
	v6 =	vld [tilespmem:s2+$0x7850];
	v13 =	vmul.f32 v1, v1;
	v14 =	vmul.f32 v2, v2  }
0x934: {  	s0 =	simm.s32 $0x80;
	s1 =	simm.s32 $0x400;
	v5 =	vld [tilespmem:s2+$0x7860];
	v2 =	vimm.f32 $0.0e+00;
	v1 =	vimm.f32 $0.0e+00;
	v0 =	vadd.f32 v0, v7  }
.LBB2_77:
0x935: {  	p0 =	sne.s32 s1, $0x3FE00;
	v15 =	vld [tilespmem:s0+$0x7870];
	v7 =	vadd.f32 v13, v7;
	v12 =	vmul.f32 v12, v12  }
0x936: {  	v13 =	vld [tilespmem:s0+$0x7800];
	v10 =	vadd.f32 v14, v10;
	v11 =	vmul.f32 v11, v11  }
0x937: {  	v14 =	vld [tilespmem:s0+$0x7810];
	v9 =	vadd.f32 v12, v9;
	v8 =	vmul.f32 v8, v8  }
.Ltmp38:
0x938: {  	v12 =	vld [tilespmem:s0+$0x7820];
	v4 =	vadd.f32 v11, v4;
	v6 =	vmul.f32 v6, v6;
	(pc) =	sbr.rel @p0 .LBB2_77-.Ltmp38, $4  }
0x939: {  	v11 =	vld [tilespmem:s0+$0x7830];
	v3 =	vadd.f32 v8, v3;
	v5 =	vmul.f32 v5, v5  }
0x93a: {  	v8 =	vld [tilespmem:s0+$0x7840];
	v15 =	vmul.f32 v15, v15;
	v2 =	vadd.f32 v6, v2  }
0x93b: {  	v6 =	vld [tilespmem:s0+$0x7850];
	v13 =	vmul.f32 v13, v13;
	v1 =	vadd.f32 v5, v1  }
0x93c: {  	v5 =	vld [tilespmem:s0+$0x7860];
	s0 =	sshra.s32 s1, $0x2;
	s1 =	sadd.s32 $0x200, s1;
	v14 =	vmul.f32 v14, v14;
	v0 =	vadd.f32 v15, v0  }
0x93d: {  	v15 =	vld [tilespmem:s0+$0x7800]  }
0x93e: {  	v16 =	vld [tilespmem:s0+$0x7810];
	_ =	sdelay $0x1  }
0x93f: {  	v17 =	vld [tilespmem:s0+$0x7820];
	_ =	sdelay $0x1  }
0x940: {  	v7 =	vadd.f32 v13, v7;
	v12 =	vmul.f32 v12, v12;
	v56 =	vld [tilespmem:s0+$0x7830]  }
0x941: {  	v10 =	vadd.f32 v14, v10;
	v57 =	vmul.f32 v15, v15;
	v58 =	vmul.f32 v16, v16  }
0x942: {  	v59 =	vld [tilespmem:s0+$0x7840];
	v11 =	vmul.f32 v11, v11;
	v9 =	vadd.f32 v12, v9  }
0x943: {  	v60 =	vmul.f32 v17, v17;
	v7 =	vadd.f32 v57, v7;
	v10 =	vadd.f32 v58, v10  }
0x944: {  	v61 =	vld [tilespmem:s0+$0x7850];
	v8 =	vmul.f32 v8, v8;
	v4 =	vadd.f32 v11, v4  }
0x945: {  	v13 =	vmul.f32 v56, v56;
	v9 =	vadd.f32 v60, v9;
	v7 =	vadd.f32 v10, v7  }
0x946: {  	v6 =	vmul.f32 v6, v6;
	v3 =	vadd.f32 v8, v3;
	v8 =	vld [tilespmem:s0+$0x7860]  }
0x947: {  	v62 =	vmul.f32 v59, v59;
	v4 =	vadd.f32 v13, v4;
	v7 =	vadd.f32 v9, v7  }
0x948: {  	v63 =	vld [tilespmem:s0+$0x7870];
	v5 =	vmul.f32 v5, v5;
	v2 =	vadd.f32 v6, v2  }
0x949: {  	v6 =	vmul.f32 v61, v61;
	v3 =	vadd.f32 v62, v3;
	v4 =	vadd.f32 v4, v7  }
0x94a: {  	v1 =	vadd.f32 v5, v1  }
0x94b: {  	v2 =	vadd.f32 v6, v2;
	v5 =	vmul.f32 v8, v8;
	v3 =	vadd.f32 v3, v4;
	_ =	sdelay $0x1  }
0x94c: {  	v1 =	vadd.f32 v5, v1;
	v4 =	vmul.f32 v63, v63;
	v2 =	vadd.f32 v2, v3;
	_ =	sdelay $0x1  }
0x94d: {  	v0 =	vadd.f32 v4, v0;
	v1 =	vadd.f32 v1, v2;
	_ =	sdelay $0x1  }
0x94e: {  	v0 =	vadd.f32 v0, v1  }
0x94f: {  	_ =	strace $0x90000056  }
0x950: {  	(xrf2) =	vadd.scan.msk.f32 $0xffff, v0;
	_ =	sdelay $0x9  }
0x951: {  	v0, _, _ =	vpop (xrf2)  }
0x952: {  	v0 =	vbroadcast v0, $0xF;
	_ =	sdelay $0x1  }
0x953: {  	v1 =	vshrl.u32 v0, $0x1;
	v2 =	vmul.f32 $5.000000000e-01, v0  }
0x954: {  	v1 =	vsub.s32 $0x5F3759DF, v1  }
0x955: {  	v3 =	vmul.f32 v1, v2;
	_ =	sdelay $0x1  }
0x956: {  	v3 =	vmul.f32 v1, v3;
	_ =	sdelay $0x1  }
0x957: {  	v3 =	vsub.f32 $1.500000000e+00, v3;
	_ =	sdelay $0x1  }
0x958: {  	v1 =	vmul.f32 v1, v3;
	_ =	sdelay $0x1  }
0x959: {  	v3 =	vmul.f32 v1, v2;
	_ =	sdelay $0x1  }
0x95a: {  	v3 =	vmul.f32 v3, v1;
	_ =	sdelay $0x1  }
0x95b: {  	v3 =	vsub.f32 $1.500000000e+00, v3;
	_ =	sdelay $0x1  }
0x95c: {  	v1 =	vmul.f32 v3, v1;
	_ =	sdelay $0x1  }
0x95d: {  	v3 =	vmul.f32 v1, v2;
	_ =	sdelay $0x1  }
0x95e: {  	v3 =	vmul.f32 v3, v1;
	_ =	sdelay $0x1  }
0x95f: {  	v3 =	vsub.f32 $1.500000000e+00, v3;
	_ =	sdelay $0x1  }
0x960: {  	v1 =	vmul.f32 v3, v1;
	_ =	sdelay $0x1  }
0x961: {  	v2 =	vmul.f32 v1, v2;
	_ =	sdelay $0x1  }
0x962: {  	v2 =	vmul.f32 v2, v1  }
0x963: {  	s0 =	simm.s32 $0x7840;
	_ =	strace $0x80000057  }
0x964: {  	v5 =	vld [tilespmem:s0+$0x30];
	v2 =	vsub.f32 $1.500000000e+00, v2  }
0x965: {  	v6 =	vld [tilespmem:s0+$0xFFFFFFD0]  }
0x966: {  	v7 =	vld [tilespmem:s0+$0xFFFFFFE0];
	v1 =	vmul.f32 v2, v1  }
0x967: {  	v4 =	vld [tilespmem:s0+$0xFFFFFFF0];
	vm0 =	veq.f32 v0, $0.0e+00  }
0x968: {  	v3 =	vld [tilespmem:s0+$0x0];
	v0 =	vsel vm0, $0x3F800000, v1  }
0x969: {  	v1 =	vld [tilespmem:s0+$0x10];
	v8 =	vmul.f32 v5, v0  }
0x96a: {  	v2 =	vld [tilespmem:s0+$0x20];
	v6 =	vmul.f32 v6, v0  }
0x96b: {  	s1 =	simm.s32 $0x0;
	s2 =	simm.s32 $0x78C0;
	v5 =	vld [tilespmem:s0+$0xFFFFFFC0];
	v7 =	vmul.f32 v7, v0;
	[tilespmem:s0+$0x30] =	vst v8  }
.LBB2_79:
0x96c: {  	v8 =	vld [tilespmem:s2+$0x30];
	s1 =	sadd.s32 $0x8, s1;
	[tilespmem:s0+$0xFFFFFFD0] =	vst v6;
	v4 =	vmul.f32 v4, v0  }
0x96d: {  	v6 =	vld [tilespmem:s2+$0xFFFFFFD0];
	p0 =	slt.u32 s1, $0x1F8;
	[tilespmem:s0+$0xFFFFFFE0] =	vst v7;
	v3 =	vmul.f32 v3, v0  }
0x96e: {  	v7 =	vld [tilespmem:s2+$0xFFFFFFE0];
	[tilespmem:s0+$0xFFFFFFF0] =	vst v4;
	v1 =	vmul.f32 v1, v0  }
.Ltmp39:
0x96f: {  	v4 =	vld [tilespmem:s2+$0xFFFFFFF0];
	[tilespmem:s0+$0x0] =	vst v3;
	v2 =	vmul.f32 v2, v0;
	(pc) =	sbr.rel @p0 .LBB2_79-.Ltmp39, $4  }
0x970: {  	v3 =	vld [tilespmem:s2+$0x0];
	v5 =	vmul.f32 v5, v0;
	[tilespmem:s0+$0x10] =	vst v1  }
0x971: {  	v1 =	vld [tilespmem:s2+$0x10];
	v8 =	vmul.f32 v8, v0;
	[tilespmem:s0+$0x20] =	vst v2  }
0x972: {  	v6 =	vmul.f32 v6, v0;
	v2 =	vld [tilespmem:s2+$0x20];
	[tilespmem:s0+$0xFFFFFFC0] =	vst v5;
	s0 =	smov.u32 s2  }
0x973: {  	s2 =	sadd.s32 $0x80, s2;
	v5 =	vld [tilespmem:s0+$0xFFFFFFC0];
	v7 =	vmul.f32 v7, v0;
	[tilespmem:s0+$0x30] =	vst v8  }
0x974: {  	[tilespmem:s0+$0xFFFFFFD0] =	vst v6;
	v4 =	vmul.f32 v4, v0  }
0x975: {  	[tilespmem:s0+$0xFFFFFFE0] =	vst v7;
	v3 =	vmul.f32 v3, v0  }
0x976: {  	[tilespmem:s0+$0xFFFFFFF0] =	vst v4  }
0x977: {  	v1 =	vmul.f32 v1, v0;
	s1 =	rddreg [dreg:$0x19];
	[tilespmem:s0+$0x0] =	vst v3  }
0x978: {  	v2 =	vmul.f32 v2, v0;
	s1 =	sshll.u32 s1, $0x13;
	s2 =	rddreg [dreg:$0x1a]  }
0x979: {  	v3 =	vmul.f32 v5, v0;
	[tilespmem:s0+$0x10] =	vst v1;
	s1 =	sor.u32 s2, s1  }
0x97a: {  	s31 =	simm.s32 $0x80;
	s3 =	simm.s32 $0x400;
	[tilespmem:s0+$0x20] =	vst v2;
	s1 =	sshrl.u32 s1, $0x3  }
0x97b: {  	s4 =	simm.s32 $0x7800;
	[tilespmem:s0+$0xFFFFFFC0] =	vst v3;
	s0 =	simm.s32 $0x9870;
	s30 =	sadd.s32 s6, s1  }
0x97c: {  	[hbm4b:s30+s31] =	stream.strided.scatter [tilespmem:s4], [sflag:$0x1], $0x2000, s3, s31, $0x200038;
	[tilespmem:$0x1ED00] =	vst v63  }
0x97d: {  	v3 =	vld [tilespmem:s0+$0x0]  }
0x97e: {  	v5 =	vld [tilespmem:s0+$0xFFFFFFA0]  }
0x97f: {  	v7 =	vld [tilespmem:s0+$0xFFFFFFB0]  }
0x980: {  	v4 =	vld [tilespmem:s0+$0xFFFFFFC0]  }
0x981: {  	v2 =	vld [tilespmem:s0+$0xFFFFFFD0]  }
0x982: {  	v1 =	vld [tilespmem:s0+$0xFFFFFFE0];
	v8 =	vmul.f32 v3, v0  }
0x983: {  	v3 =	vld [tilespmem:s0+$0xFFFFFFF0];
	v6 =	vmul.f32 v5, v0  }
0x984: {  	s2 =	simm.s32 $0x200;
	s3 =	simm.s32 $0x98F0;
	v5 =	vld [tilespmem:s0+$0xFFFFFF90];
	v7 =	vmul.f32 v7, v0;
	[tilespmem:s0+$0x0] =	vst v8  }
.LBB2_81:
0x985: {  	v8 =	vld [tilespmem:s3+$0x0];
	s2 =	sadd.s32 $0x8, s2;
	[tilespmem:s0+$0xFFFFFFA0] =	vst v6;
	v4 =	vmul.f32 v4, v0  }
0x986: {  	v6 =	vld [tilespmem:s3+$0xFFFFFFA0];
	p0 =	slt.u32 s2, $0x3F8;
	[tilespmem:s0+$0xFFFFFFB0] =	vst v7;
	v2 =	vmul.f32 v2, v0  }
0x987: {  	v7 =	vld [tilespmem:s3+$0xFFFFFFB0];
	[tilespmem:s0+$0xFFFFFFC0] =	vst v4;
	v1 =	vmul.f32 v1, v0  }
.Ltmp40:
0x988: {  	v4 =	vld [tilespmem:s3+$0xFFFFFFC0];
	[tilespmem:s0+$0xFFFFFFD0] =	vst v2;
	v3 =	vmul.f32 v3, v0;
	(pc) =	sbr.rel @p0 .LBB2_81-.Ltmp40, $4  }
0x989: {  	v2 =	vld [tilespmem:s3+$0xFFFFFFD0];
	v5 =	vmul.f32 v5, v0;
	[tilespmem:s0+$0xFFFFFFE0] =	vst v1  }
0x98a: {  	v1 =	vld [tilespmem:s3+$0xFFFFFFE0];
	v8 =	vmul.f32 v8, v0;
	[tilespmem:s0+$0xFFFFFFF0] =	vst v3  }
0x98b: {  	v6 =	vmul.f32 v6, v0;
	v3 =	vld [tilespmem:s3+$0xFFFFFFF0];
	[tilespmem:s0+$0xFFFFFF90] =	vst v5;
	s0 =	smov.u32 s3  }
0x98c: {  	s3 =	sadd.s32 $0x80, s3;
	v5 =	vld [tilespmem:s0+$0xFFFFFF90];
	v7 =	vmul.f32 v7, v0;
	[tilespmem:s0+$0x0] =	vst v8  }
0x98d: {  	[tilespmem:s0+$0xFFFFFFA0] =	vst v6;
	v4 =	vmul.f32 v4, v0  }
0x98e: {  	[tilespmem:s0+$0xFFFFFFB0] =	vst v7;
	v2 =	vmul.f32 v2, v0  }
0x98f: {  	[tilespmem:s0+$0xFFFFFFC0] =	vst v4;
	v1 =	vmul.f32 v1, v0  }
0x990: {  	[tilespmem:s0+$0xFFFFFFD0] =	vst v2;
	v2 =	vmul.f32 v3, v0  }
0x991: {  	v3 =	vmul.f32 v5, v0;
	[tilespmem:s0+$0xFFFFFFE0] =	vst v1  }
0x992: {  	s2 =	sadd.s32 s1, s6;
	s31 =	simm.s32 $0x80;
	s3 =	simm.s32 $0x400;
	[tilespmem:s0+$0xFFFFFFF0] =	vst v2  }
0x993: {  	s4 =	simm.s32 $0x9800;
	s1 =	sadd.s32 $0x2000, s2;
	[tilespmem:s0+$0xFFFFFF90] =	vst v3;
	s0 =	simm.s32 $0xB870  }
0x994: {  	[hbm4b:s1+s31] =	stream.strided.scatter [tilespmem:s4], [sflag:$0x2], $0x2000, s3, s31, $0x200038;
	[tilespmem:$0x1ED00] =	vst v63  }
0x995: {  	v3 =	vld [tilespmem:s0+$0x0]  }
0x996: {  	v5 =	vld [tilespmem:s0+$0xFFFFFFA0]  }
0x997: {  	v7 =	vld [tilespmem:s0+$0xFFFFFFB0]  }
0x998: {  	v4 =	vld [tilespmem:s0+$0xFFFFFFC0]  }
0x999: {  	v2 =	vld [tilespmem:s0+$0xFFFFFFD0]  }
0x99a: {  	v1 =	vld [tilespmem:s0+$0xFFFFFFE0];
	v8 =	vmul.f32 v3, v0  }
0x99b: {  	v3 =	vld [tilespmem:s0+$0xFFFFFFF0];
	v6 =	vmul.f32 v5, v0  }
0x99c: {  	s1 =	simm.s32 $0x400;
	s3 =	simm.s32 $0xB8F0;
	v5 =	vld [tilespmem:s0+$0xFFFFFF90];
	v7 =	vmul.f32 v7, v0;
	[tilespmem:s0+$0x0] =	vst v8  }
.LBB2_83:
0x99d: {  	v8 =	vld [tilespmem:s3+$0x0];
	s1 =	sadd.s32 $0x8, s1;
	[tilespmem:s0+$0xFFFFFFA0] =	vst v6;
	v4 =	vmul.f32 v4, v0  }
0x99e: {  	v6 =	vld [tilespmem:s3+$0xFFFFFFA0];
	p0 =	slt.u32 s1, $0x5F8;
	[tilespmem:s0+$0xFFFFFFB0] =	vst v7;
	v2 =	vmul.f32 v2, v0  }
0x99f: {  	v7 =	vld [tilespmem:s3+$0xFFFFFFB0];
	[tilespmem:s0+$0xFFFFFFC0] =	vst v4;
	v1 =	vmul.f32 v1, v0  }
.Ltmp41:
0x9a0: {  	v4 =	vld [tilespmem:s3+$0xFFFFFFC0];
	[tilespmem:s0+$0xFFFFFFD0] =	vst v2;
	v3 =	vmul.f32 v3, v0;
	(pc) =	sbr.rel @p0 .LBB2_83-.Ltmp41, $4  }
0x9a1: {  	v2 =	vld [tilespmem:s3+$0xFFFFFFD0];
	v5 =	vmul.f32 v5, v0;
	[tilespmem:s0+$0xFFFFFFE0] =	vst v1  }
0x9a2: {  	v1 =	vld [tilespmem:s3+$0xFFFFFFE0];
	v8 =	vmul.f32 v8, v0;
	[tilespmem:s0+$0xFFFFFFF0] =	vst v3  }
0x9a3: {  	v6 =	vmul.f32 v6, v0;
	v3 =	vld [tilespmem:s3+$0xFFFFFFF0];
	[tilespmem:s0+$0xFFFFFF90] =	vst v5;
	s0 =	smov.u32 s3  }
0x9a4: {  	s3 =	sadd.s32 $0x80, s3;
	v5 =	vld [tilespmem:s0+$0xFFFFFF90];
	v7 =	vmul.f32 v7, v0;
	[tilespmem:s0+$0x0] =	vst v8  }
0x9a5: {  	[tilespmem:s0+$0xFFFFFFA0] =	vst v6;
	v4 =	vmul.f32 v4, v0  }
0x9a6: {  	[tilespmem:s0+$0xFFFFFFB0] =	vst v7;
	v2 =	vmul.f32 v2, v0  }
0x9a7: {  	[tilespmem:s0+$0xFFFFFFC0] =	vst v4;
	v1 =	vmul.f32 v1, v0  }
0x9a8: {  	[tilespmem:s0+$0xFFFFFFD0] =	vst v2;
	v2 =	vmul.f32 v3, v0  }
0x9a9: {  	v3 =	vmul.f32 v5, v0;
	[tilespmem:s0+$0xFFFFFFE0] =	vst v1  }
0x9aa: {  	s1 =	sadd.s32 $0x4000, s2;
	s31 =	simm.s32 $0x80;
	[tilespmem:s0+$0xFFFFFFF0] =	vst v2  }
0x9ab: {  	s3 =	simm.s32 $0x400;
	s4 =	simm.s32 $0xB800;
	[tilespmem:s0+$0xFFFFFF90] =	vst v3;
	s0 =	simm.s32 $0xD870  }
0x9ac: {  	[hbm4b:s1+s31] =	stream.strided.scatter [tilespmem:s4], [sflag:$0x1], $0x2000, s3, s31, $0x200038;
	[tilespmem:$0x1ED00] =	vst v63  }
0x9ad: {  	v3 =	vld [tilespmem:s0+$0x0]  }
0x9ae: {  	v5 =	vld [tilespmem:s0+$0xFFFFFFA0]  }
0x9af: {  	v7 =	vld [tilespmem:s0+$0xFFFFFFB0]  }
0x9b0: {  	v4 =	vld [tilespmem:s0+$0xFFFFFFC0]  }
0x9b1: {  	v2 =	vld [tilespmem:s0+$0xFFFFFFD0]  }
0x9b2: {  	v1 =	vld [tilespmem:s0+$0xFFFFFFE0];
	v8 =	vmul.f32 v3, v0  }
0x9b3: {  	v3 =	vld [tilespmem:s0+$0xFFFFFFF0];
	v6 =	vmul.f32 v5, v0  }
0x9b4: {  	s1 =	simm.s32 $0x600;
	s3 =	simm.s32 $0xD8F0;
	v5 =	vld [tilespmem:s0+$0xFFFFFF90];
	v7 =	vmul.f32 v7, v0;
	[tilespmem:s0+$0x0] =	vst v8  }
.LBB2_85:
0x9b5: {  	v8 =	vld [tilespmem:s3+$0x0];
	s1 =	sadd.s32 $0x8, s1;
	[tilespmem:s0+$0xFFFFFFA0] =	vst v6;
	v4 =	vmul.f32 v4, v0  }
0x9b6: {  	v6 =	vld [tilespmem:s3+$0xFFFFFFA0];
	p0 =	slt.u32 s1, $0x7F8;
	[tilespmem:s0+$0xFFFFFFB0] =	vst v7;
	v2 =	vmul.f32 v2, v0  }
0x9b7: {  	v7 =	vld [tilespmem:s3+$0xFFFFFFB0];
	[tilespmem:s0+$0xFFFFFFC0] =	vst v4;
	v1 =	vmul.f32 v1, v0  }
.Ltmp42:
0x9b8: {  	v4 =	vld [tilespmem:s3+$0xFFFFFFC0];
	[tilespmem:s0+$0xFFFFFFD0] =	vst v2;
	v3 =	vmul.f32 v3, v0;
	(pc) =	sbr.rel @p0 .LBB2_85-.Ltmp42, $4  }
0x9b9: {  	v2 =	vld [tilespmem:s3+$0xFFFFFFD0];
	v5 =	vmul.f32 v5, v0;
	[tilespmem:s0+$0xFFFFFFE0] =	vst v1  }
0x9ba: {  	v1 =	vld [tilespmem:s3+$0xFFFFFFE0];
	v8 =	vmul.f32 v8, v0;
	[tilespmem:s0+$0xFFFFFFF0] =	vst v3  }
0x9bb: {  	v6 =	vmul.f32 v6, v0;
	v3 =	vld [tilespmem:s3+$0xFFFFFFF0];
	[tilespmem:s0+$0xFFFFFF90] =	vst v5;
	s0 =	smov.u32 s3  }
0x9bc: {  	s3 =	sadd.s32 $0x80, s3;
	v5 =	vld [tilespmem:s0+$0xFFFFFF90];
	v7 =	vmul.f32 v7, v0;
	[tilespmem:s0+$0x0] =	vst v8  }
0x9bd: {  	[tilespmem:s0+$0xFFFFFFA0] =	vst v6;
	v4 =	vmul.f32 v4, v0  }
0x9be: {  	[tilespmem:s0+$0xFFFFFFB0] =	vst v7;
	v2 =	vmul.f32 v2, v0  }
0x9bf: {  	[tilespmem:s0+$0xFFFFFFC0] =	vst v4;
	v1 =	vmul.f32 v1, v0  }
0x9c0: {  	[tilespmem:s0+$0xFFFFFFD0] =	vst v2;
	v2 =	vmul.f32 v3, v0  }
0x9c1: {  	v3 =	vmul.f32 v5, v0;
	[tilespmem:s0+$0xFFFFFFE0] =	vst v1  }
0x9c2: {  	s1 =	sadd.s32 $0x6000, s2;
	s31 =	simm.s32 $0x80;
	[tilespmem:s0+$0xFFFFFFF0] =	vst v2  }
0x9c3: {  	s3 =	simm.s32 $0x400;
	s4 =	simm.s32 $0xD800;
	[tilespmem:s0+$0xFFFFFF90] =	vst v3;
	s0 =	simm.s32 $0xF870  }
0x9c4: {  	[hbm4b:s1+s31] =	stream.strided.scatter [tilespmem:s4], [sflag:$0x2], $0x2000, s3, s31, $0x200038;
	[tilespmem:$0x1ED00] =	vst v63  }
0x9c5: {  	v3 =	vld [tilespmem:s0+$0x0]  }
0x9c6: {  	v5 =	vld [tilespmem:s0+$0xFFFFFFA0]  }
0x9c7: {  	v7 =	vld [tilespmem:s0+$0xFFFFFFB0]  }
0x9c8: {  	v4 =	vld [tilespmem:s0+$0xFFFFFFC0]  }
0x9c9: {  	v2 =	vld [tilespmem:s0+$0xFFFFFFD0]  }
0x9ca: {  	v1 =	vld [tilespmem:s0+$0xFFFFFFE0];
	v8 =	vmul.f32 v3, v0  }
0x9cb: {  	v3 =	vld [tilespmem:s0+$0xFFFFFFF0];
	v6 =	vmul.f32 v5, v0  }
0x9cc: {  	s1 =	simm.s32 $0x800;
	s3 =	simm.s32 $0xF8F0;
	v5 =	vld [tilespmem:s0+$0xFFFFFF90];
	v7 =	vmul.f32 v7, v0;
	[tilespmem:s0+$0x0] =	vst v8  }
.LBB2_87:
0x9cd: {  	v8 =	vld [tilespmem:s3+$0x0];
	s1 =	sadd.s32 $0x8, s1;
	[tilespmem:s0+$0xFFFFFFA0] =	vst v6;
	v4 =	vmul.f32 v4, v0  }
0x9ce: {  	v6 =	vld [tilespmem:s3+$0xFFFFFFA0];
	p0 =	slt.u32 s1, $0x9F8;
	[tilespmem:s0+$0xFFFFFFB0] =	vst v7;
	v2 =	vmul.f32 v2, v0  }
0x9cf: {  	v7 =	vld [tilespmem:s3+$0xFFFFFFB0];
	[tilespmem:s0+$0xFFFFFFC0] =	vst v4;
	v1 =	vmul.f32 v1, v0  }
.Ltmp43:
0x9d0: {  	v4 =	vld [tilespmem:s3+$0xFFFFFFC0];
	[tilespmem:s0+$0xFFFFFFD0] =	vst v2;
	v3 =	vmul.f32 v3, v0;
	(pc) =	sbr.rel @p0 .LBB2_87-.Ltmp43, $4  }
0x9d1: {  	v2 =	vld [tilespmem:s3+$0xFFFFFFD0];
	v5 =	vmul.f32 v5, v0;
	[tilespmem:s0+$0xFFFFFFE0] =	vst v1  }
0x9d2: {  	v1 =	vld [tilespmem:s3+$0xFFFFFFE0];
	v8 =	vmul.f32 v8, v0;
	[tilespmem:s0+$0xFFFFFFF0] =	vst v3  }
0x9d3: {  	v6 =	vmul.f32 v6, v0;
	v3 =	vld [tilespmem:s3+$0xFFFFFFF0];
	[tilespmem:s0+$0xFFFFFF90] =	vst v5;
	s0 =	smov.u32 s3  }
0x9d4: {  	s3 =	sadd.s32 $0x80, s3;
	v5 =	vld [tilespmem:s0+$0xFFFFFF90];
	v7 =	vmul.f32 v7, v0;
	[tilespmem:s0+$0x0] =	vst v8  }
0x9d5: {  	[tilespmem:s0+$0xFFFFFFA0] =	vst v6;
	v4 =	vmul.f32 v4, v0  }
0x9d6: {  	[tilespmem:s0+$0xFFFFFFB0] =	vst v7;
	v2 =	vmul.f32 v2, v0  }
0x9d7: {  	[tilespmem:s0+$0xFFFFFFC0] =	vst v4;
	v1 =	vmul.f32 v1, v0  }
0x9d8: {  	[tilespmem:s0+$0xFFFFFFD0] =	vst v2;
	v2 =	vmul.f32 v3, v0  }
0x9d9: {  	v3 =	vmul.f32 v5, v0;
	[tilespmem:s0+$0xFFFFFFE0] =	vst v1  }
0x9da: {  	s1 =	sadd.s32 $0x8000, s2;
	s31 =	simm.s32 $0x80;
	[tilespmem:s0+$0xFFFFFFF0] =	vst v2  }
0x9db: {  	s3 =	simm.s32 $0x400;
	s4 =	simm.s32 $0xF800;
	[tilespmem:s0+$0xFFFFFF90] =	vst v3;
	s0 =	simm.s32 $0x11870  }
0x9dc: {  	[hbm4b:s1+s31] =	stream.strided.scatter [tilespmem:s4], [sflag:$0x1], $0x2000, s3, s31, $0x200038;
	[tilespmem:$0x1ED00] =	vst v63  }
0x9dd: {  	v3 =	vld [tilespmem:s0+$0x0]  }
0x9de: {  	v5 =	vld [tilespmem:s0+$0xFFFFFFA0]  }
0x9df: {  	v7 =	vld [tilespmem:s0+$0xFFFFFFB0]  }
0x9e0: {  	v4 =	vld [tilespmem:s0+$0xFFFFFFC0]  }
0x9e1: {  	v2 =	vld [tilespmem:s0+$0xFFFFFFD0]  }
0x9e2: {  	v1 =	vld [tilespmem:s0+$0xFFFFFFE0];
	v8 =	vmul.f32 v3, v0  }
0x9e3: {  	v3 =	vld [tilespmem:s0+$0xFFFFFFF0];
	v6 =	vmul.f32 v5, v0  }
0x9e4: {  	s1 =	simm.s32 $0xA00;
	s3 =	simm.s32 $0x118F0;
	v5 =	vld [tilespmem:s0+$0xFFFFFF90];
	v7 =	vmul.f32 v7, v0;
	[tilespmem:s0+$0x0] =	vst v8  }
.LBB2_89:
0x9e5: {  	v8 =	vld [tilespmem:s3+$0x0];
	s1 =	sadd.s32 $0x8, s1;
	[tilespmem:s0+$0xFFFFFFA0] =	vst v6;
	v4 =	vmul.f32 v4, v0  }
0x9e6: {  	v6 =	vld [tilespmem:s3+$0xFFFFFFA0];
	p0 =	slt.u32 s1, $0xBF8;
	[tilespmem:s0+$0xFFFFFFB0] =	vst v7;
	v2 =	vmul.f32 v2, v0  }
0x9e7: {  	v7 =	vld [tilespmem:s3+$0xFFFFFFB0];
	[tilespmem:s0+$0xFFFFFFC0] =	vst v4;
	v1 =	vmul.f32 v1, v0  }
.Ltmp44:
0x9e8: {  	v4 =	vld [tilespmem:s3+$0xFFFFFFC0];
	[tilespmem:s0+$0xFFFFFFD0] =	vst v2;
	v3 =	vmul.f32 v3, v0;
	(pc) =	sbr.rel @p0 .LBB2_89-.Ltmp44, $4  }
0x9e9: {  	v2 =	vld [tilespmem:s3+$0xFFFFFFD0];
	v5 =	vmul.f32 v5, v0;
	[tilespmem:s0+$0xFFFFFFE0] =	vst v1  }
0x9ea: {  	v1 =	vld [tilespmem:s3+$0xFFFFFFE0];
	v8 =	vmul.f32 v8, v0;
	[tilespmem:s0+$0xFFFFFFF0] =	vst v3  }
0x9eb: {  	v6 =	vmul.f32 v6, v0;
	v3 =	vld [tilespmem:s3+$0xFFFFFFF0];
	[tilespmem:s0+$0xFFFFFF90] =	vst v5;
	s0 =	smov.u32 s3  }
0x9ec: {  	s3 =	sadd.s32 $0x80, s3;
	v5 =	vld [tilespmem:s0+$0xFFFFFF90];
	v7 =	vmul.f32 v7, v0;
	[tilespmem:s0+$0x0] =	vst v8  }
0x9ed: {  	[tilespmem:s0+$0xFFFFFFA0] =	vst v6;
	v4 =	vmul.f32 v4, v0  }
0x9ee: {  	[tilespmem:s0+$0xFFFFFFB0] =	vst v7;
	v2 =	vmul.f32 v2, v0  }
0x9ef: {  	[tilespmem:s0+$0xFFFFFFC0] =	vst v4;
	v1 =	vmul.f32 v1, v0  }
0x9f0: {  	[tilespmem:s0+$0xFFFFFFD0] =	vst v2;
	v2 =	vmul.f32 v3, v0  }
0x9f1: {  	v3 =	vmul.f32 v5, v0;
	[tilespmem:s0+$0xFFFFFFE0] =	vst v1  }
0x9f2: {  	s1 =	sadd.s32 $0xA000, s2;
	s31 =	simm.s32 $0x80;
	[tilespmem:s0+$0xFFFFFFF0] =	vst v2  }
0x9f3: {  	s3 =	simm.s32 $0x400;
	s4 =	simm.s32 $0x11800;
	[tilespmem:s0+$0xFFFFFF90] =	vst v3;
	s0 =	simm.s32 $0x13870  }
0x9f4: {  	[hbm4b:s1+s31] =	stream.strided.scatter [tilespmem:s4], [sflag:$0x2], $0x2000, s3, s31, $0x200038;
	[tilespmem:$0x1ED00] =	vst v63  }
0x9f5: {  	v3 =	vld [tilespmem:s0+$0x0]  }
0x9f6: {  	v5 =	vld [tilespmem:s0+$0xFFFFFFA0]  }
0x9f7: {  	v7 =	vld [tilespmem:s0+$0xFFFFFFB0]  }
0x9f8: {  	v4 =	vld [tilespmem:s0+$0xFFFFFFC0]  }
0x9f9: {  	v2 =	vld [tilespmem:s0+$0xFFFFFFD0]  }
0x9fa: {  	v1 =	vld [tilespmem:s0+$0xFFFFFFE0];
	v8 =	vmul.f32 v3, v0  }
0x9fb: {  	v3 =	vld [tilespmem:s0+$0xFFFFFFF0];
	v6 =	vmul.f32 v5, v0  }
0x9fc: {  	s1 =	simm.s32 $0xC00;
	s3 =	simm.s32 $0x138F0;
	v5 =	vld [tilespmem:s0+$0xFFFFFF90];
	v7 =	vmul.f32 v7, v0;
	[tilespmem:s0+$0x0] =	vst v8  }
.LBB2_91:
0x9fd: {  	v8 =	vld [tilespmem:s3+$0x0];
	s1 =	sadd.s32 $0x8, s1;
	[tilespmem:s0+$0xFFFFFFA0] =	vst v6;
	v4 =	vmul.f32 v4, v0  }
0x9fe: {  	v6 =	vld [tilespmem:s3+$0xFFFFFFA0];
	p0 =	slt.u32 s1, $0xDF8;
	[tilespmem:s0+$0xFFFFFFB0] =	vst v7;
	v2 =	vmul.f32 v2, v0  }
0x9ff: {  	v7 =	vld [tilespmem:s3+$0xFFFFFFB0];
	[tilespmem:s0+$0xFFFFFFC0] =	vst v4;
	v1 =	vmul.f32 v1, v0  }
.Ltmp45:
0xa00: {  	v4 =	vld [tilespmem:s3+$0xFFFFFFC0];
	[tilespmem:s0+$0xFFFFFFD0] =	vst v2;
	v3 =	vmul.f32 v3, v0;
	(pc) =	sbr.rel @p0 .LBB2_91-.Ltmp45, $4  }
0xa01: {  	v2 =	vld [tilespmem:s3+$0xFFFFFFD0];
	v5 =	vmul.f32 v5, v0;
	[tilespmem:s0+$0xFFFFFFE0] =	vst v1  }
0xa02: {  	v1 =	vld [tilespmem:s3+$0xFFFFFFE0];
	v8 =	vmul.f32 v8, v0;
	[tilespmem:s0+$0xFFFFFFF0] =	vst v3  }
0xa03: {  	v6 =	vmul.f32 v6, v0;
	v3 =	vld [tilespmem:s3+$0xFFFFFFF0];
	[tilespmem:s0+$0xFFFFFF90] =	vst v5;
	s0 =	smov.u32 s3  }
0xa04: {  	s3 =	sadd.s32 $0x80, s3;
	v5 =	vld [tilespmem:s0+$0xFFFFFF90];
	v7 =	vmul.f32 v7, v0;
	[tilespmem:s0+$0x0] =	vst v8  }
0xa05: {  	[tilespmem:s0+$0xFFFFFFA0] =	vst v6;
	v4 =	vmul.f32 v4, v0  }
0xa06: {  	[tilespmem:s0+$0xFFFFFFB0] =	vst v7;
	v2 =	vmul.f32 v2, v0  }
0xa07: {  	[tilespmem:s0+$0xFFFFFFC0] =	vst v4;
	v1 =	vmul.f32 v1, v0  }
0xa08: {  	[tilespmem:s0+$0xFFFFFFD0] =	vst v2;
	v2 =	vmul.f32 v3, v0  }
0xa09: {  	v3 =	vmul.f32 v5, v0;
	[tilespmem:s0+$0xFFFFFFE0] =	vst v1  }
0xa0a: {  	s1 =	sadd.s32 $0xC000, s2;
	s31 =	simm.s32 $0x80;
	[tilespmem:s0+$0xFFFFFFF0] =	vst v2  }
0xa0b: {  	s3 =	simm.s32 $0x400;
	s4 =	simm.s32 $0x13800;
	[tilespmem:s0+$0xFFFFFF90] =	vst v3;
	s0 =	simm.s32 $0x15870  }
0xa0c: {  	[hbm4b:s1+s31] =	stream.strided.scatter [tilespmem:s4], [sflag:$0x1], $0x2000, s3, s31, $0x200038;
	[tilespmem:$0x1ED00] =	vst v63  }
0xa0d: {  	v3 =	vld [tilespmem:s0+$0x0]  }
0xa0e: {  	v5 =	vld [tilespmem:s0+$0xFFFFFFA0]  }
0xa0f: {  	v7 =	vld [tilespmem:s0+$0xFFFFFFB0]  }
0xa10: {  	v4 =	vld [tilespmem:s0+$0xFFFFFFC0]  }
0xa11: {  	v2 =	vld [tilespmem:s0+$0xFFFFFFD0]  }
0xa12: {  	v1 =	vld [tilespmem:s0+$0xFFFFFFE0];
	v8 =	vmul.f32 v3, v0  }
0xa13: {  	v3 =	vld [tilespmem:s0+$0xFFFFFFF0];
	v6 =	vmul.f32 v5, v0  }
0xa14: {  	s1 =	simm.s32 $0xE00;
	s3 =	simm.s32 $0x158F0;
	v5 =	vld [tilespmem:s0+$0xFFFFFF90];
	v7 =	vmul.f32 v7, v0;
	[tilespmem:s0+$0x0] =	vst v8  }
.LBB2_93:
0xa15: {  	v8 =	vld [tilespmem:s3+$0x0];
	s1 =	sadd.s32 $0x8, s1;
	[tilespmem:s0+$0xFFFFFFA0] =	vst v6;
	v4 =	vmul.f32 v4, v0  }
0xa16: {  	v6 =	vld [tilespmem:s3+$0xFFFFFFA0];
	p0 =	slt.u32 s1, $0xFF8;
	[tilespmem:s0+$0xFFFFFFB0] =	vst v7;
	v2 =	vmul.f32 v2, v0  }
0xa17: {  	v7 =	vld [tilespmem:s3+$0xFFFFFFB0];
	[tilespmem:s0+$0xFFFFFFC0] =	vst v4;
	v1 =	vmul.f32 v1, v0  }
.Ltmp46:
0xa18: {  	v4 =	vld [tilespmem:s3+$0xFFFFFFC0];
	[tilespmem:s0+$0xFFFFFFD0] =	vst v2;
	v3 =	vmul.f32 v3, v0;
	(pc) =	sbr.rel @p0 .LBB2_93-.Ltmp46, $4  }
0xa19: {  	v2 =	vld [tilespmem:s3+$0xFFFFFFD0];
	v5 =	vmul.f32 v5, v0;
	[tilespmem:s0+$0xFFFFFFE0] =	vst v1  }
0xa1a: {  	v1 =	vld [tilespmem:s3+$0xFFFFFFE0];
	v8 =	vmul.f32 v8, v0;
	[tilespmem:s0+$0xFFFFFFF0] =	vst v3  }
0xa1b: {  	v6 =	vmul.f32 v6, v0;
	v3 =	vld [tilespmem:s3+$0xFFFFFFF0];
	[tilespmem:s0+$0xFFFFFF90] =	vst v5;
	s0 =	smov.u32 s3  }
0xa1c: {  	s3 =	sadd.s32 $0x80, s3;
	v5 =	vld [tilespmem:s0+$0xFFFFFF90];
	v7 =	vmul.f32 v7, v0;
	[tilespmem:s0+$0x0] =	vst v8  }
0xa1d: {  	[tilespmem:s0+$0xFFFFFFA0] =	vst v6;
	v4 =	vmul.f32 v4, v0  }
0xa1e: {  	[tilespmem:s0+$0xFFFFFFB0] =	vst v7;
	v2 =	vmul.f32 v2, v0  }
0xa1f: {  	[tilespmem:s0+$0xFFFFFFC0] =	vst v4;
	v1 =	vmul.f32 v1, v0  }
0xa20: {  	[tilespmem:s0+$0xFFFFFFD0] =	vst v2;
	v62 =	vmul.f32 v3, v0  }
0xa21: {  	v63 =	vmul.f32 v5, v0;
	[tilespmem:s0+$0xFFFFFFE0] =	vst v1  }
0xa22: {  	s1 =	sadd.s32 $0xE000, s2;
	s28 =	simm.s32 $0x80;
	[tilespmem:s0+$0xFFFFFFF0] =	vst v62  }
0xa23: {  	s29 =	simm.s32 $0x400;
	s3 =	simm.s32 $0x15800;
	s30 =	simm.s32 $0x1;
	[tilespmem:s0+$0xFFFFFF90] =	vst v63  }
0xa24: {  	[hbm4b:s1+s28] =	stream.strided.scatter [tilespmem:s3], [sflag:$0x2], $0x2000, s29, s28, $0x200038;
	[tilespmem:$0x1ED00] =	vst v63  }
0xa25: {  	_ =	swait.ge [sflag:s30], $0x2000  }
0xa26: {  	[sflag:s30] =	ssyncset.done $0x0  }
0xa27: {  	s31 =	simm.s32 $0x2;
	[sflag:s30] =	ssyncadd.s32 $0xFFFFE000  }
0xa28: {  	_ =	swait.ge [sflag:s31], $0x2000  }
0xa29: {  	[sflag:s31] =	ssyncset.done $0x0  }
0xa2a: {  	[sflag:s31] =	ssyncadd.s32 $0xFFFFE000  }
0xa2b: {  	_ =	swait.ge [sflag:s30], $0x2000  }
0xa2c: {  	[sflag:s30] =	ssyncset.done $0x0  }
0xa2d: {  	[sflag:s30] =	ssyncadd.s32 $0xFFFFE000  }
0xa2e: {  	_ =	swait.ge [sflag:s31], $0x2000  }
0xa2f: {  	[sflag:s31] =	ssyncset.done $0x0  }
0xa30: {  	[sflag:s31] =	ssyncadd.s32 $0xFFFFE000  }
0xa31: {  	_ =	swait.ge [sflag:s30], $0x2000  }
0xa32: {  	[sflag:s30] =	ssyncset.done $0x0  }
0xa33: {  	[sflag:s30] =	ssyncadd.s32 $0xFFFFE000  }
0xa34: {  	_ =	swait.ge [sflag:s31], $0x2000  }
0xa35: {  	[sflag:s31] =	ssyncset.done $0x0  }
0xa36: {  	[sflag:s31] =	ssyncadd.s32 $0xFFFFE000  }
0xa37: {  	_ =	swait.ge [sflag:s30], $0x2000  }
0xa38: {  	[sflag:s30] =	ssyncset.done $0x0  }
0xa39: {  	[sflag:s30] =	ssyncadd.s32 $0xFFFFE000  }
0xa3a: {  	_ =	swait.ge [sflag:s31], $0x2000  }
0xa3b: {  	[sflag:s31] =	ssyncset.done $0x0  }
0xa3c: {  	[sflag:s31] =	ssyncadd.s32 $0xFFFFE000  }
0xa3d: {  	_ =	strace $0x90000057  }
0xa3e: {  	_ =	sfence.sel $0x180000  }
0xa3f: {  	[bflag:$0x0] =	sbarrier.arrive $0xFFFF  }
0xa40: {  	_ =	strace $0x90000047  }
0xa41: {  	[bflag:$0x2] =	sbarrier.arrive $0xFFFF  }
0xa42: {  	p0 =	sne.s32 s5, $0x0;
	s0 =	rddreg [dreg:$0x4]  }
0xa43: {  	s0 =	sadd.s32 @!p0 $0x100000, s0  }
0xa44: {  	[sflag:s0] =	ssyncadd.tile.s32 @!p0 $0x1;
	_ =	shalt  }
.Lfunc_end2:
_tile_overlayer_lowered:
.L_overlay_start_2:
0xa45: {  	(tag) =	ssettag $0x2  }
0xa46: {  	s0 =	rddreg [dreg:$0x0];
	s2 =	stileid.u32  }
0xa47: {  	s1 =	rddreg [dreg:$0x1];
	p0 =	sne.s32 s2, $0x0  }
0xa48: {  	s3 =	rddreg [dreg:$0x2];
	[bflag:$0x3] =	sbarrier.arrive $0xFFFF;
	s2 =	simm.s32 @!p0 $0x1C03  }
0xa49: {  	[timem:s3], [sflag:s2] =	dma.local @!p0 [hbm:s0], s1  }
0xa4a: {  	s0 =	simm.s32 @!p0 $0x3  }
0xa4b: {  	_ =	swait.ge @!p0 [sflag:s0], s1  }
0xa4c: {  	s1 =	ssub.s32 @!p0 $0x0, s1;
	[sflag:s0] =	ssyncset.done @!p0 $0x0  }
0xa4d: {  	[sflag:s0] =	ssyncadd.s32 @!p0 s1  }
0xa4e: {  	[bflag:$0x3] =	sbarrier.arrive $0xFFFF  }
0xa4f: {  	_ =	shalt  }

</sc_bundles>
